<compile_context>
chip_gen: v7x
topology: tpu7x:2x2x1
jax: 0.10.2.dev20260603
libtpu: 0.0.44.dev20260713+nightly
codegen_flags: <defaults>
</compile_context>

<pallas_src>
import functools
import math

import jax
import jax.numpy as jnp
from jax import lax
from jax.experimental import pallas as pl
from jax.experimental.pallas import tpu as pltpu
from jax.experimental.pallas import tpu_sc as plsc

NUM_NODES = 1000000
NUM_FEAT = 4
N_SAMPLED = 100
D = 64
B = 16384
SP = 128
LOG_NN1 = math.log(float(NUM_NODES) + 1.0)

_SC_PARAMS = dict(
    compiler_params=pltpu.CompilerParams(
        needs_layout_passes=False, use_tc_tiling_on_sc=False))


def _sc_mesh():
    return plsc.VectorSubcoreMesh(core_axis_name="c", subcore_axis_name="s")


def _wid(NC):
    return lax.axis_index("s") * NC + lax.axis_index("c")



_PB = 2000


def _pack_body(a, b, out):
    out[...] = jnp.concatenate([a[...], b[...]], axis=1)


def _pack_halves(x):
    n = x.shape[0]
    h = n // 2
    g = h // _PB
    return pl.pallas_call(
        _pack_body,
        grid=(g,),
        in_specs=[
            pl.BlockSpec((_PB, D), lambda i: (i, 0)),
            pl.BlockSpec((_PB, D), lambda i, hb=h // _PB: (i + hb, 0)),
        ],
        out_specs=pl.BlockSpec((_PB, 2 * D), lambda i: (i, 0)),
        out_shape=jax.ShapeDtypeStruct((h, 2 * D), jnp.float32),
        compiler_params=pltpu.CompilerParams(
            dimension_semantics=("arbitrary",)),
    )(x, x)



def _sc_a_body(NC, CH,
               si, bi2, bl2m, bl2, ncw, ncb, sidxm, sidx,
               bfo, two, tbo, swo, sbo,
               idxb, lblmb, lblb, featb, twb, tbb, sxmb, sxb, swb, sbb, sem):
    wid = _wid(NC)

    @pl.when(wid == 0)
    def _():
        pltpu.sync_copy(sidxm, sxmb)
        pltpu.sync_copy(sidx, sxb)
        cw = pltpu.async_copy(ncw.at[sxmb], swb, sem)
        cb = pltpu.async_copy(ncb.at[sxb], sbb, sem)
        cw.wait()
        cb.wait()
        pltpu.sync_copy(swb, swo)
        pltpu.sync_copy(sbb, sbo)

    for j in range(CH):
        pltpu.sync_copy(bi2.at[wid * CH + j], idxb[j])
        pltpu.sync_copy(bl2m.at[wid * CH + j], lblmb[j])
        pltpu.sync_copy(bl2.at[wid * CH + j], lblb[j])

    for j in range(CH):
        c0 = pltpu.async_copy(si.at[idxb[j]], featb, sem)
        c1 = pltpu.async_copy(ncw.at[lblmb[j]], twb, sem)
        c2 = pltpu.async_copy(ncb.at[lblb[j]], tbb, sem)
        c0.wait(); c1.wait(); c2.wait()
        base = wid * (CH * 128) + j * 128
        pltpu.sync_copy(featb, bfo.at[pl.ds(base, 128)])
        pltpu.sync_copy(twb, two.at[pl.ds(base, 128)])
        pltpu.sync_copy(tbb, tbo.at[pl.ds(base, 128)])


def _sc_gather_a(si, bi2, bl2m, bl2, ncw, ncb, sidxm, sidx):
    info = plsc.get_sparse_core_info()
    NC, NS = info.num_cores, info.num_subcores
    CH = B // (NC * NS * 128)
    f32, i32 = jnp.float32, jnp.int32
    out_type = (
        jax.ShapeDtypeStruct((B, 8), i32),
        jax.ShapeDtypeStruct((B, 2 * D), f32),
        jax.ShapeDtypeStruct((B,), f32),
        jax.ShapeDtypeStruct((SP, 2 * D), f32),
        jax.ShapeDtypeStruct((SP,), f32),
    )
    scratch = [
        [pltpu.VMEM((128,), i32) for _ in range(CH)],
        [pltpu.VMEM((128,), i32) for _ in range(CH)],
        [pltpu.VMEM((128,), i32) for _ in range(CH)],
        pltpu.VMEM((128, 8), i32),
        pltpu.VMEM((128, 2 * D), f32),
        pltpu.VMEM((128,), f32),
        pltpu.VMEM((SP,), i32),
        pltpu.VMEM((SP,), i32),
        pltpu.VMEM((SP, 2 * D), f32),
        pltpu.VMEM((SP,), f32),
        pltpu.SemaphoreType.DMA,
    ]
    body = functools.partial(_sc_a_body, NC, CH)
    return pl.kernel(body, out_type=out_type, mesh=_sc_mesh(),
                     scratch_types=scratch, **_SC_PARAMS)(
        si, bi2, bl2m, bl2, ncw, ncb, sidxm, sidx)



def _sc_b_body(NC, CH,
               f0, f1, f2, f3, fa, e0t, e1t, e2t, e3t, alp,
               e0o, e1o, e2o, e3o, ao,
               fb, e0b, e1b, e2b, e3b, ab, sem):
    wid = _wid(NC)
    for j in range(CH):
        row = wid * CH + j
        pltpu.sync_copy(f0.at[row], fb[0])
        pltpu.sync_copy(f1.at[row], fb[1])
        pltpu.sync_copy(f2.at[row], fb[2])
        pltpu.sync_copy(f3.at[row], fb[3])
        pltpu.sync_copy(fa.at[row], fb[4])
        c0 = pltpu.async_copy(e0t.at[fb[0]], e0b, sem)
        c1 = pltpu.async_copy(e1t.at[fb[1]], e1b, sem)
        c2 = pltpu.async_copy(e2t.at[fb[2]], e2b, sem)
        c3 = pltpu.async_copy(e3t.at[fb[3]], e3b, sem)
        ca = pltpu.async_copy(alp.at[fb[4]], ab, sem)
        c0.wait(); c1.wait(); c2.wait(); c3.wait(); ca.wait()
        base = wid * (CH * 128) + j * 128
        pltpu.sync_copy(e0b, e0o.at[pl.ds(base, 128)])
        pltpu.sync_copy(e1b, e1o.at[pl.ds(base, 128)])
        pltpu.sync_copy(e2b, e2o.at[pl.ds(base, 128)])
        pltpu.sync_copy(e3b, e3o.at[pl.ds(base, 128)])
        pltpu.sync_copy(ab, ao.at[pl.ds(base, 128)])


def _sc_gather_b(f0, f1, f2, f3, fa, e0t, e1t, e2t, e3t, alp):
    info = plsc.get_sparse_core_info()
    NC, NS = info.num_cores, info.num_subcores
    CH = B // (NC * NS * 128)
    f32, i32 = jnp.float32, jnp.int32
    out_type = (
        jax.ShapeDtypeStruct((B, 2 * D), f32),
        jax.ShapeDtypeStruct((B, D), f32),
        jax.ShapeDtypeStruct((B, D), f32),
        jax.ShapeDtypeStruct((B, D), f32),
        jax.ShapeDtypeStruct((B, 8), i32),
    )
    scratch = [
        [pltpu.VMEM((128,), i32) for _ in range(NUM_FEAT + 1)],
        pltpu.VMEM((128, 2 * D), f32),
        pltpu.VMEM((128, D), f32),
        pltpu.VMEM((128, D), f32),
        pltpu.VMEM((128, D), f32),
        pltpu.VMEM((128, 8), i32),
        pltpu.SemaphoreType.DMA,
    ]
    body = functools.partial(_sc_b_body, NC, CH)
    return pl.kernel(body, out_type=out_type, mesh=_sc_mesh(),
                     scratch_types=scratch, **_SC_PARAMS)(
        f0, f1, f2, f3, fa, e0t, e1t, e2t, e3t, alp)



_BS = 1024
_G = B // _BS


def _tc_body(e0p, h0, e1, e2, e3, twp, hl, a, tb, lbl, sw, sb2, sids, coff,
             out):
    i = pl.program_id(0)
    e0f = e0p[...]
    e0 = jnp.where(h0[...] > 0, e0f[:, D:], e0f[:, :D])
    twf = twp[...]
    tw = jnp.where(hl[...] > 0, twf[:, D:], twf[:, :D])
    ae = jnp.exp(a[...])
    denom = jnp.sum(ae, axis=1, keepdims=True)
    merge = (e0 * ae[:, 0:1] + e1[...] * ae[:, 1:2]
             + e2[...] * ae[:, 2:3] + e3[...] * ae[:, 3:4]) / denom

    lblf = lbl[...].astype(jnp.float32)
    tprob = (jnp.log(lblf + 2.0) - jnp.log(lblf + 1.0)) / LOG_NN1
    t = (jnp.sum(merge * tw, axis=1, keepdims=True) + tb[...]
         - jnp.log(tprob * float(N_SAMPLED)))

    s = lax.dot_general(merge, sw[...], (((1,), (1,)), ((), ())),
                        preferred_element_type=jnp.float32)
    s = s + sb2[...] + coff[...]
    hit = sids[...] == lbl[...]
    s = jnp.where(hit, jnp.float32(-1e9), s)

    m = jnp.maximum(jnp.max(s, axis=1, keepdims=True), t)
    p = jnp.sum(jnp.exp(s - m), axis=1, keepdims=True) + jnp.exp(t - m)
    bsum = jnp.sum(jnp.log(p) + m - t)

    acc = jnp.where(i == 0, bsum, out[...][0, 0] + bsum)
    out[...] = jnp.where(i == _G - 1, acc / B, acc).reshape(1, 1)


def _tc_loss(e0p, h0, e1, e2, e3, twp, hl, a, tb, lbl, sw, sb2, sids, coff):
    bs = _BS
    row = lambda i: (i, 0)
    fix = lambda i: (0, 0)
    specs = [
        pl.BlockSpec((bs, 2 * D), row),
        pl.BlockSpec((bs, 1), row),
        pl.BlockSpec((bs, D), row),
        pl.BlockSpec((bs, D), row),
        pl.BlockSpec((bs, D), row),
        pl.BlockSpec((bs, 2 * D), row),
        pl.BlockSpec((bs, 1), row),
        pl.BlockSpec((bs, NUM_FEAT), row),
        pl.BlockSpec((bs, 1), row),
        pl.BlockSpec((bs, 1), row),
        pl.BlockSpec((SP, D), fix),
        pl.BlockSpec((1, SP), fix),
        pl.BlockSpec((1, SP), fix),
        pl.BlockSpec((1, SP), fix),
    ]
    return pl.pallas_call(
        _tc_body,
        grid=(_G,),
        in_specs=specs,
        out_specs=pl.BlockSpec((1, 1), fix),
        out_shape=jax.ShapeDtypeStruct((1, 1), jnp.float32),
        compiler_params=pltpu.CompilerParams(
            dimension_semantics=("arbitrary",)),
    )(e0p, h0, e1, e2, e3, twp, hl, a, tb, lbl, sw, sb2, sids, coff)



def kernel(side_info, batch_index, batch_labels, nce_w, nce_b,
           emb0, emb1, emb2, emb3, alpha_embedding):
    i32, f32 = jnp.int32, jnp.float32
    si = jnp.concatenate(
        [side_info.astype(i32),
         lax.bitcast_convert_type(alpha_embedding, i32)], axis=1)
    bi = batch_index.astype(i32)
    bl = batch_labels.astype(i32)
    bi2 = bi.reshape(B // 128, 128)
    bl2 = bl.reshape(B // 128, 128)

    u = jax.random.uniform(jax.random.key(42), (N_SAMPLED,), dtype=f32)
    sampled = jnp.floor(jnp.exp(u * LOG_NN1)).astype(i32) - 1
    sampled = jnp.clip(sampled, 0, NUM_NODES - 1)
    pad = SP - N_SAMPLED
    sidx = jnp.concatenate([sampled, jnp.zeros((pad,), i32)])
    sids = jnp.concatenate([sampled, jnp.full((pad,), -1, i32)]).reshape(1, SP)
    sf = sampled.astype(f32)
    sprob = (jnp.log(sf + 2.0) - jnp.log(sf + 1.0)) / LOG_NN1
    coff = jnp.concatenate([
        -jnp.log(sprob * float(N_SAMPLED)),
        jnp.full((pad,), -1e9, f32),
    ]).reshape(1, SP)

    H = NUM_NODES // 2
    ncwp = _pack_halves(nce_w)
    e0tp = _pack_halves(emb0)

    bl2m = (bl % H).reshape(B // 128, 128)
    sidxm = sidx % H
    sh = (sidx // H).reshape(1, SP)
    bf, twr, tbr, swr, sbr = _sc_gather_a(
        si, bi2, bl2m, bl2, ncwp, nce_b, sidxm, sidx)
    swsel = jnp.where(sh.reshape(SP, 1) > 0, swr[:, D:], swr[:, :D])

    f0 = bf[:, 0]
    fcols = [(f0 % H).reshape(B // 128, 128)] + [
        bf[:, i].reshape(B // 128, 128) for i in range(1, NUM_FEAT)] + [
        f0.reshape(B // 128, 128)]
    e0r, e1r, e2r, e3r, ar = _sc_gather_b(
        fcols[0], fcols[1], fcols[2], fcols[3], fcols[4],
        e0tp, emb1, emb2, emb3, si)
    af = lax.bitcast_convert_type(ar[:, NUM_FEAT:], jnp.float32)

    h0 = (f0 // H).astype(i32).reshape(B, 1)
    hl = (bl // H).astype(i32).reshape(B, 1)
    out = _tc_loss(e0r, h0, e1r, e2r, e3r, twr, hl, af, tbr.reshape(B, 1),
                   bl.reshape(B, 1), swsel, sbr.reshape(1, SP), sids, coff)
    return out[0, 0]

# --- scband reference (transcript-rebuilt; emitter-appended) ---
"""Pipeline reference for scband-eges-model-45655502357035 (READ-ONLY COPY).

The authoritative reference and input builder live on the scoring server;
editing this copy changes nothing except your own understanding.
"""

import jax, jax.numpy as jnp
import numpy as np

NUM_NODES = 1000000
NUM_FEAT = 4
FEATURE_LENS = [1000000, 1000, 100, 50]
N_SAMPLED = 100
EMBED_DIM = 64
BATCH = 16384


def _trunc(key, shape, std=0.1):
    return jax.random.truncated_normal(key, -2.0, 2.0, shape, dtype=jnp.float32) * std


def setup_inputs(seed: int = 0) -> dict:
    key = jax.random.key(seed)
    ks = jax.random.split(key, 12)
    # side_info: column i holds the categorical id for feature i, in range [0, FEATURE_LENS[i])
    cols = [jax.random.randint(ks[i], (NUM_NODES,), 0, FEATURE_LENS[i], dtype=jnp.int32).astype(jnp.int64)
            for i in range(NUM_FEAT)]
    side_info = jnp.stack(cols, axis=1)
    batch_index = jax.random.randint(ks[4], (BATCH,), 0, NUM_NODES, dtype=jnp.int32).astype(jnp.int64)
    batch_labels = jax.random.randint(ks[5], (BATCH,), 0, NUM_NODES, dtype=jnp.int32).astype(jnp.int64)
    nce_w = _trunc(ks[6], (NUM_NODES, EMBED_DIM))
    nce_b = jnp.full((NUM_NODES,), 0.1, dtype=jnp.float32)
    emb0 = _trunc(ks[7], (FEATURE_LENS[0], EMBED_DIM))
    emb1 = _trunc(ks[8], (FEATURE_LENS[1], EMBED_DIM))
    emb2 = _trunc(ks[9], (FEATURE_LENS[2], EMBED_DIM))
    emb3 = _trunc(ks[10], (FEATURE_LENS[3], EMBED_DIM))
    alpha_embedding = jnp.full((NUM_NODES, NUM_FEAT), 0.1, dtype=jnp.float32)
    return {"side_info": side_info, "batch_index": batch_index, "batch_labels": batch_labels,
            "nce_w": nce_w, "nce_b": nce_b,
            "emb0": emb0, "emb1": emb1, "emb2": emb2, "emb3": emb3,
            "alpha_embedding": alpha_embedding}


def _log_uniform_prob(ids):
    ids = ids.astype(jnp.float32)
    return (jnp.log(ids + 2.0) - jnp.log(ids + 1.0)) / jnp.log(float(NUM_NODES) + 1.0)


def reference(side_info, batch_index, batch_labels, nce_w, nce_b, emb0, emb1, emb2, emb3, alpha_embedding):
    tables = [emb0, emb1, emb2, emb3]
    batch_features = jnp.take(side_info, batch_index, axis=0)  # [B, F]
    embed_list = [jnp.take(tables[i], batch_features[:, i], axis=0) for i in range(NUM_FEAT)]
    stack_embed = jnp.stack(embed_list, axis=-1)  # [B, D, F]
    alpha_embed = jnp.take(alpha_embedding, batch_features[:, 0], axis=0)  # [B, F]
    alpha_exp = jnp.exp(alpha_embed)[:, None, :]  # [B, 1, F]
    alpha_i_sum = jnp.sum(alpha_exp, axis=-1)  # [B, 1]
    merge_emb = jnp.sum(stack_embed * alpha_exp, axis=-1) / alpha_i_sum  # [B, D]

    # sampled softmax loss (log-uniform candidate sampler, deterministic key)
    skey = jax.random.key(42)
    u = jax.random.uniform(skey, (N_SAMPLED,), dtype=jnp.float32)
    sampled = jnp.floor(jnp.exp(u * jnp.log(float(NUM_NODES) + 1.0))).astype(jnp.int32) - 1
    sampled = jnp.clip(sampled, 0, NUM_NODES - 1)

    true_w = jnp.take(nce_w, batch_labels, axis=0)  # [B, D]
    true_b = jnp.take(nce_b, batch_labels, axis=0)  # [B]
    true_logits = jnp.sum(merge_emb * true_w, axis=-1) + true_b
    true_logits = true_logits - jnp.log(_log_uniform_prob(batch_labels) * N_SAMPLED)

    sampled_w = jnp.take(nce_w, sampled, axis=0)  # [S, D]
    sampled_b = jnp.take(nce_b, sampled, axis=0)  # [S]
    sampled_logits = merge_emb @ sampled_w.T + sampled_b[None, :]
    sampled_logits = sampled_logits - jnp.log(_log_uniform_prob(sampled) * N_SAMPLED)[None, :]
    # remove accidental hits
    hit = sampled[None, :].astype(jnp.int64) == batch_labels[:, None]
    sampled_logits = jnp.where(hit, jnp.float32(-1e9), sampled_logits)

    logits = jnp.concatenate([true_logits[:, None], sampled_logits], axis=1)  # [B, 1+S]
    per_example = jax.nn.logsumexp(logits, axis=-1) - logits[:, 0]
    return jnp.mean(per_example)

if __name__ == "__main__":
    import jax
    _d = setup_inputs()
    print(jax.jit(kernel)(*tuple(_d.values())))

</pallas_src>

<mosaic_0001>
#map = affine_map<(d0, d1) -> (0, 0)>
#map1 = affine_map<(d0, d1) -> (0)>
module attributes {stable_mosaic.version = 14 : i64} {
  func.func @_sc_a_body(%arg0: i32, %arg1: i32, %arg2: memref<1000000x8xi32, #tpu.memory_space<hbm>>, %arg3: memref<128x128xi32, #tpu.memory_space<hbm>>, %arg4: memref<128x128xi32, #tpu.memory_space<hbm>>, %arg5: memref<128x128xi32, #tpu.memory_space<hbm>>, %arg6: memref<500000x128xf32, #tpu.memory_space<hbm>>, %arg7: memref<1000000xf32, #tpu.memory_space<hbm>>, %arg8: memref<128xi32, #tpu.memory_space<hbm>>, %arg9: memref<128xi32, #tpu.memory_space<hbm>>, %arg10: memref<16384x8xi32, #tpu.memory_space<hbm>>, %arg11: memref<16384x128xf32, #tpu.memory_space<hbm>>, %arg12: memref<16384xf32, #tpu.memory_space<hbm>>, %arg13: memref<128x128xf32, #tpu.memory_space<hbm>>, %arg14: memref<128xf32, #tpu.memory_space<hbm>>, %arg15: memref<128xi32, #tpu.memory_space<vmem>>, %arg16: memref<128xi32, #tpu.memory_space<vmem>>, %arg17: memref<128xi32, #tpu.memory_space<vmem>>, %arg18: memref<128xi32, #tpu.memory_space<vmem>>, %arg19: memref<128xi32, #tpu.memory_space<vmem>>, %arg20: memref<128xi32, #tpu.memory_space<vmem>>, %arg21: memref<128xi32, #tpu.memory_space<vmem>>, %arg22: memref<128xi32, #tpu.memory_space<vmem>>, %arg23: memref<128xi32, #tpu.memory_space<vmem>>, %arg24: memref<128xi32, #tpu.memory_space<vmem>>, %arg25: memref<128xi32, #tpu.memory_space<vmem>>, %arg26: memref<128xi32, #tpu.memory_space<vmem>>, %arg27: memref<128x8xi32, #tpu.memory_space<vmem>>, %arg28: memref<128x128xf32, #tpu.memory_space<vmem>>, %arg29: memref<128xf32, #tpu.memory_space<vmem>>, %arg30: memref<128xi32, #tpu.memory_space<vmem>>, %arg31: memref<128xi32, #tpu.memory_space<vmem>>, %arg32: memref<128x128xf32, #tpu.memory_space<vmem>>, %arg33: memref<128xf32, #tpu.memory_space<vmem>>, %arg34: memref<!tpu.dma_semaphore, #tpu.memory_space<semaphore_mem>>) attributes {dimension_semantics = [#tpu.dimension_semantics<core_parallel>, #tpu.dimension_semantics<subcore_parallel>], iteration_bounds = array<i64: 2, 16>, scalar_prefetch = 0 : i64, scratch_operands = 20 : i64, tpu.core_type = #tpu.core_type<sc_vector_subcore>, window_params = [{transform_indices = #map}, {transform_indices = #map}, {transform_indices = #map}, {transform_indices = #map}, {transform_indices = #map}, {transform_indices = #map1}, {transform_indices = #map1}, {transform_indices = #map1}, {transform_indices = #map}, {transform_indices = #map}, {transform_indices = #map1}, {transform_indices = #map}, {transform_indices = #map1}]} {
    %mul3A = arith.constant 2 : i32
    %mul3A_0 = arith.muli %arg1, %mul3A : i32
    %add3A = arith.addi %mul3A_0, %arg0 : i32
    %eq3A = arith.constant 0 : i32
    %eq3A_1 = arith.cmpi eq, %add3A, %eq3A : i32
    %convert_element_type3A = arith.extui %eq3A_1 : i1 to i32
    %cond3A = arith.constant 0 : i32
    %cond3A_2 = arith.cmpi ne, %convert_element_type3A, %cond3A : i32
    scf.if %cond3A_2 {
      "tpu.region"() ({
        %run_scoped3A = tpu.sem_alloc : memref<!tpu.dma_semaphore, #tpu.memory_space<semaphore_mem>>
        tpu.enqueue_dma source(%arg8 : memref<128xi32, #tpu.memory_space<hbm>>) target(%arg30 : memref<128xi32, #tpu.memory_space<vmem>>) target_semaphore(%run_scoped3A : memref<!tpu.dma_semaphore, #tpu.memory_space<semaphore_mem>>)
        tpu.wait_dma2 semaphore(%run_scoped3A : memref<!tpu.dma_semaphore, #tpu.memory_space<semaphore_mem>>) src(%arg8 : memref<128xi32, #tpu.memory_space<hbm>>) dst(%arg30 : memref<128xi32, #tpu.memory_space<vmem>>)
        tpu.yield
      }) : () -> ()
      "tpu.region"() ({
        %run_scoped3A = tpu.sem_alloc : memref<!tpu.dma_semaphore, #tpu.memory_space<semaphore_mem>>
        tpu.enqueue_dma source(%arg9 : memref<128xi32, #tpu.memory_space<hbm>>) target(%arg31 : memref<128xi32, #tpu.memory_space<vmem>>) target_semaphore(%run_scoped3A : memref<!tpu.dma_semaphore, #tpu.memory_space<semaphore_mem>>)
        tpu.wait_dma2 semaphore(%run_scoped3A : memref<!tpu.dma_semaphore, #tpu.memory_space<semaphore_mem>>) src(%arg9 : memref<128xi32, #tpu.memory_space<hbm>>) dst(%arg31 : memref<128xi32, #tpu.memory_space<vmem>>)
        tpu.yield
      }) : () -> ()
      %dma_start3A_129 = arith.constant 0 : i32
      %dma_start3A_130 = arith.constant 0 : i32
      %dma_start3A_131 = tpu.memref_slice %arg6[%dma_start3A_129, %dma_start3A_130] : memref<500000x128xf32, #tpu.memory_space<hbm>> -> memref<500000x128xf32, #tpu.memory_space<hbm>>
      tpu.enqueue_indirect_dma source(%dma_start3A_131 : memref<500000x128xf32, #tpu.memory_space<hbm>>) target(%arg32 : memref<128x128xf32, #tpu.memory_space<vmem>>) offsets(%arg30 : memref<128xi32, #tpu.memory_space<vmem>>) semaphore(%arg34 : memref<!tpu.dma_semaphore, #tpu.memory_space<semaphore_mem>>)
      %dma_start3A_132 = arith.constant 0 : i32
      %dma_start3A_133 = tpu.memref_slice %arg7[%dma_start3A_132] : memref<1000000xf32, #tpu.memory_space<hbm>> -> memref<1000000xf32, #tpu.memory_space<hbm>>
      tpu.enqueue_indirect_dma source(%dma_start3A_133 : memref<1000000xf32, #tpu.memory_space<hbm>>) target(%arg33 : memref<128xf32, #tpu.memory_space<vmem>>) offsets(%arg31 : memref<128xi32, #tpu.memory_space<vmem>>) semaphore(%arg34 : memref<!tpu.dma_semaphore, #tpu.memory_space<semaphore_mem>>)
      %dma_wait3A_134 = arith.constant 0 : i32
      %dma_wait3A_135 = arith.constant 0 : i32
      %dma_wait3A_136 = tpu.memref_slice %arg6[%dma_wait3A_134, %dma_wait3A_135] : memref<500000x128xf32, #tpu.memory_space<hbm>> -> memref<500000x128xf32, #tpu.memory_space<hbm>>
      tpu.wait_indirect_dma semaphore(%arg34 : memref<!tpu.dma_semaphore, #tpu.memory_space<semaphore_mem>>) src(%dma_wait3A_136 : memref<500000x128xf32, #tpu.memory_space<hbm>>) dst(%arg32 : memref<128x128xf32, #tpu.memory_space<vmem>>)
      %dma_wait3A_137 = arith.constant 0 : i32
      %dma_wait3A_138 = tpu.memref_slice %arg7[%dma_wait3A_137] : memref<1000000xf32, #tpu.memory_space<hbm>> -> memref<1000000xf32, #tpu.memory_space<hbm>>
      tpu.wait_indirect_dma semaphore(%arg34 : memref<!tpu.dma_semaphore, #tpu.memory_space<semaphore_mem>>) src(%dma_wait3A_138 : memref<1000000xf32, #tpu.memory_space<hbm>>) dst(%arg33 : memref<128xf32, #tpu.memory_space<vmem>>)
      "tpu.region"() ({
        %run_scoped3A = tpu.sem_alloc : memref<!tpu.dma_semaphore, #tpu.memory_space<semaphore_mem>>
        tpu.enqueue_dma source(%arg32 : memref<128x128xf32, #tpu.memory_space<vmem>>) target(%arg13 : memref<128x128xf32, #tpu.memory_space<hbm>>) target_semaphore(%run_scoped3A : memref<!tpu.dma_semaphore, #tpu.memory_space<semaphore_mem>>)
        tpu.wait_dma2 semaphore(%run_scoped3A : memref<!tpu.dma_semaphore, #tpu.memory_space<semaphore_mem>>) src(%arg32 : memref<128x128xf32, #tpu.memory_space<vmem>>) dst(%arg13 : memref<128x128xf32, #tpu.memory_space<hbm>>)
        tpu.yield
      }) : () -> ()
      "tpu.region"() ({
        %run_scoped3A = tpu.sem_alloc : memref<!tpu.dma_semaphore, #tpu.memory_space<semaphore_mem>>
        tpu.enqueue_dma source(%arg33 : memref<128xf32, #tpu.memory_space<vmem>>) target(%arg14 : memref<128xf32, #tpu.memory_space<hbm>>) target_semaphore(%run_scoped3A : memref<!tpu.dma_semaphore, #tpu.memory_space<semaphore_mem>>)
        tpu.wait_dma2 semaphore(%run_scoped3A : memref<!tpu.dma_semaphore, #tpu.memory_space<semaphore_mem>>) src(%arg33 : memref<128xf32, #tpu.memory_space<vmem>>) dst(%arg14 : memref<128xf32, #tpu.memory_space<hbm>>)
        tpu.yield
      }) : () -> ()
    } else {
    }
    %mul3A_3 = arith.constant 4 : i32
    %mul3A_4 = arith.muli %add3A, %mul3A_3 : i32
    %add3A_5 = arith.constant 0 : i32
    %add3A_6 = arith.addi %mul3A_4, %add3A_5 : i32
    "tpu.region"() ({
      %run_scoped3A = tpu.sem_alloc : memref<!tpu.dma_semaphore, #tpu.memory_space<semaphore_mem>>
      %dma_start3A_129 = arith.constant 0 : i32
      %dma_start3A_130 = tpu.memref_slice %arg3[%add3A_6, %dma_start3A_129] : memref<128x128xi32, #tpu.memory_space<hbm>> -> memref<1x128xi32, #tpu.memory_space<hbm>>
      %dma_start3A_131 = tpu.memref_squeeze %dma_start3A_130 : memref<1x128xi32, #tpu.memory_space<hbm>> -> memref<128xi32, #tpu.memory_space<hbm>>
      %dma_start3A_132 = arith.constant 0 : i32
      %dma_start3A_133 = tpu.memref_slice %arg3[%add3A_6, %dma_start3A_132] : memref<128x128xi32, #tpu.memory_space<hbm>> -> memref<1x128xi32, #tpu.memory_space<hbm>>
      %dma_start3A_134 = tpu.memref_squeeze %dma_start3A_133 : memref<1x128xi32, #tpu.memory_space<hbm>> -> memref<128xi32, #tpu.memory_space<hbm>>
      tpu.enqueue_dma source(%dma_start3A_134 : memref<128xi32, #tpu.memory_space<hbm>>) target(%arg15 : memref<128xi32, #tpu.memory_space<vmem>>) target_semaphore(%run_scoped3A : memref<!tpu.dma_semaphore, #tpu.memory_space<semaphore_mem>>)
      %dma_wait3A_135 = arith.constant 0 : i32
      %dma_wait3A_136 = tpu.memref_slice %arg3[%add3A_6, %dma_wait3A_135] : memref<128x128xi32, #tpu.memory_space<hbm>> -> memref<1x128xi32, #tpu.memory_space<hbm>>
      %dma_wait3A_137 = tpu.memref_squeeze %dma_wait3A_136 : memref<1x128xi32, #tpu.memory_space<hbm>> -> memref<128xi32, #tpu.memory_space<hbm>>
      %dma_wait3A_138 = arith.constant 0 : i32
      %dma_wait3A_139 = tpu.memref_slice %arg3[%add3A_6, %dma_wait3A_138] : memref<128x128xi32, #tpu.memory_space<hbm>> -> memref<1x128xi32, #tpu.memory_space<hbm>>
      %dma_wait3A_140 = tpu.memref_squeeze %dma_wait3A_139 : memref<1x128xi32, #tpu.memory_space<hbm>> -> memref<128xi32, #tpu.memory_space<hbm>>
      tpu.wait_dma2 semaphore(%run_scoped3A : memref<!tpu.dma_semaphore, #tpu.memory_space<semaphore_mem>>) src(%dma_wait3A_140 : memref<128xi32, #tpu.memory_space<hbm>>) dst(%arg15 : memref<128xi32, #tpu.memory_space<vmem>>)
      tpu.yield
    }) : () -> ()
    %mul3A_7 = arith.constant 4 : i32
    %mul3A_8 = arith.muli %add3A, %mul3A_7 : i32
    %add3A_9 = arith.constant 0 : i32
    %add3A_10 = arith.addi %mul3A_8, %add3A_9 : i32
    "tpu.region"() ({
      %run_scoped3A = tpu.sem_alloc : memref<!tpu.dma_semaphore, #tpu.memory_space<semaphore_mem>>
      %dma_start3A_129 = arith.constant 0 : i32
      %dma_start3A_130 = tpu.memref_slice %arg4[%add3A_10, %dma_start3A_129] : memref<128x128xi32, #tpu.memory_space<hbm>> -> memref<1x128xi32, #tpu.memory_space<hbm>>
      %dma_start3A_131 = tpu.memref_squeeze %dma_start3A_130 : memref<1x128xi32, #tpu.memory_space<hbm>> -> memref<128xi32, #tpu.memory_space<hbm>>
      %dma_start3A_132 = arith.constant 0 : i32
      %dma_start3A_133 = tpu.memref_slice %arg4[%add3A_10, %dma_start3A_132] : memref<128x128xi32, #tpu.memory_space<hbm>> -> memref<1x128xi32, #tpu.memory_space<hbm>>
      %dma_start3A_134 = tpu.memref_squeeze %dma_start3A_133 : memref<1x128xi32, #tpu.memory_space<hbm>> -> memref<128xi32, #tpu.memory_space<hbm>>
      tpu.enqueue_dma source(%dma_start3A_134 : memref<128xi32, #tpu.memory_space<hbm>>) target(%arg19 : memref<128xi32, #tpu.memory_space<vmem>>) target_semaphore(%run_scoped3A : memref<!tpu.dma_semaphore, #tpu.memory_space<semaphore_mem>>)
      %dma_wait3A_135 = arith.constant 0 : i32
      %dma_wait3A_136 = tpu.memref_slice %arg4[%add3A_10, %dma_wait3A_135] : memref<128x128xi32, #tpu.memory_space<hbm>> -> memref<1x128xi32, #tpu.memory_space<hbm>>
      %dma_wait3A_137 = tpu.memref_squeeze %dma_wait3A_136 : memref<1x128xi32, #tpu.memory_space<hbm>> -> memref<128xi32, #tpu.memory_space<hbm>>
      %dma_wait3A_138 = arith.constant 0 : i32
      %dma_wait3A_139 = tpu.memref_slice %arg4[%add3A_10, %dma_wait3A_138] : memref<128x128xi32, #tpu.memory_space<hbm>> -> memref<1x128xi32, #tpu.memory_space<hbm>>
      %dma_wait3A_140 = tpu.memref_squeeze %dma_wait3A_139 : memref<1x128xi32, #tpu.memory_space<hbm>> -> memref<128xi32, #tpu.memory_space<hbm>>
      tpu.wait_dma2 semaphore(%run_scoped3A : memref<!tpu.dma_semaphore, #tpu.memory_space<semaphore_mem>>) src(%dma_wait3A_140 : memref<128xi32, #tpu.memory_space<hbm>>) dst(%arg19 : memref<128xi32, #tpu.memory_space<vmem>>)
      tpu.yield
    }) : () -> ()
    %mul3A_11 = arith.constant 4 : i32
    %mul3A_12 = arith.muli %add3A, %mul3A_11 : i32
    %add3A_13 = arith.constant 0 : i32
    %add3A_14 = arith.addi %mul3A_12, %add3A_13 : i32
    "tpu.region"() ({
      %run_scoped3A = tpu.sem_alloc : memref<!tpu.dma_semaphore, #tpu.memory_space<semaphore_mem>>
      %dma_start3A_129 = arith.constant 0 : i32
      %dma_start3A_130 = tpu.memref_slice %arg5[%add3A_14, %dma_start3A_129] : memref<128x128xi32, #tpu.memory_space<hbm>> -> memref<1x128xi32, #tpu.memory_space<hbm>>
      %dma_start3A_131 = tpu.memref_squeeze %dma_start3A_130 : memref<1x128xi32, #tpu.memory_space<hbm>> -> memref<128xi32, #tpu.memory_space<hbm>>
      %dma_start3A_132 = arith.constant 0 : i32
      %dma_start3A_133 = tpu.memref_slice %arg5[%add3A_14, %dma_start3A_132] : memref<128x128xi32, #tpu.memory_space<hbm>> -> memref<1x128xi32, #tpu.memory_space<hbm>>
      %dma_start3A_134 = tpu.memref_squeeze %dma_start3A_133 : memref<1x128xi32, #tpu.memory_space<hbm>> -> memref<128xi32, #tpu.memory_space<hbm>>
      tpu.enqueue_dma source(%dma_start3A_134 : memref<128xi32, #tpu.memory_space<hbm>>) target(%arg23 : memref<128xi32, #tpu.memory_space<vmem>>) target_semaphore(%run_scoped3A : memref<!tpu.dma_semaphore, #tpu.memory_space<semaphore_mem>>)
      %dma_wait3A_135 = arith.constant 0 : i32
      %dma_wait3A_136 = tpu.memref_slice %arg5[%add3A_14, %dma_wait3A_135] : memref<128x128xi32, #tpu.memory_space<hbm>> -> memref<1x128xi32, #tpu.memory_space<hbm>>
      %dma_wait3A_137 = tpu.memref_squeeze %dma_wait3A_136 : memref<1x128xi32, #tpu.memory_space<hbm>> -> memref<128xi32, #tpu.memory_space<hbm>>
      %dma_wait3A_138 = arith.constant 0 : i32
      %dma_wait3A_139 = tpu.memref_slice %arg5[%add3A_14, %dma_wait3A_138] : memref<128x128xi32, #tpu.memory_space<hbm>> -> memref<1x128xi32, #tpu.memory_space<hbm>>
      %dma_wait3A_140 = tpu.memref_squeeze %dma_wait3A_139 : memref<1x128xi32, #tpu.memory_space<hbm>> -> memref<128xi32, #tpu.memory_space<hbm>>
      tpu.wait_dma2 semaphore(%run_scoped3A : memref<!tpu.dma_semaphore, #tpu.memory_space<semaphore_mem>>) src(%dma_wait3A_140 : memref<128xi32, #tpu.memory_space<hbm>>) dst(%arg23 : memref<128xi32, #tpu.memory_space<vmem>>)
      tpu.yield
    }) : () -> ()
    %mul3A_15 = arith.constant 4 : i32
    %mul3A_16 = arith.muli %add3A, %mul3A_15 : i32
    %add3A_17 = arith.constant 1 : i32
    %add3A_18 = arith.addi %mul3A_16, %add3A_17 : i32
    "tpu.region"() ({
      %run_scoped3A = tpu.sem_alloc : memref<!tpu.dma_semaphore, #tpu.memory_space<semaphore_mem>>
      %dma_start3A_129 = arith.constant 0 : i32
      %dma_start3A_130 = tpu.memref_slice %arg3[%add3A_18, %dma_start3A_129] : memref<128x128xi32, #tpu.memory_space<hbm>> -> memref<1x128xi32, #tpu.memory_space<hbm>>
      %dma_start3A_131 = tpu.memref_squeeze %dma_start3A_130 : memref<1x128xi32, #tpu.memory_space<hbm>> -> memref<128xi32, #tpu.memory_space<hbm>>
      %dma_start3A_132 = arith.constant 0 : i32
      %dma_start3A_133 = tpu.memref_slice %arg3[%add3A_18, %dma_start3A_132] : memref<128x128xi32, #tpu.memory_space<hbm>> -> memref<1x128xi32, #tpu.memory_space<hbm>>
      %dma_start3A_134 = tpu.memref_squeeze %dma_start3A_133 : memref<1x128xi32, #tpu.memory_space<hbm>> -> memref<128xi32, #tpu.memory_space<hbm>>
      tpu.enqueue_dma source(%dma_start3A_134 : memref<128xi32, #tpu.memory_space<hbm>>) target(%arg16 : memref<128xi32, #tpu.memory_space<vmem>>) target_semaphore(%run_scoped3A : memref<!tpu.dma_semaphore, #tpu.memory_space<semaphore_mem>>)
      %dma_wait3A_135 = arith.constant 0 : i32
      %dma_wait3A_136 = tpu.memref_slice %arg3[%add3A_18, %dma_wait3A_135] : memref<128x128xi32, #tpu.memory_space<hbm>> -> memref<1x128xi32, #tpu.memory_space<hbm>>
      %dma_wait3A_137 = tpu.memref_squeeze %dma_wait3A_136 : memref<1x128xi32, #tpu.memory_space<hbm>> -> memref<128xi32, #tpu.memory_space<hbm>>
      %dma_wait3A_138 = arith.constant 0 : i32
      %dma_wait3A_139 = tpu.memref_slice %arg3[%add3A_18, %dma_wait3A_138] : memref<128x128xi32, #tpu.memory_space<hbm>> -> memref<1x128xi32, #tpu.memory_space<hbm>>
      %dma_wait3A_140 = tpu.memref_squeeze %dma_wait3A_139 : memref<1x128xi32, #tpu.memory_space<hbm>> -> memref<128xi32, #tpu.memory_space<hbm>>
      tpu.wait_dma2 semaphore(%run_scoped3A : memref<!tpu.dma_semaphore, #tpu.memory_space<semaphore_mem>>) src(%dma_wait3A_140 : memref<128xi32, #tpu.memory_space<hbm>>) dst(%arg16 : memref<128xi32, #tpu.memory_space<vmem>>)
      tpu.yield
    }) : () -> ()
    %mul3A_19 = arith.constant 4 : i32
    %mul3A_20 = arith.muli %add3A, %mul3A_19 : i32
    %add3A_21 = arith.constant 1 : i32
    %add3A_22 = arith.addi %mul3A_20, %add3A_21 : i32
    "tpu.region"() ({
      %run_scoped3A = tpu.sem_alloc : memref<!tpu.dma_semaphore, #tpu.memory_space<semaphore_mem>>
      %dma_start3A_129 = arith.constant 0 : i32
      %dma_start3A_130 = tpu.memref_slice %arg4[%add3A_22, %dma_start3A_129] : memref<128x128xi32, #tpu.memory_space<hbm>> -> memref<1x128xi32, #tpu.memory_space<hbm>>
      %dma_start3A_131 = tpu.memref_squeeze %dma_start3A_130 : memref<1x128xi32, #tpu.memory_space<hbm>> -> memref<128xi32, #tpu.memory_space<hbm>>
      %dma_start3A_132 = arith.constant 0 : i32
      %dma_start3A_133 = tpu.memref_slice %arg4[%add3A_22, %dma_start3A_132] : memref<128x128xi32, #tpu.memory_space<hbm>> -> memref<1x128xi32, #tpu.memory_space<hbm>>
      %dma_start3A_134 = tpu.memref_squeeze %dma_start3A_133 : memref<1x128xi32, #tpu.memory_space<hbm>> -> memref<128xi32, #tpu.memory_space<hbm>>
      tpu.enqueue_dma source(%dma_start3A_134 : memref<128xi32, #tpu.memory_space<hbm>>) target(%arg20 : memref<128xi32, #tpu.memory_space<vmem>>) target_semaphore(%run_scoped3A : memref<!tpu.dma_semaphore, #tpu.memory_space<semaphore_mem>>)
      %dma_wait3A_135 = arith.constant 0 : i32
      %dma_wait3A_136 = tpu.memref_slice %arg4[%add3A_22, %dma_wait3A_135] : memref<128x128xi32, #tpu.memory_space<hbm>> -> memref<1x128xi32, #tpu.memory_space<hbm>>
      %dma_wait3A_137 = tpu.memref_squeeze %dma_wait3A_136 : memref<1x128xi32, #tpu.memory_space<hbm>> -> memref<128xi32, #tpu.memory_space<hbm>>
      %dma_wait3A_138 = arith.constant 0 : i32
      %dma_wait3A_139 = tpu.memref_slice %arg4[%add3A_22, %dma_wait3A_138] : memref<128x128xi32, #tpu.memory_space<hbm>> -> memref<1x128xi32, #tpu.memory_space<hbm>>
      %dma_wait3A_140 = tpu.memref_squeeze %dma_wait3A_139 : memref<1x128xi32, #tpu.memory_space<hbm>> -> memref<128xi32, #tpu.memory_space<hbm>>
      tpu.wait_dma2 semaphore(%run_scoped3A : memref<!tpu.dma_semaphore, #tpu.memory_space<semaphore_mem>>) src(%dma_wait3A_140 : memref<128xi32, #tpu.memory_space<hbm>>) dst(%arg20 : memref<128xi32, #tpu.memory_space<vmem>>)
      tpu.yield
    }) : () -> ()
    %mul3A_23 = arith.constant 4 : i32
    %mul3A_24 = arith.muli %add3A, %mul3A_23 : i32
    %add3A_25 = arith.constant 1 : i32
    %add3A_26 = arith.addi %mul3A_24, %add3A_25 : i32
    "tpu.region"() ({
      %run_scoped3A = tpu.sem_alloc : memref<!tpu.dma_semaphore, #tpu.memory_space<semaphore_mem>>
      %dma_start3A_129 = arith.constant 0 : i32
      %dma_start3A_130 = tpu.memref_slice %arg5[%add3A_26, %dma_start3A_129] : memref<128x128xi32, #tpu.memory_space<hbm>> -> memref<1x128xi32, #tpu.memory_space<hbm>>
      %dma_start3A_131 = tpu.memref_squeeze %dma_start3A_130 : memref<1x128xi32, #tpu.memory_space<hbm>> -> memref<128xi32, #tpu.memory_space<hbm>>
      %dma_start3A_132 = arith.constant 0 : i32
      %dma_start3A_133 = tpu.memref_slice %arg5[%add3A_26, %dma_start3A_132] : memref<128x128xi32, #tpu.memory_space<hbm>> -> memref<1x128xi32, #tpu.memory_space<hbm>>
      %dma_start3A_134 = tpu.memref_squeeze %dma_start3A_133 : memref<1x128xi32, #tpu.memory_space<hbm>> -> memref<128xi32, #tpu.memory_space<hbm>>
      tpu.enqueue_dma source(%dma_start3A_134 : memref<128xi32, #tpu.memory_space<hbm>>) target(%arg24 : memref<128xi32, #tpu.memory_space<vmem>>) target_semaphore(%run_scoped3A : memref<!tpu.dma_semaphore, #tpu.memory_space<semaphore_mem>>)
      %dma_wait3A_135 = arith.constant 0 : i32
      %dma_wait3A_136 = tpu.memref_slice %arg5[%add3A_26, %dma_wait3A_135] : memref<128x128xi32, #tpu.memory_space<hbm>> -> memref<1x128xi32, #tpu.memory_space<hbm>>
      %dma_wait3A_137 = tpu.memref_squeeze %dma_wait3A_136 : memref<1x128xi32, #tpu.memory_space<hbm>> -> memref<128xi32, #tpu.memory_space<hbm>>
      %dma_wait3A_138 = arith.constant 0 : i32
      %dma_wait3A_139 = tpu.memref_slice %arg5[%add3A_26, %dma_wait3A_138] : memref<128x128xi32, #tpu.memory_space<hbm>> -> memref<1x128xi32, #tpu.memory_space<hbm>>
      %dma_wait3A_140 = tpu.memref_squeeze %dma_wait3A_139 : memref<1x128xi32, #tpu.memory_space<hbm>> -> memref<128xi32, #tpu.memory_space<hbm>>
      tpu.wait_dma2 semaphore(%run_scoped3A : memref<!tpu.dma_semaphore, #tpu.memory_space<semaphore_mem>>) src(%dma_wait3A_140 : memref<128xi32, #tpu.memory_space<hbm>>) dst(%arg24 : memref<128xi32, #tpu.memory_space<vmem>>)
      tpu.yield
    }) : () -> ()
    %mul3A_27 = arith.constant 4 : i32
    %mul3A_28 = arith.muli %add3A, %mul3A_27 : i32
    %add3A_29 = arith.constant 2 : i32
    %add3A_30 = arith.addi %mul3A_28, %add3A_29 : i32
    "tpu.region"() ({
      %run_scoped3A = tpu.sem_alloc : memref<!tpu.dma_semaphore, #tpu.memory_space<semaphore_mem>>
      %dma_start3A_129 = arith.constant 0 : i32
      %dma_start3A_130 = tpu.memref_slice %arg3[%add3A_30, %dma_start3A_129] : memref<128x128xi32, #tpu.memory_space<hbm>> -> memref<1x128xi32, #tpu.memory_space<hbm>>
      %dma_start3A_131 = tpu.memref_squeeze %dma_start3A_130 : memref<1x128xi32, #tpu.memory_space<hbm>> -> memref<128xi32, #tpu.memory_space<hbm>>
      %dma_start3A_132 = arith.constant 0 : i32
      %dma_start3A_133 = tpu.memref_slice %arg3[%add3A_30, %dma_start3A_132] : memref<128x128xi32, #tpu.memory_space<hbm>> -> memref<1x128xi32, #tpu.memory_space<hbm>>
      %dma_start3A_134 = tpu.memref_squeeze %dma_start3A_133 : memref<1x128xi32, #tpu.memory_space<hbm>> -> memref<128xi32, #tpu.memory_space<hbm>>
      tpu.enqueue_dma source(%dma_start3A_134 : memref<128xi32, #tpu.memory_space<hbm>>) target(%arg17 : memref<128xi32, #tpu.memory_space<vmem>>) target_semaphore(%run_scoped3A : memref<!tpu.dma_semaphore, #tpu.memory_space<semaphore_mem>>)
      %dma_wait3A_135 = arith.constant 0 : i32
      %dma_wait3A_136 = tpu.memref_slice %arg3[%add3A_30, %dma_wait3A_135] : memref<128x128xi32, #tpu.memory_space<hbm>> -> memref<1x128xi32, #tpu.memory_space<hbm>>
      %dma_wait3A_137 = tpu.memref_squeeze %dma_wait3A_136 : memref<1x128xi32, #tpu.memory_space<hbm>> -> memref<128xi32, #tpu.memory_space<hbm>>
      %dma_wait3A_138 = arith.constant 0 : i32
      %dma_wait3A_139 = tpu.memref_slice %arg3[%add3A_30, %dma_wait3A_138] : memref<128x128xi32, #tpu.memory_space<hbm>> -> memref<1x128xi32, #tpu.memory_space<hbm>>
      %dma_wait3A_140 = tpu.memref_squeeze %dma_wait3A_139 : memref<1x128xi32, #tpu.memory_space<hbm>> -> memref<128xi32, #tpu.memory_space<hbm>>
      tpu.wait_dma2 semaphore(%run_scoped3A : memref<!tpu.dma_semaphore, #tpu.memory_space<semaphore_mem>>) src(%dma_wait3A_140 : memref<128xi32, #tpu.memory_space<hbm>>) dst(%arg17 : memref<128xi32, #tpu.memory_space<vmem>>)
      tpu.yield
    }) : () -> ()
    %mul3A_31 = arith.constant 4 : i32
    %mul3A_32 = arith.muli %add3A, %mul3A_31 : i32
    %add3A_33 = arith.constant 2 : i32
    %add3A_34 = arith.addi %mul3A_32, %add3A_33 : i32
    "tpu.region"() ({
      %run_scoped3A = tpu.sem_alloc : memref<!tpu.dma_semaphore, #tpu.memory_space<semaphore_mem>>
      %dma_start3A_129 = arith.constant 0 : i32
      %dma_start3A_130 = tpu.memref_slice %arg4[%add3A_34, %dma_start3A_129] : memref<128x128xi32, #tpu.memory_space<hbm>> -> memref<1x128xi32, #tpu.memory_space<hbm>>
      %dma_start3A_131 = tpu.memref_squeeze %dma_start3A_130 : memref<1x128xi32, #tpu.memory_space<hbm>> -> memref<128xi32, #tpu.memory_space<hbm>>
      %dma_start3A_132 = arith.constant 0 : i32
      %dma_start3A_133 = tpu.memref_slice %arg4[%add3A_34, %dma_start3A_132] : memref<128x128xi32, #tpu.memory_space<hbm>> -> memref<1x128xi32, #tpu.memory_space<hbm>>
      %dma_start3A_134 = tpu.memref_squeeze %dma_start3A_133 : memref<1x128xi32, #tpu.memory_space<hbm>> -> memref<128xi32, #tpu.memory_space<hbm>>
      tpu.enqueue_dma source(%dma_start3A_134 : memref<128xi32, #tpu.memory_space<hbm>>) target(%arg21 : memref<128xi32, #tpu.memory_space<vmem>>) target_semaphore(%run_scoped3A : memref<!tpu.dma_semaphore, #tpu.memory_space<semaphore_mem>>)
      %dma_wait3A_135 = arith.constant 0 : i32
      %dma_wait3A_136 = tpu.memref_slice %arg4[%add3A_34, %dma_wait3A_135] : memref<128x128xi32, #tpu.memory_space<hbm>> -> memref<1x128xi32, #tpu.memory_space<hbm>>
      %dma_wait3A_137 = tpu.memref_squeeze %dma_wait3A_136 : memref<1x128xi32, #tpu.memory_space<hbm>> -> memref<128xi32, #tpu.memory_space<hbm>>
      %dma_wait3A_138 = arith.constant 0 : i32
      %dma_wait3A_139 = tpu.memref_slice %arg4[%add3A_34, %dma_wait3A_138] : memref<128x128xi32, #tpu.memory_space<hbm>> -> memref<1x128xi32, #tpu.memory_space<hbm>>
      %dma_wait3A_140 = tpu.memref_squeeze %dma_wait3A_139 : memref<1x128xi32, #tpu.memory_space<hbm>> -> memref<128xi32, #tpu.memory_space<hbm>>
      tpu.wait_dma2 semaphore(%run_scoped3A : memref<!tpu.dma_semaphore, #tpu.memory_space<semaphore_mem>>) src(%dma_wait3A_140 : memref<128xi32, #tpu.memory_space<hbm>>) dst(%arg21 : memref<128xi32, #tpu.memory_space<vmem>>)
      tpu.yield
    }) : () -> ()
    %mul3A_35 = arith.constant 4 : i32
    %mul3A_36 = arith.muli %add3A, %mul3A_35 : i32
    %add3A_37 = arith.constant 2 : i32
    %add3A_38 = arith.addi %mul3A_36, %add3A_37 : i32
    "tpu.region"() ({
      %run_scoped3A = tpu.sem_alloc : memref<!tpu.dma_semaphore, #tpu.memory_space<semaphore_mem>>
      %dma_start3A_129 = arith.constant 0 : i32
      %dma_start3A_130 = tpu.memref_slice %arg5[%add3A_38, %dma_start3A_129] : memref<128x128xi32, #tpu.memory_space<hbm>> -> memref<1x128xi32, #tpu.memory_space<hbm>>
      %dma_start3A_131 = tpu.memref_squeeze %dma_start3A_130 : memref<1x128xi32, #tpu.memory_space<hbm>> -> memref<128xi32, #tpu.memory_space<hbm>>
      %dma_start3A_132 = arith.constant 0 : i32
      %dma_start3A_133 = tpu.memref_slice %arg5[%add3A_38, %dma_start3A_132] : memref<128x128xi32, #tpu.memory_space<hbm>> -> memref<1x128xi32, #tpu.memory_space<hbm>>
      %dma_start3A_134 = tpu.memref_squeeze %dma_start3A_133 : memref<1x128xi32, #tpu.memory_space<hbm>> -> memref<128xi32, #tpu.memory_space<hbm>>
      tpu.enqueue_dma source(%dma_start3A_134 : memref<128xi32, #tpu.memory_space<hbm>>) target(%arg25 : memref<128xi32, #tpu.memory_space<vmem>>) target_semaphore(%run_scoped3A : memref<!tpu.dma_semaphore, #tpu.memory_space<semaphore_mem>>)
      %dma_wait3A_135 = arith.constant 0 : i32
      %dma_wait3A_136 = tpu.memref_slice %arg5[%add3A_38, %dma_wait3A_135] : memref<128x128xi32, #tpu.memory_space<hbm>> -> memref<1x128xi32, #tpu.memory_space<hbm>>
      %dma_wait3A_137 = tpu.memref_squeeze %dma_wait3A_136 : memref<1x128xi32, #tpu.memory_space<hbm>> -> memref<128xi32, #tpu.memory_space<hbm>>
      %dma_wait3A_138 = arith.constant 0 : i32
      %dma_wait3A_139 = tpu.memref_slice %arg5[%add3A_38, %dma_wait3A_138] : memref<128x128xi32, #tpu.memory_space<hbm>> -> memref<1x128xi32, #tpu.memory_space<hbm>>
      %dma_wait3A_140 = tpu.memref_squeeze %dma_wait3A_139 : memref<1x128xi32, #tpu.memory_space<hbm>> -> memref<128xi32, #tpu.memory_space<hbm>>
      tpu.wait_dma2 semaphore(%run_scoped3A : memref<!tpu.dma_semaphore, #tpu.memory_space<semaphore_mem>>) src(%dma_wait3A_140 : memref<128xi32, #tpu.memory_space<hbm>>) dst(%arg25 : memref<128xi32, #tpu.memory_space<vmem>>)
      tpu.yield
    }) : () -> ()
    %mul3A_39 = arith.constant 4 : i32
    %mul3A_40 = arith.muli %add3A, %mul3A_39 : i32
    %add3A_41 = arith.constant 3 : i32
    %add3A_42 = arith.addi %mul3A_40, %add3A_41 : i32
    "tpu.region"() ({
      %run_scoped3A = tpu.sem_alloc : memref<!tpu.dma_semaphore, #tpu.memory_space<semaphore_mem>>
      %dma_start3A_129 = arith.constant 0 : i32
      %dma_start3A_130 = tpu.memref_slice %arg3[%add3A_42, %dma_start3A_129] : memref<128x128xi32, #tpu.memory_space<hbm>> -> memref<1x128xi32, #tpu.memory_space<hbm>>
      %dma_start3A_131 = tpu.memref_squeeze %dma_start3A_130 : memref<1x128xi32, #tpu.memory_space<hbm>> -> memref<128xi32, #tpu.memory_space<hbm>>
      %dma_start3A_132 = arith.constant 0 : i32
      %dma_start3A_133 = tpu.memref_slice %arg3[%add3A_42, %dma_start3A_132] : memref<128x128xi32, #tpu.memory_space<hbm>> -> memref<1x128xi32, #tpu.memory_space<hbm>>
      %dma_start3A_134 = tpu.memref_squeeze %dma_start3A_133 : memref<1x128xi32, #tpu.memory_space<hbm>> -> memref<128xi32, #tpu.memory_space<hbm>>
      tpu.enqueue_dma source(%dma_start3A_134 : memref<128xi32, #tpu.memory_space<hbm>>) target(%arg18 : memref<128xi32, #tpu.memory_space<vmem>>) target_semaphore(%run_scoped3A : memref<!tpu.dma_semaphore, #tpu.memory_space<semaphore_mem>>)
      %dma_wait3A_135 = arith.constant 0 : i32
      %dma_wait3A_136 = tpu.memref_slice %arg3[%add3A_42, %dma_wait3A_135] : memref<128x128xi32, #tpu.memory_space<hbm>> -> memref<1x128xi32, #tpu.memory_space<hbm>>
      %dma_wait3A_137 = tpu.memref_squeeze %dma_wait3A_136 : memref<1x128xi32, #tpu.memory_space<hbm>> -> memref<128xi32, #tpu.memory_space<hbm>>
      %dma_wait3A_138 = arith.constant 0 : i32
      %dma_wait3A_139 = tpu.memref_slice %arg3[%add3A_42, %dma_wait3A_138] : memref<128x128xi32, #tpu.memory_space<hbm>> -> memref<1x128xi32, #tpu.memory_space<hbm>>
      %dma_wait3A_140 = tpu.memref_squeeze %dma_wait3A_139 : memref<1x128xi32, #tpu.memory_space<hbm>> -> memref<128xi32, #tpu.memory_space<hbm>>
      tpu.wait_dma2 semaphore(%run_scoped3A : memref<!tpu.dma_semaphore, #tpu.memory_space<semaphore_mem>>) src(%dma_wait3A_140 : memref<128xi32, #tpu.memory_space<hbm>>) dst(%arg18 : memref<128xi32, #tpu.memory_space<vmem>>)
      tpu.yield
    }) : () -> ()
    %mul3A_43 = arith.constant 4 : i32
    %mul3A_44 = arith.muli %add3A, %mul3A_43 : i32
    %add3A_45 = arith.constant 3 : i32
    %add3A_46 = arith.addi %mul3A_44, %add3A_45 : i32
    "tpu.region"() ({
      %run_scoped3A = tpu.sem_alloc : memref<!tpu.dma_semaphore, #tpu.memory_space<semaphore_mem>>
      %dma_start3A_129 = arith.constant 0 : i32
      %dma_start3A_130 = tpu.memref_slice %arg4[%add3A_46, %dma_start3A_129] : memref<128x128xi32, #tpu.memory_space<hbm>> -> memref<1x128xi32, #tpu.memory_space<hbm>>
      %dma_start3A_131 = tpu.memref_squeeze %dma_start3A_130 : memref<1x128xi32, #tpu.memory_space<hbm>> -> memref<128xi32, #tpu.memory_space<hbm>>
      %dma_start3A_132 = arith.constant 0 : i32
      %dma_start3A_133 = tpu.memref_slice %arg4[%add3A_46, %dma_start3A_132] : memref<128x128xi32, #tpu.memory_space<hbm>> -> memref<1x128xi32, #tpu.memory_space<hbm>>
      %dma_start3A_134 = tpu.memref_squeeze %dma_start3A_133 : memref<1x128xi32, #tpu.memory_space<hbm>> -> memref<128xi32, #tpu.memory_space<hbm>>
      tpu.enqueue_dma source(%dma_start3A_134 : memref<128xi32, #tpu.memory_space<hbm>>) target(%arg22 : memref<128xi32, #tpu.memory_space<vmem>>) target_semaphore(%run_scoped3A : memref<!tpu.dma_semaphore, #tpu.memory_space<semaphore_mem>>)
      %dma_wait3A_135 = arith.constant 0 : i32
      %dma_wait3A_136 = tpu.memref_slice %arg4[%add3A_46, %dma_wait3A_135] : memref<128x128xi32, #tpu.memory_space<hbm>> -> memref<1x128xi32, #tpu.memory_space<hbm>>
      %dma_wait3A_137 = tpu.memref_squeeze %dma_wait3A_136 : memref<1x128xi32, #tpu.memory_space<hbm>> -> memref<128xi32, #tpu.memory_space<hbm>>
      %dma_wait3A_138 = arith.constant 0 : i32
      %dma_wait3A_139 = tpu.memref_slice %arg4[%add3A_46, %dma_wait3A_138] : memref<128x128xi32, #tpu.memory_space<hbm>> -> memref<1x128xi32, #tpu.memory_space<hbm>>
      %dma_wait3A_140 = tpu.memref_squeeze %dma_wait3A_139 : memref<1x128xi32, #tpu.memory_space<hbm>> -> memref<128xi32, #tpu.memory_space<hbm>>
      tpu.wait_dma2 semaphore(%run_scoped3A : memref<!tpu.dma_semaphore, #tpu.memory_space<semaphore_mem>>) src(%dma_wait3A_140 : memref<128xi32, #tpu.memory_space<hbm>>) dst(%arg22 : memref<128xi32, #tpu.memory_space<vmem>>)
      tpu.yield
    }) : () -> ()
    %mul3A_47 = arith.constant 4 : i32
    %mul3A_48 = arith.muli %add3A, %mul3A_47 : i32
    %add3A_49 = arith.constant 3 : i32
    %add3A_50 = arith.addi %mul3A_48, %add3A_49 : i32
    "tpu.region"() ({
      %run_scoped3A = tpu.sem_alloc : memref<!tpu.dma_semaphore, #tpu.memory_space<semaphore_mem>>
      %dma_start3A_129 = arith.constant 0 : i32
      %dma_start3A_130 = tpu.memref_slice %arg5[%add3A_50, %dma_start3A_129] : memref<128x128xi32, #tpu.memory_space<hbm>> -> memref<1x128xi32, #tpu.memory_space<hbm>>
      %dma_start3A_131 = tpu.memref_squeeze %dma_start3A_130 : memref<1x128xi32, #tpu.memory_space<hbm>> -> memref<128xi32, #tpu.memory_space<hbm>>
      %dma_start3A_132 = arith.constant 0 : i32
      %dma_start3A_133 = tpu.memref_slice %arg5[%add3A_50, %dma_start3A_132] : memref<128x128xi32, #tpu.memory_space<hbm>> -> memref<1x128xi32, #tpu.memory_space<hbm>>
      %dma_start3A_134 = tpu.memref_squeeze %dma_start3A_133 : memref<1x128xi32, #tpu.memory_space<hbm>> -> memref<128xi32, #tpu.memory_space<hbm>>
      tpu.enqueue_dma source(%dma_start3A_134 : memref<128xi32, #tpu.memory_space<hbm>>) target(%arg26 : memref<128xi32, #tpu.memory_space<vmem>>) target_semaphore(%run_scoped3A : memref<!tpu.dma_semaphore, #tpu.memory_space<semaphore_mem>>)
      %dma_wait3A_135 = arith.constant 0 : i32
      %dma_wait3A_136 = tpu.memref_slice %arg5[%add3A_50, %dma_wait3A_135] : memref<128x128xi32, #tpu.memory_space<hbm>> -> memref<1x128xi32, #tpu.memory_space<hbm>>
      %dma_wait3A_137 = tpu.memref_squeeze %dma_wait3A_136 : memref<1x128xi32, #tpu.memory_space<hbm>> -> memref<128xi32, #tpu.memory_space<hbm>>
      %dma_wait3A_138 = arith.constant 0 : i32
      %dma_wait3A_139 = tpu.memref_slice %arg5[%add3A_50, %dma_wait3A_138] : memref<128x128xi32, #tpu.memory_space<hbm>> -> memref<1x128xi32, #tpu.memory_space<hbm>>
      %dma_wait3A_140 = tpu.memref_squeeze %dma_wait3A_139 : memref<1x128xi32, #tpu.memory_space<hbm>> -> memref<128xi32, #tpu.memory_space<hbm>>
      tpu.wait_dma2 semaphore(%run_scoped3A : memref<!tpu.dma_semaphore, #tpu.memory_space<semaphore_mem>>) src(%dma_wait3A_140 : memref<128xi32, #tpu.memory_space<hbm>>) dst(%arg26 : memref<128xi32, #tpu.memory_space<vmem>>)
      tpu.yield
    }) : () -> ()
    %dma_start3A = arith.constant 0 : i32
    %dma_start3A_51 = arith.constant 0 : i32
    %dma_start3A_52 = tpu.memref_slice %arg2[%dma_start3A, %dma_start3A_51] : memref<1000000x8xi32, #tpu.memory_space<hbm>> -> memref<1000000x8xi32, #tpu.memory_space<hbm>>
    tpu.enqueue_indirect_dma source(%dma_start3A_52 : memref<1000000x8xi32, #tpu.memory_space<hbm>>) target(%arg27 : memref<128x8xi32, #tpu.memory_space<vmem>>) offsets(%arg15 : memref<128xi32, #tpu.memory_space<vmem>>) semaphore(%arg34 : memref<!tpu.dma_semaphore, #tpu.memory_space<semaphore_mem>>)
    %dma_start3A_53 = arith.constant 0 : i32
    %dma_start3A_54 = arith.constant 0 : i32
    %dma_start3A_55 = tpu.memref_slice %arg6[%dma_start3A_53, %dma_start3A_54] : memref<500000x128xf32, #tpu.memory_space<hbm>> -> memref<500000x128xf32, #tpu.memory_space<hbm>>
    tpu.enqueue_indirect_dma source(%dma_start3A_55 : memref<500000x128xf32, #tpu.memory_space<hbm>>) target(%arg28 : memref<128x128xf32, #tpu.memory_space<vmem>>) offsets(%arg19 : memref<128xi32, #tpu.memory_space<vmem>>) semaphore(%arg34 : memref<!tpu.dma_semaphore, #tpu.memory_space<semaphore_mem>>)
    %dma_start3A_56 = arith.constant 0 : i32
    %dma_start3A_57 = tpu.memref_slice %arg7[%dma_start3A_56] : memref<1000000xf32, #tpu.memory_space<hbm>> -> memref<1000000xf32, #tpu.memory_space<hbm>>
    tpu.enqueue_indirect_dma source(%dma_start3A_57 : memref<1000000xf32, #tpu.memory_space<hbm>>) target(%arg29 : memref<128xf32, #tpu.memory_space<vmem>>) offsets(%arg23 : memref<128xi32, #tpu.memory_space<vmem>>) semaphore(%arg34 : memref<!tpu.dma_semaphore, #tpu.memory_space<semaphore_mem>>)
    %dma_wait3A = arith.constant 0 : i32
    %dma_wait3A_58 = arith.constant 0 : i32
    %dma_wait3A_59 = tpu.memref_slice %arg2[%dma_wait3A, %dma_wait3A_58] : memref<1000000x8xi32, #tpu.memory_space<hbm>> -> memref<1000000x8xi32, #tpu.memory_space<hbm>>
    tpu.wait_indirect_dma semaphore(%arg34 : memref<!tpu.dma_semaphore, #tpu.memory_space<semaphore_mem>>) src(%dma_wait3A_59 : memref<1000000x8xi32, #tpu.memory_space<hbm>>) dst(%arg27 : memref<128x8xi32, #tpu.memory_space<vmem>>)
    %dma_wait3A_60 = arith.constant 0 : i32
    %dma_wait3A_61 = arith.constant 0 : i32
    %dma_wait3A_62 = tpu.memref_slice %arg6[%dma_wait3A_60, %dma_wait3A_61] : memref<500000x128xf32, #tpu.memory_space<hbm>> -> memref<500000x128xf32, #tpu.memory_space<hbm>>
    tpu.wait_indirect_dma semaphore(%arg34 : memref<!tpu.dma_semaphore, #tpu.memory_space<semaphore_mem>>) src(%dma_wait3A_62 : memref<500000x128xf32, #tpu.memory_space<hbm>>) dst(%arg28 : memref<128x128xf32, #tpu.memory_space<vmem>>)
    %dma_wait3A_63 = arith.constant 0 : i32
    %dma_wait3A_64 = tpu.memref_slice %arg7[%dma_wait3A_63] : memref<1000000xf32, #tpu.memory_space<hbm>> -> memref<1000000xf32, #tpu.memory_space<hbm>>
    tpu.wait_indirect_dma semaphore(%arg34 : memref<!tpu.dma_semaphore, #tpu.memory_space<semaphore_mem>>) src(%dma_wait3A_64 : memref<1000000xf32, #tpu.memory_space<hbm>>) dst(%arg29 : memref<128xf32, #tpu.memory_space<vmem>>)
    %mul3A_65 = arith.constant 512 : i32
    %mul3A_66 = arith.muli %add3A, %mul3A_65 : i32
    %add3A_67 = arith.constant 0 : i32
    %add3A_68 = arith.addi %mul3A_66, %add3A_67 : i32
    "tpu.region"() ({
      %run_scoped3A = tpu.sem_alloc : memref<!tpu.dma_semaphore, #tpu.memory_space<semaphore_mem>>
      %dma_start3A_129 = arith.constant 0 : i32
      %dma_start3A_130 = tpu.memref_slice %arg10[%add3A_68, %dma_start3A_129] : memref<16384x8xi32, #tpu.memory_space<hbm>> -> memref<128x8xi32, #tpu.memory_space<hbm>>
      %dma_start3A_131 = arith.constant 0 : i32
      %dma_start3A_132 = tpu.memref_slice %arg10[%add3A_68, %dma_start3A_131] : memref<16384x8xi32, #tpu.memory_space<hbm>> -> memref<128x8xi32, #tpu.memory_space<hbm>>
      tpu.enqueue_dma source(%arg27 : memref<128x8xi32, #tpu.memory_space<vmem>>) target(%dma_start3A_132 : memref<128x8xi32, #tpu.memory_space<hbm>>) target_semaphore(%run_scoped3A : memref<!tpu.dma_semaphore, #tpu.memory_space<semaphore_mem>>)
      %dma_wait3A_133 = arith.constant 0 : i32
      %dma_wait3A_134 = tpu.memref_slice %arg10[%add3A_68, %dma_wait3A_133] : memref<16384x8xi32, #tpu.memory_space<hbm>> -> memref<128x8xi32, #tpu.memory_space<hbm>>
      %dma_wait3A_135 = arith.constant 0 : i32
      %dma_wait3A_136 = tpu.memref_slice %arg10[%add3A_68, %dma_wait3A_135] : memref<16384x8xi32, #tpu.memory_space<hbm>> -> memref<128x8xi32, #tpu.memory_space<hbm>>
      tpu.wait_dma2 semaphore(%run_scoped3A : memref<!tpu.dma_semaphore, #tpu.memory_space<semaphore_mem>>) src(%arg27 : memref<128x8xi32, #tpu.memory_space<vmem>>) dst(%dma_wait3A_136 : memref<128x8xi32, #tpu.memory_space<hbm>>)
      tpu.yield
    }) : () -> ()
    "tpu.region"() ({
      %run_scoped3A = tpu.sem_alloc : memref<!tpu.dma_semaphore, #tpu.memory_space<semaphore_mem>>
      %dma_start3A_129 = arith.constant 0 : i32
      %dma_start3A_130 = tpu.memref_slice %arg11[%add3A_68, %dma_start3A_129] : memref<16384x128xf32, #tpu.memory_space<hbm>> -> memref<128x128xf32, #tpu.memory_space<hbm>>
      %dma_start3A_131 = arith.constant 0 : i32
      %dma_start3A_132 = tpu.memref_slice %arg11[%add3A_68, %dma_start3A_131] : memref<16384x128xf32, #tpu.memory_space<hbm>> -> memref<128x128xf32, #tpu.memory_space<hbm>>
      tpu.enqueue_dma source(%arg28 : memref<128x128xf32, #tpu.memory_space<vmem>>) target(%dma_start3A_132 : memref<128x128xf32, #tpu.memory_space<hbm>>) target_semaphore(%run_scoped3A : memref<!tpu.dma_semaphore, #tpu.memory_space<semaphore_mem>>)
      %dma_wait3A_133 = arith.constant 0 : i32
      %dma_wait3A_134 = tpu.memref_slice %arg11[%add3A_68, %dma_wait3A_133] : memref<16384x128xf32, #tpu.memory_space<hbm>> -> memref<128x128xf32, #tpu.memory_space<hbm>>
      %dma_wait3A_135 = arith.constant 0 : i32
      %dma_wait3A_136 = tpu.memref_slice %arg11[%add3A_68, %dma_wait3A_135] : memref<16384x128xf32, #tpu.memory_space<hbm>> -> memref<128x128xf32, #tpu.memory_space<hbm>>
      tpu.wait_dma2 semaphore(%run_scoped3A : memref<!tpu.dma_semaphore, #tpu.memory_space<semaphore_mem>>) src(%arg28 : memref<128x128xf32, #tpu.memory_space<vmem>>) dst(%dma_wait3A_136 : memref<128x128xf32, #tpu.memory_space<hbm>>)
      tpu.yield
    }) : () -> ()
    "tpu.region"() ({
      %run_scoped3A = tpu.sem_alloc : memref<!tpu.dma_semaphore, #tpu.memory_space<semaphore_mem>>
      %dma_start3A_129 = tpu.memref_slice %arg12[%add3A_68] : memref<16384xf32, #tpu.memory_space<hbm>> -> memref<128xf32, #tpu.memory_space<hbm>>
      %dma_start3A_130 = tpu.memref_slice %arg12[%add3A_68] : memref<16384xf32, #tpu.memory_space<hbm>> -> memref<128xf32, #tpu.memory_space<hbm>>
      tpu.enqueue_dma source(%arg29 : memref<128xf32, #tpu.memory_space<vmem>>) target(%dma_start3A_130 : memref<128xf32, #tpu.memory_space<hbm>>) target_semaphore(%run_scoped3A : memref<!tpu.dma_semaphore, #tpu.memory_space<semaphore_mem>>)
      %dma_wait3A_131 = tpu.memref_slice %arg12[%add3A_68] : memref<16384xf32, #tpu.memory_space<hbm>> -> memref<128xf32, #tpu.memory_space<hbm>>
      %dma_wait3A_132 = tpu.memref_slice %arg12[%add3A_68] : memref<16384xf32, #tpu.memory_space<hbm>> -> memref<128xf32, #tpu.memory_space<hbm>>
      tpu.wait_dma2 semaphore(%run_scoped3A : memref<!tpu.dma_semaphore, #tpu.memory_space<semaphore_mem>>) src(%arg29 : memref<128xf32, #tpu.memory_space<vmem>>) dst(%dma_wait3A_132 : memref<128xf32, #tpu.memory_space<hbm>>)
      tpu.yield
    }) : () -> ()
    %dma_start3A_69 = arith.constant 0 : i32
    %dma_start3A_70 = arith.constant 0 : i32
    %dma_start3A_71 = tpu.memref_slice %arg2[%dma_start3A_69, %dma_start3A_70] : memref<1000000x8xi32, #tpu.memory_space<hbm>> -> memref<1000000x8xi32, #tpu.memory_space<hbm>>
    tpu.enqueue_indirect_dma source(%dma_start3A_71 : memref<1000000x8xi32, #tpu.memory_space<hbm>>) target(%arg27 : memref<128x8xi32, #tpu.memory_space<vmem>>) offsets(%arg16 : memref<128xi32, #tpu.memory_space<vmem>>) semaphore(%arg34 : memref<!tpu.dma_semaphore, #tpu.memory_space<semaphore_mem>>)
    %dma_start3A_72 = arith.constant 0 : i32
    %dma_start3A_73 = arith.constant 0 : i32
    %dma_start3A_74 = tpu.memref_slice %arg6[%dma_start3A_72, %dma_start3A_73] : memref<500000x128xf32, #tpu.memory_space<hbm>> -> memref<500000x128xf32, #tpu.memory_space<hbm>>
    tpu.enqueue_indirect_dma source(%dma_start3A_74 : memref<500000x128xf32, #tpu.memory_space<hbm>>) target(%arg28 : memref<128x128xf32, #tpu.memory_space<vmem>>) offsets(%arg20 : memref<128xi32, #tpu.memory_space<vmem>>) semaphore(%arg34 : memref<!tpu.dma_semaphore, #tpu.memory_space<semaphore_mem>>)
    %dma_start3A_75 = arith.constant 0 : i32
    %dma_start3A_76 = tpu.memref_slice %arg7[%dma_start3A_75] : memref<1000000xf32, #tpu.memory_space<hbm>> -> memref<1000000xf32, #tpu.memory_space<hbm>>
    tpu.enqueue_indirect_dma source(%dma_start3A_76 : memref<1000000xf32, #tpu.memory_space<hbm>>) target(%arg29 : memref<128xf32, #tpu.memory_space<vmem>>) offsets(%arg24 : memref<128xi32, #tpu.memory_space<vmem>>) semaphore(%arg34 : memref<!tpu.dma_semaphore, #tpu.memory_space<semaphore_mem>>)
    %dma_wait3A_77 = arith.constant 0 : i32
    %dma_wait3A_78 = arith.constant 0 : i32
    %dma_wait3A_79 = tpu.memref_slice %arg2[%dma_wait3A_77, %dma_wait3A_78] : memref<1000000x8xi32, #tpu.memory_space<hbm>> -> memref<1000000x8xi32, #tpu.memory_space<hbm>>
    tpu.wait_indirect_dma semaphore(%arg34 : memref<!tpu.dma_semaphore, #tpu.memory_space<semaphore_mem>>) src(%dma_wait3A_79 : memref<1000000x8xi32, #tpu.memory_space<hbm>>) dst(%arg27 : memref<128x8xi32, #tpu.memory_space<vmem>>)
    %dma_wait3A_80 = arith.constant 0 : i32
    %dma_wait3A_81 = arith.constant 0 : i32
    %dma_wait3A_82 = tpu.memref_slice %arg6[%dma_wait3A_80, %dma_wait3A_81] : memref<500000x128xf32, #tpu.memory_space<hbm>> -> memref<500000x128xf32, #tpu.memory_space<hbm>>
    tpu.wait_indirect_dma semaphore(%arg34 : memref<!tpu.dma_semaphore, #tpu.memory_space<semaphore_mem>>) src(%dma_wait3A_82 : memref<500000x128xf32, #tpu.memory_space<hbm>>) dst(%arg28 : memref<128x128xf32, #tpu.memory_space<vmem>>)
    %dma_wait3A_83 = arith.constant 0 : i32
    %dma_wait3A_84 = tpu.memref_slice %arg7[%dma_wait3A_83] : memref<1000000xf32, #tpu.memory_space<hbm>> -> memref<1000000xf32, #tpu.memory_space<hbm>>
    tpu.wait_indirect_dma semaphore(%arg34 : memref<!tpu.dma_semaphore, #tpu.memory_space<semaphore_mem>>) src(%dma_wait3A_84 : memref<1000000xf32, #tpu.memory_space<hbm>>) dst(%arg29 : memref<128xf32, #tpu.memory_space<vmem>>)
    %mul3A_85 = arith.constant 512 : i32
    %mul3A_86 = arith.muli %add3A, %mul3A_85 : i32
    %add3A_87 = arith.constant 128 : i32
    %add3A_88 = arith.addi %mul3A_86, %add3A_87 : i32
    "tpu.region"() ({
      %run_scoped3A = tpu.sem_alloc : memref<!tpu.dma_semaphore, #tpu.memory_space<semaphore_mem>>
      %dma_start3A_129 = arith.constant 0 : i32
      %dma_start3A_130 = tpu.memref_slice %arg10[%add3A_88, %dma_start3A_129] : memref<16384x8xi32, #tpu.memory_space<hbm>> -> memref<128x8xi32, #tpu.memory_space<hbm>>
      %dma_start3A_131 = arith.constant 0 : i32
      %dma_start3A_132 = tpu.memref_slice %arg10[%add3A_88, %dma_start3A_131] : memref<16384x8xi32, #tpu.memory_space<hbm>> -> memref<128x8xi32, #tpu.memory_space<hbm>>
      tpu.enqueue_dma source(%arg27 : memref<128x8xi32, #tpu.memory_space<vmem>>) target(%dma_start3A_132 : memref<128x8xi32, #tpu.memory_space<hbm>>) target_semaphore(%run_scoped3A : memref<!tpu.dma_semaphore, #tpu.memory_space<semaphore_mem>>)
      %dma_wait3A_133 = arith.constant 0 : i32
      %dma_wait3A_134 = tpu.memref_slice %arg10[%add3A_88, %dma_wait3A_133] : memref<16384x8xi32, #tpu.memory_space<hbm>> -> memref<128x8xi32, #tpu.memory_space<hbm>>
      %dma_wait3A_135 = arith.constant 0 : i32
      %dma_wait3A_136 = tpu.memref_slice %arg10[%add3A_88, %dma_wait3A_135] : memref<16384x8xi32, #tpu.memory_space<hbm>> -> memref<128x8xi32, #tpu.memory_space<hbm>>
      tpu.wait_dma2 semaphore(%run_scoped3A : memref<!tpu.dma_semaphore, #tpu.memory_space<semaphore_mem>>) src(%arg27 : memref<128x8xi32, #tpu.memory_space<vmem>>) dst(%dma_wait3A_136 : memref<128x8xi32, #tpu.memory_space<hbm>>)
      tpu.yield
    }) : () -> ()
    "tpu.region"() ({
      %run_scoped3A = tpu.sem_alloc : memref<!tpu.dma_semaphore, #tpu.memory_space<semaphore_mem>>
      %dma_start3A_129 = arith.constant 0 : i32
      %dma_start3A_130 = tpu.memref_slice %arg11[%add3A_88, %dma_start3A_129] : memref<16384x128xf32, #tpu.memory_space<hbm>> -> memref<128x128xf32, #tpu.memory_space<hbm>>
      %dma_start3A_131 = arith.constant 0 : i32
      %dma_start3A_132 = tpu.memref_slice %arg11[%add3A_88, %dma_start3A_131] : memref<16384x128xf32, #tpu.memory_space<hbm>> -> memref<128x128xf32, #tpu.memory_space<hbm>>
      tpu.enqueue_dma source(%arg28 : memref<128x128xf32, #tpu.memory_space<vmem>>) target(%dma_start3A_132 : memref<128x128xf32, #tpu.memory_space<hbm>>) target_semaphore(%run_scoped3A : memref<!tpu.dma_semaphore, #tpu.memory_space<semaphore_mem>>)
      %dma_wait3A_133 = arith.constant 0 : i32
      %dma_wait3A_134 = tpu.memref_slice %arg11[%add3A_88, %dma_wait3A_133] : memref<16384x128xf32, #tpu.memory_space<hbm>> -> memref<128x128xf32, #tpu.memory_space<hbm>>
      %dma_wait3A_135 = arith.constant 0 : i32
      %dma_wait3A_136 = tpu.memref_slice %arg11[%add3A_88, %dma_wait3A_135] : memref<16384x128xf32, #tpu.memory_space<hbm>> -> memref<128x128xf32, #tpu.memory_space<hbm>>
      tpu.wait_dma2 semaphore(%run_scoped3A : memref<!tpu.dma_semaphore, #tpu.memory_space<semaphore_mem>>) src(%arg28 : memref<128x128xf32, #tpu.memory_space<vmem>>) dst(%dma_wait3A_136 : memref<128x128xf32, #tpu.memory_space<hbm>>)
      tpu.yield
    }) : () -> ()
    "tpu.region"() ({
      %run_scoped3A = tpu.sem_alloc : memref<!tpu.dma_semaphore, #tpu.memory_space<semaphore_mem>>
      %dma_start3A_129 = tpu.memref_slice %arg12[%add3A_88] : memref<16384xf32, #tpu.memory_space<hbm>> -> memref<128xf32, #tpu.memory_space<hbm>>
      %dma_start3A_130 = tpu.memref_slice %arg12[%add3A_88] : memref<16384xf32, #tpu.memory_space<hbm>> -> memref<128xf32, #tpu.memory_space<hbm>>
      tpu.enqueue_dma source(%arg29 : memref<128xf32, #tpu.memory_space<vmem>>) target(%dma_start3A_130 : memref<128xf32, #tpu.memory_space<hbm>>) target_semaphore(%run_scoped3A : memref<!tpu.dma_semaphore, #tpu.memory_space<semaphore_mem>>)
      %dma_wait3A_131 = tpu.memref_slice %arg12[%add3A_88] : memref<16384xf32, #tpu.memory_space<hbm>> -> memref<128xf32, #tpu.memory_space<hbm>>
      %dma_wait3A_132 = tpu.memref_slice %arg12[%add3A_88] : memref<16384xf32, #tpu.memory_space<hbm>> -> memref<128xf32, #tpu.memory_space<hbm>>
      tpu.wait_dma2 semaphore(%run_scoped3A : memref<!tpu.dma_semaphore, #tpu.memory_space<semaphore_mem>>) src(%arg29 : memref<128xf32, #tpu.memory_space<vmem>>) dst(%dma_wait3A_132 : memref<128xf32, #tpu.memory_space<hbm>>)
      tpu.yield
    }) : () -> ()
    %dma_start3A_89 = arith.constant 0 : i32
    %dma_start3A_90 = arith.constant 0 : i32
    %dma_start3A_91 = tpu.memref_slice %arg2[%dma_start3A_89, %dma_start3A_90] : memref<1000000x8xi32, #tpu.memory_space<hbm>> -> memref<1000000x8xi32, #tpu.memory_space<hbm>>
    tpu.enqueue_indirect_dma source(%dma_start3A_91 : memref<1000000x8xi32, #tpu.memory_space<hbm>>) target(%arg27 : memref<128x8xi32, #tpu.memory_space<vmem>>) offsets(%arg17 : memref<128xi32, #tpu.memory_space<vmem>>) semaphore(%arg34 : memref<!tpu.dma_semaphore, #tpu.memory_space<semaphore_mem>>)
    %dma_start3A_92 = arith.constant 0 : i32
    %dma_start3A_93 = arith.constant 0 : i32
    %dma_start3A_94 = tpu.memref_slice %arg6[%dma_start3A_92, %dma_start3A_93] : memref<500000x128xf32, #tpu.memory_space<hbm>> -> memref<500000x128xf32, #tpu.memory_space<hbm>>
    tpu.enqueue_indirect_dma source(%dma_start3A_94 : memref<500000x128xf32, #tpu.memory_space<hbm>>) target(%arg28 : memref<128x128xf32, #tpu.memory_space<vmem>>) offsets(%arg21 : memref<128xi32, #tpu.memory_space<vmem>>) semaphore(%arg34 : memref<!tpu.dma_semaphore, #tpu.memory_space<semaphore_mem>>)
    %dma_start3A_95 = arith.constant 0 : i32
    %dma_start3A_96 = tpu.memref_slice %arg7[%dma_start3A_95] : memref<1000000xf32, #tpu.memory_space<hbm>> -> memref<1000000xf32, #tpu.memory_space<hbm>>
    tpu.enqueue_indirect_dma source(%dma_start3A_96 : memref<1000000xf32, #tpu.memory_space<hbm>>) target(%arg29 : memref<128xf32, #tpu.memory_space<vmem>>) offsets(%arg25 : memref<128xi32, #tpu.memory_space<vmem>>) semaphore(%arg34 : memref<!tpu.dma_semaphore, #tpu.memory_space<semaphore_mem>>)
    %dma_wait3A_97 = arith.constant 0 : i32
    %dma_wait3A_98 = arith.constant 0 : i32
    %dma_wait3A_99 = tpu.memref_slice %arg2[%dma_wait3A_97, %dma_wait3A_98] : memref<1000000x8xi32, #tpu.memory_space<hbm>> -> memref<1000000x8xi32, #tpu.memory_space<hbm>>
    tpu.wait_indirect_dma semaphore(%arg34 : memref<!tpu.dma_semaphore, #tpu.memory_space<semaphore_mem>>) src(%dma_wait3A_99 : memref<1000000x8xi32, #tpu.memory_space<hbm>>) dst(%arg27 : memref<128x8xi32, #tpu.memory_space<vmem>>)
    %dma_wait3A_100 = arith.constant 0 : i32
    %dma_wait3A_101 = arith.constant 0 : i32
    %dma_wait3A_102 = tpu.memref_slice %arg6[%dma_wait3A_100, %dma_wait3A_101] : memref<500000x128xf32, #tpu.memory_space<hbm>> -> memref<500000x128xf32, #tpu.memory_space<hbm>>
    tpu.wait_indirect_dma semaphore(%arg34 : memref<!tpu.dma_semaphore, #tpu.memory_space<semaphore_mem>>) src(%dma_wait3A_102 : memref<500000x128xf32, #tpu.memory_space<hbm>>) dst(%arg28 : memref<128x128xf32, #tpu.memory_space<vmem>>)
    %dma_wait3A_103 = arith.constant 0 : i32
    %dma_wait3A_104 = tpu.memref_slice %arg7[%dma_wait3A_103] : memref<1000000xf32, #tpu.memory_space<hbm>> -> memref<1000000xf32, #tpu.memory_space<hbm>>
    tpu.wait_indirect_dma semaphore(%arg34 : memref<!tpu.dma_semaphore, #tpu.memory_space<semaphore_mem>>) src(%dma_wait3A_104 : memref<1000000xf32, #tpu.memory_space<hbm>>) dst(%arg29 : memref<128xf32, #tpu.memory_space<vmem>>)
    %mul3A_105 = arith.constant 512 : i32
    %mul3A_106 = arith.muli %add3A, %mul3A_105 : i32
    %add3A_107 = arith.constant 256 : i32
    %add3A_108 = arith.addi %mul3A_106, %add3A_107 : i32
    "tpu.region"() ({
      %run_scoped3A = tpu.sem_alloc : memref<!tpu.dma_semaphore, #tpu.memory_space<semaphore_mem>>
      %dma_start3A_129 = arith.constant 0 : i32
      %dma_start3A_130 = tpu.memref_slice %arg10[%add3A_108, %dma_start3A_129] : memref<16384x8xi32, #tpu.memory_space<hbm>> -> memref<128x8xi32, #tpu.memory_space<hbm>>
      %dma_start3A_131 = arith.constant 0 : i32
      %dma_start3A_132 = tpu.memref_slice %arg10[%add3A_108, %dma_start3A_131] : memref<16384x8xi32, #tpu.memory_space<hbm>> -> memref<128x8xi32, #tpu.memory_space<hbm>>
      tpu.enqueue_dma source(%arg27 : memref<128x8xi32, #tpu.memory_space<vmem>>) target(%dma_start3A_132 : memref<128x8xi32, #tpu.memory_space<hbm>>) target_semaphore(%run_scoped3A : memref<!tpu.dma_semaphore, #tpu.memory_space<semaphore_mem>>)
      %dma_wait3A_133 = arith.constant 0 : i32
      %dma_wait3A_134 = tpu.memref_slice %arg10[%add3A_108, %dma_wait3A_133] : memref<16384x8xi32, #tpu.memory_space<hbm>> -> memref<128x8xi32, #tpu.memory_space<hbm>>
      %dma_wait3A_135 = arith.constant 0 : i32
      %dma_wait3A_136 = tpu.memref_slice %arg10[%add3A_108, %dma_wait3A_135] : memref<16384x8xi32, #tpu.memory_space<hbm>> -> memref<128x8xi32, #tpu.memory_space<hbm>>
      tpu.wait_dma2 semaphore(%run_scoped3A : memref<!tpu.dma_semaphore, #tpu.memory_space<semaphore_mem>>) src(%arg27 : memref<128x8xi32, #tpu.memory_space<vmem>>) dst(%dma_wait3A_136 : memref<128x8xi32, #tpu.memory_space<hbm>>)
      tpu.yield
    }) : () -> ()
    "tpu.region"() ({
      %run_scoped3A = tpu.sem_alloc : memref<!tpu.dma_semaphore, #tpu.memory_space<semaphore_mem>>
      %dma_start3A_129 = arith.constant 0 : i32
      %dma_start3A_130 = tpu.memref_slice %arg11[%add3A_108, %dma_start3A_129] : memref<16384x128xf32, #tpu.memory_space<hbm>> -> memref<128x128xf32, #tpu.memory_space<hbm>>
      %dma_start3A_131 = arith.constant 0 : i32
      %dma_start3A_132 = tpu.memref_slice %arg11[%add3A_108, %dma_start3A_131] : memref<16384x128xf32, #tpu.memory_space<hbm>> -> memref<128x128xf32, #tpu.memory_space<hbm>>
      tpu.enqueue_dma source(%arg28 : memref<128x128xf32, #tpu.memory_space<vmem>>) target(%dma_start3A_132 : memref<128x128xf32, #tpu.memory_space<hbm>>) target_semaphore(%run_scoped3A : memref<!tpu.dma_semaphore, #tpu.memory_space<semaphore_mem>>)
      %dma_wait3A_133 = arith.constant 0 : i32
      %dma_wait3A_134 = tpu.memref_slice %arg11[%add3A_108, %dma_wait3A_133] : memref<16384x128xf32, #tpu.memory_space<hbm>> -> memref<128x128xf32, #tpu.memory_space<hbm>>
      %dma_wait3A_135 = arith.constant 0 : i32
      %dma_wait3A_136 = tpu.memref_slice %arg11[%add3A_108, %dma_wait3A_135] : memref<16384x128xf32, #tpu.memory_space<hbm>> -> memref<128x128xf32, #tpu.memory_space<hbm>>
      tpu.wait_dma2 semaphore(%run_scoped3A : memref<!tpu.dma_semaphore, #tpu.memory_space<semaphore_mem>>) src(%arg28 : memref<128x128xf32, #tpu.memory_space<vmem>>) dst(%dma_wait3A_136 : memref<128x128xf32, #tpu.memory_space<hbm>>)
      tpu.yield
    }) : () -> ()
    "tpu.region"() ({
      %run_scoped3A = tpu.sem_alloc : memref<!tpu.dma_semaphore, #tpu.memory_space<semaphore_mem>>
      %dma_start3A_129 = tpu.memref_slice %arg12[%add3A_108] : memref<16384xf32, #tpu.memory_space<hbm>> -> memref<128xf32, #tpu.memory_space<hbm>>
      %dma_start3A_130 = tpu.memref_slice %arg12[%add3A_108] : memref<16384xf32, #tpu.memory_space<hbm>> -> memref<128xf32, #tpu.memory_space<hbm>>
      tpu.enqueue_dma source(%arg29 : memref<128xf32, #tpu.memory_space<vmem>>) target(%dma_start3A_130 : memref<128xf32, #tpu.memory_space<hbm>>) target_semaphore(%run_scoped3A : memref<!tpu.dma_semaphore, #tpu.memory_space<semaphore_mem>>)
      %dma_wait3A_131 = tpu.memref_slice %arg12[%add3A_108] : memref<16384xf32, #tpu.memory_space<hbm>> -> memref<128xf32, #tpu.memory_space<hbm>>
      %dma_wait3A_132 = tpu.memref_slice %arg12[%add3A_108] : memref<16384xf32, #tpu.memory_space<hbm>> -> memref<128xf32, #tpu.memory_space<hbm>>
      tpu.wait_dma2 semaphore(%run_scoped3A : memref<!tpu.dma_semaphore, #tpu.memory_space<semaphore_mem>>) src(%arg29 : memref<128xf32, #tpu.memory_space<vmem>>) dst(%dma_wait3A_132 : memref<128xf32, #tpu.memory_space<hbm>>)
      tpu.yield
    }) : () -> ()
    %dma_start3A_109 = arith.constant 0 : i32
    %dma_start3A_110 = arith.constant 0 : i32
    %dma_start3A_111 = tpu.memref_slice %arg2[%dma_start3A_109, %dma_start3A_110] : memref<1000000x8xi32, #tpu.memory_space<hbm>> -> memref<1000000x8xi32, #tpu.memory_space<hbm>>
    tpu.enqueue_indirect_dma source(%dma_start3A_111 : memref<1000000x8xi32, #tpu.memory_space<hbm>>) target(%arg27 : memref<128x8xi32, #tpu.memory_space<vmem>>) offsets(%arg18 : memref<128xi32, #tpu.memory_space<vmem>>) semaphore(%arg34 : memref<!tpu.dma_semaphore, #tpu.memory_space<semaphore_mem>>)
    %dma_start3A_112 = arith.constant 0 : i32
    %dma_start3A_113 = arith.constant 0 : i32
    %dma_start3A_114 = tpu.memref_slice %arg6[%dma_start3A_112, %dma_start3A_113] : memref<500000x128xf32, #tpu.memory_space<hbm>> -> memref<500000x128xf32, #tpu.memory_space<hbm>>
    tpu.enqueue_indirect_dma source(%dma_start3A_114 : memref<500000x128xf32, #tpu.memory_space<hbm>>) target(%arg28 : memref<128x128xf32, #tpu.memory_space<vmem>>) offsets(%arg22 : memref<128xi32, #tpu.memory_space<vmem>>) semaphore(%arg34 : memref<!tpu.dma_semaphore, #tpu.memory_space<semaphore_mem>>)
    %dma_start3A_115 = arith.constant 0 : i32
    %dma_start3A_116 = tpu.memref_slice %arg7[%dma_start3A_115] : memref<1000000xf32, #tpu.memory_space<hbm>> -> memref<1000000xf32, #tpu.memory_space<hbm>>
    tpu.enqueue_indirect_dma source(%dma_start3A_116 : memref<1000000xf32, #tpu.memory_space<hbm>>) target(%arg29 : memref<128xf32, #tpu.memory_space<vmem>>) offsets(%arg26 : memref<128xi32, #tpu.memory_space<vmem>>) semaphore(%arg34 : memref<!tpu.dma_semaphore, #tpu.memory_space<semaphore_mem>>)
    %dma_wait3A_117 = arith.constant 0 : i32
    %dma_wait3A_118 = arith.constant 0 : i32
    %dma_wait3A_119 = tpu.memref_slice %arg2[%dma_wait3A_117, %dma_wait3A_118] : memref<1000000x8xi32, #tpu.memory_space<hbm>> -> memref<1000000x8xi32, #tpu.memory_space<hbm>>
    tpu.wait_indirect_dma semaphore(%arg34 : memref<!tpu.dma_semaphore, #tpu.memory_space<semaphore_mem>>) src(%dma_wait3A_119 : memref<1000000x8xi32, #tpu.memory_space<hbm>>) dst(%arg27 : memref<128x8xi32, #tpu.memory_space<vmem>>)
    %dma_wait3A_120 = arith.constant 0 : i32
    %dma_wait3A_121 = arith.constant 0 : i32
    %dma_wait3A_122 = tpu.memref_slice %arg6[%dma_wait3A_120, %dma_wait3A_121] : memref<500000x128xf32, #tpu.memory_space<hbm>> -> memref<500000x128xf32, #tpu.memory_space<hbm>>
    tpu.wait_indirect_dma semaphore(%arg34 : memref<!tpu.dma_semaphore, #tpu.memory_space<semaphore_mem>>) src(%dma_wait3A_122 : memref<500000x128xf32, #tpu.memory_space<hbm>>) dst(%arg28 : memref<128x128xf32, #tpu.memory_space<vmem>>)
    %dma_wait3A_123 = arith.constant 0 : i32
    %dma_wait3A_124 = tpu.memref_slice %arg7[%dma_wait3A_123] : memref<1000000xf32, #tpu.memory_space<hbm>> -> memref<1000000xf32, #tpu.memory_space<hbm>>
    tpu.wait_indirect_dma semaphore(%arg34 : memref<!tpu.dma_semaphore, #tpu.memory_space<semaphore_mem>>) src(%dma_wait3A_124 : memref<1000000xf32, #tpu.memory_space<hbm>>) dst(%arg29 : memref<128xf32, #tpu.memory_space<vmem>>)
    %mul3A_125 = arith.constant 512 : i32
    %mul3A_126 = arith.muli %add3A, %mul3A_125 : i32
    %add3A_127 = arith.constant 384 : i32
    %add3A_128 = arith.addi %mul3A_126, %add3A_127 : i32
    "tpu.region"() ({
      %run_scoped3A = tpu.sem_alloc : memref<!tpu.dma_semaphore, #tpu.memory_space<semaphore_mem>>
      %dma_start3A_129 = arith.constant 0 : i32
      %dma_start3A_130 = tpu.memref_slice %arg10[%add3A_128, %dma_start3A_129] : memref<16384x8xi32, #tpu.memory_space<hbm>> -> memref<128x8xi32, #tpu.memory_space<hbm>>
      %dma_start3A_131 = arith.constant 0 : i32
      %dma_start3A_132 = tpu.memref_slice %arg10[%add3A_128, %dma_start3A_131] : memref<16384x8xi32, #tpu.memory_space<hbm>> -> memref<128x8xi32, #tpu.memory_space<hbm>>
      tpu.enqueue_dma source(%arg27 : memref<128x8xi32, #tpu.memory_space<vmem>>) target(%dma_start3A_132 : memref<128x8xi32, #tpu.memory_space<hbm>>) target_semaphore(%run_scoped3A : memref<!tpu.dma_semaphore, #tpu.memory_space<semaphore_mem>>)
      %dma_wait3A_133 = arith.constant 0 : i32
      %dma_wait3A_134 = tpu.memref_slice %arg10[%add3A_128, %dma_wait3A_133] : memref<16384x8xi32, #tpu.memory_space<hbm>> -> memref<128x8xi32, #tpu.memory_space<hbm>>
      %dma_wait3A_135 = arith.constant 0 : i32
      %dma_wait3A_136 = tpu.memref_slice %arg10[%add3A_128, %dma_wait3A_135] : memref<16384x8xi32, #tpu.memory_space<hbm>> -> memref<128x8xi32, #tpu.memory_space<hbm>>
      tpu.wait_dma2 semaphore(%run_scoped3A : memref<!tpu.dma_semaphore, #tpu.memory_space<semaphore_mem>>) src(%arg27 : memref<128x8xi32, #tpu.memory_space<vmem>>) dst(%dma_wait3A_136 : memref<128x8xi32, #tpu.memory_space<hbm>>)
      tpu.yield
    }) : () -> ()
    "tpu.region"() ({
      %run_scoped3A = tpu.sem_alloc : memref<!tpu.dma_semaphore, #tpu.memory_space<semaphore_mem>>
      %dma_start3A_129 = arith.constant 0 : i32
      %dma_start3A_130 = tpu.memref_slice %arg11[%add3A_128, %dma_start3A_129] : memref<16384x128xf32, #tpu.memory_space<hbm>> -> memref<128x128xf32, #tpu.memory_space<hbm>>
      %dma_start3A_131 = arith.constant 0 : i32
      %dma_start3A_132 = tpu.memref_slice %arg11[%add3A_128, %dma_start3A_131] : memref<16384x128xf32, #tpu.memory_space<hbm>> -> memref<128x128xf32, #tpu.memory_space<hbm>>
      tpu.enqueue_dma source(%arg28 : memref<128x128xf32, #tpu.memory_space<vmem>>) target(%dma_start3A_132 : memref<128x128xf32, #tpu.memory_space<hbm>>) target_semaphore(%run_scoped3A : memref<!tpu.dma_semaphore, #tpu.memory_space<semaphore_mem>>)
      %dma_wait3A_133 = arith.constant 0 : i32
      %dma_wait3A_134 = tpu.memref_slice %arg11[%add3A_128, %dma_wait3A_133] : memref<16384x128xf32, #tpu.memory_space<hbm>> -> memref<128x128xf32, #tpu.memory_space<hbm>>
      %dma_wait3A_135 = arith.constant 0 : i32
      %dma_wait3A_136 = tpu.memref_slice %arg11[%add3A_128, %dma_wait3A_135] : memref<16384x128xf32, #tpu.memory_space<hbm>> -> memref<128x128xf32, #tpu.memory_space<hbm>>
      tpu.wait_dma2 semaphore(%run_scoped3A : memref<!tpu.dma_semaphore, #tpu.memory_space<semaphore_mem>>) src(%arg28 : memref<128x128xf32, #tpu.memory_space<vmem>>) dst(%dma_wait3A_136 : memref<128x128xf32, #tpu.memory_space<hbm>>)
      tpu.yield
    }) : () -> ()
    "tpu.region"() ({
      %run_scoped3A = tpu.sem_alloc : memref<!tpu.dma_semaphore, #tpu.memory_space<semaphore_mem>>
      %dma_start3A_129 = tpu.memref_slice %arg12[%add3A_128] : memref<16384xf32, #tpu.memory_space<hbm>> -> memref<128xf32, #tpu.memory_space<hbm>>
      %dma_start3A_130 = tpu.memref_slice %arg12[%add3A_128] : memref<16384xf32, #tpu.memory_space<hbm>> -> memref<128xf32, #tpu.memory_space<hbm>>
      tpu.enqueue_dma source(%arg29 : memref<128xf32, #tpu.memory_space<vmem>>) target(%dma_start3A_130 : memref<128xf32, #tpu.memory_space<hbm>>) target_semaphore(%run_scoped3A : memref<!tpu.dma_semaphore, #tpu.memory_space<semaphore_mem>>)
      %dma_wait3A_131 = tpu.memref_slice %arg12[%add3A_128] : memref<16384xf32, #tpu.memory_space<hbm>> -> memref<128xf32, #tpu.memory_space<hbm>>
      %dma_wait3A_132 = tpu.memref_slice %arg12[%add3A_128] : memref<16384xf32, #tpu.memory_space<hbm>> -> memref<128xf32, #tpu.memory_space<hbm>>
      tpu.wait_dma2 semaphore(%run_scoped3A : memref<!tpu.dma_semaphore, #tpu.memory_space<semaphore_mem>>) src(%arg29 : memref<128xf32, #tpu.memory_space<vmem>>) dst(%dma_wait3A_132 : memref<128xf32, #tpu.memory_space<hbm>>)
      tpu.yield
    }) : () -> ()
    return
  }
}

#map = affine_map<(d0, d1) -> (0, 0)>
module attributes {stable_mosaic.version = 14 : i64} {
  func.func @_sc_b_body(%arg0: i32, %arg1: i32, %arg2: memref<128x128xi32, #tpu.memory_space<hbm>>, %arg3: memref<128x128xi32, #tpu.memory_space<hbm>>, %arg4: memref<128x128xi32, #tpu.memory_space<hbm>>, %arg5: memref<128x128xi32, #tpu.memory_space<hbm>>, %arg6: memref<128x128xi32, #tpu.memory_space<hbm>>, %arg7: memref<500000x128xf32, #tpu.memory_space<hbm>>, %arg8: memref<1000x64xf32, #tpu.memory_space<hbm>>, %arg9: memref<100x64xf32, #tpu.memory_space<hbm>>, %arg10: memref<50x64xf32, #tpu.memory_space<hbm>>, %arg11: memref<1000000x8xi32, #tpu.memory_space<hbm>>, %arg12: memref<16384x128xf32, #tpu.memory_space<hbm>>, %arg13: memref<16384x64xf32, #tpu.memory_space<hbm>>, %arg14: memref<16384x64xf32, #tpu.memory_space<hbm>>, %arg15: memref<16384x64xf32, #tpu.memory_space<hbm>>, %arg16: memref<16384x8xi32, #tpu.memory_space<hbm>>, %arg17: memref<128xi32, #tpu.memory_space<vmem>>, %arg18: memref<128xi32, #tpu.memory_space<vmem>>, %arg19: memref<128xi32, #tpu.memory_space<vmem>>, %arg20: memref<128xi32, #tpu.memory_space<vmem>>, %arg21: memref<128xi32, #tpu.memory_space<vmem>>, %arg22: memref<128x128xf32, #tpu.memory_space<vmem>>, %arg23: memref<128x64xf32, #tpu.memory_space<vmem>>, %arg24: memref<128x64xf32, #tpu.memory_space<vmem>>, %arg25: memref<128x64xf32, #tpu.memory_space<vmem>>, %arg26: memref<128x8xi32, #tpu.memory_space<vmem>>, %arg27: memref<!tpu.dma_semaphore, #tpu.memory_space<semaphore_mem>>) attributes {dimension_semantics = [#tpu.dimension_semantics<core_parallel>, #tpu.dimension_semantics<subcore_parallel>], iteration_bounds = array<i64: 2, 16>, scalar_prefetch = 0 : i64, scratch_operands = 11 : i64, tpu.core_type = #tpu.core_type<sc_vector_subcore>, window_params = [{transform_indices = #map}, {transform_indices = #map}, {transform_indices = #map}, {transform_indices = #map}, {transform_indices = #map}, {transform_indices = #map}, {transform_indices = #map}, {transform_indices = #map}, {transform_indices = #map}, {transform_indices = #map}, {transform_indices = #map}, {transform_indices = #map}, {transform_indices = #map}, {transform_indices = #map}, {transform_indices = #map}]} {
    %mul3A = arith.constant 2 : i32
    %mul3A_0 = arith.muli %arg1, %mul3A : i32
    %add3A = arith.addi %mul3A_0, %arg0 : i32
    %mul3A_1 = arith.constant 4 : i32
    %mul3A_2 = arith.muli %add3A, %mul3A_1 : i32
    %add3A_3 = arith.constant 0 : i32
    %add3A_4 = arith.addi %mul3A_2, %add3A_3 : i32
    "tpu.region"() ({
      %run_scoped3A = tpu.sem_alloc : memref<!tpu.dma_semaphore, #tpu.memory_space<semaphore_mem>>
      %dma_start3A_151 = arith.constant 0 : i32
      %dma_start3A_152 = tpu.memref_slice %arg2[%add3A_4, %dma_start3A_151] : memref<128x128xi32, #tpu.memory_space<hbm>> -> memref<1x128xi32, #tpu.memory_space<hbm>>
      %dma_start3A_153 = tpu.memref_squeeze %dma_start3A_152 : memref<1x128xi32, #tpu.memory_space<hbm>> -> memref<128xi32, #tpu.memory_space<hbm>>
      %dma_start3A_154 = arith.constant 0 : i32
      %dma_start3A_155 = tpu.memref_slice %arg2[%add3A_4, %dma_start3A_154] : memref<128x128xi32, #tpu.memory_space<hbm>> -> memref<1x128xi32, #tpu.memory_space<hbm>>
      %dma_start3A_156 = tpu.memref_squeeze %dma_start3A_155 : memref<1x128xi32, #tpu.memory_space<hbm>> -> memref<128xi32, #tpu.memory_space<hbm>>
      tpu.enqueue_dma source(%dma_start3A_156 : memref<128xi32, #tpu.memory_space<hbm>>) target(%arg17 : memref<128xi32, #tpu.memory_space<vmem>>) target_semaphore(%run_scoped3A : memref<!tpu.dma_semaphore, #tpu.memory_space<semaphore_mem>>)
      %dma_wait3A_157 = arith.constant 0 : i32
      %dma_wait3A_158 = tpu.memref_slice %arg2[%add3A_4, %dma_wait3A_157] : memref<128x128xi32, #tpu.memory_space<hbm>> -> memref<1x128xi32, #tpu.memory_space<hbm>>
      %dma_wait3A_159 = tpu.memref_squeeze %dma_wait3A_158 : memref<1x128xi32, #tpu.memory_space<hbm>> -> memref<128xi32, #tpu.memory_space<hbm>>
      %dma_wait3A_160 = arith.constant 0 : i32
      %dma_wait3A_161 = tpu.memref_slice %arg2[%add3A_4, %dma_wait3A_160] : memref<128x128xi32, #tpu.memory_space<hbm>> -> memref<1x128xi32, #tpu.memory_space<hbm>>
      %dma_wait3A_162 = tpu.memref_squeeze %dma_wait3A_161 : memref<1x128xi32, #tpu.memory_space<hbm>> -> memref<128xi32, #tpu.memory_space<hbm>>
      tpu.wait_dma2 semaphore(%run_scoped3A : memref<!tpu.dma_semaphore, #tpu.memory_space<semaphore_mem>>) src(%dma_wait3A_162 : memref<128xi32, #tpu.memory_space<hbm>>) dst(%arg17 : memref<128xi32, #tpu.memory_space<vmem>>)
      tpu.yield
    }) : () -> ()
    "tpu.region"() ({
      %run_scoped3A = tpu.sem_alloc : memref<!tpu.dma_semaphore, #tpu.memory_space<semaphore_mem>>
      %dma_start3A_151 = arith.constant 0 : i32
      %dma_start3A_152 = tpu.memref_slice %arg3[%add3A_4, %dma_start3A_151] : memref<128x128xi32, #tpu.memory_space<hbm>> -> memref<1x128xi32, #tpu.memory_space<hbm>>
      %dma_start3A_153 = tpu.memref_squeeze %dma_start3A_152 : memref<1x128xi32, #tpu.memory_space<hbm>> -> memref<128xi32, #tpu.memory_space<hbm>>
      %dma_start3A_154 = arith.constant 0 : i32
      %dma_start3A_155 = tpu.memref_slice %arg3[%add3A_4, %dma_start3A_154] : memref<128x128xi32, #tpu.memory_space<hbm>> -> memref<1x128xi32, #tpu.memory_space<hbm>>
      %dma_start3A_156 = tpu.memref_squeeze %dma_start3A_155 : memref<1x128xi32, #tpu.memory_space<hbm>> -> memref<128xi32, #tpu.memory_space<hbm>>
      tpu.enqueue_dma source(%dma_start3A_156 : memref<128xi32, #tpu.memory_space<hbm>>) target(%arg18 : memref<128xi32, #tpu.memory_space<vmem>>) target_semaphore(%run_scoped3A : memref<!tpu.dma_semaphore, #tpu.memory_space<semaphore_mem>>)
      %dma_wait3A_157 = arith.constant 0 : i32
      %dma_wait3A_158 = tpu.memref_slice %arg3[%add3A_4, %dma_wait3A_157] : memref<128x128xi32, #tpu.memory_space<hbm>> -> memref<1x128xi32, #tpu.memory_space<hbm>>
      %dma_wait3A_159 = tpu.memref_squeeze %dma_wait3A_158 : memref<1x128xi32, #tpu.memory_space<hbm>> -> memref<128xi32, #tpu.memory_space<hbm>>
      %dma_wait3A_160 = arith.constant 0 : i32
      %dma_wait3A_161 = tpu.memref_slice %arg3[%add3A_4, %dma_wait3A_160] : memref<128x128xi32, #tpu.memory_space<hbm>> -> memref<1x128xi32, #tpu.memory_space<hbm>>
      %dma_wait3A_162 = tpu.memref_squeeze %dma_wait3A_161 : memref<1x128xi32, #tpu.memory_space<hbm>> -> memref<128xi32, #tpu.memory_space<hbm>>
      tpu.wait_dma2 semaphore(%run_scoped3A : memref<!tpu.dma_semaphore, #tpu.memory_space<semaphore_mem>>) src(%dma_wait3A_162 : memref<128xi32, #tpu.memory_space<hbm>>) dst(%arg18 : memref<128xi32, #tpu.memory_space<vmem>>)
      tpu.yield
    }) : () -> ()
    "tpu.region"() ({
      %run_scoped3A = tpu.sem_alloc : memref<!tpu.dma_semaphore, #tpu.memory_space<semaphore_mem>>
      %dma_start3A_151 = arith.constant 0 : i32
      %dma_start3A_152 = tpu.memref_slice %arg4[%add3A_4, %dma_start3A_151] : memref<128x128xi32, #tpu.memory_space<hbm>> -> memref<1x128xi32, #tpu.memory_space<hbm>>
      %dma_start3A_153 = tpu.memref_squeeze %dma_start3A_152 : memref<1x128xi32, #tpu.memory_space<hbm>> -> memref<128xi32, #tpu.memory_space<hbm>>
      %dma_start3A_154 = arith.constant 0 : i32
      %dma_start3A_155 = tpu.memref_slice %arg4[%add3A_4, %dma_start3A_154] : memref<128x128xi32, #tpu.memory_space<hbm>> -> memref<1x128xi32, #tpu.memory_space<hbm>>
      %dma_start3A_156 = tpu.memref_squeeze %dma_start3A_155 : memref<1x128xi32, #tpu.memory_space<hbm>> -> memref<128xi32, #tpu.memory_space<hbm>>
      tpu.enqueue_dma source(%dma_start3A_156 : memref<128xi32, #tpu.memory_space<hbm>>) target(%arg19 : memref<128xi32, #tpu.memory_space<vmem>>) target_semaphore(%run_scoped3A : memref<!tpu.dma_semaphore, #tpu.memory_space<semaphore_mem>>)
      %dma_wait3A_157 = arith.constant 0 : i32
      %dma_wait3A_158 = tpu.memref_slice %arg4[%add3A_4, %dma_wait3A_157] : memref<128x128xi32, #tpu.memory_space<hbm>> -> memref<1x128xi32, #tpu.memory_space<hbm>>
      %dma_wait3A_159 = tpu.memref_squeeze %dma_wait3A_158 : memref<1x128xi32, #tpu.memory_space<hbm>> -> memref<128xi32, #tpu.memory_space<hbm>>
      %dma_wait3A_160 = arith.constant 0 : i32
      %dma_wait3A_161 = tpu.memref_slice %arg4[%add3A_4, %dma_wait3A_160] : memref<128x128xi32, #tpu.memory_space<hbm>> -> memref<1x128xi32, #tpu.memory_space<hbm>>
      %dma_wait3A_162 = tpu.memref_squeeze %dma_wait3A_161 : memref<1x128xi32, #tpu.memory_space<hbm>> -> memref<128xi32, #tpu.memory_space<hbm>>
      tpu.wait_dma2 semaphore(%run_scoped3A : memref<!tpu.dma_semaphore, #tpu.memory_space<semaphore_mem>>) src(%dma_wait3A_162 : memref<128xi32, #tpu.memory_space<hbm>>) dst(%arg19 : memref<128xi32, #tpu.memory_space<vmem>>)
      tpu.yield
    }) : () -> ()
    "tpu.region"() ({
      %run_scoped3A = tpu.sem_alloc : memref<!tpu.dma_semaphore, #tpu.memory_space<semaphore_mem>>
      %dma_start3A_151 = arith.constant 0 : i32
      %dma_start3A_152 = tpu.memref_slice %arg5[%add3A_4, %dma_start3A_151] : memref<128x128xi32, #tpu.memory_space<hbm>> -> memref<1x128xi32, #tpu.memory_space<hbm>>
      %dma_start3A_153 = tpu.memref_squeeze %dma_start3A_152 : memref<1x128xi32, #tpu.memory_space<hbm>> -> memref<128xi32, #tpu.memory_space<hbm>>
      %dma_start3A_154 = arith.constant 0 : i32
      %dma_start3A_155 = tpu.memref_slice %arg5[%add3A_4, %dma_start3A_154] : memref<128x128xi32, #tpu.memory_space<hbm>> -> memref<1x128xi32, #tpu.memory_space<hbm>>
      %dma_start3A_156 = tpu.memref_squeeze %dma_start3A_155 : memref<1x128xi32, #tpu.memory_space<hbm>> -> memref<128xi32, #tpu.memory_space<hbm>>
      tpu.enqueue_dma source(%dma_start3A_156 : memref<128xi32, #tpu.memory_space<hbm>>) target(%arg20 : memref<128xi32, #tpu.memory_space<vmem>>) target_semaphore(%run_scoped3A : memref<!tpu.dma_semaphore, #tpu.memory_space<semaphore_mem>>)
      %dma_wait3A_157 = arith.constant 0 : i32
      %dma_wait3A_158 = tpu.memref_slice %arg5[%add3A_4, %dma_wait3A_157] : memref<128x128xi32, #tpu.memory_space<hbm>> -> memref<1x128xi32, #tpu.memory_space<hbm>>
      %dma_wait3A_159 = tpu.memref_squeeze %dma_wait3A_158 : memref<1x128xi32, #tpu.memory_space<hbm>> -> memref<128xi32, #tpu.memory_space<hbm>>
      %dma_wait3A_160 = arith.constant 0 : i32
      %dma_wait3A_161 = tpu.memref_slice %arg5[%add3A_4, %dma_wait3A_160] : memref<128x128xi32, #tpu.memory_space<hbm>> -> memref<1x128xi32, #tpu.memory_space<hbm>>
      %dma_wait3A_162 = tpu.memref_squeeze %dma_wait3A_161 : memref<1x128xi32, #tpu.memory_space<hbm>> -> memref<128xi32, #tpu.memory_space<hbm>>
      tpu.wait_dma2 semaphore(%run_scoped3A : memref<!tpu.dma_semaphore, #tpu.memory_space<semaphore_mem>>) src(%dma_wait3A_162 : memref<128xi32, #tpu.memory_space<hbm>>) dst(%arg20 : memref<128xi32, #tpu.memory_space<vmem>>)
      tpu.yield
    }) : () -> ()
    "tpu.region"() ({
      %run_scoped3A = tpu.sem_alloc : memref<!tpu.dma_semaphore, #tpu.memory_space<semaphore_mem>>
      %dma_start3A_151 = arith.constant 0 : i32
      %dma_start3A_152 = tpu.memref_slice %arg6[%add3A_4, %dma_start3A_151] : memref<128x128xi32, #tpu.memory_space<hbm>> -> memref<1x128xi32, #tpu.memory_space<hbm>>
      %dma_start3A_153 = tpu.memref_squeeze %dma_start3A_152 : memref<1x128xi32, #tpu.memory_space<hbm>> -> memref<128xi32, #tpu.memory_space<hbm>>
      %dma_start3A_154 = arith.constant 0 : i32
      %dma_start3A_155 = tpu.memref_slice %arg6[%add3A_4, %dma_start3A_154] : memref<128x128xi32, #tpu.memory_space<hbm>> -> memref<1x128xi32, #tpu.memory_space<hbm>>
      %dma_start3A_156 = tpu.memref_squeeze %dma_start3A_155 : memref<1x128xi32, #tpu.memory_space<hbm>> -> memref<128xi32, #tpu.memory_space<hbm>>
      tpu.enqueue_dma source(%dma_start3A_156 : memref<128xi32, #tpu.memory_space<hbm>>) target(%arg21 : memref<128xi32, #tpu.memory_space<vmem>>) target_semaphore(%run_scoped3A : memref<!tpu.dma_semaphore, #tpu.memory_space<semaphore_mem>>)
      %dma_wait3A_157 = arith.constant 0 : i32
      %dma_wait3A_158 = tpu.memref_slice %arg6[%add3A_4, %dma_wait3A_157] : memref<128x128xi32, #tpu.memory_space<hbm>> -> memref<1x128xi32, #tpu.memory_space<hbm>>
      %dma_wait3A_159 = tpu.memref_squeeze %dma_wait3A_158 : memref<1x128xi32, #tpu.memory_space<hbm>> -> memref<128xi32, #tpu.memory_space<hbm>>
      %dma_wait3A_160 = arith.constant 0 : i32
      %dma_wait3A_161 = tpu.memref_slice %arg6[%add3A_4, %dma_wait3A_160] : memref<128x128xi32, #tpu.memory_space<hbm>> -> memref<1x128xi32, #tpu.memory_space<hbm>>
      %dma_wait3A_162 = tpu.memref_squeeze %dma_wait3A_161 : memref<1x128xi32, #tpu.memory_space<hbm>> -> memref<128xi32, #tpu.memory_space<hbm>>
      tpu.wait_dma2 semaphore(%run_scoped3A : memref<!tpu.dma_semaphore, #tpu.memory_space<semaphore_mem>>) src(%dma_wait3A_162 : memref<128xi32, #tpu.memory_space<hbm>>) dst(%arg21 : memref<128xi32, #tpu.memory_space<vmem>>)
      tpu.yield
    }) : () -> ()
    %dma_start3A = arith.constant 0 : i32
    %dma_start3A_5 = arith.constant 0 : i32
    %dma_start3A_6 = tpu.memref_slice %arg7[%dma_start3A, %dma_start3A_5] : memref<500000x128xf32, #tpu.memory_space<hbm>> -> memref<500000x128xf32, #tpu.memory_space<hbm>>
    tpu.enqueue_indirect_dma source(%dma_start3A_6 : memref<500000x128xf32, #tpu.memory_space<hbm>>) target(%arg22 : memref<128x128xf32, #tpu.memory_space<vmem>>) offsets(%arg17 : memref<128xi32, #tpu.memory_space<vmem>>) semaphore(%arg27 : memref<!tpu.dma_semaphore, #tpu.memory_space<semaphore_mem>>)
    %dma_start3A_7 = arith.constant 0 : i32
    %dma_start3A_8 = arith.constant 0 : i32
    %dma_start3A_9 = tpu.memref_slice %arg8[%dma_start3A_7, %dma_start3A_8] : memref<1000x64xf32, #tpu.memory_space<hbm>> -> memref<1000x64xf32, #tpu.memory_space<hbm>>
    tpu.enqueue_indirect_dma source(%dma_start3A_9 : memref<1000x64xf32, #tpu.memory_space<hbm>>) target(%arg23 : memref<128x64xf32, #tpu.memory_space<vmem>>) offsets(%arg18 : memref<128xi32, #tpu.memory_space<vmem>>) semaphore(%arg27 : memref<!tpu.dma_semaphore, #tpu.memory_space<semaphore_mem>>)
    %dma_start3A_10 = arith.constant 0 : i32
    %dma_start3A_11 = arith.constant 0 : i32
    %dma_start3A_12 = tpu.memref_slice %arg9[%dma_start3A_10, %dma_start3A_11] : memref<100x64xf32, #tpu.memory_space<hbm>> -> memref<100x64xf32, #tpu.memory_space<hbm>>
    tpu.enqueue_indirect_dma source(%dma_start3A_12 : memref<100x64xf32, #tpu.memory_space<hbm>>) target(%arg24 : memref<128x64xf32, #tpu.memory_space<vmem>>) offsets(%arg19 : memref<128xi32, #tpu.memory_space<vmem>>) semaphore(%arg27 : memref<!tpu.dma_semaphore, #tpu.memory_space<semaphore_mem>>)
    %dma_start3A_13 = arith.constant 0 : i32
    %dma_start3A_14 = arith.constant 0 : i32
    %dma_start3A_15 = tpu.memref_slice %arg10[%dma_start3A_13, %dma_start3A_14] : memref<50x64xf32, #tpu.memory_space<hbm>> -> memref<50x64xf32, #tpu.memory_space<hbm>>
    tpu.enqueue_indirect_dma source(%dma_start3A_15 : memref<50x64xf32, #tpu.memory_space<hbm>>) target(%arg25 : memref<128x64xf32, #tpu.memory_space<vmem>>) offsets(%arg20 : memref<128xi32, #tpu.memory_space<vmem>>) semaphore(%arg27 : memref<!tpu.dma_semaphore, #tpu.memory_space<semaphore_mem>>)
    %dma_start3A_16 = arith.constant 0 : i32
    %dma_start3A_17 = arith.constant 0 : i32
    %dma_start3A_18 = tpu.memref_slice %arg11[%dma_start3A_16, %dma_start3A_17] : memref<1000000x8xi32, #tpu.memory_space<hbm>> -> memref<1000000x8xi32, #tpu.memory_space<hbm>>
    tpu.enqueue_indirect_dma source(%dma_start3A_18 : memref<1000000x8xi32, #tpu.memory_space<hbm>>) target(%arg26 : memref<128x8xi32, #tpu.memory_space<vmem>>) offsets(%arg21 : memref<128xi32, #tpu.memory_space<vmem>>) semaphore(%arg27 : memref<!tpu.dma_semaphore, #tpu.memory_space<semaphore_mem>>)
    %dma_wait3A = arith.constant 0 : i32
    %dma_wait3A_19 = arith.constant 0 : i32
    %dma_wait3A_20 = tpu.memref_slice %arg7[%dma_wait3A, %dma_wait3A_19] : memref<500000x128xf32, #tpu.memory_space<hbm>> -> memref<500000x128xf32, #tpu.memory_space<hbm>>
    tpu.wait_indirect_dma semaphore(%arg27 : memref<!tpu.dma_semaphore, #tpu.memory_space<semaphore_mem>>) src(%dma_wait3A_20 : memref<500000x128xf32, #tpu.memory_space<hbm>>) dst(%arg22 : memref<128x128xf32, #tpu.memory_space<vmem>>)
    %dma_wait3A_21 = arith.constant 0 : i32
    %dma_wait3A_22 = arith.constant 0 : i32
    %dma_wait3A_23 = tpu.memref_slice %arg8[%dma_wait3A_21, %dma_wait3A_22] : memref<1000x64xf32, #tpu.memory_space<hbm>> -> memref<1000x64xf32, #tpu.memory_space<hbm>>
    tpu.wait_indirect_dma semaphore(%arg27 : memref<!tpu.dma_semaphore, #tpu.memory_space<semaphore_mem>>) src(%dma_wait3A_23 : memref<1000x64xf32, #tpu.memory_space<hbm>>) dst(%arg23 : memref<128x64xf32, #tpu.memory_space<vmem>>)
    %dma_wait3A_24 = arith.constant 0 : i32
    %dma_wait3A_25 = arith.constant 0 : i32
    %dma_wait3A_26 = tpu.memref_slice %arg9[%dma_wait3A_24, %dma_wait3A_25] : memref<100x64xf32, #tpu.memory_space<hbm>> -> memref<100x64xf32, #tpu.memory_space<hbm>>
    tpu.wait_indirect_dma semaphore(%arg27 : memref<!tpu.dma_semaphore, #tpu.memory_space<semaphore_mem>>) src(%dma_wait3A_26 : memref<100x64xf32, #tpu.memory_space<hbm>>) dst(%arg24 : memref<128x64xf32, #tpu.memory_space<vmem>>)
    %dma_wait3A_27 = arith.constant 0 : i32
    %dma_wait3A_28 = arith.constant 0 : i32
    %dma_wait3A_29 = tpu.memref_slice %arg10[%dma_wait3A_27, %dma_wait3A_28] : memref<50x64xf32, #tpu.memory_space<hbm>> -> memref<50x64xf32, #tpu.memory_space<hbm>>
    tpu.wait_indirect_dma semaphore(%arg27 : memref<!tpu.dma_semaphore, #tpu.memory_space<semaphore_mem>>) src(%dma_wait3A_29 : memref<50x64xf32, #tpu.memory_space<hbm>>) dst(%arg25 : memref<128x64xf32, #tpu.memory_space<vmem>>)
    %dma_wait3A_30 = arith.constant 0 : i32
    %dma_wait3A_31 = arith.constant 0 : i32
    %dma_wait3A_32 = tpu.memref_slice %arg11[%dma_wait3A_30, %dma_wait3A_31] : memref<1000000x8xi32, #tpu.memory_space<hbm>> -> memref<1000000x8xi32, #tpu.memory_space<hbm>>
    tpu.wait_indirect_dma semaphore(%arg27 : memref<!tpu.dma_semaphore, #tpu.memory_space<semaphore_mem>>) src(%dma_wait3A_32 : memref<1000000x8xi32, #tpu.memory_space<hbm>>) dst(%arg26 : memref<128x8xi32, #tpu.memory_space<vmem>>)
    %mul3A_33 = arith.constant 512 : i32
    %mul3A_34 = arith.muli %add3A, %mul3A_33 : i32
    %add3A_35 = arith.constant 0 : i32
    %add3A_36 = arith.addi %mul3A_34, %add3A_35 : i32
    "tpu.region"() ({
      %run_scoped3A = tpu.sem_alloc : memref<!tpu.dma_semaphore, #tpu.memory_space<semaphore_mem>>
      %dma_start3A_151 = arith.constant 0 : i32
      %dma_start3A_152 = tpu.memref_slice %arg12[%add3A_36, %dma_start3A_151] : memref<16384x128xf32, #tpu.memory_space<hbm>> -> memref<128x128xf32, #tpu.memory_space<hbm>>
      %dma_start3A_153 = arith.constant 0 : i32
      %dma_start3A_154 = tpu.memref_slice %arg12[%add3A_36, %dma_start3A_153] : memref<16384x128xf32, #tpu.memory_space<hbm>> -> memref<128x128xf32, #tpu.memory_space<hbm>>
      tpu.enqueue_dma source(%arg22 : memref<128x128xf32, #tpu.memory_space<vmem>>) target(%dma_start3A_154 : memref<128x128xf32, #tpu.memory_space<hbm>>) target_semaphore(%run_scoped3A : memref<!tpu.dma_semaphore, #tpu.memory_space<semaphore_mem>>)
      %dma_wait3A_155 = arith.constant 0 : i32
      %dma_wait3A_156 = tpu.memref_slice %arg12[%add3A_36, %dma_wait3A_155] : memref<16384x128xf32, #tpu.memory_space<hbm>> -> memref<128x128xf32, #tpu.memory_space<hbm>>
      %dma_wait3A_157 = arith.constant 0 : i32
      %dma_wait3A_158 = tpu.memref_slice %arg12[%add3A_36, %dma_wait3A_157] : memref<16384x128xf32, #tpu.memory_space<hbm>> -> memref<128x128xf32, #tpu.memory_space<hbm>>
      tpu.wait_dma2 semaphore(%run_scoped3A : memref<!tpu.dma_semaphore, #tpu.memory_space<semaphore_mem>>) src(%arg22 : memref<128x128xf32, #tpu.memory_space<vmem>>) dst(%dma_wait3A_158 : memref<128x128xf32, #tpu.memory_space<hbm>>)
      tpu.yield
    }) : () -> ()
    "tpu.region"() ({
      %run_scoped3A = tpu.sem_alloc : memref<!tpu.dma_semaphore, #tpu.memory_space<semaphore_mem>>
      %dma_start3A_151 = arith.constant 0 : i32
      %dma_start3A_152 = tpu.memref_slice %arg13[%add3A_36, %dma_start3A_151] : memref<16384x64xf32, #tpu.memory_space<hbm>> -> memref<128x64xf32, #tpu.memory_space<hbm>>
      %dma_start3A_153 = arith.constant 0 : i32
      %dma_start3A_154 = tpu.memref_slice %arg13[%add3A_36, %dma_start3A_153] : memref<16384x64xf32, #tpu.memory_space<hbm>> -> memref<128x64xf32, #tpu.memory_space<hbm>>
      tpu.enqueue_dma source(%arg23 : memref<128x64xf32, #tpu.memory_space<vmem>>) target(%dma_start3A_154 : memref<128x64xf32, #tpu.memory_space<hbm>>) target_semaphore(%run_scoped3A : memref<!tpu.dma_semaphore, #tpu.memory_space<semaphore_mem>>)
      %dma_wait3A_155 = arith.constant 0 : i32
      %dma_wait3A_156 = tpu.memref_slice %arg13[%add3A_36, %dma_wait3A_155] : memref<16384x64xf32, #tpu.memory_space<hbm>> -> memref<128x64xf32, #tpu.memory_space<hbm>>
      %dma_wait3A_157 = arith.constant 0 : i32
      %dma_wait3A_158 = tpu.memref_slice %arg13[%add3A_36, %dma_wait3A_157] : memref<16384x64xf32, #tpu.memory_space<hbm>> -> memref<128x64xf32, #tpu.memory_space<hbm>>
      tpu.wait_dma2 semaphore(%run_scoped3A : memref<!tpu.dma_semaphore, #tpu.memory_space<semaphore_mem>>) src(%arg23 : memref<128x64xf32, #tpu.memory_space<vmem>>) dst(%dma_wait3A_158 : memref<128x64xf32, #tpu.memory_space<hbm>>)
      tpu.yield
    }) : () -> ()
    "tpu.region"() ({
      %run_scoped3A = tpu.sem_alloc : memref<!tpu.dma_semaphore, #tpu.memory_space<semaphore_mem>>
      %dma_start3A_151 = arith.constant 0 : i32
      %dma_start3A_152 = tpu.memref_slice %arg14[%add3A_36, %dma_start3A_151] : memref<16384x64xf32, #tpu.memory_space<hbm>> -> memref<128x64xf32, #tpu.memory_space<hbm>>
      %dma_start3A_153 = arith.constant 0 : i32
      %dma_start3A_154 = tpu.memref_slice %arg14[%add3A_36, %dma_start3A_153] : memref<16384x64xf32, #tpu.memory_space<hbm>> -> memref<128x64xf32, #tpu.memory_space<hbm>>
      tpu.enqueue_dma source(%arg24 : memref<128x64xf32, #tpu.memory_space<vmem>>) target(%dma_start3A_154 : memref<128x64xf32, #tpu.memory_space<hbm>>) target_semaphore(%run_scoped3A : memref<!tpu.dma_semaphore, #tpu.memory_space<semaphore_mem>>)
      %dma_wait3A_155 = arith.constant 0 : i32
      %dma_wait3A_156 = tpu.memref_slice %arg14[%add3A_36, %dma_wait3A_155] : memref<16384x64xf32, #tpu.memory_space<hbm>> -> memref<128x64xf32, #tpu.memory_space<hbm>>
      %dma_wait3A_157 = arith.constant 0 : i32
      %dma_wait3A_158 = tpu.memref_slice %arg14[%add3A_36, %dma_wait3A_157] : memref<16384x64xf32, #tpu.memory_space<hbm>> -> memref<128x64xf32, #tpu.memory_space<hbm>>
      tpu.wait_dma2 semaphore(%run_scoped3A : memref<!tpu.dma_semaphore, #tpu.memory_space<semaphore_mem>>) src(%arg24 : memref<128x64xf32, #tpu.memory_space<vmem>>) dst(%dma_wait3A_158 : memref<128x64xf32, #tpu.memory_space<hbm>>)
      tpu.yield
    }) : () -> ()
    "tpu.region"() ({
      %run_scoped3A = tpu.sem_alloc : memref<!tpu.dma_semaphore, #tpu.memory_space<semaphore_mem>>
      %dma_start3A_151 = arith.constant 0 : i32
      %dma_start3A_152 = tpu.memref_slice %arg15[%add3A_36, %dma_start3A_151] : memref<16384x64xf32, #tpu.memory_space<hbm>> -> memref<128x64xf32, #tpu.memory_space<hbm>>
      %dma_start3A_153 = arith.constant 0 : i32
      %dma_start3A_154 = tpu.memref_slice %arg15[%add3A_36, %dma_start3A_153] : memref<16384x64xf32, #tpu.memory_space<hbm>> -> memref<128x64xf32, #tpu.memory_space<hbm>>
      tpu.enqueue_dma source(%arg25 : memref<128x64xf32, #tpu.memory_space<vmem>>) target(%dma_start3A_154 : memref<128x64xf32, #tpu.memory_space<hbm>>) target_semaphore(%run_scoped3A : memref<!tpu.dma_semaphore, #tpu.memory_space<semaphore_mem>>)
      %dma_wait3A_155 = arith.constant 0 : i32
      %dma_wait3A_156 = tpu.memref_slice %arg15[%add3A_36, %dma_wait3A_155] : memref<16384x64xf32, #tpu.memory_space<hbm>> -> memref<128x64xf32, #tpu.memory_space<hbm>>
      %dma_wait3A_157 = arith.constant 0 : i32
      %dma_wait3A_158 = tpu.memref_slice %arg15[%add3A_36, %dma_wait3A_157] : memref<16384x64xf32, #tpu.memory_space<hbm>> -> memref<128x64xf32, #tpu.memory_space<hbm>>
      tpu.wait_dma2 semaphore(%run_scoped3A : memref<!tpu.dma_semaphore, #tpu.memory_space<semaphore_mem>>) src(%arg25 : memref<128x64xf32, #tpu.memory_space<vmem>>) dst(%dma_wait3A_158 : memref<128x64xf32, #tpu.memory_space<hbm>>)
      tpu.yield
    }) : () -> ()
    "tpu.region"() ({
      %run_scoped3A = tpu.sem_alloc : memref<!tpu.dma_semaphore, #tpu.memory_space<semaphore_mem>>
      %dma_start3A_151 = arith.constant 0 : i32
      %dma_start3A_152 = tpu.memref_slice %arg16[%add3A_36, %dma_start3A_151] : memref<16384x8xi32, #tpu.memory_space<hbm>> -> memref<128x8xi32, #tpu.memory_space<hbm>>
      %dma_start3A_153 = arith.constant 0 : i32
      %dma_start3A_154 = tpu.memref_slice %arg16[%add3A_36, %dma_start3A_153] : memref<16384x8xi32, #tpu.memory_space<hbm>> -> memref<128x8xi32, #tpu.memory_space<hbm>>
      tpu.enqueue_dma source(%arg26 : memref<128x8xi32, #tpu.memory_space<vmem>>) target(%dma_start3A_154 : memref<128x8xi32, #tpu.memory_space<hbm>>) target_semaphore(%run_scoped3A : memref<!tpu.dma_semaphore, #tpu.memory_space<semaphore_mem>>)
      %dma_wait3A_155 = arith.constant 0 : i32
      %dma_wait3A_156 = tpu.memref_slice %arg16[%add3A_36, %dma_wait3A_155] : memref<16384x8xi32, #tpu.memory_space<hbm>> -> memref<128x8xi32, #tpu.memory_space<hbm>>
      %dma_wait3A_157 = arith.constant 0 : i32
      %dma_wait3A_158 = tpu.memref_slice %arg16[%add3A_36, %dma_wait3A_157] : memref<16384x8xi32, #tpu.memory_space<hbm>> -> memref<128x8xi32, #tpu.memory_space<hbm>>
      tpu.wait_dma2 semaphore(%run_scoped3A : memref<!tpu.dma_semaphore, #tpu.memory_space<semaphore_mem>>) src(%arg26 : memref<128x8xi32, #tpu.memory_space<vmem>>) dst(%dma_wait3A_158 : memref<128x8xi32, #tpu.memory_space<hbm>>)
      tpu.yield
    }) : () -> ()
    %mul3A_37 = arith.constant 4 : i32
    %mul3A_38 = arith.muli %add3A, %mul3A_37 : i32
    %add3A_39 = arith.constant 1 : i32
    %add3A_40 = arith.addi %mul3A_38, %add3A_39 : i32
    "tpu.region"() ({
      %run_scoped3A = tpu.sem_alloc : memref<!tpu.dma_semaphore, #tpu.memory_space<semaphore_mem>>
      %dma_start3A_151 = arith.constant 0 : i32
      %dma_start3A_152 = tpu.memref_slice %arg2[%add3A_40, %dma_start3A_151] : memref<128x128xi32, #tpu.memory_space<hbm>> -> memref<1x128xi32, #tpu.memory_space<hbm>>
      %dma_start3A_153 = tpu.memref_squeeze %dma_start3A_152 : memref<1x128xi32, #tpu.memory_space<hbm>> -> memref<128xi32, #tpu.memory_space<hbm>>
      %dma_start3A_154 = arith.constant 0 : i32
      %dma_start3A_155 = tpu.memref_slice %arg2[%add3A_40, %dma_start3A_154] : memref<128x128xi32, #tpu.memory_space<hbm>> -> memref<1x128xi32, #tpu.memory_space<hbm>>
      %dma_start3A_156 = tpu.memref_squeeze %dma_start3A_155 : memref<1x128xi32, #tpu.memory_space<hbm>> -> memref<128xi32, #tpu.memory_space<hbm>>
      tpu.enqueue_dma source(%dma_start3A_156 : memref<128xi32, #tpu.memory_space<hbm>>) target(%arg17 : memref<128xi32, #tpu.memory_space<vmem>>) target_semaphore(%run_scoped3A : memref<!tpu.dma_semaphore, #tpu.memory_space<semaphore_mem>>)
      %dma_wait3A_157 = arith.constant 0 : i32
      %dma_wait3A_158 = tpu.memref_slice %arg2[%add3A_40, %dma_wait3A_157] : memref<128x128xi32, #tpu.memory_space<hbm>> -> memref<1x128xi32, #tpu.memory_space<hbm>>
      %dma_wait3A_159 = tpu.memref_squeeze %dma_wait3A_158 : memref<1x128xi32, #tpu.memory_space<hbm>> -> memref<128xi32, #tpu.memory_space<hbm>>
      %dma_wait3A_160 = arith.constant 0 : i32
      %dma_wait3A_161 = tpu.memref_slice %arg2[%add3A_40, %dma_wait3A_160] : memref<128x128xi32, #tpu.memory_space<hbm>> -> memref<1x128xi32, #tpu.memory_space<hbm>>
      %dma_wait3A_162 = tpu.memref_squeeze %dma_wait3A_161 : memref<1x128xi32, #tpu.memory_space<hbm>> -> memref<128xi32, #tpu.memory_space<hbm>>
      tpu.wait_dma2 semaphore(%run_scoped3A : memref<!tpu.dma_semaphore, #tpu.memory_space<semaphore_mem>>) src(%dma_wait3A_162 : memref<128xi32, #tpu.memory_space<hbm>>) dst(%arg17 : memref<128xi32, #tpu.memory_space<vmem>>)
      tpu.yield
    }) : () -> ()
    "tpu.region"() ({
      %run_scoped3A = tpu.sem_alloc : memref<!tpu.dma_semaphore, #tpu.memory_space<semaphore_mem>>
      %dma_start3A_151 = arith.constant 0 : i32
      %dma_start3A_152 = tpu.memref_slice %arg3[%add3A_40, %dma_start3A_151] : memref<128x128xi32, #tpu.memory_space<hbm>> -> memref<1x128xi32, #tpu.memory_space<hbm>>
      %dma_start3A_153 = tpu.memref_squeeze %dma_start3A_152 : memref<1x128xi32, #tpu.memory_space<hbm>> -> memref<128xi32, #tpu.memory_space<hbm>>
      %dma_start3A_154 = arith.constant 0 : i32
      %dma_start3A_155 = tpu.memref_slice %arg3[%add3A_40, %dma_start3A_154] : memref<128x128xi32, #tpu.memory_space<hbm>> -> memref<1x128xi32, #tpu.memory_space<hbm>>
      %dma_start3A_156 = tpu.memref_squeeze %dma_start3A_155 : memref<1x128xi32, #tpu.memory_space<hbm>> -> memref<128xi32, #tpu.memory_space<hbm>>
      tpu.enqueue_dma source(%dma_start3A_156 : memref<128xi32, #tpu.memory_space<hbm>>) target(%arg18 : memref<128xi32, #tpu.memory_space<vmem>>) target_semaphore(%run_scoped3A : memref<!tpu.dma_semaphore, #tpu.memory_space<semaphore_mem>>)
      %dma_wait3A_157 = arith.constant 0 : i32
      %dma_wait3A_158 = tpu.memref_slice %arg3[%add3A_40, %dma_wait3A_157] : memref<128x128xi32, #tpu.memory_space<hbm>> -> memref<1x128xi32, #tpu.memory_space<hbm>>
      %dma_wait3A_159 = tpu.memref_squeeze %dma_wait3A_158 : memref<1x128xi32, #tpu.memory_space<hbm>> -> memref<128xi32, #tpu.memory_space<hbm>>
      %dma_wait3A_160 = arith.constant 0 : i32
      %dma_wait3A_161 = tpu.memref_slice %arg3[%add3A_40, %dma_wait3A_160] : memref<128x128xi32, #tpu.memory_space<hbm>> -> memref<1x128xi32, #tpu.memory_space<hbm>>
      %dma_wait3A_162 = tpu.memref_squeeze %dma_wait3A_161 : memref<1x128xi32, #tpu.memory_space<hbm>> -> memref<128xi32, #tpu.memory_space<hbm>>
      tpu.wait_dma2 semaphore(%run_scoped3A : memref<!tpu.dma_semaphore, #tpu.memory_space<semaphore_mem>>) src(%dma_wait3A_162 : memref<128xi32, #tpu.memory_space<hbm>>) dst(%arg18 : memref<128xi32, #tpu.memory_space<vmem>>)
      tpu.yield
    }) : () -> ()
    "tpu.region"() ({
      %run_scoped3A = tpu.sem_alloc : memref<!tpu.dma_semaphore, #tpu.memory_space<semaphore_mem>>
      %dma_start3A_151 = arith.constant 0 : i32
      %dma_start3A_152 = tpu.memref_slice %arg4[%add3A_40, %dma_start3A_151] : memref<128x128xi32, #tpu.memory_space<hbm>> -> memref<1x128xi32, #tpu.memory_space<hbm>>
      %dma_start3A_153 = tpu.memref_squeeze %dma_start3A_152 : memref<1x128xi32, #tpu.memory_space<hbm>> -> memref<128xi32, #tpu.memory_space<hbm>>
      %dma_start3A_154 = arith.constant 0 : i32
      %dma_start3A_155 = tpu.memref_slice %arg4[%add3A_40, %dma_start3A_154] : memref<128x128xi32, #tpu.memory_space<hbm>> -> memref<1x128xi32, #tpu.memory_space<hbm>>
      %dma_start3A_156 = tpu.memref_squeeze %dma_start3A_155 : memref<1x128xi32, #tpu.memory_space<hbm>> -> memref<128xi32, #tpu.memory_space<hbm>>
      tpu.enqueue_dma source(%dma_start3A_156 : memref<128xi32, #tpu.memory_space<hbm>>) target(%arg19 : memref<128xi32, #tpu.memory_space<vmem>>) target_semaphore(%run_scoped3A : memref<!tpu.dma_semaphore, #tpu.memory_space<semaphore_mem>>)
      %dma_wait3A_157 = arith.constant 0 : i32
      %dma_wait3A_158 = tpu.memref_slice %arg4[%add3A_40, %dma_wait3A_157] : memref<128x128xi32, #tpu.memory_space<hbm>> -> memref<1x128xi32, #tpu.memory_space<hbm>>
      %dma_wait3A_159 = tpu.memref_squeeze %dma_wait3A_158 : memref<1x128xi32, #tpu.memory_space<hbm>> -> memref<128xi32, #tpu.memory_space<hbm>>
      %dma_wait3A_160 = arith.constant 0 : i32
      %dma_wait3A_161 = tpu.memref_slice %arg4[%add3A_40, %dma_wait3A_160] : memref<128x128xi32, #tpu.memory_space<hbm>> -> memref<1x128xi32, #tpu.memory_space<hbm>>
      %dma_wait3A_162 = tpu.memref_squeeze %dma_wait3A_161 : memref<1x128xi32, #tpu.memory_space<hbm>> -> memref<128xi32, #tpu.memory_space<hbm>>
      tpu.wait_dma2 semaphore(%run_scoped3A : memref<!tpu.dma_semaphore, #tpu.memory_space<semaphore_mem>>) src(%dma_wait3A_162 : memref<128xi32, #tpu.memory_space<hbm>>) dst(%arg19 : memref<128xi32, #tpu.memory_space<vmem>>)
      tpu.yield
    }) : () -> ()
    "tpu.region"() ({
      %run_scoped3A = tpu.sem_alloc : memref<!tpu.dma_semaphore, #tpu.memory_space<semaphore_mem>>
      %dma_start3A_151 = arith.constant 0 : i32
      %dma_start3A_152 = tpu.memref_slice %arg5[%add3A_40, %dma_start3A_151] : memref<128x128xi32, #tpu.memory_space<hbm>> -> memref<1x128xi32, #tpu.memory_space<hbm>>
      %dma_start3A_153 = tpu.memref_squeeze %dma_start3A_152 : memref<1x128xi32, #tpu.memory_space<hbm>> -> memref<128xi32, #tpu.memory_space<hbm>>
      %dma_start3A_154 = arith.constant 0 : i32
      %dma_start3A_155 = tpu.memref_slice %arg5[%add3A_40, %dma_start3A_154] : memref<128x128xi32, #tpu.memory_space<hbm>> -> memref<1x128xi32, #tpu.memory_space<hbm>>
      %dma_start3A_156 = tpu.memref_squeeze %dma_start3A_155 : memref<1x128xi32, #tpu.memory_space<hbm>> -> memref<128xi32, #tpu.memory_space<hbm>>
      tpu.enqueue_dma source(%dma_start3A_156 : memref<128xi32, #tpu.memory_space<hbm>>) target(%arg20 : memref<128xi32, #tpu.memory_space<vmem>>) target_semaphore(%run_scoped3A : memref<!tpu.dma_semaphore, #tpu.memory_space<semaphore_mem>>)
      %dma_wait3A_157 = arith.constant 0 : i32
      %dma_wait3A_158 = tpu.memref_slice %arg5[%add3A_40, %dma_wait3A_157] : memref<128x128xi32, #tpu.memory_space<hbm>> -> memref<1x128xi32, #tpu.memory_space<hbm>>
      %dma_wait3A_159 = tpu.memref_squeeze %dma_wait3A_158 : memref<1x128xi32, #tpu.memory_space<hbm>> -> memref<128xi32, #tpu.memory_space<hbm>>
      %dma_wait3A_160 = arith.constant 0 : i32
      %dma_wait3A_161 = tpu.memref_slice %arg5[%add3A_40, %dma_wait3A_160] : memref<128x128xi32, #tpu.memory_space<hbm>> -> memref<1x128xi32, #tpu.memory_space<hbm>>
      %dma_wait3A_162 = tpu.memref_squeeze %dma_wait3A_161 : memref<1x128xi32, #tpu.memory_space<hbm>> -> memref<128xi32, #tpu.memory_space<hbm>>
      tpu.wait_dma2 semaphore(%run_scoped3A : memref<!tpu.dma_semaphore, #tpu.memory_space<semaphore_mem>>) src(%dma_wait3A_162 : memref<128xi32, #tpu.memory_space<hbm>>) dst(%arg20 : memref<128xi32, #tpu.memory_space<vmem>>)
      tpu.yield
    }) : () -> ()
    "tpu.region"() ({
      %run_scoped3A = tpu.sem_alloc : memref<!tpu.dma_semaphore, #tpu.memory_space<semaphore_mem>>
      %dma_start3A_151 = arith.constant 0 : i32
      %dma_start3A_152 = tpu.memref_slice %arg6[%add3A_40, %dma_start3A_151] : memref<128x128xi32, #tpu.memory_space<hbm>> -> memref<1x128xi32, #tpu.memory_space<hbm>>
      %dma_start3A_153 = tpu.memref_squeeze %dma_start3A_152 : memref<1x128xi32, #tpu.memory_space<hbm>> -> memref<128xi32, #tpu.memory_space<hbm>>
      %dma_start3A_154 = arith.constant 0 : i32
      %dma_start3A_155 = tpu.memref_slice %arg6[%add3A_40, %dma_start3A_154] : memref<128x128xi32, #tpu.memory_space<hbm>> -> memref<1x128xi32, #tpu.memory_space<hbm>>
      %dma_start3A_156 = tpu.memref_squeeze %dma_start3A_155 : memref<1x128xi32, #tpu.memory_space<hbm>> -> memref<128xi32, #tpu.memory_space<hbm>>
      tpu.enqueue_dma source(%dma_start3A_156 : memref<128xi32, #tpu.memory_space<hbm>>) target(%arg21 : memref<128xi32, #tpu.memory_space<vmem>>) target_semaphore(%run_scoped3A : memref<!tpu.dma_semaphore, #tpu.memory_space<semaphore_mem>>)
      %dma_wait3A_157 = arith.constant 0 : i32
      %dma_wait3A_158 = tpu.memref_slice %arg6[%add3A_40, %dma_wait3A_157] : memref<128x128xi32, #tpu.memory_space<hbm>> -> memref<1x128xi32, #tpu.memory_space<hbm>>
      %dma_wait3A_159 = tpu.memref_squeeze %dma_wait3A_158 : memref<1x128xi32, #tpu.memory_space<hbm>> -> memref<128xi32, #tpu.memory_space<hbm>>
      %dma_wait3A_160 = arith.constant 0 : i32
      %dma_wait3A_161 = tpu.memref_slice %arg6[%add3A_40, %dma_wait3A_160] : memref<128x128xi32, #tpu.memory_space<hbm>> -> memref<1x128xi32, #tpu.memory_space<hbm>>
      %dma_wait3A_162 = tpu.memref_squeeze %dma_wait3A_161 : memref<1x128xi32, #tpu.memory_space<hbm>> -> memref<128xi32, #tpu.memory_space<hbm>>
      tpu.wait_dma2 semaphore(%run_scoped3A : memref<!tpu.dma_semaphore, #tpu.memory_space<semaphore_mem>>) src(%dma_wait3A_162 : memref<128xi32, #tpu.memory_space<hbm>>) dst(%arg21 : memref<128xi32, #tpu.memory_space<vmem>>)
      tpu.yield
    }) : () -> ()
    %dma_start3A_41 = arith.constant 0 : i32
    %dma_start3A_42 = arith.constant 0 : i32
    %dma_start3A_43 = tpu.memref_slice %arg7[%dma_start3A_41, %dma_start3A_42] : memref<500000x128xf32, #tpu.memory_space<hbm>> -> memref<500000x128xf32, #tpu.memory_space<hbm>>
    tpu.enqueue_indirect_dma source(%dma_start3A_43 : memref<500000x128xf32, #tpu.memory_space<hbm>>) target(%arg22 : memref<128x128xf32, #tpu.memory_space<vmem>>) offsets(%arg17 : memref<128xi32, #tpu.memory_space<vmem>>) semaphore(%arg27 : memref<!tpu.dma_semaphore, #tpu.memory_space<semaphore_mem>>)
    %dma_start3A_44 = arith.constant 0 : i32
    %dma_start3A_45 = arith.constant 0 : i32
    %dma_start3A_46 = tpu.memref_slice %arg8[%dma_start3A_44, %dma_start3A_45] : memref<1000x64xf32, #tpu.memory_space<hbm>> -> memref<1000x64xf32, #tpu.memory_space<hbm>>
    tpu.enqueue_indirect_dma source(%dma_start3A_46 : memref<1000x64xf32, #tpu.memory_space<hbm>>) target(%arg23 : memref<128x64xf32, #tpu.memory_space<vmem>>) offsets(%arg18 : memref<128xi32, #tpu.memory_space<vmem>>) semaphore(%arg27 : memref<!tpu.dma_semaphore, #tpu.memory_space<semaphore_mem>>)
    %dma_start3A_47 = arith.constant 0 : i32
    %dma_start3A_48 = arith.constant 0 : i32
    %dma_start3A_49 = tpu.memref_slice %arg9[%dma_start3A_47, %dma_start3A_48] : memref<100x64xf32, #tpu.memory_space<hbm>> -> memref<100x64xf32, #tpu.memory_space<hbm>>
    tpu.enqueue_indirect_dma source(%dma_start3A_49 : memref<100x64xf32, #tpu.memory_space<hbm>>) target(%arg24 : memref<128x64xf32, #tpu.memory_space<vmem>>) offsets(%arg19 : memref<128xi32, #tpu.memory_space<vmem>>) semaphore(%arg27 : memref<!tpu.dma_semaphore, #tpu.memory_space<semaphore_mem>>)
    %dma_start3A_50 = arith.constant 0 : i32
    %dma_start3A_51 = arith.constant 0 : i32
    %dma_start3A_52 = tpu.memref_slice %arg10[%dma_start3A_50, %dma_start3A_51] : memref<50x64xf32, #tpu.memory_space<hbm>> -> memref<50x64xf32, #tpu.memory_space<hbm>>
    tpu.enqueue_indirect_dma source(%dma_start3A_52 : memref<50x64xf32, #tpu.memory_space<hbm>>) target(%arg25 : memref<128x64xf32, #tpu.memory_space<vmem>>) offsets(%arg20 : memref<128xi32, #tpu.memory_space<vmem>>) semaphore(%arg27 : memref<!tpu.dma_semaphore, #tpu.memory_space<semaphore_mem>>)
    %dma_start3A_53 = arith.constant 0 : i32
    %dma_start3A_54 = arith.constant 0 : i32
    %dma_start3A_55 = tpu.memref_slice %arg11[%dma_start3A_53, %dma_start3A_54] : memref<1000000x8xi32, #tpu.memory_space<hbm>> -> memref<1000000x8xi32, #tpu.memory_space<hbm>>
    tpu.enqueue_indirect_dma source(%dma_start3A_55 : memref<1000000x8xi32, #tpu.memory_space<hbm>>) target(%arg26 : memref<128x8xi32, #tpu.memory_space<vmem>>) offsets(%arg21 : memref<128xi32, #tpu.memory_space<vmem>>) semaphore(%arg27 : memref<!tpu.dma_semaphore, #tpu.memory_space<semaphore_mem>>)
    %dma_wait3A_56 = arith.constant 0 : i32
    %dma_wait3A_57 = arith.constant 0 : i32
    %dma_wait3A_58 = tpu.memref_slice %arg7[%dma_wait3A_56, %dma_wait3A_57] : memref<500000x128xf32, #tpu.memory_space<hbm>> -> memref<500000x128xf32, #tpu.memory_space<hbm>>
    tpu.wait_indirect_dma semaphore(%arg27 : memref<!tpu.dma_semaphore, #tpu.memory_space<semaphore_mem>>) src(%dma_wait3A_58 : memref<500000x128xf32, #tpu.memory_space<hbm>>) dst(%arg22 : memref<128x128xf32, #tpu.memory_space<vmem>>)
    %dma_wait3A_59 = arith.constant 0 : i32
    %dma_wait3A_60 = arith.constant 0 : i32
    %dma_wait3A_61 = tpu.memref_slice %arg8[%dma_wait3A_59, %dma_wait3A_60] : memref<1000x64xf32, #tpu.memory_space<hbm>> -> memref<1000x64xf32, #tpu.memory_space<hbm>>
    tpu.wait_indirect_dma semaphore(%arg27 : memref<!tpu.dma_semaphore, #tpu.memory_space<semaphore_mem>>) src(%dma_wait3A_61 : memref<1000x64xf32, #tpu.memory_space<hbm>>) dst(%arg23 : memref<128x64xf32, #tpu.memory_space<vmem>>)
    %dma_wait3A_62 = arith.constant 0 : i32
    %dma_wait3A_63 = arith.constant 0 : i32
    %dma_wait3A_64 = tpu.memref_slice %arg9[%dma_wait3A_62, %dma_wait3A_63] : memref<100x64xf32, #tpu.memory_space<hbm>> -> memref<100x64xf32, #tpu.memory_space<hbm>>
    tpu.wait_indirect_dma semaphore(%arg27 : memref<!tpu.dma_semaphore, #tpu.memory_space<semaphore_mem>>) src(%dma_wait3A_64 : memref<100x64xf32, #tpu.memory_space<hbm>>) dst(%arg24 : memref<128x64xf32, #tpu.memory_space<vmem>>)
    %dma_wait3A_65 = arith.constant 0 : i32
    %dma_wait3A_66 = arith.constant 0 : i32
    %dma_wait3A_67 = tpu.memref_slice %arg10[%dma_wait3A_65, %dma_wait3A_66] : memref<50x64xf32, #tpu.memory_space<hbm>> -> memref<50x64xf32, #tpu.memory_space<hbm>>
    tpu.wait_indirect_dma semaphore(%arg27 : memref<!tpu.dma_semaphore, #tpu.memory_space<semaphore_mem>>) src(%dma_wait3A_67 : memref<50x64xf32, #tpu.memory_space<hbm>>) dst(%arg25 : memref<128x64xf32, #tpu.memory_space<vmem>>)
    %dma_wait3A_68 = arith.constant 0 : i32
    %dma_wait3A_69 = arith.constant 0 : i32
    %dma_wait3A_70 = tpu.memref_slice %arg11[%dma_wait3A_68, %dma_wait3A_69] : memref<1000000x8xi32, #tpu.memory_space<hbm>> -> memref<1000000x8xi32, #tpu.memory_space<hbm>>
    tpu.wait_indirect_dma semaphore(%arg27 : memref<!tpu.dma_semaphore, #tpu.memory_space<semaphore_mem>>) src(%dma_wait3A_70 : memref<1000000x8xi32, #tpu.memory_space<hbm>>) dst(%arg26 : memref<128x8xi32, #tpu.memory_space<vmem>>)
    %mul3A_71 = arith.constant 512 : i32
    %mul3A_72 = arith.muli %add3A, %mul3A_71 : i32
    %add3A_73 = arith.constant 128 : i32
    %add3A_74 = arith.addi %mul3A_72, %add3A_73 : i32
    "tpu.region"() ({
      %run_scoped3A = tpu.sem_alloc : memref<!tpu.dma_semaphore, #tpu.memory_space<semaphore_mem>>
      %dma_start3A_151 = arith.constant 0 : i32
      %dma_start3A_152 = tpu.memref_slice %arg12[%add3A_74, %dma_start3A_151] : memref<16384x128xf32, #tpu.memory_space<hbm>> -> memref<128x128xf32, #tpu.memory_space<hbm>>
      %dma_start3A_153 = arith.constant 0 : i32
      %dma_start3A_154 = tpu.memref_slice %arg12[%add3A_74, %dma_start3A_153] : memref<16384x128xf32, #tpu.memory_space<hbm>> -> memref<128x128xf32, #tpu.memory_space<hbm>>
      tpu.enqueue_dma source(%arg22 : memref<128x128xf32, #tpu.memory_space<vmem>>) target(%dma_start3A_154 : memref<128x128xf32, #tpu.memory_space<hbm>>) target_semaphore(%run_scoped3A : memref<!tpu.dma_semaphore, #tpu.memory_space<semaphore_mem>>)
      %dma_wait3A_155 = arith.constant 0 : i32
      %dma_wait3A_156 = tpu.memref_slice %arg12[%add3A_74, %dma_wait3A_155] : memref<16384x128xf32, #tpu.memory_space<hbm>> -> memref<128x128xf32, #tpu.memory_space<hbm>>
      %dma_wait3A_157 = arith.constant 0 : i32
      %dma_wait3A_158 = tpu.memref_slice %arg12[%add3A_74, %dma_wait3A_157] : memref<16384x128xf32, #tpu.memory_space<hbm>> -> memref<128x128xf32, #tpu.memory_space<hbm>>
      tpu.wait_dma2 semaphore(%run_scoped3A : memref<!tpu.dma_semaphore, #tpu.memory_space<semaphore_mem>>) src(%arg22 : memref<128x128xf32, #tpu.memory_space<vmem>>) dst(%dma_wait3A_158 : memref<128x128xf32, #tpu.memory_space<hbm>>)
      tpu.yield
    }) : () -> ()
    "tpu.region"() ({
      %run_scoped3A = tpu.sem_alloc : memref<!tpu.dma_semaphore, #tpu.memory_space<semaphore_mem>>
      %dma_start3A_151 = arith.constant 0 : i32
      %dma_start3A_152 = tpu.memref_slice %arg13[%add3A_74, %dma_start3A_151] : memref<16384x64xf32, #tpu.memory_space<hbm>> -> memref<128x64xf32, #tpu.memory_space<hbm>>
      %dma_start3A_153 = arith.constant 0 : i32
      %dma_start3A_154 = tpu.memref_slice %arg13[%add3A_74, %dma_start3A_153] : memref<16384x64xf32, #tpu.memory_space<hbm>> -> memref<128x64xf32, #tpu.memory_space<hbm>>
      tpu.enqueue_dma source(%arg23 : memref<128x64xf32, #tpu.memory_space<vmem>>) target(%dma_start3A_154 : memref<128x64xf32, #tpu.memory_space<hbm>>) target_semaphore(%run_scoped3A : memref<!tpu.dma_semaphore, #tpu.memory_space<semaphore_mem>>)
      %dma_wait3A_155 = arith.constant 0 : i32
      %dma_wait3A_156 = tpu.memref_slice %arg13[%add3A_74, %dma_wait3A_155] : memref<16384x64xf32, #tpu.memory_space<hbm>> -> memref<128x64xf32, #tpu.memory_space<hbm>>
      %dma_wait3A_157 = arith.constant 0 : i32
      %dma_wait3A_158 = tpu.memref_slice %arg13[%add3A_74, %dma_wait3A_157] : memref<16384x64xf32, #tpu.memory_space<hbm>> -> memref<128x64xf32, #tpu.memory_space<hbm>>
      tpu.wait_dma2 semaphore(%run_scoped3A : memref<!tpu.dma_semaphore, #tpu.memory_space<semaphore_mem>>) src(%arg23 : memref<128x64xf32, #tpu.memory_space<vmem>>) dst(%dma_wait3A_158 : memref<128x64xf32, #tpu.memory_space<hbm>>)
      tpu.yield
    }) : () -> ()
    "tpu.region"() ({
      %run_scoped3A = tpu.sem_alloc : memref<!tpu.dma_semaphore, #tpu.memory_space<semaphore_mem>>
      %dma_start3A_151 = arith.constant 0 : i32
      %dma_start3A_152 = tpu.memref_slice %arg14[%add3A_74, %dma_start3A_151] : memref<16384x64xf32, #tpu.memory_space<hbm>> -> memref<128x64xf32, #tpu.memory_space<hbm>>
      %dma_start3A_153 = arith.constant 0 : i32
      %dma_start3A_154 = tpu.memref_slice %arg14[%add3A_74, %dma_start3A_153] : memref<16384x64xf32, #tpu.memory_space<hbm>> -> memref<128x64xf32, #tpu.memory_space<hbm>>
      tpu.enqueue_dma source(%arg24 : memref<128x64xf32, #tpu.memory_space<vmem>>) target(%dma_start3A_154 : memref<128x64xf32, #tpu.memory_space<hbm>>) target_semaphore(%run_scoped3A : memref<!tpu.dma_semaphore, #tpu.memory_space<semaphore_mem>>)
      %dma_wait3A_155 = arith.constant 0 : i32
      %dma_wait3A_156 = tpu.memref_slice %arg14[%add3A_74, %dma_wait3A_155] : memref<16384x64xf32, #tpu.memory_space<hbm>> -> memref<128x64xf32, #tpu.memory_space<hbm>>
      %dma_wait3A_157 = arith.constant 0 : i32
      %dma_wait3A_158 = tpu.memref_slice %arg14[%add3A_74, %dma_wait3A_157] : memref<16384x64xf32, #tpu.memory_space<hbm>> -> memref<128x64xf32, #tpu.memory_space<hbm>>
      tpu.wait_dma2 semaphore(%run_scoped3A : memref<!tpu.dma_semaphore, #tpu.memory_space<semaphore_mem>>) src(%arg24 : memref<128x64xf32, #tpu.memory_space<vmem>>) dst(%dma_wait3A_158 : memref<128x64xf32, #tpu.memory_space<hbm>>)
      tpu.yield
    }) : () -> ()
    "tpu.region"() ({
      %run_scoped3A = tpu.sem_alloc : memref<!tpu.dma_semaphore, #tpu.memory_space<semaphore_mem>>
      %dma_start3A_151 = arith.constant 0 : i32
      %dma_start3A_152 = tpu.memref_slice %arg15[%add3A_74, %dma_start3A_151] : memref<16384x64xf32, #tpu.memory_space<hbm>> -> memref<128x64xf32, #tpu.memory_space<hbm>>
      %dma_start3A_153 = arith.constant 0 : i32
      %dma_start3A_154 = tpu.memref_slice %arg15[%add3A_74, %dma_start3A_153] : memref<16384x64xf32, #tpu.memory_space<hbm>> -> memref<128x64xf32, #tpu.memory_space<hbm>>
      tpu.enqueue_dma source(%arg25 : memref<128x64xf32, #tpu.memory_space<vmem>>) target(%dma_start3A_154 : memref<128x64xf32, #tpu.memory_space<hbm>>) target_semaphore(%run_scoped3A : memref<!tpu.dma_semaphore, #tpu.memory_space<semaphore_mem>>)
      %dma_wait3A_155 = arith.constant 0 : i32
      %dma_wait3A_156 = tpu.memref_slice %arg15[%add3A_74, %dma_wait3A_155] : memref<16384x64xf32, #tpu.memory_space<hbm>> -> memref<128x64xf32, #tpu.memory_space<hbm>>
      %dma_wait3A_157 = arith.constant 0 : i32
      %dma_wait3A_158 = tpu.memref_slice %arg15[%add3A_74, %dma_wait3A_157] : memref<16384x64xf32, #tpu.memory_space<hbm>> -> memref<128x64xf32, #tpu.memory_space<hbm>>
      tpu.wait_dma2 semaphore(%run_scoped3A : memref<!tpu.dma_semaphore, #tpu.memory_space<semaphore_mem>>) src(%arg25 : memref<128x64xf32, #tpu.memory_space<vmem>>) dst(%dma_wait3A_158 : memref<128x64xf32, #tpu.memory_space<hbm>>)
      tpu.yield
    }) : () -> ()
    "tpu.region"() ({
      %run_scoped3A = tpu.sem_alloc : memref<!tpu.dma_semaphore, #tpu.memory_space<semaphore_mem>>
      %dma_start3A_151 = arith.constant 0 : i32
      %dma_start3A_152 = tpu.memref_slice %arg16[%add3A_74, %dma_start3A_151] : memref<16384x8xi32, #tpu.memory_space<hbm>> -> memref<128x8xi32, #tpu.memory_space<hbm>>
      %dma_start3A_153 = arith.constant 0 : i32
      %dma_start3A_154 = tpu.memref_slice %arg16[%add3A_74, %dma_start3A_153] : memref<16384x8xi32, #tpu.memory_space<hbm>> -> memref<128x8xi32, #tpu.memory_space<hbm>>
      tpu.enqueue_dma source(%arg26 : memref<128x8xi32, #tpu.memory_space<vmem>>) target(%dma_start3A_154 : memref<128x8xi32, #tpu.memory_space<hbm>>) target_semaphore(%run_scoped3A : memref<!tpu.dma_semaphore, #tpu.memory_space<semaphore_mem>>)
      %dma_wait3A_155 = arith.constant 0 : i32
      %dma_wait3A_156 = tpu.memref_slice %arg16[%add3A_74, %dma_wait3A_155] : memref<16384x8xi32, #tpu.memory_space<hbm>> -> memref<128x8xi32, #tpu.memory_space<hbm>>
      %dma_wait3A_157 = arith.constant 0 : i32
      %dma_wait3A_158 = tpu.memref_slice %arg16[%add3A_74, %dma_wait3A_157] : memref<16384x8xi32, #tpu.memory_space<hbm>> -> memref<128x8xi32, #tpu.memory_space<hbm>>
      tpu.wait_dma2 semaphore(%run_scoped3A : memref<!tpu.dma_semaphore, #tpu.memory_space<semaphore_mem>>) src(%arg26 : memref<128x8xi32, #tpu.memory_space<vmem>>) dst(%dma_wait3A_158 : memref<128x8xi32, #tpu.memory_space<hbm>>)
      tpu.yield
    }) : () -> ()
    %mul3A_75 = arith.constant 4 : i32
    %mul3A_76 = arith.muli %add3A, %mul3A_75 : i32
    %add3A_77 = arith.constant 2 : i32
    %add3A_78 = arith.addi %mul3A_76, %add3A_77 : i32
    "tpu.region"() ({
      %run_scoped3A = tpu.sem_alloc : memref<!tpu.dma_semaphore, #tpu.memory_space<semaphore_mem>>
      %dma_start3A_151 = arith.constant 0 : i32
      %dma_start3A_152 = tpu.memref_slice %arg2[%add3A_78, %dma_start3A_151] : memref<128x128xi32, #tpu.memory_space<hbm>> -> memref<1x128xi32, #tpu.memory_space<hbm>>
      %dma_start3A_153 = tpu.memref_squeeze %dma_start3A_152 : memref<1x128xi32, #tpu.memory_space<hbm>> -> memref<128xi32, #tpu.memory_space<hbm>>
      %dma_start3A_154 = arith.constant 0 : i32
      %dma_start3A_155 = tpu.memref_slice %arg2[%add3A_78, %dma_start3A_154] : memref<128x128xi32, #tpu.memory_space<hbm>> -> memref<1x128xi32, #tpu.memory_space<hbm>>
      %dma_start3A_156 = tpu.memref_squeeze %dma_start3A_155 : memref<1x128xi32, #tpu.memory_space<hbm>> -> memref<128xi32, #tpu.memory_space<hbm>>
      tpu.enqueue_dma source(%dma_start3A_156 : memref<128xi32, #tpu.memory_space<hbm>>) target(%arg17 : memref<128xi32, #tpu.memory_space<vmem>>) target_semaphore(%run_scoped3A : memref<!tpu.dma_semaphore, #tpu.memory_space<semaphore_mem>>)
      %dma_wait3A_157 = arith.constant 0 : i32
      %dma_wait3A_158 = tpu.memref_slice %arg2[%add3A_78, %dma_wait3A_157] : memref<128x128xi32, #tpu.memory_space<hbm>> -> memref<1x128xi32, #tpu.memory_space<hbm>>
      %dma_wait3A_159 = tpu.memref_squeeze %dma_wait3A_158 : memref<1x128xi32, #tpu.memory_space<hbm>> -> memref<128xi32, #tpu.memory_space<hbm>>
      %dma_wait3A_160 = arith.constant 0 : i32
      %dma_wait3A_161 = tpu.memref_slice %arg2[%add3A_78, %dma_wait3A_160] : memref<128x128xi32, #tpu.memory_space<hbm>> -> memref<1x128xi32, #tpu.memory_space<hbm>>
      %dma_wait3A_162 = tpu.memref_squeeze %dma_wait3A_161 : memref<1x128xi32, #tpu.memory_space<hbm>> -> memref<128xi32, #tpu.memory_space<hbm>>
      tpu.wait_dma2 semaphore(%run_scoped3A : memref<!tpu.dma_semaphore, #tpu.memory_space<semaphore_mem>>) src(%dma_wait3A_162 : memref<128xi32, #tpu.memory_space<hbm>>) dst(%arg17 : memref<128xi32, #tpu.memory_space<vmem>>)
      tpu.yield
    }) : () -> ()
    "tpu.region"() ({
      %run_scoped3A = tpu.sem_alloc : memref<!tpu.dma_semaphore, #tpu.memory_space<semaphore_mem>>
      %dma_start3A_151 = arith.constant 0 : i32
      %dma_start3A_152 = tpu.memref_slice %arg3[%add3A_78, %dma_start3A_151] : memref<128x128xi32, #tpu.memory_space<hbm>> -> memref<1x128xi32, #tpu.memory_space<hbm>>
      %dma_start3A_153 = tpu.memref_squeeze %dma_start3A_152 : memref<1x128xi32, #tpu.memory_space<hbm>> -> memref<128xi32, #tpu.memory_space<hbm>>
      %dma_start3A_154 = arith.constant 0 : i32
      %dma_start3A_155 = tpu.memref_slice %arg3[%add3A_78, %dma_start3A_154] : memref<128x128xi32, #tpu.memory_space<hbm>> -> memref<1x128xi32, #tpu.memory_space<hbm>>
      %dma_start3A_156 = tpu.memref_squeeze %dma_start3A_155 : memref<1x128xi32, #tpu.memory_space<hbm>> -> memref<128xi32, #tpu.memory_space<hbm>>
      tpu.enqueue_dma source(%dma_start3A_156 : memref<128xi32, #tpu.memory_space<hbm>>) target(%arg18 : memref<128xi32, #tpu.memory_space<vmem>>) target_semaphore(%run_scoped3A : memref<!tpu.dma_semaphore, #tpu.memory_space<semaphore_mem>>)
      %dma_wait3A_157 = arith.constant 0 : i32
      %dma_wait3A_158 = tpu.memref_slice %arg3[%add3A_78, %dma_wait3A_157] : memref<128x128xi32, #tpu.memory_space<hbm>> -> memref<1x128xi32, #tpu.memory_space<hbm>>
      %dma_wait3A_159 = tpu.memref_squeeze %dma_wait3A_158 : memref<1x128xi32, #tpu.memory_space<hbm>> -> memref<128xi32, #tpu.memory_space<hbm>>
      %dma_wait3A_160 = arith.constant 0 : i32
      %dma_wait3A_161 = tpu.memref_slice %arg3[%add3A_78, %dma_wait3A_160] : memref<128x128xi32, #tpu.memory_space<hbm>> -> memref<1x128xi32, #tpu.memory_space<hbm>>
      %dma_wait3A_162 = tpu.memref_squeeze %dma_wait3A_161 : memref<1x128xi32, #tpu.memory_space<hbm>> -> memref<128xi32, #tpu.memory_space<hbm>>
      tpu.wait_dma2 semaphore(%run_scoped3A : memref<!tpu.dma_semaphore, #tpu.memory_space<semaphore_mem>>) src(%dma_wait3A_162 : memref<128xi32, #tpu.memory_space<hbm>>) dst(%arg18 : memref<128xi32, #tpu.memory_space<vmem>>)
      tpu.yield
    }) : () -> ()
    "tpu.region"() ({
      %run_scoped3A = tpu.sem_alloc : memref<!tpu.dma_semaphore, #tpu.memory_space<semaphore_mem>>
      %dma_start3A_151 = arith.constant 0 : i32
      %dma_start3A_152 = tpu.memref_slice %arg4[%add3A_78, %dma_start3A_151] : memref<128x128xi32, #tpu.memory_space<hbm>> -> memref<1x128xi32, #tpu.memory_space<hbm>>
      %dma_start3A_153 = tpu.memref_squeeze %dma_start3A_152 : memref<1x128xi32, #tpu.memory_space<hbm>> -> memref<128xi32, #tpu.memory_space<hbm>>
      %dma_start3A_154 = arith.constant 0 : i32
      %dma_start3A_155 = tpu.memref_slice %arg4[%add3A_78, %dma_start3A_154] : memref<128x128xi32, #tpu.memory_space<hbm>> -> memref<1x128xi32, #tpu.memory_space<hbm>>
      %dma_start3A_156 = tpu.memref_squeeze %dma_start3A_155 : memref<1x128xi32, #tpu.memory_space<hbm>> -> memref<128xi32, #tpu.memory_space<hbm>>
      tpu.enqueue_dma source(%dma_start3A_156 : memref<128xi32, #tpu.memory_space<hbm>>) target(%arg19 : memref<128xi32, #tpu.memory_space<vmem>>) target_semaphore(%run_scoped3A : memref<!tpu.dma_semaphore, #tpu.memory_space<semaphore_mem>>)
      %dma_wait3A_157 = arith.constant 0 : i32
      %dma_wait3A_158 = tpu.memref_slice %arg4[%add3A_78, %dma_wait3A_157] : memref<128x128xi32, #tpu.memory_space<hbm>> -> memref<1x128xi32, #tpu.memory_space<hbm>>
      %dma_wait3A_159 = tpu.memref_squeeze %dma_wait3A_158 : memref<1x128xi32, #tpu.memory_space<hbm>> -> memref<128xi32, #tpu.memory_space<hbm>>
      %dma_wait3A_160 = arith.constant 0 : i32
      %dma_wait3A_161 = tpu.memref_slice %arg4[%add3A_78, %dma_wait3A_160] : memref<128x128xi32, #tpu.memory_space<hbm>> -> memref<1x128xi32, #tpu.memory_space<hbm>>
      %dma_wait3A_162 = tpu.memref_squeeze %dma_wait3A_161 : memref<1x128xi32, #tpu.memory_space<hbm>> -> memref<128xi32, #tpu.memory_space<hbm>>
      tpu.wait_dma2 semaphore(%run_scoped3A : memref<!tpu.dma_semaphore, #tpu.memory_space<semaphore_mem>>) src(%dma_wait3A_162 : memref<128xi32, #tpu.memory_space<hbm>>) dst(%arg19 : memref<128xi32, #tpu.memory_space<vmem>>)
      tpu.yield
    }) : () -> ()
    "tpu.region"() ({
      %run_scoped3A = tpu.sem_alloc : memref<!tpu.dma_semaphore, #tpu.memory_space<semaphore_mem>>
      %dma_start3A_151 = arith.constant 0 : i32
      %dma_start3A_152 = tpu.memref_slice %arg5[%add3A_78, %dma_start3A_151] : memref<128x128xi32, #tpu.memory_space<hbm>> -> memref<1x128xi32, #tpu.memory_space<hbm>>
      %dma_start3A_153 = tpu.memref_squeeze %dma_start3A_152 : memref<1x128xi32, #tpu.memory_space<hbm>> -> memref<128xi32, #tpu.memory_space<hbm>>
      %dma_start3A_154 = arith.constant 0 : i32
      %dma_start3A_155 = tpu.memref_slice %arg5[%add3A_78, %dma_start3A_154] : memref<128x128xi32, #tpu.memory_space<hbm>> -> memref<1x128xi32, #tpu.memory_space<hbm>>
      %dma_start3A_156 = tpu.memref_squeeze %dma_start3A_155 : memref<1x128xi32, #tpu.memory_space<hbm>> -> memref<128xi32, #tpu.memory_space<hbm>>
      tpu.enqueue_dma source(%dma_start3A_156 : memref<128xi32, #tpu.memory_space<hbm>>) target(%arg20 : memref<128xi32, #tpu.memory_space<vmem>>) target_semaphore(%run_scoped3A : memref<!tpu.dma_semaphore, #tpu.memory_space<semaphore_mem>>)
      %dma_wait3A_157 = arith.constant 0 : i32
      %dma_wait3A_158 = tpu.memref_slice %arg5[%add3A_78, %dma_wait3A_157] : memref<128x128xi32, #tpu.memory_space<hbm>> -> memref<1x128xi32, #tpu.memory_space<hbm>>
      %dma_wait3A_159 = tpu.memref_squeeze %dma_wait3A_158 : memref<1x128xi32, #tpu.memory_space<hbm>> -> memref<128xi32, #tpu.memory_space<hbm>>
      %dma_wait3A_160 = arith.constant 0 : i32
      %dma_wait3A_161 = tpu.memref_slice %arg5[%add3A_78, %dma_wait3A_160] : memref<128x128xi32, #tpu.memory_space<hbm>> -> memref<1x128xi32, #tpu.memory_space<hbm>>
      %dma_wait3A_162 = tpu.memref_squeeze %dma_wait3A_161 : memref<1x128xi32, #tpu.memory_space<hbm>> -> memref<128xi32, #tpu.memory_space<hbm>>
      tpu.wait_dma2 semaphore(%run_scoped3A : memref<!tpu.dma_semaphore, #tpu.memory_space<semaphore_mem>>) src(%dma_wait3A_162 : memref<128xi32, #tpu.memory_space<hbm>>) dst(%arg20 : memref<128xi32, #tpu.memory_space<vmem>>)
      tpu.yield
    }) : () -> ()
    "tpu.region"() ({
      %run_scoped3A = tpu.sem_alloc : memref<!tpu.dma_semaphore, #tpu.memory_space<semaphore_mem>>
      %dma_start3A_151 = arith.constant 0 : i32
      %dma_start3A_152 = tpu.memref_slice %arg6[%add3A_78, %dma_start3A_151] : memref<128x128xi32, #tpu.memory_space<hbm>> -> memref<1x128xi32, #tpu.memory_space<hbm>>
      %dma_start3A_153 = tpu.memref_squeeze %dma_start3A_152 : memref<1x128xi32, #tpu.memory_space<hbm>> -> memref<128xi32, #tpu.memory_space<hbm>>
      %dma_start3A_154 = arith.constant 0 : i32
      %dma_start3A_155 = tpu.memref_slice %arg6[%add3A_78, %dma_start3A_154] : memref<128x128xi32, #tpu.memory_space<hbm>> -> memref<1x128xi32, #tpu.memory_space<hbm>>
      %dma_start3A_156 = tpu.memref_squeeze %dma_start3A_155 : memref<1x128xi32, #tpu.memory_space<hbm>> -> memref<128xi32, #tpu.memory_space<hbm>>
      tpu.enqueue_dma source(%dma_start3A_156 : memref<128xi32, #tpu.memory_space<hbm>>) target(%arg21 : memref<128xi32, #tpu.memory_space<vmem>>) target_semaphore(%run_scoped3A : memref<!tpu.dma_semaphore, #tpu.memory_space<semaphore_mem>>)
      %dma_wait3A_157 = arith.constant 0 : i32
      %dma_wait3A_158 = tpu.memref_slice %arg6[%add3A_78, %dma_wait3A_157] : memref<128x128xi32, #tpu.memory_space<hbm>> -> memref<1x128xi32, #tpu.memory_space<hbm>>
      %dma_wait3A_159 = tpu.memref_squeeze %dma_wait3A_158 : memref<1x128xi32, #tpu.memory_space<hbm>> -> memref<128xi32, #tpu.memory_space<hbm>>
      %dma_wait3A_160 = arith.constant 0 : i32
      %dma_wait3A_161 = tpu.memref_slice %arg6[%add3A_78, %dma_wait3A_160] : memref<128x128xi32, #tpu.memory_space<hbm>> -> memref<1x128xi32, #tpu.memory_space<hbm>>
      %dma_wait3A_162 = tpu.memref_squeeze %dma_wait3A_161 : memref<1x128xi32, #tpu.memory_space<hbm>> -> memref<128xi32, #tpu.memory_space<hbm>>
      tpu.wait_dma2 semaphore(%run_scoped3A : memref<!tpu.dma_semaphore, #tpu.memory_space<semaphore_mem>>) src(%dma_wait3A_162 : memref<128xi32, #tpu.memory_space<hbm>>) dst(%arg21 : memref<128xi32, #tpu.memory_space<vmem>>)
      tpu.yield
    }) : () -> ()
    %dma_start3A_79 = arith.constant 0 : i32
    %dma_start3A_80 = arith.constant 0 : i32
    %dma_start3A_81 = tpu.memref_slice %arg7[%dma_start3A_79, %dma_start3A_80] : memref<500000x128xf32, #tpu.memory_space<hbm>> -> memref<500000x128xf32, #tpu.memory_space<hbm>>
    tpu.enqueue_indirect_dma source(%dma_start3A_81 : memref<500000x128xf32, #tpu.memory_space<hbm>>) target(%arg22 : memref<128x128xf32, #tpu.memory_space<vmem>>) offsets(%arg17 : memref<128xi32, #tpu.memory_space<vmem>>) semaphore(%arg27 : memref<!tpu.dma_semaphore, #tpu.memory_space<semaphore_mem>>)
    %dma_start3A_82 = arith.constant 0 : i32
    %dma_start3A_83 = arith.constant 0 : i32
    %dma_start3A_84 = tpu.memref_slice %arg8[%dma_start3A_82, %dma_start3A_83] : memref<1000x64xf32, #tpu.memory_space<hbm>> -> memref<1000x64xf32, #tpu.memory_space<hbm>>
    tpu.enqueue_indirect_dma source(%dma_start3A_84 : memref<1000x64xf32, #tpu.memory_space<hbm>>) target(%arg23 : memref<128x64xf32, #tpu.memory_space<vmem>>) offsets(%arg18 : memref<128xi32, #tpu.memory_space<vmem>>) semaphore(%arg27 : memref<!tpu.dma_semaphore, #tpu.memory_space<semaphore_mem>>)
    %dma_start3A_85 = arith.constant 0 : i32
    %dma_start3A_86 = arith.constant 0 : i32
    %dma_start3A_87 = tpu.memref_slice %arg9[%dma_start3A_85, %dma_start3A_86] : memref<100x64xf32, #tpu.memory_space<hbm>> -> memref<100x64xf32, #tpu.memory_space<hbm>>
    tpu.enqueue_indirect_dma source(%dma_start3A_87 : memref<100x64xf32, #tpu.memory_space<hbm>>) target(%arg24 : memref<128x64xf32, #tpu.memory_space<vmem>>) offsets(%arg19 : memref<128xi32, #tpu.memory_space<vmem>>) semaphore(%arg27 : memref<!tpu.dma_semaphore, #tpu.memory_space<semaphore_mem>>)
    %dma_start3A_88 = arith.constant 0 : i32
    %dma_start3A_89 = arith.constant 0 : i32
    %dma_start3A_90 = tpu.memref_slice %arg10[%dma_start3A_88, %dma_start3A_89] : memref<50x64xf32, #tpu.memory_space<hbm>> -> memref<50x64xf32, #tpu.memory_space<hbm>>
    tpu.enqueue_indirect_dma source(%dma_start3A_90 : memref<50x64xf32, #tpu.memory_space<hbm>>) target(%arg25 : memref<128x64xf32, #tpu.memory_space<vmem>>) offsets(%arg20 : memref<128xi32, #tpu.memory_space<vmem>>) semaphore(%arg27 : memref<!tpu.dma_semaphore, #tpu.memory_space<semaphore_mem>>)
    %dma_start3A_91 = arith.constant 0 : i32
    %dma_start3A_92 = arith.constant 0 : i32
    %dma_start3A_93 = tpu.memref_slice %arg11[%dma_start3A_91, %dma_start3A_92] : memref<1000000x8xi32, #tpu.memory_space<hbm>> -> memref<1000000x8xi32, #tpu.memory_space<hbm>>
    tpu.enqueue_indirect_dma source(%dma_start3A_93 : memref<1000000x8xi32, #tpu.memory_space<hbm>>) target(%arg26 : memref<128x8xi32, #tpu.memory_space<vmem>>) offsets(%arg21 : memref<128xi32, #tpu.memory_space<vmem>>) semaphore(%arg27 : memref<!tpu.dma_semaphore, #tpu.memory_space<semaphore_mem>>)
    %dma_wait3A_94 = arith.constant 0 : i32
    %dma_wait3A_95 = arith.constant 0 : i32
    %dma_wait3A_96 = tpu.memref_slice %arg7[%dma_wait3A_94, %dma_wait3A_95] : memref<500000x128xf32, #tpu.memory_space<hbm>> -> memref<500000x128xf32, #tpu.memory_space<hbm>>
    tpu.wait_indirect_dma semaphore(%arg27 : memref<!tpu.dma_semaphore, #tpu.memory_space<semaphore_mem>>) src(%dma_wait3A_96 : memref<500000x128xf32, #tpu.memory_space<hbm>>) dst(%arg22 : memref<128x128xf32, #tpu.memory_space<vmem>>)
    %dma_wait3A_97 = arith.constant 0 : i32
    %dma_wait3A_98 = arith.constant 0 : i32
    %dma_wait3A_99 = tpu.memref_slice %arg8[%dma_wait3A_97, %dma_wait3A_98] : memref<1000x64xf32, #tpu.memory_space<hbm>> -> memref<1000x64xf32, #tpu.memory_space<hbm>>
    tpu.wait_indirect_dma semaphore(%arg27 : memref<!tpu.dma_semaphore, #tpu.memory_space<semaphore_mem>>) src(%dma_wait3A_99 : memref<1000x64xf32, #tpu.memory_space<hbm>>) dst(%arg23 : memref<128x64xf32, #tpu.memory_space<vmem>>)
    %dma_wait3A_100 = arith.constant 0 : i32
    %dma_wait3A_101 = arith.constant 0 : i32
    %dma_wait3A_102 = tpu.memref_slice %arg9[%dma_wait3A_100, %dma_wait3A_101] : memref<100x64xf32, #tpu.memory_space<hbm>> -> memref<100x64xf32, #tpu.memory_space<hbm>>
    tpu.wait_indirect_dma semaphore(%arg27 : memref<!tpu.dma_semaphore, #tpu.memory_space<semaphore_mem>>) src(%dma_wait3A_102 : memref<100x64xf32, #tpu.memory_space<hbm>>) dst(%arg24 : memref<128x64xf32, #tpu.memory_space<vmem>>)
    %dma_wait3A_103 = arith.constant 0 : i32
    %dma_wait3A_104 = arith.constant 0 : i32
    %dma_wait3A_105 = tpu.memref_slice %arg10[%dma_wait3A_103, %dma_wait3A_104] : memref<50x64xf32, #tpu.memory_space<hbm>> -> memref<50x64xf32, #tpu.memory_space<hbm>>
    tpu.wait_indirect_dma semaphore(%arg27 : memref<!tpu.dma_semaphore, #tpu.memory_space<semaphore_mem>>) src(%dma_wait3A_105 : memref<50x64xf32, #tpu.memory_space<hbm>>) dst(%arg25 : memref<128x64xf32, #tpu.memory_space<vmem>>)
    %dma_wait3A_106 = arith.constant 0 : i32
    %dma_wait3A_107 = arith.constant 0 : i32
    %dma_wait3A_108 = tpu.memref_slice %arg11[%dma_wait3A_106, %dma_wait3A_107] : memref<1000000x8xi32, #tpu.memory_space<hbm>> -> memref<1000000x8xi32, #tpu.memory_space<hbm>>
    tpu.wait_indirect_dma semaphore(%arg27 : memref<!tpu.dma_semaphore, #tpu.memory_space<semaphore_mem>>) src(%dma_wait3A_108 : memref<1000000x8xi32, #tpu.memory_space<hbm>>) dst(%arg26 : memref<128x8xi32, #tpu.memory_space<vmem>>)
    %mul3A_109 = arith.constant 512 : i32
    %mul3A_110 = arith.muli %add3A, %mul3A_109 : i32
    %add3A_111 = arith.constant 256 : i32
    %add3A_112 = arith.addi %mul3A_110, %add3A_111 : i32
    "tpu.region"() ({
      %run_scoped3A = tpu.sem_alloc : memref<!tpu.dma_semaphore, #tpu.memory_space<semaphore_mem>>
      %dma_start3A_151 = arith.constant 0 : i32
      %dma_start3A_152 = tpu.memref_slice %arg12[%add3A_112, %dma_start3A_151] : memref<16384x128xf32, #tpu.memory_space<hbm>> -> memref<128x128xf32, #tpu.memory_space<hbm>>
      %dma_start3A_153 = arith.constant 0 : i32
      %dma_start3A_154 = tpu.memref_slice %arg12[%add3A_112, %dma_start3A_153] : memref<16384x128xf32, #tpu.memory_space<hbm>> -> memref<128x128xf32, #tpu.memory_space<hbm>>
      tpu.enqueue_dma source(%arg22 : memref<128x128xf32, #tpu.memory_space<vmem>>) target(%dma_start3A_154 : memref<128x128xf32, #tpu.memory_space<hbm>>) target_semaphore(%run_scoped3A : memref<!tpu.dma_semaphore, #tpu.memory_space<semaphore_mem>>)
      %dma_wait3A_155 = arith.constant 0 : i32
      %dma_wait3A_156 = tpu.memref_slice %arg12[%add3A_112, %dma_wait3A_155] : memref<16384x128xf32, #tpu.memory_space<hbm>> -> memref<128x128xf32, #tpu.memory_space<hbm>>
      %dma_wait3A_157 = arith.constant 0 : i32
      %dma_wait3A_158 = tpu.memref_slice %arg12[%add3A_112, %dma_wait3A_157] : memref<16384x128xf32, #tpu.memory_space<hbm>> -> memref<128x128xf32, #tpu.memory_space<hbm>>
      tpu.wait_dma2 semaphore(%run_scoped3A : memref<!tpu.dma_semaphore, #tpu.memory_space<semaphore_mem>>) src(%arg22 : memref<128x128xf32, #tpu.memory_space<vmem>>) dst(%dma_wait3A_158 : memref<128x128xf32, #tpu.memory_space<hbm>>)
      tpu.yield
    }) : () -> ()
    "tpu.region"() ({
      %run_scoped3A = tpu.sem_alloc : memref<!tpu.dma_semaphore, #tpu.memory_space<semaphore_mem>>
      %dma_start3A_151 = arith.constant 0 : i32
      %dma_start3A_152 = tpu.memref_slice %arg13[%add3A_112, %dma_start3A_151] : memref<16384x64xf32, #tpu.memory_space<hbm>> -> memref<128x64xf32, #tpu.memory_space<hbm>>
      %dma_start3A_153 = arith.constant 0 : i32
      %dma_start3A_154 = tpu.memref_slice %arg13[%add3A_112, %dma_start3A_153] : memref<16384x64xf32, #tpu.memory_space<hbm>> -> memref<128x64xf32, #tpu.memory_space<hbm>>
      tpu.enqueue_dma source(%arg23 : memref<128x64xf32, #tpu.memory_space<vmem>>) target(%dma_start3A_154 : memref<128x64xf32, #tpu.memory_space<hbm>>) target_semaphore(%run_scoped3A : memref<!tpu.dma_semaphore, #tpu.memory_space<semaphore_mem>>)
      %dma_wait3A_155 = arith.constant 0 : i32
      %dma_wait3A_156 = tpu.memref_slice %arg13[%add3A_112, %dma_wait3A_155] : memref<16384x64xf32, #tpu.memory_space<hbm>> -> memref<128x64xf32, #tpu.memory_space<hbm>>
      %dma_wait3A_157 = arith.constant 0 : i32
      %dma_wait3A_158 = tpu.memref_slice %arg13[%add3A_112, %dma_wait3A_157] : memref<16384x64xf32, #tpu.memory_space<hbm>> -> memref<128x64xf32, #tpu.memory_space<hbm>>
      tpu.wait_dma2 semaphore(%run_scoped3A : memref<!tpu.dma_semaphore, #tpu.memory_space<semaphore_mem>>) src(%arg23 : memref<128x64xf32, #tpu.memory_space<vmem>>) dst(%dma_wait3A_158 : memref<128x64xf32, #tpu.memory_space<hbm>>)
      tpu.yield
    }) : () -> ()
    "tpu.region"() ({
      %run_scoped3A = tpu.sem_alloc : memref<!tpu.dma_semaphore, #tpu.memory_space<semaphore_mem>>
      %dma_start3A_151 = arith.constant 0 : i32
      %dma_start3A_152 = tpu.memref_slice %arg14[%add3A_112, %dma_start3A_151] : memref<16384x64xf32, #tpu.memory_space<hbm>> -> memref<128x64xf32, #tpu.memory_space<hbm>>
      %dma_start3A_153 = arith.constant 0 : i32
      %dma_start3A_154 = tpu.memref_slice %arg14[%add3A_112, %dma_start3A_153] : memref<16384x64xf32, #tpu.memory_space<hbm>> -> memref<128x64xf32, #tpu.memory_space<hbm>>
      tpu.enqueue_dma source(%arg24 : memref<128x64xf32, #tpu.memory_space<vmem>>) target(%dma_start3A_154 : memref<128x64xf32, #tpu.memory_space<hbm>>) target_semaphore(%run_scoped3A : memref<!tpu.dma_semaphore, #tpu.memory_space<semaphore_mem>>)
      %dma_wait3A_155 = arith.constant 0 : i32
      %dma_wait3A_156 = tpu.memref_slice %arg14[%add3A_112, %dma_wait3A_155] : memref<16384x64xf32, #tpu.memory_space<hbm>> -> memref<128x64xf32, #tpu.memory_space<hbm>>
      %dma_wait3A_157 = arith.constant 0 : i32
      %dma_wait3A_158 = tpu.memref_slice %arg14[%add3A_112, %dma_wait3A_157] : memref<16384x64xf32, #tpu.memory_space<hbm>> -> memref<128x64xf32, #tpu.memory_space<hbm>>
      tpu.wait_dma2 semaphore(%run_scoped3A : memref<!tpu.dma_semaphore, #tpu.memory_space<semaphore_mem>>) src(%arg24 : memref<128x64xf32, #tpu.memory_space<vmem>>) dst(%dma_wait3A_158 : memref<128x64xf32, #tpu.memory_space<hbm>>)
      tpu.yield
    }) : () -> ()
    "tpu.region"() ({
      %run_scoped3A = tpu.sem_alloc : memref<!tpu.dma_semaphore, #tpu.memory_space<semaphore_mem>>
      %dma_start3A_151 = arith.constant 0 : i32
      %dma_start3A_152 = tpu.memref_slice %arg15[%add3A_112, %dma_start3A_151] : memref<16384x64xf32, #tpu.memory_space<hbm>> -> memref<128x64xf32, #tpu.memory_space<hbm>>
      %dma_start3A_153 = arith.constant 0 : i32
      %dma_start3A_154 = tpu.memref_slice %arg15[%add3A_112, %dma_start3A_153] : memref<16384x64xf32, #tpu.memory_space<hbm>> -> memref<128x64xf32, #tpu.memory_space<hbm>>
      tpu.enqueue_dma source(%arg25 : memref<128x64xf32, #tpu.memory_space<vmem>>) target(%dma_start3A_154 : memref<128x64xf32, #tpu.memory_space<hbm>>) target_semaphore(%run_scoped3A : memref<!tpu.dma_semaphore, #tpu.memory_space<semaphore_mem>>)
      %dma_wait3A_155 = arith.constant 0 : i32
      %dma_wait3A_156 = tpu.memref_slice %arg15[%add3A_112, %dma_wait3A_155] : memref<16384x64xf32, #tpu.memory_space<hbm>> -> memref<128x64xf32, #tpu.memory_space<hbm>>
      %dma_wait3A_157 = arith.constant 0 : i32
      %dma_wait3A_158 = tpu.memref_slice %arg15[%add3A_112, %dma_wait3A_157] : memref<16384x64xf32, #tpu.memory_space<hbm>> -> memref<128x64xf32, #tpu.memory_space<hbm>>
      tpu.wait_dma2 semaphore(%run_scoped3A : memref<!tpu.dma_semaphore, #tpu.memory_space<semaphore_mem>>) src(%arg25 : memref<128x64xf32, #tpu.memory_space<vmem>>) dst(%dma_wait3A_158 : memref<128x64xf32, #tpu.memory_space<hbm>>)
      tpu.yield
    }) : () -> ()
    "tpu.region"() ({
      %run_scoped3A = tpu.sem_alloc : memref<!tpu.dma_semaphore, #tpu.memory_space<semaphore_mem>>
      %dma_start3A_151 = arith.constant 0 : i32
      %dma_start3A_152 = tpu.memref_slice %arg16[%add3A_112, %dma_start3A_151] : memref<16384x8xi32, #tpu.memory_space<hbm>> -> memref<128x8xi32, #tpu.memory_space<hbm>>
      %dma_start3A_153 = arith.constant 0 : i32
      %dma_start3A_154 = tpu.memref_slice %arg16[%add3A_112, %dma_start3A_153] : memref<16384x8xi32, #tpu.memory_space<hbm>> -> memref<128x8xi32, #tpu.memory_space<hbm>>
      tpu.enqueue_dma source(%arg26 : memref<128x8xi32, #tpu.memory_space<vmem>>) target(%dma_start3A_154 : memref<128x8xi32, #tpu.memory_space<hbm>>) target_semaphore(%run_scoped3A : memref<!tpu.dma_semaphore, #tpu.memory_space<semaphore_mem>>)
      %dma_wait3A_155 = arith.constant 0 : i32
      %dma_wait3A_156 = tpu.memref_slice %arg16[%add3A_112, %dma_wait3A_155] : memref<16384x8xi32, #tpu.memory_space<hbm>> -> memref<128x8xi32, #tpu.memory_space<hbm>>
      %dma_wait3A_157 = arith.constant 0 : i32
      %dma_wait3A_158 = tpu.memref_slice %arg16[%add3A_112, %dma_wait3A_157] : memref<16384x8xi32, #tpu.memory_space<hbm>> -> memref<128x8xi32, #tpu.memory_space<hbm>>
      tpu.wait_dma2 semaphore(%run_scoped3A : memref<!tpu.dma_semaphore, #tpu.memory_space<semaphore_mem>>) src(%arg26 : memref<128x8xi32, #tpu.memory_space<vmem>>) dst(%dma_wait3A_158 : memref<128x8xi32, #tpu.memory_space<hbm>>)
      tpu.yield
    }) : () -> ()
    %mul3A_113 = arith.constant 4 : i32
    %mul3A_114 = arith.muli %add3A, %mul3A_113 : i32
    %add3A_115 = arith.constant 3 : i32
    %add3A_116 = arith.addi %mul3A_114, %add3A_115 : i32
    "tpu.region"() ({
      %run_scoped3A = tpu.sem_alloc : memref<!tpu.dma_semaphore, #tpu.memory_space<semaphore_mem>>
      %dma_start3A_151 = arith.constant 0 : i32
      %dma_start3A_152 = tpu.memref_slice %arg2[%add3A_116, %dma_start3A_151] : memref<128x128xi32, #tpu.memory_space<hbm>> -> memref<1x128xi32, #tpu.memory_space<hbm>>
      %dma_start3A_153 = tpu.memref_squeeze %dma_start3A_152 : memref<1x128xi32, #tpu.memory_space<hbm>> -> memref<128xi32, #tpu.memory_space<hbm>>
      %dma_start3A_154 = arith.constant 0 : i32
      %dma_start3A_155 = tpu.memref_slice %arg2[%add3A_116, %dma_start3A_154] : memref<128x128xi32, #tpu.memory_space<hbm>> -> memref<1x128xi32, #tpu.memory_space<hbm>>
      %dma_start3A_156 = tpu.memref_squeeze %dma_start3A_155 : memref<1x128xi32, #tpu.memory_space<hbm>> -> memref<128xi32, #tpu.memory_space<hbm>>
      tpu.enqueue_dma source(%dma_start3A_156 : memref<128xi32, #tpu.memory_space<hbm>>) target(%arg17 : memref<128xi32, #tpu.memory_space<vmem>>) target_semaphore(%run_scoped3A : memref<!tpu.dma_semaphore, #tpu.memory_space<semaphore_mem>>)
      %dma_wait3A_157 = arith.constant 0 : i32
      %dma_wait3A_158 = tpu.memref_slice %arg2[%add3A_116, %dma_wait3A_157] : memref<128x128xi32, #tpu.memory_space<hbm>> -> memref<1x128xi32, #tpu.memory_space<hbm>>
      %dma_wait3A_159 = tpu.memref_squeeze %dma_wait3A_158 : memref<1x128xi32, #tpu.memory_space<hbm>> -> memref<128xi32, #tpu.memory_space<hbm>>
      %dma_wait3A_160 = arith.constant 0 : i32
      %dma_wait3A_161 = tpu.memref_slice %arg2[%add3A_116, %dma_wait3A_160] : memref<128x128xi32, #tpu.memory_space<hbm>> -> memref<1x128xi32, #tpu.memory_space<hbm>>
      %dma_wait3A_162 = tpu.memref_squeeze %dma_wait3A_161 : memref<1x128xi32, #tpu.memory_space<hbm>> -> memref<128xi32, #tpu.memory_space<hbm>>
      tpu.wait_dma2 semaphore(%run_scoped3A : memref<!tpu.dma_semaphore, #tpu.memory_space<semaphore_mem>>) src(%dma_wait3A_162 : memref<128xi32, #tpu.memory_space<hbm>>) dst(%arg17 : memref<128xi32, #tpu.memory_space<vmem>>)
      tpu.yield
    }) : () -> ()
    "tpu.region"() ({
      %run_scoped3A = tpu.sem_alloc : memref<!tpu.dma_semaphore, #tpu.memory_space<semaphore_mem>>
      %dma_start3A_151 = arith.constant 0 : i32
      %dma_start3A_152 = tpu.memref_slice %arg3[%add3A_116, %dma_start3A_151] : memref<128x128xi32, #tpu.memory_space<hbm>> -> memref<1x128xi32, #tpu.memory_space<hbm>>
      %dma_start3A_153 = tpu.memref_squeeze %dma_start3A_152 : memref<1x128xi32, #tpu.memory_space<hbm>> -> memref<128xi32, #tpu.memory_space<hbm>>
      %dma_start3A_154 = arith.constant 0 : i32
      %dma_start3A_155 = tpu.memref_slice %arg3[%add3A_116, %dma_start3A_154] : memref<128x128xi32, #tpu.memory_space<hbm>> -> memref<1x128xi32, #tpu.memory_space<hbm>>
      %dma_start3A_156 = tpu.memref_squeeze %dma_start3A_155 : memref<1x128xi32, #tpu.memory_space<hbm>> -> memref<128xi32, #tpu.memory_space<hbm>>
      tpu.enqueue_dma source(%dma_start3A_156 : memref<128xi32, #tpu.memory_space<hbm>>) target(%arg18 : memref<128xi32, #tpu.memory_space<vmem>>) target_semaphore(%run_scoped3A : memref<!tpu.dma_semaphore, #tpu.memory_space<semaphore_mem>>)
      %dma_wait3A_157 = arith.constant 0 : i32
      %dma_wait3A_158 = tpu.memref_slice %arg3[%add3A_116, %dma_wait3A_157] : memref<128x128xi32, #tpu.memory_space<hbm>> -> memref<1x128xi32, #tpu.memory_space<hbm>>
      %dma_wait3A_159 = tpu.memref_squeeze %dma_wait3A_158 : memref<1x128xi32, #tpu.memory_space<hbm>> -> memref<128xi32, #tpu.memory_space<hbm>>
      %dma_wait3A_160 = arith.constant 0 : i32
      %dma_wait3A_161 = tpu.memref_slice %arg3[%add3A_116, %dma_wait3A_160] : memref<128x128xi32, #tpu.memory_space<hbm>> -> memref<1x128xi32, #tpu.memory_space<hbm>>
      %dma_wait3A_162 = tpu.memref_squeeze %dma_wait3A_161 : memref<1x128xi32, #tpu.memory_space<hbm>> -> memref<128xi32, #tpu.memory_space<hbm>>
      tpu.wait_dma2 semaphore(%run_scoped3A : memref<!tpu.dma_semaphore, #tpu.memory_space<semaphore_mem>>) src(%dma_wait3A_162 : memref<128xi32, #tpu.memory_space<hbm>>) dst(%arg18 : memref<128xi32, #tpu.memory_space<vmem>>)
      tpu.yield
    }) : () -> ()
    "tpu.region"() ({
      %run_scoped3A = tpu.sem_alloc : memref<!tpu.dma_semaphore, #tpu.memory_space<semaphore_mem>>
      %dma_start3A_151 = arith.constant 0 : i32
      %dma_start3A_152 = tpu.memref_slice %arg4[%add3A_116, %dma_start3A_151] : memref<128x128xi32, #tpu.memory_space<hbm>> -> memref<1x128xi32, #tpu.memory_space<hbm>>
      %dma_start3A_153 = tpu.memref_squeeze %dma_start3A_152 : memref<1x128xi32, #tpu.memory_space<hbm>> -> memref<128xi32, #tpu.memory_space<hbm>>
      %dma_start3A_154 = arith.constant 0 : i32
      %dma_start3A_155 = tpu.memref_slice %arg4[%add3A_116, %dma_start3A_154] : memref<128x128xi32, #tpu.memory_space<hbm>> -> memref<1x128xi32, #tpu.memory_space<hbm>>
      %dma_start3A_156 = tpu.memref_squeeze %dma_start3A_155 : memref<1x128xi32, #tpu.memory_space<hbm>> -> memref<128xi32, #tpu.memory_space<hbm>>
      tpu.enqueue_dma source(%dma_start3A_156 : memref<128xi32, #tpu.memory_space<hbm>>) target(%arg19 : memref<128xi32, #tpu.memory_space<vmem>>) target_semaphore(%run_scoped3A : memref<!tpu.dma_semaphore, #tpu.memory_space<semaphore_mem>>)
      %dma_wait3A_157 = arith.constant 0 : i32
      %dma_wait3A_158 = tpu.memref_slice %arg4[%add3A_116, %dma_wait3A_157] : memref<128x128xi32, #tpu.memory_space<hbm>> -> memref<1x128xi32, #tpu.memory_space<hbm>>
      %dma_wait3A_159 = tpu.memref_squeeze %dma_wait3A_158 : memref<1x128xi32, #tpu.memory_space<hbm>> -> memref<128xi32, #tpu.memory_space<hbm>>
      %dma_wait3A_160 = arith.constant 0 : i32
      %dma_wait3A_161 = tpu.memref_slice %arg4[%add3A_116, %dma_wait3A_160] : memref<128x128xi32, #tpu.memory_space<hbm>> -> memref<1x128xi32, #tpu.memory_space<hbm>>
      %dma_wait3A_162 = tpu.memref_squeeze %dma_wait3A_161 : memref<1x128xi32, #tpu.memory_space<hbm>> -> memref<128xi32, #tpu.memory_space<hbm>>
      tpu.wait_dma2 semaphore(%run_scoped3A : memref<!tpu.dma_semaphore, #tpu.memory_space<semaphore_mem>>) src(%dma_wait3A_162 : memref<128xi32, #tpu.memory_space<hbm>>) dst(%arg19 : memref<128xi32, #tpu.memory_space<vmem>>)
      tpu.yield
    }) : () -> ()
    "tpu.region"() ({
      %run_scoped3A = tpu.sem_alloc : memref<!tpu.dma_semaphore, #tpu.memory_space<semaphore_mem>>
      %dma_start3A_151 = arith.constant 0 : i32
      %dma_start3A_152 = tpu.memref_slice %arg5[%add3A_116, %dma_start3A_151] : memref<128x128xi32, #tpu.memory_space<hbm>> -> memref<1x128xi32, #tpu.memory_space<hbm>>
      %dma_start3A_153 = tpu.memref_squeeze %dma_start3A_152 : memref<1x128xi32, #tpu.memory_space<hbm>> -> memref<128xi32, #tpu.memory_space<hbm>>
      %dma_start3A_154 = arith.constant 0 : i32
      %dma_start3A_155 = tpu.memref_slice %arg5[%add3A_116, %dma_start3A_154] : memref<128x128xi32, #tpu.memory_space<hbm>> -> memref<1x128xi32, #tpu.memory_space<hbm>>
      %dma_start3A_156 = tpu.memref_squeeze %dma_start3A_155 : memref<1x128xi32, #tpu.memory_space<hbm>> -> memref<128xi32, #tpu.memory_space<hbm>>
      tpu.enqueue_dma source(%dma_start3A_156 : memref<128xi32, #tpu.memory_space<hbm>>) target(%arg20 : memref<128xi32, #tpu.memory_space<vmem>>) target_semaphore(%run_scoped3A : memref<!tpu.dma_semaphore, #tpu.memory_space<semaphore_mem>>)
      %dma_wait3A_157 = arith.constant 0 : i32
      %dma_wait3A_158 = tpu.memref_slice %arg5[%add3A_116, %dma_wait3A_157] : memref<128x128xi32, #tpu.memory_space<hbm>> -> memref<1x128xi32, #tpu.memory_space<hbm>>
      %dma_wait3A_159 = tpu.memref_squeeze %dma_wait3A_158 : memref<1x128xi32, #tpu.memory_space<hbm>> -> memref<128xi32, #tpu.memory_space<hbm>>
      %dma_wait3A_160 = arith.constant 0 : i32
      %dma_wait3A_161 = tpu.memref_slice %arg5[%add3A_116, %dma_wait3A_160] : memref<128x128xi32, #tpu.memory_space<hbm>> -> memref<1x128xi32, #tpu.memory_space<hbm>>
      %dma_wait3A_162 = tpu.memref_squeeze %dma_wait3A_161 : memref<1x128xi32, #tpu.memory_space<hbm>> -> memref<128xi32, #tpu.memory_space<hbm>>
      tpu.wait_dma2 semaphore(%run_scoped3A : memref<!tpu.dma_semaphore, #tpu.memory_space<semaphore_mem>>) src(%dma_wait3A_162 : memref<128xi32, #tpu.memory_space<hbm>>) dst(%arg20 : memref<128xi32, #tpu.memory_space<vmem>>)
      tpu.yield
    }) : () -> ()
    "tpu.region"() ({
      %run_scoped3A = tpu.sem_alloc : memref<!tpu.dma_semaphore, #tpu.memory_space<semaphore_mem>>
      %dma_start3A_151 = arith.constant 0 : i32
      %dma_start3A_152 = tpu.memref_slice %arg6[%add3A_116, %dma_start3A_151] : memref<128x128xi32, #tpu.memory_space<hbm>> -> memref<1x128xi32, #tpu.memory_space<hbm>>
      %dma_start3A_153 = tpu.memref_squeeze %dma_start3A_152 : memref<1x128xi32, #tpu.memory_space<hbm>> -> memref<128xi32, #tpu.memory_space<hbm>>
      %dma_start3A_154 = arith.constant 0 : i32
      %dma_start3A_155 = tpu.memref_slice %arg6[%add3A_116, %dma_start3A_154] : memref<128x128xi32, #tpu.memory_space<hbm>> -> memref<1x128xi32, #tpu.memory_space<hbm>>
      %dma_start3A_156 = tpu.memref_squeeze %dma_start3A_155 : memref<1x128xi32, #tpu.memory_space<hbm>> -> memref<128xi32, #tpu.memory_space<hbm>>
      tpu.enqueue_dma source(%dma_start3A_156 : memref<128xi32, #tpu.memory_space<hbm>>) target(%arg21 : memref<128xi32, #tpu.memory_space<vmem>>) target_semaphore(%run_scoped3A : memref<!tpu.dma_semaphore, #tpu.memory_space<semaphore_mem>>)
      %dma_wait3A_157 = arith.constant 0 : i32
      %dma_wait3A_158 = tpu.memref_slice %arg6[%add3A_116, %dma_wait3A_157] : memref<128x128xi32, #tpu.memory_space<hbm>> -> memref<1x128xi32, #tpu.memory_space<hbm>>
      %dma_wait3A_159 = tpu.memref_squeeze %dma_wait3A_158 : memref<1x128xi32, #tpu.memory_space<hbm>> -> memref<128xi32, #tpu.memory_space<hbm>>
      %dma_wait3A_160 = arith.constant 0 : i32
      %dma_wait3A_161 = tpu.memref_slice %arg6[%add3A_116, %dma_wait3A_160] : memref<128x128xi32, #tpu.memory_space<hbm>> -> memref<1x128xi32, #tpu.memory_space<hbm>>
      %dma_wait3A_162 = tpu.memref_squeeze %dma_wait3A_161 : memref<1x128xi32, #tpu.memory_space<hbm>> -> memref<128xi32, #tpu.memory_space<hbm>>
      tpu.wait_dma2 semaphore(%run_scoped3A : memref<!tpu.dma_semaphore, #tpu.memory_space<semaphore_mem>>) src(%dma_wait3A_162 : memref<128xi32, #tpu.memory_space<hbm>>) dst(%arg21 : memref<128xi32, #tpu.memory_space<vmem>>)
      tpu.yield
    }) : () -> ()
    %dma_start3A_117 = arith.constant 0 : i32
    %dma_start3A_118 = arith.constant 0 : i32
    %dma_start3A_119 = tpu.memref_slice %arg7[%dma_start3A_117, %dma_start3A_118] : memref<500000x128xf32, #tpu.memory_space<hbm>> -> memref<500000x128xf32, #tpu.memory_space<hbm>>
    tpu.enqueue_indirect_dma source(%dma_start3A_119 : memref<500000x128xf32, #tpu.memory_space<hbm>>) target(%arg22 : memref<128x128xf32, #tpu.memory_space<vmem>>) offsets(%arg17 : memref<128xi32, #tpu.memory_space<vmem>>) semaphore(%arg27 : memref<!tpu.dma_semaphore, #tpu.memory_space<semaphore_mem>>)
    %dma_start3A_120 = arith.constant 0 : i32
    %dma_start3A_121 = arith.constant 0 : i32
    %dma_start3A_122 = tpu.memref_slice %arg8[%dma_start3A_120, %dma_start3A_121] : memref<1000x64xf32, #tpu.memory_space<hbm>> -> memref<1000x64xf32, #tpu.memory_space<hbm>>
    tpu.enqueue_indirect_dma source(%dma_start3A_122 : memref<1000x64xf32, #tpu.memory_space<hbm>>) target(%arg23 : memref<128x64xf32, #tpu.memory_space<vmem>>) offsets(%arg18 : memref<128xi32, #tpu.memory_space<vmem>>) semaphore(%arg27 : memref<!tpu.dma_semaphore, #tpu.memory_space<semaphore_mem>>)
    %dma_start3A_123 = arith.constant 0 : i32
    %dma_start3A_124 = arith.constant 0 : i32
    %dma_start3A_125 = tpu.memref_slice %arg9[%dma_start3A_123, %dma_start3A_124] : memref<100x64xf32, #tpu.memory_space<hbm>> -> memref<100x64xf32, #tpu.memory_space<hbm>>
    tpu.enqueue_indirect_dma source(%dma_start3A_125 : memref<100x64xf32, #tpu.memory_space<hbm>>) target(%arg24 : memref<128x64xf32, #tpu.memory_space<vmem>>) offsets(%arg19 : memref<128xi32, #tpu.memory_space<vmem>>) semaphore(%arg27 : memref<!tpu.dma_semaphore, #tpu.memory_space<semaphore_mem>>)
    %dma_start3A_126 = arith.constant 0 : i32
    %dma_start3A_127 = arith.constant 0 : i32
    %dma_start3A_128 = tpu.memref_slice %arg10[%dma_start3A_126, %dma_start3A_127] : memref<50x64xf32, #tpu.memory_space<hbm>> -> memref<50x64xf32, #tpu.memory_space<hbm>>
    tpu.enqueue_indirect_dma source(%dma_start3A_128 : memref<50x64xf32, #tpu.memory_space<hbm>>) target(%arg25 : memref<128x64xf32, #tpu.memory_space<vmem>>) offsets(%arg20 : memref<128xi32, #tpu.memory_space<vmem>>) semaphore(%arg27 : memref<!tpu.dma_semaphore, #tpu.memory_space<semaphore_mem>>)
    %dma_start3A_129 = arith.constant 0 : i32
    %dma_start3A_130 = arith.constant 0 : i32
    %dma_start3A_131 = tpu.memref_slice %arg11[%dma_start3A_129, %dma_start3A_130] : memref<1000000x8xi32, #tpu.memory_space<hbm>> -> memref<1000000x8xi32, #tpu.memory_space<hbm>>
    tpu.enqueue_indirect_dma source(%dma_start3A_131 : memref<1000000x8xi32, #tpu.memory_space<hbm>>) target(%arg26 : memref<128x8xi32, #tpu.memory_space<vmem>>) offsets(%arg21 : memref<128xi32, #tpu.memory_space<vmem>>) semaphore(%arg27 : memref<!tpu.dma_semaphore, #tpu.memory_space<semaphore_mem>>)
    %dma_wait3A_132 = arith.constant 0 : i32
    %dma_wait3A_133 = arith.constant 0 : i32
    %dma_wait3A_134 = tpu.memref_slice %arg7[%dma_wait3A_132, %dma_wait3A_133] : memref<500000x128xf32, #tpu.memory_space<hbm>> -> memref<500000x128xf32, #tpu.memory_space<hbm>>
    tpu.wait_indirect_dma semaphore(%arg27 : memref<!tpu.dma_semaphore, #tpu.memory_space<semaphore_mem>>) src(%dma_wait3A_134 : memref<500000x128xf32, #tpu.memory_space<hbm>>) dst(%arg22 : memref<128x128xf32, #tpu.memory_space<vmem>>)
    %dma_wait3A_135 = arith.constant 0 : i32
    %dma_wait3A_136 = arith.constant 0 : i32
    %dma_wait3A_137 = tpu.memref_slice %arg8[%dma_wait3A_135, %dma_wait3A_136] : memref<1000x64xf32, #tpu.memory_space<hbm>> -> memref<1000x64xf32, #tpu.memory_space<hbm>>
    tpu.wait_indirect_dma semaphore(%arg27 : memref<!tpu.dma_semaphore, #tpu.memory_space<semaphore_mem>>) src(%dma_wait3A_137 : memref<1000x64xf32, #tpu.memory_space<hbm>>) dst(%arg23 : memref<128x64xf32, #tpu.memory_space<vmem>>)
    %dma_wait3A_138 = arith.constant 0 : i32
    %dma_wait3A_139 = arith.constant 0 : i32
    %dma_wait3A_140 = tpu.memref_slice %arg9[%dma_wait3A_138, %dma_wait3A_139] : memref<100x64xf32, #tpu.memory_space<hbm>> -> memref<100x64xf32, #tpu.memory_space<hbm>>
    tpu.wait_indirect_dma semaphore(%arg27 : memref<!tpu.dma_semaphore, #tpu.memory_space<semaphore_mem>>) src(%dma_wait3A_140 : memref<100x64xf32, #tpu.memory_space<hbm>>) dst(%arg24 : memref<128x64xf32, #tpu.memory_space<vmem>>)
    %dma_wait3A_141 = arith.constant 0 : i32
    %dma_wait3A_142 = arith.constant 0 : i32
    %dma_wait3A_143 = tpu.memref_slice %arg10[%dma_wait3A_141, %dma_wait3A_142] : memref<50x64xf32, #tpu.memory_space<hbm>> -> memref<50x64xf32, #tpu.memory_space<hbm>>
    tpu.wait_indirect_dma semaphore(%arg27 : memref<!tpu.dma_semaphore, #tpu.memory_space<semaphore_mem>>) src(%dma_wait3A_143 : memref<50x64xf32, #tpu.memory_space<hbm>>) dst(%arg25 : memref<128x64xf32, #tpu.memory_space<vmem>>)
    %dma_wait3A_144 = arith.constant 0 : i32
    %dma_wait3A_145 = arith.constant 0 : i32
    %dma_wait3A_146 = tpu.memref_slice %arg11[%dma_wait3A_144, %dma_wait3A_145] : memref<1000000x8xi32, #tpu.memory_space<hbm>> -> memref<1000000x8xi32, #tpu.memory_space<hbm>>
    tpu.wait_indirect_dma semaphore(%arg27 : memref<!tpu.dma_semaphore, #tpu.memory_space<semaphore_mem>>) src(%dma_wait3A_146 : memref<1000000x8xi32, #tpu.memory_space<hbm>>) dst(%arg26 : memref<128x8xi32, #tpu.memory_space<vmem>>)
    %mul3A_147 = arith.constant 512 : i32
    %mul3A_148 = arith.muli %add3A, %mul3A_147 : i32
    %add3A_149 = arith.constant 384 : i32
    %add3A_150 = arith.addi %mul3A_148, %add3A_149 : i32
    "tpu.region"() ({
      %run_scoped3A = tpu.sem_alloc : memref<!tpu.dma_semaphore, #tpu.memory_space<semaphore_mem>>
      %dma_start3A_151 = arith.constant 0 : i32
      %dma_start3A_152 = tpu.memref_slice %arg12[%add3A_150, %dma_start3A_151] : memref<16384x128xf32, #tpu.memory_space<hbm>> -> memref<128x128xf32, #tpu.memory_space<hbm>>
      %dma_start3A_153 = arith.constant 0 : i32
      %dma_start3A_154 = tpu.memref_slice %arg12[%add3A_150, %dma_start3A_153] : memref<16384x128xf32, #tpu.memory_space<hbm>> -> memref<128x128xf32, #tpu.memory_space<hbm>>
      tpu.enqueue_dma source(%arg22 : memref<128x128xf32, #tpu.memory_space<vmem>>) target(%dma_start3A_154 : memref<128x128xf32, #tpu.memory_space<hbm>>) target_semaphore(%run_scoped3A : memref<!tpu.dma_semaphore, #tpu.memory_space<semaphore_mem>>)
      %dma_wait3A_155 = arith.constant 0 : i32
      %dma_wait3A_156 = tpu.memref_slice %arg12[%add3A_150, %dma_wait3A_155] : memref<16384x128xf32, #tpu.memory_space<hbm>> -> memref<128x128xf32, #tpu.memory_space<hbm>>
      %dma_wait3A_157 = arith.constant 0 : i32
      %dma_wait3A_158 = tpu.memref_slice %arg12[%add3A_150, %dma_wait3A_157] : memref<16384x128xf32, #tpu.memory_space<hbm>> -> memref<128x128xf32, #tpu.memory_space<hbm>>
      tpu.wait_dma2 semaphore(%run_scoped3A : memref<!tpu.dma_semaphore, #tpu.memory_space<semaphore_mem>>) src(%arg22 : memref<128x128xf32, #tpu.memory_space<vmem>>) dst(%dma_wait3A_158 : memref<128x128xf32, #tpu.memory_space<hbm>>)
      tpu.yield
    }) : () -> ()
    "tpu.region"() ({
      %run_scoped3A = tpu.sem_alloc : memref<!tpu.dma_semaphore, #tpu.memory_space<semaphore_mem>>
      %dma_start3A_151 = arith.constant 0 : i32
      %dma_start3A_152 = tpu.memref_slice %arg13[%add3A_150, %dma_start3A_151] : memref<16384x64xf32, #tpu.memory_space<hbm>> -> memref<128x64xf32, #tpu.memory_space<hbm>>
      %dma_start3A_153 = arith.constant 0 : i32
      %dma_start3A_154 = tpu.memref_slice %arg13[%add3A_150, %dma_start3A_153] : memref<16384x64xf32, #tpu.memory_space<hbm>> -> memref<128x64xf32, #tpu.memory_space<hbm>>
      tpu.enqueue_dma source(%arg23 : memref<128x64xf32, #tpu.memory_space<vmem>>) target(%dma_start3A_154 : memref<128x64xf32, #tpu.memory_space<hbm>>) target_semaphore(%run_scoped3A : memref<!tpu.dma_semaphore, #tpu.memory_space<semaphore_mem>>)
      %dma_wait3A_155 = arith.constant 0 : i32
      %dma_wait3A_156 = tpu.memref_slice %arg13[%add3A_150, %dma_wait3A_155] : memref<16384x64xf32, #tpu.memory_space<hbm>> -> memref<128x64xf32, #tpu.memory_space<hbm>>
      %dma_wait3A_157 = arith.constant 0 : i32
      %dma_wait3A_158 = tpu.memref_slice %arg13[%add3A_150, %dma_wait3A_157] : memref<16384x64xf32, #tpu.memory_space<hbm>> -> memref<128x64xf32, #tpu.memory_space<hbm>>
      tpu.wait_dma2 semaphore(%run_scoped3A : memref<!tpu.dma_semaphore, #tpu.memory_space<semaphore_mem>>) src(%arg23 : memref<128x64xf32, #tpu.memory_space<vmem>>) dst(%dma_wait3A_158 : memref<128x64xf32, #tpu.memory_space<hbm>>)
      tpu.yield
    }) : () -> ()
    "tpu.region"() ({
      %run_scoped3A = tpu.sem_alloc : memref<!tpu.dma_semaphore, #tpu.memory_space<semaphore_mem>>
      %dma_start3A_151 = arith.constant 0 : i32
      %dma_start3A_152 = tpu.memref_slice %arg14[%add3A_150, %dma_start3A_151] : memref<16384x64xf32, #tpu.memory_space<hbm>> -> memref<128x64xf32, #tpu.memory_space<hbm>>
      %dma_start3A_153 = arith.constant 0 : i32
      %dma_start3A_154 = tpu.memref_slice %arg14[%add3A_150, %dma_start3A_153] : memref<16384x64xf32, #tpu.memory_space<hbm>> -> memref<128x64xf32, #tpu.memory_space<hbm>>
      tpu.enqueue_dma source(%arg24 : memref<128x64xf32, #tpu.memory_space<vmem>>) target(%dma_start3A_154 : memref<128x64xf32, #tpu.memory_space<hbm>>) target_semaphore(%run_scoped3A : memref<!tpu.dma_semaphore, #tpu.memory_space<semaphore_mem>>)
      %dma_wait3A_155 = arith.constant 0 : i32
      %dma_wait3A_156 = tpu.memref_slice %arg14[%add3A_150, %dma_wait3A_155] : memref<16384x64xf32, #tpu.memory_space<hbm>> -> memref<128x64xf32, #tpu.memory_space<hbm>>
      %dma_wait3A_157 = arith.constant 0 : i32
      %dma_wait3A_158 = tpu.memref_slice %arg14[%add3A_150, %dma_wait3A_157] : memref<16384x64xf32, #tpu.memory_space<hbm>> -> memref<128x64xf32, #tpu.memory_space<hbm>>
      tpu.wait_dma2 semaphore(%run_scoped3A : memref<!tpu.dma_semaphore, #tpu.memory_space<semaphore_mem>>) src(%arg24 : memref<128x64xf32, #tpu.memory_space<vmem>>) dst(%dma_wait3A_158 : memref<128x64xf32, #tpu.memory_space<hbm>>)
      tpu.yield
    }) : () -> ()
    "tpu.region"() ({
      %run_scoped3A = tpu.sem_alloc : memref<!tpu.dma_semaphore, #tpu.memory_space<semaphore_mem>>
      %dma_start3A_151 = arith.constant 0 : i32
      %dma_start3A_152 = tpu.memref_slice %arg15[%add3A_150, %dma_start3A_151] : memref<16384x64xf32, #tpu.memory_space<hbm>> -> memref<128x64xf32, #tpu.memory_space<hbm>>
      %dma_start3A_153 = arith.constant 0 : i32
      %dma_start3A_154 = tpu.memref_slice %arg15[%add3A_150, %dma_start3A_153] : memref<16384x64xf32, #tpu.memory_space<hbm>> -> memref<128x64xf32, #tpu.memory_space<hbm>>
      tpu.enqueue_dma source(%arg25 : memref<128x64xf32, #tpu.memory_space<vmem>>) target(%dma_start3A_154 : memref<128x64xf32, #tpu.memory_space<hbm>>) target_semaphore(%run_scoped3A : memref<!tpu.dma_semaphore, #tpu.memory_space<semaphore_mem>>)
      %dma_wait3A_155 = arith.constant 0 : i32
      %dma_wait3A_156 = tpu.memref_slice %arg15[%add3A_150, %dma_wait3A_155] : memref<16384x64xf32, #tpu.memory_space<hbm>> -> memref<128x64xf32, #tpu.memory_space<hbm>>
      %dma_wait3A_157 = arith.constant 0 : i32
      %dma_wait3A_158 = tpu.memref_slice %arg15[%add3A_150, %dma_wait3A_157] : memref<16384x64xf32, #tpu.memory_space<hbm>> -> memref<128x64xf32, #tpu.memory_space<hbm>>
      tpu.wait_dma2 semaphore(%run_scoped3A : memref<!tpu.dma_semaphore, #tpu.memory_space<semaphore_mem>>) src(%arg25 : memref<128x64xf32, #tpu.memory_space<vmem>>) dst(%dma_wait3A_158 : memref<128x64xf32, #tpu.memory_space<hbm>>)
      tpu.yield
    }) : () -> ()
    "tpu.region"() ({
      %run_scoped3A = tpu.sem_alloc : memref<!tpu.dma_semaphore, #tpu.memory_space<semaphore_mem>>
      %dma_start3A_151 = arith.constant 0 : i32
      %dma_start3A_152 = tpu.memref_slice %arg16[%add3A_150, %dma_start3A_151] : memref<16384x8xi32, #tpu.memory_space<hbm>> -> memref<128x8xi32, #tpu.memory_space<hbm>>
      %dma_start3A_153 = arith.constant 0 : i32
      %dma_start3A_154 = tpu.memref_slice %arg16[%add3A_150, %dma_start3A_153] : memref<16384x8xi32, #tpu.memory_space<hbm>> -> memref<128x8xi32, #tpu.memory_space<hbm>>
      tpu.enqueue_dma source(%arg26 : memref<128x8xi32, #tpu.memory_space<vmem>>) target(%dma_start3A_154 : memref<128x8xi32, #tpu.memory_space<hbm>>) target_semaphore(%run_scoped3A : memref<!tpu.dma_semaphore, #tpu.memory_space<semaphore_mem>>)
      %dma_wait3A_155 = arith.constant 0 : i32
      %dma_wait3A_156 = tpu.memref_slice %arg16[%add3A_150, %dma_wait3A_155] : memref<16384x8xi32, #tpu.memory_space<hbm>> -> memref<128x8xi32, #tpu.memory_space<hbm>>
      %dma_wait3A_157 = arith.constant 0 : i32
      %dma_wait3A_158 = tpu.memref_slice %arg16[%add3A_150, %dma_wait3A_157] : memref<16384x8xi32, #tpu.memory_space<hbm>> -> memref<128x8xi32, #tpu.memory_space<hbm>>
      tpu.wait_dma2 semaphore(%run_scoped3A : memref<!tpu.dma_semaphore, #tpu.memory_space<semaphore_mem>>) src(%arg26 : memref<128x8xi32, #tpu.memory_space<vmem>>) dst(%dma_wait3A_158 : memref<128x8xi32, #tpu.memory_space<hbm>>)
      tpu.yield
    }) : () -> ()
    return
  }
}

module attributes {stable_mosaic.version = 14 : i64} {
  func.func @_pack_body(%arg0: i32, %arg1: memref<2000x64xf32, #tpu.memory_space<vmem>>, %arg2: memref<2000x64xf32, #tpu.memory_space<vmem>>, %arg3: memref<2000x128xf32, #tpu.memory_space<vmem>>) attributes {dimension_semantics = [#tpu.dimension_semantics<arbitrary>], iteration_bounds = array<i64: 250>, scalar_prefetch = 0 : i64, scratch_operands = 0 : i64, tpu.core_type = #tpu.core_type<tc>, window_params = [{transform_indices = @transform_0, window_bounds = array<i64: 2000, 64>}, {transform_indices = @transform_1, window_bounds = array<i64: 2000, 64>}, {transform_indices = @transform_2, window_bounds = array<i64: 2000, 128>}]} {
    %get3A = arith.constant 0 : index
    %get3A_0 = arith.constant 0 : index
    %get3A_1 = vector.load %arg1[%get3A, %get3A_0] : memref<2000x64xf32, #tpu.memory_space<vmem>>, vector<2000x64xf32>
    %get3A_2 = arith.constant 0 : index
    %get3A_3 = arith.constant 0 : index
    %get3A_4 = vector.load %arg2[%get3A_2, %get3A_3] : memref<2000x64xf32, #tpu.memory_space<vmem>>, vector<2000x64xf32>
    %concatenate3A = tpu.concatenate %get3A_1, %get3A_4 in 1 : vector<2000x64xf32>, vector<2000x64xf32> -> vector<2000x128xf32>
    %swap3A = arith.constant 0 : index
    %swap3A_5 = arith.constant 0 : index
    %swap3A_6 = vector.load %arg3[%swap3A, %swap3A_5] : memref<2000x128xf32, #tpu.memory_space<vmem>>, vector<2000x128xf32>
    tpu.vector_store %arg3[%swap3A, %swap3A_5], %concatenate3A {strides = array<i32>} : memref<2000x128xf32, #tpu.memory_space<vmem>>, vector<2000x128xf32>,
    return
  }
  func.func @transform_0(%arg0: i32) -> (i32, i32) {
    %c0_i32 = arith.constant 0 : i32
    %c0_i32_0 = arith.constant 0 : i32
    return %arg0, %c0_i32 : i32, i32
  }
  func.func @transform_1(%arg0: i32) -> (i32, i32) {
    %add3A = arith.constant 250 : i32
    %add3A_0 = arith.addi %arg0, %add3A : i32
    %c0_i32 = arith.constant 0 : i32
    %c0_i32_1 = arith.constant 0 : i32
    return %add3A_0, %c0_i32 : i32, i32
  }
  func.func @transform_2(%arg0: i32) -> (i32, i32) {
    %c0_i32 = arith.constant 0 : i32
    %c0_i32_0 = arith.constant 0 : i32
    return %arg0, %c0_i32 : i32, i32
  }
}

module attributes {stable_mosaic.version = 14 : i64} {
  func.func @_tc_body(%arg0: i32, %arg1: memref<1024x128xf32, #tpu.memory_space<vmem>>, %arg2: memref<1024x1xi32, #tpu.memory_space<vmem>>, %arg3: memref<1024x64xf32, #tpu.memory_space<vmem>>, %arg4: memref<1024x64xf32, #tpu.memory_space<vmem>>, %arg5: memref<1024x64xf32, #tpu.memory_space<vmem>>, %arg6: memref<1024x128xf32, #tpu.memory_space<vmem>>, %arg7: memref<1024x1xi32, #tpu.memory_space<vmem>>, %arg8: memref<1024x4xf32, #tpu.memory_space<vmem>>, %arg9: memref<1024x1xf32, #tpu.memory_space<vmem>>, %arg10: memref<1024x1xi32, #tpu.memory_space<vmem>>, %arg11: memref<128x64xf32, #tpu.memory_space<vmem>>, %arg12: memref<1x128xf32, #tpu.memory_space<vmem>>, %arg13: memref<1x128xi32, #tpu.memory_space<vmem>>, %arg14: memref<1x128xf32, #tpu.memory_space<vmem>>, %arg15: memref<1x1xf32, #tpu.memory_space<vmem>>) attributes {dimension_semantics = [#tpu.dimension_semantics<arbitrary>], iteration_bounds = array<i64: 16>, scalar_prefetch = 0 : i64, scratch_operands = 0 : i64, tpu.core_type = #tpu.core_type<tc>, window_params = [{transform_indices = @transform_0, window_bounds = array<i64: 1024, 128>}, {transform_indices = @transform_1, window_bounds = array<i64: 1024, 1>}, {transform_indices = @transform_2, window_bounds = array<i64: 1024, 64>}, {transform_indices = @transform_3, window_bounds = array<i64: 1024, 64>}, {transform_indices = @transform_4, window_bounds = array<i64: 1024, 64>}, {transform_indices = @transform_5, window_bounds = array<i64: 1024, 128>}, {transform_indices = @transform_6, window_bounds = array<i64: 1024, 1>}, {transform_indices = @transform_7, window_bounds = array<i64: 1024, 4>}, {transform_indices = @transform_8, window_bounds = array<i64: 1024, 1>}, {transform_indices = @transform_9, window_bounds = array<i64: 1024, 1>}, {pipeline_mode = #tpu.pipeline_mode<synchronous>, transform_indices = @transform_10, window_bounds = array<i64: 128, 64>}, {pipeline_mode = #tpu.pipeline_mode<synchronous>, transform_indices = @transform_11, window_bounds = array<i64: 1, 128>}, {pipeline_mode = #tpu.pipeline_mode<synchronous>, transform_indices = @transform_12, window_bounds = array<i64: 1, 128>}, {pipeline_mode = #tpu.pipeline_mode<synchronous>, transform_indices = @transform_13, window_bounds = array<i64: 1, 128>}, {pipeline_mode = #tpu.pipeline_mode<synchronous>, transform_indices = @transform_14, window_bounds = array<i64: 1, 1>}]} {
    %get3A = arith.constant 0 : index
    %get3A_0 = arith.constant 0 : index
    %get3A_1 = vector.load %arg1[%get3A, %get3A_0] : memref<1024x128xf32, #tpu.memory_space<vmem>>, vector<1024x128xf32>
    %get3A_2 = arith.constant 0 : index
    %get3A_3 = arith.constant 0 : index
    %get3A_4 = vector.load %arg2[%get3A_2, %get3A_3] : memref<1024x1xi32, #tpu.memory_space<vmem>>, vector<1024x1xi32>
    %gt3A = arith.constant 0 : i32
    %gt3A_5 = vector.broadcast %gt3A : i32 to vector<1024x1xi32>
    %gt3A_6 = arith.cmpi sgt, %get3A_4, %gt3A_5 : vector<1024x1xi32>
    %slice3A = vector.extract_strided_slice %get3A_1 {offsets = [0, 64], sizes = [1024, 64], strides = [1, 1]} : vector<1024x128xf32> to vector<1024x64xf32>
    %slice3A_7 = vector.extract_strided_slice %get3A_1 {offsets = [0, 0], sizes = [1024, 64], strides = [1, 1]} : vector<1024x128xf32> to vector<1024x64xf32>
    %broadcast_in_dim3A = vector.shape_cast %gt3A_6 : vector<1024x1xi1> to vector<1024x1xi1>
    %broadcast_in_dim3A_8 = vector.broadcast %broadcast_in_dim3A : vector<1024x1xi1> to vector<1024x64xi1>
    %select_n3A = arith.select %broadcast_in_dim3A_8, %slice3A, %slice3A_7 : vector<1024x64xi1>, vector<1024x64xf32>
    %get3A_9 = arith.constant 0 : index
    %get3A_10 = arith.constant 0 : index
    %get3A_11 = vector.load %arg6[%get3A_9, %get3A_10] : memref<1024x128xf32, #tpu.memory_space<vmem>>, vector<1024x128xf32>
    %get3A_12 = arith.constant 0 : index
    %get3A_13 = arith.constant 0 : index
    %get3A_14 = vector.load %arg7[%get3A_12, %get3A_13] : memref<1024x1xi32, #tpu.memory_space<vmem>>, vector<1024x1xi32>
    %gt3A_15 = arith.constant 0 : i32
    %gt3A_16 = vector.broadcast %gt3A_15 : i32 to vector<1024x1xi32>
    %gt3A_17 = arith.cmpi sgt, %get3A_14, %gt3A_16 : vector<1024x1xi32>
    %slice3A_18 = vector.extract_strided_slice %get3A_11 {offsets = [0, 64], sizes = [1024, 64], strides = [1, 1]} : vector<1024x128xf32> to vector<1024x64xf32>
    %slice3A_19 = vector.extract_strided_slice %get3A_11 {offsets = [0, 0], sizes = [1024, 64], strides = [1, 1]} : vector<1024x128xf32> to vector<1024x64xf32>
    %broadcast_in_dim3A_20 = vector.shape_cast %gt3A_17 : vector<1024x1xi1> to vector<1024x1xi1>
    %broadcast_in_dim3A_21 = vector.broadcast %broadcast_in_dim3A_20 : vector<1024x1xi1> to vector<1024x64xi1>
    %select_n3A_22 = arith.select %broadcast_in_dim3A_21, %slice3A_18, %slice3A_19 : vector<1024x64xi1>, vector<1024x64xf32>
    %get3A_23 = arith.constant 0 : index
    %get3A_24 = arith.constant 0 : index
    %get3A_25 = vector.load %arg8[%get3A_23, %get3A_24] : memref<1024x4xf32, #tpu.memory_space<vmem>>, vector<1024x4xf32>
    %exp3A = math.exp %get3A_25 : vector<1024x4xf32>
    %reduce_sum3A = arith.constant dense<0.000000e+00> : vector<1024xf32>
    %reduce_sum3A_26 = vector.multi_reduction <add>, %exp3A, %reduce_sum3A [1] : vector<1024x4xf32> to vector<1024xf32>
    %broadcast_in_dim3A_27 = vector.shape_cast %reduce_sum3A_26 : vector<1024xf32> to vector<1024x1xf32>
    %slice3A_28 = vector.extract_strided_slice %exp3A {offsets = [0, 0], sizes = [1024, 1], strides = [1, 1]} : vector<1024x4xf32> to vector<1024x1xf32>
    %mul3A = vector.broadcast %slice3A_28 : vector<1024x1xf32> to vector<1024x64xf32>
    %mul3A_29 = arith.mulf %select_n3A, %mul3A : vector<1024x64xf32>
    %get3A_30 = arith.constant 0 : index
    %get3A_31 = arith.constant 0 : index
    %get3A_32 = vector.load %arg3[%get3A_30, %get3A_31] : memref<1024x64xf32, #tpu.memory_space<vmem>>, vector<1024x64xf32>
    %slice3A_33 = vector.extract_strided_slice %exp3A {offsets = [0, 1], sizes = [1024, 1], strides = [1, 1]} : vector<1024x4xf32> to vector<1024x1xf32>
    %mul3A_34 = vector.broadcast %slice3A_33 : vector<1024x1xf32> to vector<1024x64xf32>
    %mul3A_35 = arith.mulf %get3A_32, %mul3A_34 : vector<1024x64xf32>
    %add3A = arith.addf %mul3A_29, %mul3A_35 : vector<1024x64xf32>
    %get3A_36 = arith.constant 0 : index
    %get3A_37 = arith.constant 0 : index
    %get3A_38 = vector.load %arg4[%get3A_36, %get3A_37] : memref<1024x64xf32, #tpu.memory_space<vmem>>, vector<1024x64xf32>
    %slice3A_39 = vector.extract_strided_slice %exp3A {offsets = [0, 2], sizes = [1024, 1], strides = [1, 1]} : vector<1024x4xf32> to vector<1024x1xf32>
    %mul3A_40 = vector.broadcast %slice3A_39 : vector<1024x1xf32> to vector<1024x64xf32>
    %mul3A_41 = arith.mulf %get3A_38, %mul3A_40 : vector<1024x64xf32>
    %add3A_42 = arith.addf %add3A, %mul3A_41 : vector<1024x64xf32>
    %get3A_43 = arith.constant 0 : index
    %get3A_44 = arith.constant 0 : index
    %get3A_45 = vector.load %arg5[%get3A_43, %get3A_44] : memref<1024x64xf32, #tpu.memory_space<vmem>>, vector<1024x64xf32>
    %slice3A_46 = vector.extract_strided_slice %exp3A {offsets = [0, 3], sizes = [1024, 1], strides = [1, 1]} : vector<1024x4xf32> to vector<1024x1xf32>
    %mul3A_47 = vector.broadcast %slice3A_46 : vector<1024x1xf32> to vector<1024x64xf32>
    %mul3A_48 = arith.mulf %get3A_45, %mul3A_47 : vector<1024x64xf32>
    %add3A_49 = arith.addf %add3A_42, %mul3A_48 : vector<1024x64xf32>
    %div3A = vector.broadcast %broadcast_in_dim3A_27 : vector<1024x1xf32> to vector<1024x64xf32>
    %div3A_50 = arith.divf %add3A_49, %div3A : vector<1024x64xf32>
    %get3A_51 = arith.constant 0 : index
    %get3A_52 = arith.constant 0 : index
    %get3A_53 = vector.load %arg10[%get3A_51, %get3A_52] : memref<1024x1xi32, #tpu.memory_space<vmem>>, vector<1024x1xi32>
    %convert_element_type3A = arith.sitofp %get3A_53 : vector<1024x1xi32> to vector<1024x1xf32>
    %add3A_54 = arith.constant 2.000000e+00 : f32
    %add3A_55 = vector.broadcast %add3A_54 : f32 to vector<1024x1xf32>
    %add3A_56 = arith.addf %convert_element_type3A, %add3A_55 : vector<1024x1xf32>
    %log3A = math.log %add3A_56 : vector<1024x1xf32>
    %add3A_57 = arith.constant 1.000000e+00 : f32
    %add3A_58 = vector.broadcast %add3A_57 : f32 to vector<1024x1xf32>
    %add3A_59 = arith.addf %convert_element_type3A, %add3A_58 : vector<1024x1xf32>
    %log3A_60 = math.log %add3A_59 : vector<1024x1xf32>
    %sub3A = arith.subf %log3A, %log3A_60 : vector<1024x1xf32>
    %div3A_61 = arith.constant 13.8155117 : f32
    %div3A_62 = vector.broadcast %div3A_61 : f32 to vector<1024x1xf32>
    %div3A_63 = arith.divf %sub3A, %div3A_62 : vector<1024x1xf32>
    %mul3A_64 = arith.mulf %div3A_50, %select_n3A_22 : vector<1024x64xf32>
    %reduce_sum3A_65 = arith.constant dense<0.000000e+00> : vector<1024xf32>
    %reduce_sum3A_66 = vector.multi_reduction <add>, %mul3A_64, %reduce_sum3A_65 [1] : vector<1024x64xf32> to vector<1024xf32>
    %broadcast_in_dim3A_67 = vector.shape_cast %reduce_sum3A_66 : vector<1024xf32> to vector<1024x1xf32>
    %get3A_68 = arith.constant 0 : index
    %get3A_69 = arith.constant 0 : index
    %get3A_70 = vector.load %arg9[%get3A_68, %get3A_69] : memref<1024x1xf32, #tpu.memory_space<vmem>>, vector<1024x1xf32>
    %add3A_71 = arith.addf %broadcast_in_dim3A_67, %get3A_70 : vector<1024x1xf32>
    %mul3A_72 = arith.constant 1.000000e+02 : f32
    %mul3A_73 = vector.broadcast %mul3A_72 : f32 to vector<1024x1xf32>
    %mul3A_74 = arith.mulf %div3A_63, %mul3A_73 : vector<1024x1xf32>
    %log3A_75 = math.log %mul3A_74 : vector<1024x1xf32>
    %sub3A_76 = arith.subf %add3A_71, %log3A_75 : vector<1024x1xf32>
    %get3A_77 = arith.constant 0 : index
    %get3A_78 = arith.constant 0 : index
    %get3A_79 = vector.load %arg11[%get3A_77, %get3A_78] : memref<128x64xf32, #tpu.memory_space<vmem>>, vector<128x64xf32>
    %dot_general3A = arith.constant dense<0.000000e+00> : vector<1024x128xf32>
    %dot_general3A_80 = tpu.matmul %div3A_50, %get3A_79, %dot_general3A {dimension_numbers = #tpu.dot_dimension_numbers<[1], [1], [0], [0], [0, 0, 1, 0], [], []>, transpose_lhs_hint = false} : vector<1024x64xf32>, vector<128x64xf32>, vector<1024x128xf32> -> vector<1024x128xf32>
    %get3A_81 = arith.constant 0 : index
    %get3A_82 = arith.constant 0 : index
    %get3A_83 = vector.load %arg12[%get3A_81, %get3A_82] : memref<1x128xf32, #tpu.memory_space<vmem>>, vector<1x128xf32>
    %add3A_84 = vector.broadcast %get3A_83 : vector<1x128xf32> to vector<1024x128xf32>
    %add3A_85 = arith.addf %dot_general3A_80, %add3A_84 : vector<1024x128xf32>
    %get3A_86 = arith.constant 0 : index
    %get3A_87 = arith.constant 0 : index
    %get3A_88 = vector.load %arg14[%get3A_86, %get3A_87] : memref<1x128xf32, #tpu.memory_space<vmem>>, vector<1x128xf32>
    %add3A_89 = vector.broadcast %get3A_88 : vector<1x128xf32> to vector<1024x128xf32>
    %add3A_90 = arith.addf %add3A_85, %add3A_89 : vector<1024x128xf32>
    %get3A_91 = arith.constant 0 : index
    %get3A_92 = arith.constant 0 : index
    %get3A_93 = vector.load %arg13[%get3A_91, %get3A_92] : memref<1x128xi32, #tpu.memory_space<vmem>>, vector<1x128xi32>
    %get3A_94 = arith.constant 0 : index
    %get3A_95 = arith.constant 0 : index
    %get3A_96 = vector.load %arg10[%get3A_94, %get3A_95] : memref<1024x1xi32, #tpu.memory_space<vmem>>, vector<1024x1xi32>
    %eq3A = vector.broadcast %get3A_93 : vector<1x128xi32> to vector<1024x128xi32>
    %eq3A_97 = vector.broadcast %get3A_96 : vector<1024x1xi32> to vector<1024x128xi32>
    %eq3A_98 = arith.cmpi eq, %eq3A, %eq3A_97 : vector<1024x128xi32>
    %jit3A = arith.constant -1.000000e+09 : f32
    %broadcast_in_dim3A_99 = vector.broadcast %jit3A : f32 to vector<1024x128xf32>
    %select_n3A_100 = arith.select %eq3A_98, %broadcast_in_dim3A_99, %add3A_90 : vector<1024x128xi1>, vector<1024x128xf32>
    %reduce_max3A = arith.constant dense<0xFF800000> : vector<1024xf32>
    %reduce_max3A_101 = vector.multi_reduction <maximumf>, %select_n3A_100, %reduce_max3A [1] : vector<1024x128xf32> to vector<1024xf32>
    %broadcast_in_dim3A_102 = vector.shape_cast %reduce_max3A_101 : vector<1024xf32> to vector<1024x1xf32>
    %max3A = arith.maximumf %broadcast_in_dim3A_102, %sub3A_76 : vector<1024x1xf32>
    %sub3A_103 = vector.broadcast %max3A : vector<1024x1xf32> to vector<1024x128xf32>
    %sub3A_104 = arith.subf %select_n3A_100, %sub3A_103 : vector<1024x128xf32>
    %exp3A_105 = math.exp %sub3A_104 : vector<1024x128xf32>
    %reduce_sum3A_106 = arith.constant dense<0.000000e+00> : vector<1024xf32>
    %reduce_sum3A_107 = vector.multi_reduction <add>, %exp3A_105, %reduce_sum3A_106 [1] : vector<1024x128xf32> to vector<1024xf32>
    %broadcast_in_dim3A_108 = vector.shape_cast %reduce_sum3A_107 : vector<1024xf32> to vector<1024x1xf32>
    %sub3A_109 = arith.subf %sub3A_76, %max3A : vector<1024x1xf32>
    %exp3A_110 = math.exp %sub3A_109 : vector<1024x1xf32>
    %add3A_111 = arith.addf %broadcast_in_dim3A_108, %exp3A_110 : vector<1024x1xf32>
    %log3A_112 = math.log %add3A_111 : vector<1024x1xf32>
    %add3A_113 = arith.addf %log3A_112, %max3A : vector<1024x1xf32>
    %sub3A_114 = arith.subf %add3A_113, %sub3A_76 : vector<1024x1xf32>
    %reduce_sum3A_115 = vector.shape_cast %sub3A_114 : vector<1024x1xf32> to vector<1x1024x1xf32>
    %reduce_sum3A_116 = arith.constant dense<0.000000e+00> : vector<1xf32>
    %reduce_sum3A_117 = vector.multi_reduction <add>, %reduce_sum3A_115, %reduce_sum3A_116 [1, 2] : vector<1x1024x1xf32> to vector<1xf32>
    %reduce_sum3A_118 = vector.shape_cast %reduce_sum3A_117 : vector<1xf32> to vector<1x1x1xf32>
    %reduce_sum3A_119 = vector.extract %reduce_sum3A_118[0, 0, 0] : f32 from vector<1x1x1xf32>
    %eq3A_120 = arith.constant 0 : i32
    %eq3A_121 = arith.cmpi eq, %arg0, %eq3A_120 : i32
    %get3A_122 = arith.constant 0 : index
    %get3A_123 = arith.constant 0 : index
    %get3A_124 = vector.load %arg15[%get3A_122, %get3A_123] : memref<1x1xf32, #tpu.memory_space<vmem>>, vector<1x1xf32>
    %squeeze3A = vector.extract %get3A_124[0, 0] : f32 from vector<1x1xf32>
    %add3A_125 = arith.addf %squeeze3A, %reduce_sum3A_119 : f32
    %select_n3A_126 = arith.select %eq3A_121, %reduce_sum3A_119, %add3A_125 : f32
    %eq3A_127 = arith.constant 15 : i32
    %eq3A_128 = arith.cmpi eq, %arg0, %eq3A_127 : i32
    %div3A_129 = arith.constant 1.638400e+04 : f32
    %div3A_130 = arith.divf %select_n3A_126, %div3A_129 : f32
    %select_n3A_131 = arith.select %eq3A_128, %div3A_130, %select_n3A_126 : f32
    %reshape3A = vector.broadcast %select_n3A_131 : f32 to vector<1x1xf32>
    %swap3A = arith.constant 0 : index
    %swap3A_132 = arith.constant 0 : index
    %swap3A_133 = vector.load %arg15[%swap3A, %swap3A_132] : memref<1x1xf32, #tpu.memory_space<vmem>>, vector<1x1xf32>
    tpu.vector_store %arg15[%swap3A, %swap3A_132], %reshape3A {strides = array<i32>} : memref<1x1xf32, #tpu.memory_space<vmem>>, vector<1x1xf32>,
    return
  }
  func.func @transform_0(%arg0: i32) -> (i32, i32) {
    %c0_i32 = arith.constant 0 : i32
    %c0_i32_0 = arith.constant 0 : i32
    return %arg0, %c0_i32 : i32, i32
  }
  func.func @transform_1(%arg0: i32) -> (i32, i32) {
    %c0_i32 = arith.constant 0 : i32
    %c0_i32_0 = arith.constant 0 : i32
    return %arg0, %c0_i32 : i32, i32
  }
  func.func @transform_2(%arg0: i32) -> (i32, i32) {
    %c0_i32 = arith.constant 0 : i32
    %c0_i32_0 = arith.constant 0 : i32
    return %arg0, %c0_i32 : i32, i32
  }
  func.func @transform_3(%arg0: i32) -> (i32, i32) {
    %c0_i32 = arith.constant 0 : i32
    %c0_i32_0 = arith.constant 0 : i32
    return %arg0, %c0_i32 : i32, i32
  }
  func.func @transform_4(%arg0: i32) -> (i32, i32) {
    %c0_i32 = arith.constant 0 : i32
    %c0_i32_0 = arith.constant 0 : i32
    return %arg0, %c0_i32 : i32, i32
  }
  func.func @transform_5(%arg0: i32) -> (i32, i32) {
    %c0_i32 = arith.constant 0 : i32
    %c0_i32_0 = arith.constant 0 : i32
    return %arg0, %c0_i32 : i32, i32
  }
  func.func @transform_6(%arg0: i32) -> (i32, i32) {
    %c0_i32 = arith.constant 0 : i32
    %c0_i32_0 = arith.constant 0 : i32
    return %arg0, %c0_i32 : i32, i32
  }
  func.func @transform_7(%arg0: i32) -> (i32, i32) {
    %c0_i32 = arith.constant 0 : i32
    %c0_i32_0 = arith.constant 0 : i32
    return %arg0, %c0_i32 : i32, i32
  }
  func.func @transform_8(%arg0: i32) -> (i32, i32) {
    %c0_i32 = arith.constant 0 : i32
    %c0_i32_0 = arith.constant 0 : i32
    return %arg0, %c0_i32 : i32, i32
  }
  func.func @transform_9(%arg0: i32) -> (i32, i32) {
    %c0_i32 = arith.constant 0 : i32
    %c0_i32_0 = arith.constant 0 : i32
    return %arg0, %c0_i32 : i32, i32
  }
  func.func @transform_10(%arg0: i32) -> (i32, i32) {
    %c0_i32 = arith.constant 0 : i32
    %c0_i32_0 = arith.constant 0 : i32
    %c0_i32_1 = arith.constant 0 : i32
    return %c0_i32, %c0_i32_0 : i32, i32
  }
  func.func @transform_11(%arg0: i32) -> (i32, i32) {
    %c0_i32 = arith.constant 0 : i32
    %c0_i32_0 = arith.constant 0 : i32
    %c0_i32_1 = arith.constant 0 : i32
    return %c0_i32, %c0_i32_0 : i32, i32
  }
  func.func @transform_12(%arg0: i32) -> (i32, i32) {
    %c0_i32 = arith.constant 0 : i32
    %c0_i32_0 = arith.constant 0 : i32
    %c0_i32_1 = arith.constant 0 : i32
    return %c0_i32, %c0_i32_0 : i32, i32
  }
  func.func @transform_13(%arg0: i32) -> (i32, i32) {
    %c0_i32 = arith.constant 0 : i32
    %c0_i32_0 = arith.constant 0 : i32
    %c0_i32_1 = arith.constant 0 : i32
    return %c0_i32, %c0_i32_0 : i32, i32
  }
  func.func @transform_14(%arg0: i32) -> (i32, i32) {
    %c0_i32 = arith.constant 0 : i32
    %c0_i32_0 = arith.constant 0 : i32
    %c0_i32_1 = arith.constant 0 : i32
    return %c0_i32, %c0_i32_0 : i32, i32
  }
}

</mosaic_0001>

<sc_bundles>
// kernel: kernel.10.cloned.1.call-start
scs
__scs_entry_jumppad:
0x0: {  	(pc) =	sbr.rel $0x88, $3  }
0x1: {  	(tag) =	ssettag $0x0;
	lr =	simm.s32 $0x1  }
0x2: {  	[smem:$0x3F97] =	sst lr;
	_ =	strace $0xD0000000  }
0x3: {  	_ = 	snop  }
0x4: {  	_ = 	snop  }
0x5: {  	_ = 	snop  }
0x6: {  	_ = 	snop  }
0x7: {  	_ = 	snop  }
__scs_overlays_trampoline_lowered:
0x8: {  	[smem:$0x3FA6] =	sst s0  }
0x9: {  	[smem:$0x3FA7] =	sst s1  }
0xa: {  	[smem:$0x3FA8] =	sst s2  }
0xb: {  	[smem:$0x3FA9] =	sst s3  }
0xc: {  	[smem:$0x3FAA] =	sst s4  }
0xd: {  	[smem:$0x3FAB] =	sst s5  }
0xe: {  	[smem:$0x3FAC] =	sst s6  }
0xf: {  	[smem:$0x3FAD] =	sst s7  }
0x10: {  	[smem:$0x3FAE] =	sst s8  }
0x11: {  	[smem:$0x3FAF] =	sst s9;
	s0 =	simm.s32 @!p0 $0x0  }
0x12: {  	s1 =	sld [smem:$0x3F95];
	s0 =	simm.s32 @p0 $0x1  }
0x13: {  	[smem:$0x3FB0] =	sst s0;
	s0 =	simm.s32 @!p1 $0x0  }
0x14: {  	s2 =	sld [smem:$0x3F94];
	s0 =	simm.s32 @p1 $0x1  }
0x15: {  	[smem:$0x3FB1] =	sst s0;
	s0 =	simm.s32 @!p2 $0x0  }
0x16: {  	s3 =	sld [smem:$0x3FDB];
	s0 =	simm.s32 @p2 $0x1  }
0x17: {  	s4 =	simm.s32 $0x1BF5;
	[smem:$0x3FB3] =	sst s0  }
0x18: {  	s0 =	sld [smem:$0x3F96];
	_ =	swait.ge [sflag:s4], $0x0  }
0x19: {  	s7 =	sld [smem:$0x3F97]  }
0x1a: {  	s8 =	sadd.s32 $0xFFFFE003, lr  }
0x1b: {  	s9 =	sadd.s32 $0xFFFFFEF7, lr;
	s5 =	simm.s32 $0xFFFFFFFF;
	p2 =	slt.u32 s8, $0xFFFFF086  }
0x1c: {  	p1 =	slt.u32 s9, $0xF7A;
	s5 =	simm.s32 @!p2 $0x0  }
0x1d: {  	s5 =	simm.s32 @p1 $0x1;
	p0 =	seq.s32 s7, s2  }
0x1e: {  	s7 =	smul.u32 @!p0 $0xF7A, s2;
	p2 =	seq.s32 @!p0 s5, $0x0  }
0x1f: {  	s9 =	smul.u32 $0xF7A, s1;
	s8 =	simm.s32 @!p0 $0x1BF5;
	p2 =	por !p2, p0  }
0x20: {  	[sflag:s8] =	ssyncset.s32 @!p0 $0xFFFFF086;
	s6 =	sadd.s32 @!p0 s3, s7;
	s7 =	simm.s32 @!p0 $0x108  }
0x21: {  	s3 =	sadd.s32 s3, s9;
	s6 =	sadd.s32 @!p0 $0x88, s6;
	s7 =	simm.s32 @p2 $0x1082  }
0x22: {  	[simem:s7], [sflag:s8] =	dma.local @!p0 [hbm:s6], $0xF7A  }
0x23: {  	s9 =	sor.u32 $0xD0000000, s2;
	s6 =	simm.s32 $0x108;
	_ =	swait.ge @!p0 [sflag:s8], $0x0  }
0x24: {  	s3 =	sadd.s32 $0x88, s3;
	s6 =	simm.s32 @!p1 $0x1082;
	[sflag:s4] =	ssyncset.s32 $0xFFFFF086  }
0x25: {  	[simem:s6], [sflag:s4] =	dma.local [hbm:s3], $0xF7A  }
0x26: {  	[smem:$0x3F97] =	sst s1;
	(tag) =	ssettag s2;
	_ =	strace s9  }
0x27: {  	s1 =	sld [smem:$0x3FA7]  }
0x28: {  	s2 =	sld [smem:$0x3FA8]  }
0x29: {  	s4 =	sld [smem:$0x3FAA]  }
0x2a: {  	p0 =	seq.s32 s5, $0x0;
	s5 =	sld [smem:$0x3FAB]  }
0x2b: {  	s6 =	sld [smem:$0x3FAC]  }
0x2c: {  	s7 =	sld [smem:$0x3FAD]  }
0x2d: {  	s3 =	simm.s32 $0x108;
	s8 =	sld [smem:$0x3FAE]  }
0x2e: {  	s3 =	simm.s32 @!p0 $0x1082;
	s9 =	sld [smem:$0x3FAF]  }
0x2f: {  	lr =	sadd.s32 s0, s3;
	s0 =	sld [smem:$0x3FA6]  }
0x30: {  	s3 =	sld [smem:$0x3FA9]  }
0x31: {  	[smem:$0x3FB2] =	sst s10  }
0x32: {  	s10 =	sld [smem:$0x3FB0];
	_ =	sdelay $0x3  }
0x33: {  	p0 =	seq.s32 s10, $0x1;
	s10 =	sld [smem:$0x3FB2];
	_ =	sdelay $0x3  }
0x34: {  	[smem:$0x3FB2] =	sst s10  }
0x35: {  	s10 =	sld [smem:$0x3FB1];
	_ =	sdelay $0x3  }
0x36: {  	p1 =	seq.s32 s10, $0x1;
	s10 =	sld [smem:$0x3FB2];
	_ =	sdelay $0x3  }
0x37: {  	[smem:$0x3FB2] =	sst s10  }
0x38: {  	s10 =	sld [smem:$0x3FB3]  }
0x39: {  	_ = 	snop;
	(pc) =	sbr.ind lr, $3  }
0x3a: {  	_ = 	snop  }
0x3b: {  	_ = 	snop  }
0x3c: {  	p2 =	seq.s32 s10, $0x1;
	s10 =	sld [smem:$0x3FB2]  }
0x3d: {  	_ =	shalt  }
0x3e: {  	_ =	shalt  }
0x3f: {  	_ =	shalt  }
0x40: {  	_ =	shalt  }
0x41: {  	_ =	shalt  }
0x42: {  	_ =	shalt  }
0x43: {  	_ =	shalt  }
0x44: {  	_ =	shalt  }
0x45: {  	_ =	shalt  }
0x46: {  	_ =	shalt  }
0x47: {  	_ =	shalt  }
0x48: {  	_ =	shalt  }
0x49: {  	_ =	shalt  }
0x4a: {  	_ =	shalt  }
0x4b: {  	_ =	shalt  }
0x4c: {  	_ =	shalt  }
0x4d: {  	_ =	shalt  }
0x4e: {  	_ =	shalt  }
0x4f: {  	_ =	shalt  }
0x50: {  	_ =	shalt  }
0x51: {  	_ =	shalt  }
0x52: {  	_ =	shalt  }
0x53: {  	_ =	shalt  }
0x54: {  	_ =	shalt  }
0x55: {  	_ =	shalt  }
0x56: {  	_ =	shalt  }
0x57: {  	_ =	shalt  }
0x58: {  	_ =	shalt  }
0x59: {  	_ =	shalt  }
0x5a: {  	_ =	shalt  }
0x5b: {  	_ =	shalt  }
0x5c: {  	_ =	shalt  }
0x5d: {  	_ =	shalt  }
0x5e: {  	_ =	shalt  }
0x5f: {  	_ =	shalt  }
0x60: {  	_ =	shalt  }
0x61: {  	_ =	shalt  }
0x62: {  	_ =	shalt  }
0x63: {  	_ =	shalt  }
0x64: {  	_ =	shalt  }
0x65: {  	_ =	shalt  }
0x66: {  	_ =	shalt  }
0x67: {  	_ =	shalt  }
0x68: {  	_ =	shalt  }
0x69: {  	_ =	shalt  }
0x6a: {  	_ =	shalt  }
0x6b: {  	_ =	shalt  }
0x6c: {  	_ =	shalt  }
0x6d: {  	_ =	shalt  }
0x6e: {  	_ =	shalt  }
0x6f: {  	_ =	shalt  }
0x70: {  	_ =	shalt  }
0x71: {  	_ =	shalt  }
0x72: {  	_ =	shalt  }
0x73: {  	_ =	shalt  }
0x74: {  	_ =	shalt  }
0x75: {  	_ =	shalt  }
0x76: {  	_ =	shalt  }
0x77: {  	_ =	shalt  }
0x78: {  	_ =	shalt  }
0x79: {  	_ =	shalt  }
0x7a: {  	_ =	shalt  }
0x7b: {  	_ =	shalt  }
0x7c: {  	_ =	shalt  }
0x7d: {  	_ =	shalt  }
0x7e: {  	_ =	shalt  }
0x7f: {  	_ =	shalt  }
0x80: {  	_ =	shalt  }
0x81: {  	_ =	shalt  }
0x82: {  	_ =	shalt  }
0x83: {  	_ =	shalt  }
0x84: {  	_ =	shalt  }
0x85: {  	_ =	shalt  }
0x86: {  	_ =	shalt  }
0x87: {  	_ =	shalt  }
.Lfunc_end0:
.L_simem_size_0:
called_computation.1_lowered:
.L_overlay_start_0:
0x88: {  	s2 =	sld [smem:$0x3FD9]  }
0x89: {  	s3 =	sld [smem:$0x3FFE];
	_ =	sdelay $0x1  }
0x8a: {  	s1 =	srdreg.scid  }
0x8b: {  	s0 =	sand.u32 $0x1, s1  }
0x8c: {  	s16 =	sshll.u32 s0, $0xA;
	s2 =	sadd.s32 s3, s2  }
0x8d: {  	s2 =	sadd.s32 s2, s16  }
0x8e: {  	[smem:$0x3FBE] =	sst s2  }
0x8f: {  	_ = 	snop  }
0x90: {  	(tm) =	ssettm $0x1  }
0x91: {  	s17 =	sld [smem:$0x3FFB];
	_ =	sdelay $0x3  }
0x92: {  	_ =	strace s17  }
0x93: {  	s2 =	sld [smem:$0x3FFC];
	_ =	sdelay $0x3  }
0x94: {  	_ =	strace s2  }
0x95: {  	s2 =	sld [smem:$0x3FFD];
	_ =	sdelay $0x3  }
0x96: {  	_ =	strace s2  }
0x97: {  	_ =	strace $0x8FFFFFFF  }
0x98: {  	s18 =	sld [smem:$0x3FDB];
	_ =	sdelay $0x1  }
0x99: {  	s19 =	simm.s32 $_scs_section_size  }
0x9a: {  	s4 =	simm.s32 $_size__tile_overlayer_lowered;
	s5 =	simm.s32 $_tile_overlayer_lowered  }
0x9b: {  	s22 =	simm.s32 $0x1BFF;
	s21 =	sshll.u32 s5, $0x1;
	s2 =	sadd.s32 s19, s18  }
0x9c: {  	s6 =	simm.s32 $0x0;
	s20 =	sshll.u32 s4, $0x1;
	s4 =	sadd.s32 s21, s2  }
0x9d: {  	[timem:s6], [sflag:s22] =	dma.local [hbm:s4], s20  }
0x9e: {  	_ =	swait.ge [sflag:s22], s20  }
0x9f: {  	s3 =	ssub.s32 $0x0, s20;
	[sflag:s22] =	ssyncset.done $0x0  }
0xa0: {  	[sflag:s22] =	ssyncadd.s32 s3;
	_ =	sdelay $0x1  }
0xa1: {  	s23 =	simm.s32 $0x1B8B  }
0xa2: {  	_ =	swait.ge [sflag:s23], $0x1  }
0xa3: {  	[sflag:s23] =	ssyncset.done $0x0  }
0xa4: {  	s25 =	simm.s32 $0x1B8E;
	s24 =	sld [smem:$0x3FFE];
	[sflag:s23] =	ssyncadd.s32 $0xFFFFFFFF  }
0xa5: {  	s26 =	simm.s32 $execute0_lowered;
	[smem:$0x3FD2] =	sst s25  }
0xa6: {  	s4 =	sshll.u32 s26, $0x1;
	_ =	strace $0x80000049;
	[dreg:$0x1] =	wrdreg $0xFFFFFFFF  }
0xa7: {  	s28 =	simm.s32 $_size_execute0_lowered;
	s2 =	sadd.s32 s2, s4;
	[dreg:$0x0] =	wrdreg $0x0  }
0xa8: {  	s4 =	sshll.u32 s28, $0x1;
	[dreg:$0x2] =	wrdreg s2  }
0xa9: {  	[dreg:$0x3] =	wrdreg s4  }
0xaa: {  	[dreg:$0x4] =	wrdreg $0xC0  }
0xab: {  	_ =	task [dreg:s6], $0x5FFFF  }
0xac: {  	[dreg:$0x1] =	wrdreg $0xFFFFFFFF  }
0xad: {  	[dreg:$0x0] =	wrdreg $0x60  }
0xae: {  	[dreg:$0x2] =	wrdreg s24  }
0xaf: {  	[dreg:$0x3] =	wrdreg $0x9  }
0xb0: {  	_ =	task.clear_ibuf [dreg:s6], $0x4FFFF;
	_ =	strace $0x90000049  }
0xb1: {  	s29 =	simm.s32 $0x9;
	_ =	strace $0x8000004B  }
0xb2: {  	_ =	swait.ge [sflag:s29], $0x1  }
0xb3: {  	[sflag:s29] =	ssyncadd.s32 $0xFFFFFFFF  }
0xb4: {  	_ =	strace $0x9000004B  }
0xb5: {  	_ =	sfence  }
0xb6: {  	s30 =	sld [smem:$0x0];
	_ =	sdelay $0x2  }
0xb7: {  	s31 =	sshll.u32 s1, $0xD;
	s1 =	sshrl.u32 s1, $0x2  }
0xb8: {  	s3 =	sand.u32 $0x4000, s31;
	s1 =	sadd.s32 s1, s30  }
0xb9: {  	s0 =	sor.u32 s3, s0;
	s1 =	sshll.u32 s1, $0x11  }
0xba: {  	s0 =	sor.u32 s1, s0  }
0xbb: {  	s0 =	sadd.s32 $0x8F2B, s0  }
0xbc: {  	[sflag:s0] =	ssyncadd.remote.s32 $0x1  }
0xbd: {  	_ =	sfence.sel $0xFFFF  }
0xbe: {  	[dreg:$0x0] =	wrdreg $0xFFFFFFFF;
	(pc) =	sbr.abs _section_cstart, $3  }
0xbf: {  	[dreg:$0x1] =	wrdreg $0xFFFFFFFF  }
0xc0: {  	_ =	task.clear_ibuf [dreg:s6], $0x2FFFF;
	_ =	strace $0x9FFFFFFF  }
0xc1: {  	(tm) =	ssettm $0x7FFFFFFF  }
tec
execute0_lowered:
.L_overlay_start_1:
0x0: {  	(tag) =	ssettag $0x1  }
0x1: {  	s7 =	rddreg [dreg:$0x0]  }
0x2: {  	s0 =	srdreg.scid;
	s1 =	stileid.u32  }
0x3: {  	s2 =	simm.s32 $0x0;
	s18 =	sand.u32 $0x1, s0;
	s1 =	sshll.u32 s1, $0x1  }
0x4: {  	[smem:$0x7FF] =	sst s2;
	s0 =	sadd.s32 $0x82E200, s7;
	s1 =	sor.u32 s18, s1  }
0x5: {  	s9 =	sadd.s32 $0x7ED200, s7;
	s10 =	sadd.s32 $0x7ECA00, s7;
	s13 =	sshll.u32 s1, $0x6  }
0x6: {  	s12 =	sadd.s32 $0x2C00, s7;
	s11 =	sadd.s32 $0x82DA00, s7;
	s3 =	sadd.s32 s0, s13  }
0x7: {  	_ =	strace $0x8000004A;
	s19 =	sadd.s32 s9, s13;
	[dreg:$0x2] =	wrdreg s3  }
0x8: {  	s8 =	sadd.s32 $0x892A00, s7;
	s20 =	sadd.s32 s10, s13;
	[dreg:$0x3] =	wrdreg s19  }
0x9: {  	s14 =	sadd.s32 $0x872A00, s7;
	s21 =	sadd.s32 s12, s13;
	[dreg:$0x4] =	wrdreg s20  }
0xa: {  	s4 =	sshll.u32 s1, $0xD;
	s22 =	sadd.s32 s11, s13;
	[dreg:$0x5] =	wrdreg s21  }
0xb: {  	s24 =	sshll.u32 s1, $0xC;
	s23 =	sadd.s32 s8, s4;
	[dreg:$0x6] =	wrdreg s22  }
0xc: {  	s15 =	sadd.s32 $0x852A00, s7;
	s25 =	sadd.s32 s14, s24;
	[dreg:$0x7] =	wrdreg s23  }
0xd: {  	s16 =	sadd.s32 $0x832A00, s7;
	s26 =	sadd.s32 s15, s24;
	[dreg:$0x8] =	wrdreg s25  }
0xe: {  	s5 =	sadd.s32 s16, s24;
	[dreg:$0x9] =	wrdreg s26  }
0xf: {  	s17 =	sadd.s32 $0x82EA00, s7;
	s19 =	sshll.u32 s1, $0x9;
	[dreg:$0xa] =	wrdreg s5  }
0x10: {  	s20 =	sor.u32 $0x10, s13;
	s6 =	sadd.s32 s17, s19;
	s1 =	rddreg [dreg:$0x2]  }
0x11: {  	s21 =	sadd.s32 s0, s20;
	[dreg:$0xb] =	wrdreg s6  }
0x12: {  	s22 =	sadd.s32 s9, s20;
	[dreg:$0xc] =	wrdreg s21  }
0x13: {  	s23 =	sadd.s32 s10, s20;
	[dreg:$0xd] =	wrdreg s22  }
0x14: {  	p0 =	por $0x0, $0x0;
	s24 =	sadd.s32 s12, s20;
	[dreg:$0xe] =	wrdreg s23  }
0x15: {  	s25 =	sadd.s32 s11, s20;
	s6 =	sor.u32 $0x80, s19;
	[dreg:$0xf] =	wrdreg s24  }
0x16: {  	[dreg:$0x10] =	wrdreg s25;
	s24 =	sor.u32 $0x20, s13;
	s23 =	sadd.s32 s17, s6  }
0x17: {  	s26 =	sshll.u32 s6, $0x4;
	s25 =	sadd.s32 s0, s24;
	[dreg:$0x15] =	wrdreg s23  }
0x18: {  	s20 =	sshll.u32 s6, $0x3;
	s4 =	sadd.s32 s8, s26;
	[dreg:$0x16] =	wrdreg s25  }
0x19: {  	s18 =	ssub.s32 $0x2, s18;
	s5 =	sadd.s32 s14, s20;
	[dreg:$0x11] =	wrdreg s4  }
0x1a: {  	s3 =	sadd.s32 $0x1F7BC00, s7;
	s21 =	sadd.s32 s15, s20;
	[dreg:$0x12] =	wrdreg s5  }
0x1b: {  	s6 =	sadd.s32 $0x7EC800, s7;
	s22 =	sadd.s32 s16, s20;
	[dreg:$0x13] =	wrdreg s21  }
0x1c: {  	s26 =	sadd.s32 s9, s24;
	s23 =	sadd.s32 s11, s24;
	[dreg:$0x14] =	wrdreg s22  }
0x1d: {  	s4 =	sadd.s32 $0x7EA400, s7;
	s5 =	sadd.s32 $0x7EC400, s7;
	[dreg:$0x17] =	wrdreg s26  }
0x1e: {  	s7 =	sadd.s32 $0xF45400, s7;
	s21 =	sadd.s32 s10, s24;
	[dreg:$0x1a] =	wrdreg s23  }
0x1f: {  	s22 =	sadd.s32 s12, s24;
	[dreg:$0x18] =	wrdreg s21;
	s21 =	sor.u32 $0x100, s19  }
0x20: {  	[dreg:$0x19] =	wrdreg s22;
	s22 =	sshrl.u32 s18, $0x1;
	s24 =	sshll.u32 s21, $0x4  }
0x21: {  	s26 =	sshll.u32 s21, $0x3;
	s18 =	ssub.s32 s18, s22;
	s30 =	sadd.s32 s17, s21  }
0x22: {  	s22 =	simm.s32 $0x80;
	s25 =	sadd.s32 s8, s24;
	s23 =	sadd.s32 s14, s26  }
0x23: {  	s24 =	sadd.s32 s15, s26;
	s31 =	sadd.s32 s16, s26;
	[dreg:$0x1b] =	wrdreg s25  }
0x24: {  	s26 =	sor.u32 $0x180, s19;
	s19 =	smax.u32 s18, $0x1;
	[dreg:$0x1c] =	wrdreg s23  }
0x25: {  	s18 =	simm.s32 $0x280;
	[dreg:$0x1d] =	wrdreg s24;
	s25 =	sor.u32 $0x30, s13  }
0x26: {  	s24 =	simm.s32 $0x100;
	p1 =	sne.s32 s19, $0x1;
	s29 =	sadd.s32 s0, s25  }
0x27: {  	s28 =	sadd.s32 s9, s25;
	s23 =	sadd.s32 s10, s25;
	s21 =	sadd.s32 s12, s25  }
0x28: {  	s20 =	sadd.s32 s11, s25;
	s9 =	sshll.u32 s26, $0x4;
	s10 =	sshll.u32 s26, $0x3  }
.Ltmp0:
0x29: {  	s25 =	simm.s32 $0x180;
	s0 =	sadd.s32 $0xFFFFFFFF, s19;
	(pc) =	sbr.rel @!p1 .LBB2_3-.Ltmp0, $4  }
0x2a: {  	s19 =	simm.s32 $0x1;
	s13 =	sadd.s32 s8, s9;
	s12 =	sadd.s32 s14, s10  }
0x2b: {  	s11 =	sadd.s32 s15, s10;
	s10 =	sadd.s32 s16, s10;
	s9 =	sadd.s32 s17, s26  }
0x2c: {  	s8 =	simm.s32 $0x2;
	s26 =	simm.s32 $0x200;
	s17 =	simm.s32 $0x4280  }
0x2d: {  	s16 =	simm.s32 $0x6280;
	s15 =	simm.s32 $0x8280;
	s14 =	simm.s32 $0xA280  }
0x2e: {  	[tilespmem:s2], [sflag:$0x2] =	stream.linear.gather [hbm4b:s1+s2], $0x80, $0x38;
	[tilespmem:$0xA680] =	vst v63  }
0x2f: {  	_ =	swait.ge [sflag:s8], $0x80  }
0x30: {  	[sflag:s8] =	ssyncset.done $0x0  }
0x31: {  	s1 =	rddreg [dreg:$0x3];
	[sflag:s8] =	ssyncadd.s32 $0xFFFFFF80  }
0x32: {  	[tilespmem:s22], [sflag:$0x2] =	stream.linear.gather [hbm4b:s1+s2], $0x80, $0x38;
	[tilespmem:$0xA680] =	vst v63  }
0x33: {  	_ =	swait.ge [sflag:s8], $0x80  }
0x34: {  	[sflag:s8] =	ssyncset.done $0x0  }
0x35: {  	s1 =	rddreg [dreg:$0x4];
	[sflag:s8] =	ssyncadd.s32 $0xFFFFFF80  }
0x36: {  	[tilespmem:s24], [sflag:$0x2] =	stream.linear.gather [hbm4b:s1+s2], $0x80, $0x38;
	[tilespmem:$0xA680] =	vst v63  }
0x37: {  	_ =	swait.ge [sflag:s8], $0x80  }
0x38: {  	[sflag:s8] =	ssyncset.done $0x0  }
0x39: {  	s1 =	rddreg [dreg:$0x5];
	[sflag:s8] =	ssyncadd.s32 $0xFFFFFF80  }
0x3a: {  	[tilespmem:s25], [sflag:$0x2] =	stream.linear.gather [hbm4b:s1+s2], $0x80, $0x38;
	[tilespmem:$0xA680] =	vst v63  }
0x3b: {  	_ =	swait.ge [sflag:s8], $0x80  }
0x3c: {  	[sflag:s8] =	ssyncset.done $0x0  }
0x3d: {  	s1 =	rddreg [dreg:$0x6];
	[sflag:s8] =	ssyncadd.s32 $0xFFFFFF80  }
0x3e: {  	[tilespmem:s26], [sflag:$0x2] =	stream.linear.gather [hbm4b:s1+s2], $0x80, $0x38;
	[tilespmem:$0xA680] =	vst v63  }
0x3f: {  	_ =	swait.ge [sflag:s8], $0x80  }
0x40: {  	[sflag:s8] =	ssyncset.done $0x0  }
0x41: {  	[sflag:s8] =	ssyncadd.s32 $0xFFFFFF80  }
0x42: {  	[tilespmem:s18], [sflag:$0x1] =	stream.indirect.gather [hbm4b:s3+s22], $0x80, s2, s22, $0xb8;
	[tilespmem:$0xA680] =	vst v63  }
0x43: {  	_ = 	snop  }
0x44: {  	[tilespmem:s17], [sflag:$0x1] =	stream.indirect.gather [hbm4b:s4+s22], $0x40, s22, s22, $0xb8;
	[tilespmem:$0xA680] =	vst v63  }
0x45: {  	_ = 	snop  }
0x46: {  	[tilespmem:s16], [sflag:$0x1] =	stream.indirect.gather [hbm4b:s5+s22], $0x40, s24, s22, $0xb8;
	[tilespmem:$0xA680] =	vst v63  }
0x47: {  	_ = 	snop  }
0x48: {  	[tilespmem:s15], [sflag:$0x1] =	stream.indirect.gather [hbm4b:s6+s22], $0x40, s25, s22, $0xb8;
	[tilespmem:$0xA680] =	vst v63  }
0x49: {  	_ = 	snop  }
0x4a: {  	[tilespmem:s14], [sflag:$0x1] =	stream.indirect.gather [hbm4b:s7+s22], $0x8, s26, s22, $0xb8;
	[tilespmem:$0xA680] =	vst v63  }
0x4b: {  	_ =	swait.ge [sflag:s19], $0x4000  }
0x4c: {  	[sflag:s19] =	ssyncset.done $0x0  }
0x4d: {  	[sflag:s19] =	ssyncadd.s32 $0xFFFFC000  }
0x4e: {  	_ =	swait.ge [sflag:s19], $0x2000  }
0x4f: {  	[sflag:s19] =	ssyncset.done $0x0  }
0x50: {  	[sflag:s19] =	ssyncadd.s32 $0xFFFFE000  }
0x51: {  	_ =	swait.ge [sflag:s19], $0x2000  }
0x52: {  	[sflag:s19] =	ssyncset.done $0x0  }
0x53: {  	[sflag:s19] =	ssyncadd.s32 $0xFFFFE000  }
0x54: {  	_ =	swait.ge [sflag:s19], $0x2000  }
0x55: {  	[sflag:s19] =	ssyncset.done $0x0  }
0x56: {  	[sflag:s19] =	ssyncadd.s32 $0xFFFFE000  }
0x57: {  	_ =	swait.ge [sflag:s19], $0x400  }
0x58: {  	[sflag:s19] =	ssyncset.done $0x0  }
0x59: {  	s1 =	rddreg [dreg:$0x7];
	[sflag:s19] =	ssyncadd.s32 $0xFFFFFC00  }
0x5a: {  	[hbm4b:s1+s2] =	stream.linear.scatter [tilespmem:s18], [sflag:$0x2], $0x4000, $0x38;
	[tilespmem:$0xA680] =	vst v63  }
0x5b: {  	_ =	swait.ge [sflag:s8], $0x4000  }
0x5c: {  	[sflag:s8] =	ssyncset.done $0x0  }
0x5d: {  	s1 =	rddreg [dreg:$0x8];
	[sflag:s8] =	ssyncadd.s32 $0xFFFFC000  }
0x5e: {  	[hbm4b:s1+s2] =	stream.linear.scatter [tilespmem:s17], [sflag:$0x2], $0x2000, $0x38;
	[tilespmem:$0xA680] =	vst v63  }
0x5f: {  	_ =	swait.ge [sflag:s8], $0x2000  }
0x60: {  	[sflag:s8] =	ssyncset.done $0x0  }
0x61: {  	s1 =	rddreg [dreg:$0x9];
	[sflag:s8] =	ssyncadd.s32 $0xFFFFE000  }
0x62: {  	[hbm4b:s1+s2] =	stream.linear.scatter [tilespmem:s16], [sflag:$0x2], $0x2000, $0x38;
	[tilespmem:$0xA680] =	vst v63  }
0x63: {  	_ =	swait.ge [sflag:s8], $0x2000  }
0x64: {  	[sflag:s8] =	ssyncset.done $0x0  }
0x65: {  	s1 =	rddreg [dreg:$0xa];
	[sflag:s8] =	ssyncadd.s32 $0xFFFFE000  }
0x66: {  	[hbm4b:s1+s2] =	stream.linear.scatter [tilespmem:s15], [sflag:$0x2], $0x2000, $0x38;
	[tilespmem:$0xA680] =	vst v63  }
0x67: {  	_ =	swait.ge [sflag:s8], $0x2000  }
0x68: {  	[sflag:s8] =	ssyncset.done $0x0  }
0x69: {  	s1 =	rddreg [dreg:$0xb];
	[sflag:s8] =	ssyncadd.s32 $0xFFFFE000  }
0x6a: {  	[hbm4b:s1+s2] =	stream.linear.scatter [tilespmem:s14], [sflag:$0x2], $0x400, $0x38;
	[tilespmem:$0xA680] =	vst v63  }
0x6b: {  	_ =	swait.ge [sflag:s8], $0x400  }
0x6c: {  	[sflag:s8] =	ssyncset.done $0x0  }
0x6d: {  	s1 =	rddreg [dreg:$0xc];
	[sflag:s8] =	ssyncadd.s32 $0xFFFFFC00  }
0x6e: {  	[tilespmem:s2], [sflag:$0x2] =	stream.linear.gather [hbm4b:s1+s2], $0x80, $0x38;
	[tilespmem:$0xA680] =	vst v63  }
0x6f: {  	_ =	swait.ge [sflag:s8], $0x80  }
0x70: {  	[sflag:s8] =	ssyncset.done $0x0  }
0x71: {  	s1 =	rddreg [dreg:$0xd];
	[sflag:s8] =	ssyncadd.s32 $0xFFFFFF80  }
0x72: {  	[tilespmem:s22], [sflag:$0x2] =	stream.linear.gather [hbm4b:s1+s2], $0x80, $0x38;
	[tilespmem:$0xA680] =	vst v63  }
0x73: {  	_ =	swait.ge [sflag:s8], $0x80  }
0x74: {  	[sflag:s8] =	ssyncset.done $0x0  }
0x75: {  	s1 =	rddreg [dreg:$0xe];
	[sflag:s8] =	ssyncadd.s32 $0xFFFFFF80  }
0x76: {  	[tilespmem:s24], [sflag:$0x2] =	stream.linear.gather [hbm4b:s1+s2], $0x80, $0x38;
	[tilespmem:$0xA680] =	vst v63  }
0x77: {  	_ =	swait.ge [sflag:s8], $0x80  }
0x78: {  	[sflag:s8] =	ssyncset.done $0x0  }
0x79: {  	s1 =	rddreg [dreg:$0xf];
	[sflag:s8] =	ssyncadd.s32 $0xFFFFFF80  }
0x7a: {  	[tilespmem:s25], [sflag:$0x2] =	stream.linear.gather [hbm4b:s1+s2], $0x80, $0x38;
	[tilespmem:$0xA680] =	vst v63  }
0x7b: {  	_ =	swait.ge [sflag:s8], $0x80  }
0x7c: {  	[sflag:s8] =	ssyncset.done $0x0  }
0x7d: {  	s1 =	rddreg [dreg:$0x10];
	[sflag:s8] =	ssyncadd.s32 $0xFFFFFF80  }
0x7e: {  	[tilespmem:s26], [sflag:$0x2] =	stream.linear.gather [hbm4b:s1+s2], $0x80, $0x38;
	[tilespmem:$0xA680] =	vst v63  }
0x7f: {  	_ =	swait.ge [sflag:s8], $0x80  }
0x80: {  	[sflag:s8] =	ssyncset.done $0x0  }
0x81: {  	[sflag:s8] =	ssyncadd.s32 $0xFFFFFF80  }
0x82: {  	[tilespmem:s18], [sflag:$0x1] =	stream.indirect.gather [hbm4b:s3+s22], $0x80, s2, s22, $0xb8;
	[tilespmem:$0xA680] =	vst v63  }
0x83: {  	_ = 	snop  }
0x84: {  	[tilespmem:s17], [sflag:$0x1] =	stream.indirect.gather [hbm4b:s4+s22], $0x40, s22, s22, $0xb8;
	[tilespmem:$0xA680] =	vst v63  }
0x85: {  	_ = 	snop  }
0x86: {  	[tilespmem:s16], [sflag:$0x1] =	stream.indirect.gather [hbm4b:s5+s22], $0x40, s24, s22, $0xb8;
	[tilespmem:$0xA680] =	vst v63  }
0x87: {  	_ = 	snop  }
0x88: {  	[tilespmem:s15], [sflag:$0x1] =	stream.indirect.gather [hbm4b:s6+s22], $0x40, s25, s22, $0xb8;
	[tilespmem:$0xA680] =	vst v63  }
0x89: {  	_ = 	snop  }
0x8a: {  	[tilespmem:s14], [sflag:$0x1] =	stream.indirect.gather [hbm4b:s7+s22], $0x8, s26, s22, $0xb8;
	[tilespmem:$0xA680] =	vst v63  }
0x8b: {  	_ =	swait.ge [sflag:s19], $0x4000  }
0x8c: {  	[sflag:s19] =	ssyncset.done $0x0  }
0x8d: {  	[sflag:s19] =	ssyncadd.s32 $0xFFFFC000  }
0x8e: {  	_ =	swait.ge [sflag:s19], $0x2000  }
0x8f: {  	[sflag:s19] =	ssyncset.done $0x0  }
0x90: {  	[sflag:s19] =	ssyncadd.s32 $0xFFFFE000  }
0x91: {  	_ =	swait.ge [sflag:s19], $0x2000  }
0x92: {  	[sflag:s19] =	ssyncset.done $0x0  }
0x93: {  	[sflag:s19] =	ssyncadd.s32 $0xFFFFE000  }
0x94: {  	_ =	swait.ge [sflag:s19], $0x2000  }
0x95: {  	[sflag:s19] =	ssyncset.done $0x0  }
0x96: {  	[sflag:s19] =	ssyncadd.s32 $0xFFFFE000  }
0x97: {  	_ =	swait.ge [sflag:s19], $0x400  }
0x98: {  	[sflag:s19] =	ssyncset.done $0x0  }
0x99: {  	s1 =	rddreg [dreg:$0x11];
	[sflag:s19] =	ssyncadd.s32 $0xFFFFFC00  }
0x9a: {  	[hbm4b:s1+s2] =	stream.linear.scatter [tilespmem:s18], [sflag:$0x2], $0x4000, $0x38;
	[tilespmem:$0xA680] =	vst v63  }
0x9b: {  	_ =	swait.ge [sflag:s8], $0x4000  }
0x9c: {  	[sflag:s8] =	ssyncset.done $0x0  }
0x9d: {  	s1 =	rddreg [dreg:$0x12];
	[sflag:s8] =	ssyncadd.s32 $0xFFFFC000  }
0x9e: {  	[hbm4b:s1+s2] =	stream.linear.scatter [tilespmem:s17], [sflag:$0x2], $0x2000, $0x38;
	[tilespmem:$0xA680] =	vst v63  }
0x9f: {  	_ =	swait.ge [sflag:s8], $0x2000  }
0xa0: {  	[sflag:s8] =	ssyncset.done $0x0  }
0xa1: {  	s1 =	rddreg [dreg:$0x13];
	[sflag:s8] =	ssyncadd.s32 $0xFFFFE000  }
0xa2: {  	[hbm4b:s1+s2] =	stream.linear.scatter [tilespmem:s16], [sflag:$0x2], $0x2000, $0x38;
	[tilespmem:$0xA680] =	vst v63  }
0xa3: {  	_ =	swait.ge [sflag:s8], $0x2000  }
0xa4: {  	[sflag:s8] =	ssyncset.done $0x0  }
0xa5: {  	s1 =	rddreg [dreg:$0x14];
	[sflag:s8] =	ssyncadd.s32 $0xFFFFE000  }
0xa6: {  	[hbm4b:s1+s2] =	stream.linear.scatter [tilespmem:s15], [sflag:$0x2], $0x2000, $0x38;
	[tilespmem:$0xA680] =	vst v63  }
0xa7: {  	_ =	swait.ge [sflag:s8], $0x2000  }
0xa8: {  	[sflag:s8] =	ssyncset.done $0x0  }
0xa9: {  	s1 =	rddreg [dreg:$0x15];
	[sflag:s8] =	ssyncadd.s32 $0xFFFFE000  }
0xaa: {  	[hbm4b:s1+s2] =	stream.linear.scatter [tilespmem:s14], [sflag:$0x2], $0x400, $0x38;
	[tilespmem:$0xA680] =	vst v63  }
0xab: {  	_ =	swait.ge [sflag:s8], $0x400  }
0xac: {  	[sflag:s8] =	ssyncset.done $0x0  }
0xad: {  	s1 =	rddreg [dreg:$0x16];
	[sflag:s8] =	ssyncadd.s32 $0xFFFFFC00  }
0xae: {  	[tilespmem:s2], [sflag:$0x2] =	stream.linear.gather [hbm4b:s1+s2], $0x80, $0x38;
	[tilespmem:$0xA680] =	vst v63  }
0xaf: {  	_ =	swait.ge [sflag:s8], $0x80  }
0xb0: {  	[sflag:s8] =	ssyncset.done $0x0  }
0xb1: {  	s1 =	rddreg [dreg:$0x17];
	[sflag:s8] =	ssyncadd.s32 $0xFFFFFF80  }
0xb2: {  	[tilespmem:s22], [sflag:$0x2] =	stream.linear.gather [hbm4b:s1+s2], $0x80, $0x38;
	[tilespmem:$0xA680] =	vst v63  }
0xb3: {  	_ =	swait.ge [sflag:s8], $0x80  }
0xb4: {  	[sflag:s8] =	ssyncset.done $0x0  }
0xb5: {  	s1 =	rddreg [dreg:$0x18];
	[sflag:s8] =	ssyncadd.s32 $0xFFFFFF80  }
0xb6: {  	[tilespmem:s24], [sflag:$0x2] =	stream.linear.gather [hbm4b:s1+s2], $0x80, $0x38;
	[tilespmem:$0xA680] =	vst v63  }
0xb7: {  	_ =	swait.ge [sflag:s8], $0x80  }
0xb8: {  	[sflag:s8] =	ssyncset.done $0x0  }
0xb9: {  	s1 =	rddreg [dreg:$0x19];
	[sflag:s8] =	ssyncadd.s32 $0xFFFFFF80  }
0xba: {  	[tilespmem:s25], [sflag:$0x2] =	stream.linear.gather [hbm4b:s1+s2], $0x80, $0x38;
	[tilespmem:$0xA680] =	vst v63  }
0xbb: {  	_ =	swait.ge [sflag:s8], $0x80  }
0xbc: {  	[sflag:s8] =	ssyncset.done $0x0  }
0xbd: {  	s1 =	rddreg [dreg:$0x1a];
	[sflag:s8] =	ssyncadd.s32 $0xFFFFFF80  }
0xbe: {  	[tilespmem:s26], [sflag:$0x2] =	stream.linear.gather [hbm4b:s1+s2], $0x80, $0x38;
	[tilespmem:$0xA680] =	vst v63  }
0xbf: {  	_ =	swait.ge [sflag:s8], $0x80  }
0xc0: {  	[sflag:s8] =	ssyncset.done $0x0  }
0xc1: {  	[sflag:s8] =	ssyncadd.s32 $0xFFFFFF80  }
0xc2: {  	[tilespmem:s18], [sflag:$0x1] =	stream.indirect.gather [hbm4b:s3+s22], $0x80, s2, s22, $0xb8;
	[tilespmem:$0xA680] =	vst v63  }
0xc3: {  	_ = 	snop  }
0xc4: {  	[tilespmem:s17], [sflag:$0x1] =	stream.indirect.gather [hbm4b:s4+s22], $0x40, s22, s22, $0xb8;
	[tilespmem:$0xA680] =	vst v63  }
0xc5: {  	_ = 	snop  }
0xc6: {  	[tilespmem:s16], [sflag:$0x1] =	stream.indirect.gather [hbm4b:s5+s22], $0x40, s24, s22, $0xb8;
	[tilespmem:$0xA680] =	vst v63  }
0xc7: {  	_ = 	snop  }
0xc8: {  	[tilespmem:s15], [sflag:$0x1] =	stream.indirect.gather [hbm4b:s6+s22], $0x40, s25, s22, $0xb8;
	[tilespmem:$0xA680] =	vst v63  }
0xc9: {  	_ = 	snop  }
0xca: {  	[tilespmem:s14], [sflag:$0x1] =	stream.indirect.gather [hbm4b:s7+s22], $0x8, s26, s22, $0xb8;
	[tilespmem:$0xA680] =	vst v63  }
0xcb: {  	_ =	swait.ge [sflag:s19], $0x4000  }
0xcc: {  	[sflag:s19] =	ssyncset.done $0x0  }
0xcd: {  	[sflag:s19] =	ssyncadd.s32 $0xFFFFC000  }
0xce: {  	_ =	swait.ge [sflag:s19], $0x2000  }
0xcf: {  	[sflag:s19] =	ssyncset.done $0x0  }
0xd0: {  	[sflag:s19] =	ssyncadd.s32 $0xFFFFE000  }
0xd1: {  	_ =	swait.ge [sflag:s19], $0x2000  }
0xd2: {  	[sflag:s19] =	ssyncset.done $0x0  }
0xd3: {  	[sflag:s19] =	ssyncadd.s32 $0xFFFFE000  }
0xd4: {  	_ =	swait.ge [sflag:s19], $0x2000  }
0xd5: {  	[sflag:s19] =	ssyncset.done $0x0  }
0xd6: {  	[sflag:s19] =	ssyncadd.s32 $0xFFFFE000  }
0xd7: {  	_ =	swait.ge [sflag:s19], $0x400  }
0xd8: {  	[sflag:s19] =	ssyncset.done $0x0  }
0xd9: {  	s1 =	rddreg [dreg:$0x1b];
	[sflag:s19] =	ssyncadd.s32 $0xFFFFFC00  }
0xda: {  	[hbm4b:s1+s2] =	stream.linear.scatter [tilespmem:s18], [sflag:$0x2], $0x4000, $0x38;
	[tilespmem:$0xA680] =	vst v63  }
0xdb: {  	_ =	swait.ge [sflag:s8], $0x4000  }
0xdc: {  	[sflag:s8] =	ssyncset.done $0x0  }
0xdd: {  	s1 =	rddreg [dreg:$0x1c];
	[sflag:s8] =	ssyncadd.s32 $0xFFFFC000  }
0xde: {  	[hbm4b:s1+s2] =	stream.linear.scatter [tilespmem:s17], [sflag:$0x2], $0x2000, $0x38;
	[tilespmem:$0xA680] =	vst v63  }
0xdf: {  	_ =	swait.ge [sflag:s8], $0x2000  }
0xe0: {  	[sflag:s8] =	ssyncset.done $0x0  }
0xe1: {  	s1 =	rddreg [dreg:$0x1d];
	[sflag:s8] =	ssyncadd.s32 $0xFFFFE000  }
0xe2: {  	[hbm4b:s1+s2] =	stream.linear.scatter [tilespmem:s16], [sflag:$0x2], $0x2000, $0x38;
	[tilespmem:$0xA680] =	vst v63  }
0xe3: {  	_ =	swait.ge [sflag:s8], $0x2000  }
0xe4: {  	[sflag:s8] =	ssyncset.done $0x0  }
0xe5: {  	[sflag:s8] =	ssyncadd.s32 $0xFFFFE000  }
0xe6: {  	[hbm4b:s31+s2] =	stream.linear.scatter [tilespmem:s15], [sflag:$0x2], $0x2000, $0x38;
	[tilespmem:$0xA680] =	vst v63  }
0xe7: {  	_ =	swait.ge [sflag:s8], $0x2000  }
0xe8: {  	[sflag:s8] =	ssyncset.done $0x0  }
0xe9: {  	[sflag:s8] =	ssyncadd.s32 $0xFFFFE000  }
0xea: {  	[hbm4b:s30+s2] =	stream.linear.scatter [tilespmem:s14], [sflag:$0x2], $0x400, $0x38;
	[tilespmem:$0xA680] =	vst v63  }
0xeb: {  	_ =	swait.ge [sflag:s8], $0x400  }
0xec: {  	[sflag:s8] =	ssyncset.done $0x0  }
0xed: {  	[sflag:s8] =	ssyncadd.s32 $0xFFFFFC00  }
0xee: {  	[tilespmem:s2], [sflag:$0x2] =	stream.linear.gather [hbm4b:s29+s2], $0x80, $0x38;
	[tilespmem:$0xA680] =	vst v63  }
0xef: {  	_ =	swait.ge [sflag:s8], $0x80  }
0xf0: {  	[sflag:s8] =	ssyncset.done $0x0  }
0xf1: {  	[sflag:s8] =	ssyncadd.s32 $0xFFFFFF80  }
0xf2: {  	[tilespmem:s22], [sflag:$0x2] =	stream.linear.gather [hbm4b:s28+s2], $0x80, $0x38;
	[tilespmem:$0xA680] =	vst v63  }
0xf3: {  	_ =	swait.ge [sflag:s8], $0x80  }
0xf4: {  	[sflag:s8] =	ssyncset.done $0x0  }
0xf5: {  	[sflag:s8] =	ssyncadd.s32 $0xFFFFFF80  }
0xf6: {  	[tilespmem:s24], [sflag:$0x2] =	stream.linear.gather [hbm4b:s23+s2], $0x80, $0x38;
	[tilespmem:$0xA680] =	vst v63  }
0xf7: {  	_ =	swait.ge [sflag:s8], $0x80  }
0xf8: {  	[sflag:s8] =	ssyncset.done $0x0  }
0xf9: {  	[sflag:s8] =	ssyncadd.s32 $0xFFFFFF80  }
0xfa: {  	[tilespmem:s25], [sflag:$0x2] =	stream.linear.gather [hbm4b:s21+s2], $0x80, $0x38;
	[tilespmem:$0xA680] =	vst v63  }
0xfb: {  	_ =	swait.ge [sflag:s8], $0x80  }
0xfc: {  	[sflag:s8] =	ssyncset.done $0x0  }
0xfd: {  	[sflag:s8] =	ssyncadd.s32 $0xFFFFFF80  }
0xfe: {  	[tilespmem:s26], [sflag:$0x2] =	stream.linear.gather [hbm4b:s20+s2], $0x80, $0x38;
	[tilespmem:$0xA680] =	vst v63  }
0xff: {  	_ =	swait.ge [sflag:s8], $0x80  }
0x100: {  	[sflag:s8] =	ssyncset.done $0x0  }
0x101: {  	[sflag:s8] =	ssyncadd.s32 $0xFFFFFF80  }
0x102: {  	[tilespmem:s18], [sflag:$0x1] =	stream.indirect.gather [hbm4b:s3+s22], $0x80, s2, s22, $0xb8;
	[tilespmem:$0xA680] =	vst v63  }
0x103: {  	_ = 	snop  }
0x104: {  	[tilespmem:s17], [sflag:$0x1] =	stream.indirect.gather [hbm4b:s4+s22], $0x40, s22, s22, $0xb8;
	[tilespmem:$0xA680] =	vst v63  }
0x105: {  	_ = 	snop  }
0x106: {  	[tilespmem:s16], [sflag:$0x1] =	stream.indirect.gather [hbm4b:s5+s22], $0x40, s24, s22, $0xb8;
	[tilespmem:$0xA680] =	vst v63  }
0x107: {  	_ = 	snop  }
0x108: {  	[tilespmem:s15], [sflag:$0x1] =	stream.indirect.gather [hbm4b:s6+s22], $0x40, s25, s22, $0xb8;
	[tilespmem:$0xA680] =	vst v63  }
0x109: {  	_ = 	snop  }
0x10a: {  	[tilespmem:s14], [sflag:$0x1] =	stream.indirect.gather [hbm4b:s7+s22], $0x8, s26, s22, $0xb8;
	[tilespmem:$0xA680] =	vst v63  }
0x10b: {  	_ =	swait.ge [sflag:s19], $0x4000  }
0x10c: {  	[sflag:s19] =	ssyncset.done $0x0  }
0x10d: {  	[sflag:s19] =	ssyncadd.s32 $0xFFFFC000  }
0x10e: {  	_ =	swait.ge [sflag:s19], $0x2000  }
0x10f: {  	[sflag:s19] =	ssyncset.done $0x0  }
0x110: {  	[sflag:s19] =	ssyncadd.s32 $0xFFFFE000  }
0x111: {  	_ =	swait.ge [sflag:s19], $0x2000  }
0x112: {  	[sflag:s19] =	ssyncset.done $0x0  }
0x113: {  	[sflag:s19] =	ssyncadd.s32 $0xFFFFE000  }
0x114: {  	_ =	swait.ge [sflag:s19], $0x2000  }
0x115: {  	[sflag:s19] =	ssyncset.done $0x0  }
0x116: {  	[sflag:s19] =	ssyncadd.s32 $0xFFFFE000  }
0x117: {  	_ =	swait.ge [sflag:s19], $0x400  }
0x118: {  	[sflag:s19] =	ssyncset.done $0x0  }
0x119: {  	[sflag:s19] =	ssyncadd.s32 $0xFFFFFC00  }
0x11a: {  	[hbm4b:s13+s2] =	stream.linear.scatter [tilespmem:s18], [sflag:$0x2], $0x4000, $0x38;
	[tilespmem:$0xA680] =	vst v63  }
0x11b: {  	_ =	swait.ge [sflag:s8], $0x4000  }
0x11c: {  	[sflag:s8] =	ssyncset.done $0x0  }
0x11d: {  	[sflag:s8] =	ssyncadd.s32 $0xFFFFC000  }
0x11e: {  	[hbm4b:s12+s2] =	stream.linear.scatter [tilespmem:s17], [sflag:$0x2], $0x2000, $0x38;
	[tilespmem:$0xA680] =	vst v63  }
0x11f: {  	_ =	swait.ge [sflag:s8], $0x2000  }
0x120: {  	[sflag:s8] =	ssyncset.done $0x0  }
0x121: {  	[sflag:s8] =	ssyncadd.s32 $0xFFFFE000  }
0x122: {  	[hbm4b:s11+s2] =	stream.linear.scatter [tilespmem:s16], [sflag:$0x2], $0x2000, $0x38;
	[tilespmem:$0xA680] =	vst v63  }
0x123: {  	_ =	swait.ge [sflag:s8], $0x2000  }
0x124: {  	[sflag:s8] =	ssyncset.done $0x0  }
0x125: {  	[sflag:s8] =	ssyncadd.s32 $0xFFFFE000  }
0x126: {  	[hbm4b:s10+s2] =	stream.linear.scatter [tilespmem:s15], [sflag:$0x2], $0x2000, $0x38;
	[tilespmem:$0xA680] =	vst v63  }
0x127: {  	p1 =	sne.s32 s0, $0x1;
	_ =	swait.ge [sflag:s8], $0x2000  }
.Ltmp1:
0x128: {  	[sflag:s8] =	ssyncset.done $0x0;
	(pc) =	sbr.rel @!p1 .LBB2_3-.Ltmp1, $4  }
0x129: {  	[sflag:s8] =	ssyncadd.s32 $0xFFFFE000  }
0x12a: {  	[hbm4b:s9+s2] =	stream.linear.scatter [tilespmem:s14], [sflag:$0x2], $0x400, $0x38;
	[tilespmem:$0xA680] =	vst v63  }
0x12b: {  	s0 =	sadd.s32 $0xFFFFFFFF, s0;
	_ =	swait.ge [sflag:s8], $0x400  }
0x12c: {  	p0 =	por $0x1, $0x1;
	s1 =	rddreg [dreg:$0x2];
	[sflag:s8] =	ssyncset.done $0x0  }
.LBB2_2:
0x12d: {  	[sflag:s8] =	ssyncadd.s32 $0xFFFFFC00  }
0x12e: {  	[tilespmem:s2], [sflag:$0x2] =	stream.linear.gather [hbm4b:s1+s2], $0x80, $0x38;
	[tilespmem:$0xA680] =	vst v63  }
0x12f: {  	_ =	swait.ge [sflag:s8], $0x80  }
0x130: {  	[sflag:s8] =	ssyncset.done $0x0  }
0x131: {  	s1 =	rddreg [dreg:$0x3];
	[sflag:s8] =	ssyncadd.s32 $0xFFFFFF80  }
0x132: {  	[tilespmem:s22], [sflag:$0x2] =	stream.linear.gather [hbm4b:s1+s2], $0x80, $0x38;
	[tilespmem:$0xA680] =	vst v63  }
0x133: {  	_ =	swait.ge [sflag:s8], $0x80  }
0x134: {  	[sflag:s8] =	ssyncset.done $0x0  }
0x135: {  	s1 =	rddreg [dreg:$0x4];
	[sflag:s8] =	ssyncadd.s32 $0xFFFFFF80  }
0x136: {  	[tilespmem:s24], [sflag:$0x2] =	stream.linear.gather [hbm4b:s1+s2], $0x80, $0x38;
	[tilespmem:$0xA680] =	vst v63  }
0x137: {  	_ =	swait.ge [sflag:s8], $0x80  }
0x138: {  	[sflag:s8] =	ssyncset.done $0x0  }
0x139: {  	s1 =	rddreg [dreg:$0x5];
	[sflag:s8] =	ssyncadd.s32 $0xFFFFFF80  }
0x13a: {  	[tilespmem:s25], [sflag:$0x2] =	stream.linear.gather [hbm4b:s1+s2], $0x80, $0x38;
	[tilespmem:$0xA680] =	vst v63  }
0x13b: {  	_ =	swait.ge [sflag:s8], $0x80  }
0x13c: {  	[sflag:s8] =	ssyncset.done $0x0  }
0x13d: {  	s1 =	rddreg [dreg:$0x6];
	[sflag:s8] =	ssyncadd.s32 $0xFFFFFF80  }
0x13e: {  	[tilespmem:s26], [sflag:$0x2] =	stream.linear.gather [hbm4b:s1+s2], $0x80, $0x38;
	[tilespmem:$0xA680] =	vst v63  }
0x13f: {  	_ =	swait.ge [sflag:s8], $0x80  }
0x140: {  	[sflag:s8] =	ssyncset.done $0x0  }
0x141: {  	[sflag:s8] =	ssyncadd.s32 $0xFFFFFF80  }
0x142: {  	[tilespmem:s18], [sflag:$0x1] =	stream.indirect.gather [hbm4b:s3+s22], $0x80, s2, s22, $0xb8;
	[tilespmem:$0xA680] =	vst v63  }
0x143: {  	_ = 	snop  }
0x144: {  	[tilespmem:s17], [sflag:$0x1] =	stream.indirect.gather [hbm4b:s4+s22], $0x40, s22, s22, $0xb8;
	[tilespmem:$0xA680] =	vst v63  }
0x145: {  	_ = 	snop  }
0x146: {  	[tilespmem:s16], [sflag:$0x1] =	stream.indirect.gather [hbm4b:s5+s22], $0x40, s24, s22, $0xb8;
	[tilespmem:$0xA680] =	vst v63  }
0x147: {  	_ = 	snop  }
0x148: {  	[tilespmem:s15], [sflag:$0x1] =	stream.indirect.gather [hbm4b:s6+s22], $0x40, s25, s22, $0xb8;
	[tilespmem:$0xA680] =	vst v63  }
0x149: {  	_ = 	snop  }
0x14a: {  	[tilespmem:s14], [sflag:$0x1] =	stream.indirect.gather [hbm4b:s7+s22], $0x8, s26, s22, $0xb8;
	[tilespmem:$0xA680] =	vst v63  }
0x14b: {  	_ =	swait.ge [sflag:s19], $0x4000  }
0x14c: {  	[sflag:s19] =	ssyncset.done $0x0  }
0x14d: {  	[sflag:s19] =	ssyncadd.s32 $0xFFFFC000  }
0x14e: {  	_ =	swait.ge [sflag:s19], $0x2000  }
0x14f: {  	[sflag:s19] =	ssyncset.done $0x0  }
0x150: {  	[sflag:s19] =	ssyncadd.s32 $0xFFFFE000  }
0x151: {  	_ =	swait.ge [sflag:s19], $0x2000  }
0x152: {  	[sflag:s19] =	ssyncset.done $0x0  }
0x153: {  	[sflag:s19] =	ssyncadd.s32 $0xFFFFE000  }
0x154: {  	_ =	swait.ge [sflag:s19], $0x2000  }
0x155: {  	[sflag:s19] =	ssyncset.done $0x0  }
0x156: {  	[sflag:s19] =	ssyncadd.s32 $0xFFFFE000  }
0x157: {  	_ =	swait.ge [sflag:s19], $0x400  }
0x158: {  	[sflag:s19] =	ssyncset.done $0x0  }
0x159: {  	s1 =	rddreg [dreg:$0x7];
	[sflag:s19] =	ssyncadd.s32 $0xFFFFFC00  }
0x15a: {  	[hbm4b:s1+s2] =	stream.linear.scatter [tilespmem:s18], [sflag:$0x2], $0x4000, $0x38;
	[tilespmem:$0xA680] =	vst v63  }
0x15b: {  	_ =	swait.ge [sflag:s8], $0x4000  }
0x15c: {  	[sflag:s8] =	ssyncset.done $0x0  }
0x15d: {  	s1 =	rddreg [dreg:$0x8];
	[sflag:s8] =	ssyncadd.s32 $0xFFFFC000  }
0x15e: {  	[hbm4b:s1+s2] =	stream.linear.scatter [tilespmem:s17], [sflag:$0x2], $0x2000, $0x38;
	[tilespmem:$0xA680] =	vst v63  }
0x15f: {  	_ =	swait.ge [sflag:s8], $0x2000  }
0x160: {  	[sflag:s8] =	ssyncset.done $0x0  }
0x161: {  	s1 =	rddreg [dreg:$0x9];
	[sflag:s8] =	ssyncadd.s32 $0xFFFFE000  }
0x162: {  	[hbm4b:s1+s2] =	stream.linear.scatter [tilespmem:s16], [sflag:$0x2], $0x2000, $0x38;
	[tilespmem:$0xA680] =	vst v63  }
0x163: {  	_ =	swait.ge [sflag:s8], $0x2000  }
0x164: {  	[sflag:s8] =	ssyncset.done $0x0  }
0x165: {  	s1 =	rddreg [dreg:$0xa];
	[sflag:s8] =	ssyncadd.s32 $0xFFFFE000  }
0x166: {  	[hbm4b:s1+s2] =	stream.linear.scatter [tilespmem:s15], [sflag:$0x2], $0x2000, $0x38;
	[tilespmem:$0xA680] =	vst v63  }
0x167: {  	_ =	swait.ge [sflag:s8], $0x2000  }
0x168: {  	[sflag:s8] =	ssyncset.done $0x0  }
0x169: {  	s1 =	rddreg [dreg:$0xb];
	[sflag:s8] =	ssyncadd.s32 $0xFFFFE000  }
0x16a: {  	[hbm4b:s1+s2] =	stream.linear.scatter [tilespmem:s14], [sflag:$0x2], $0x400, $0x38;
	[tilespmem:$0xA680] =	vst v63  }
0x16b: {  	_ =	swait.ge [sflag:s8], $0x400  }
0x16c: {  	[sflag:s8] =	ssyncset.done $0x0  }
0x16d: {  	s1 =	rddreg [dreg:$0xc];
	[sflag:s8] =	ssyncadd.s32 $0xFFFFFC00  }
0x16e: {  	[tilespmem:s2], [sflag:$0x2] =	stream.linear.gather [hbm4b:s1+s2], $0x80, $0x38;
	[tilespmem:$0xA680] =	vst v63  }
0x16f: {  	_ =	swait.ge [sflag:s8], $0x80  }
0x170: {  	[sflag:s8] =	ssyncset.done $0x0  }
0x171: {  	s1 =	rddreg [dreg:$0xd];
	[sflag:s8] =	ssyncadd.s32 $0xFFFFFF80  }
0x172: {  	[tilespmem:s22], [sflag:$0x2] =	stream.linear.gather [hbm4b:s1+s2], $0x80, $0x38;
	[tilespmem:$0xA680] =	vst v63  }
0x173: {  	_ =	swait.ge [sflag:s8], $0x80  }
0x174: {  	[sflag:s8] =	ssyncset.done $0x0  }
0x175: {  	s1 =	rddreg [dreg:$0xe];
	[sflag:s8] =	ssyncadd.s32 $0xFFFFFF80  }
0x176: {  	[tilespmem:s24], [sflag:$0x2] =	stream.linear.gather [hbm4b:s1+s2], $0x80, $0x38;
	[tilespmem:$0xA680] =	vst v63  }
0x177: {  	_ =	swait.ge [sflag:s8], $0x80  }
0x178: {  	[sflag:s8] =	ssyncset.done $0x0  }
0x179: {  	s1 =	rddreg [dreg:$0xf];
	[sflag:s8] =	ssyncadd.s32 $0xFFFFFF80  }
0x17a: {  	[tilespmem:s25], [sflag:$0x2] =	stream.linear.gather [hbm4b:s1+s2], $0x80, $0x38;
	[tilespmem:$0xA680] =	vst v63  }
0x17b: {  	_ =	swait.ge [sflag:s8], $0x80  }
0x17c: {  	[sflag:s8] =	ssyncset.done $0x0  }
0x17d: {  	s1 =	rddreg [dreg:$0x10];
	[sflag:s8] =	ssyncadd.s32 $0xFFFFFF80  }
0x17e: {  	[tilespmem:s26], [sflag:$0x2] =	stream.linear.gather [hbm4b:s1+s2], $0x80, $0x38;
	[tilespmem:$0xA680] =	vst v63  }
0x17f: {  	_ =	swait.ge [sflag:s8], $0x80  }
0x180: {  	[sflag:s8] =	ssyncset.done $0x0  }
0x181: {  	[sflag:s8] =	ssyncadd.s32 $0xFFFFFF80  }
0x182: {  	[tilespmem:s18], [sflag:$0x1] =	stream.indirect.gather [hbm4b:s3+s22], $0x80, s2, s22, $0xb8;
	[tilespmem:$0xA680] =	vst v63  }
0x183: {  	_ = 	snop  }
0x184: {  	[tilespmem:s17], [sflag:$0x1] =	stream.indirect.gather [hbm4b:s4+s22], $0x40, s22, s22, $0xb8;
	[tilespmem:$0xA680] =	vst v63  }
0x185: {  	_ = 	snop  }
0x186: {  	[tilespmem:s16], [sflag:$0x1] =	stream.indirect.gather [hbm4b:s5+s22], $0x40, s24, s22, $0xb8;
	[tilespmem:$0xA680] =	vst v63  }
0x187: {  	_ = 	snop  }
0x188: {  	[tilespmem:s15], [sflag:$0x1] =	stream.indirect.gather [hbm4b:s6+s22], $0x40, s25, s22, $0xb8;
	[tilespmem:$0xA680] =	vst v63  }
0x189: {  	_ = 	snop  }
0x18a: {  	[tilespmem:s14], [sflag:$0x1] =	stream.indirect.gather [hbm4b:s7+s22], $0x8, s26, s22, $0xb8;
	[tilespmem:$0xA680] =	vst v63  }
0x18b: {  	_ =	swait.ge [sflag:s19], $0x4000  }
0x18c: {  	[sflag:s19] =	ssyncset.done $0x0  }
0x18d: {  	[sflag:s19] =	ssyncadd.s32 $0xFFFFC000  }
0x18e: {  	_ =	swait.ge [sflag:s19], $0x2000  }
0x18f: {  	[sflag:s19] =	ssyncset.done $0x0  }
0x190: {  	[sflag:s19] =	ssyncadd.s32 $0xFFFFE000  }
0x191: {  	_ =	swait.ge [sflag:s19], $0x2000  }
0x192: {  	[sflag:s19] =	ssyncset.done $0x0  }
0x193: {  	[sflag:s19] =	ssyncadd.s32 $0xFFFFE000  }
0x194: {  	_ =	swait.ge [sflag:s19], $0x2000  }
0x195: {  	[sflag:s19] =	ssyncset.done $0x0  }
0x196: {  	[sflag:s19] =	ssyncadd.s32 $0xFFFFE000  }
0x197: {  	_ =	swait.ge [sflag:s19], $0x400  }
0x198: {  	[sflag:s19] =	ssyncset.done $0x0  }
0x199: {  	s1 =	rddreg [dreg:$0x11];
	[sflag:s19] =	ssyncadd.s32 $0xFFFFFC00  }
0x19a: {  	[hbm4b:s1+s2] =	stream.linear.scatter [tilespmem:s18], [sflag:$0x2], $0x4000, $0x38;
	[tilespmem:$0xA680] =	vst v63  }
0x19b: {  	_ =	swait.ge [sflag:s8], $0x4000  }
0x19c: {  	[sflag:s8] =	ssyncset.done $0x0  }
0x19d: {  	s1 =	rddreg [dreg:$0x12];
	[sflag:s8] =	ssyncadd.s32 $0xFFFFC000  }
0x19e: {  	[hbm4b:s1+s2] =	stream.linear.scatter [tilespmem:s17], [sflag:$0x2], $0x2000, $0x38;
	[tilespmem:$0xA680] =	vst v63  }
0x19f: {  	_ =	swait.ge [sflag:s8], $0x2000  }
0x1a0: {  	[sflag:s8] =	ssyncset.done $0x0  }
0x1a1: {  	s1 =	rddreg [dreg:$0x13];
	[sflag:s8] =	ssyncadd.s32 $0xFFFFE000  }
0x1a2: {  	[hbm4b:s1+s2] =	stream.linear.scatter [tilespmem:s16], [sflag:$0x2], $0x2000, $0x38;
	[tilespmem:$0xA680] =	vst v63  }
0x1a3: {  	_ =	swait.ge [sflag:s8], $0x2000  }
0x1a4: {  	[sflag:s8] =	ssyncset.done $0x0  }
0x1a5: {  	s1 =	rddreg [dreg:$0x14];
	[sflag:s8] =	ssyncadd.s32 $0xFFFFE000  }
0x1a6: {  	[hbm4b:s1+s2] =	stream.linear.scatter [tilespmem:s15], [sflag:$0x2], $0x2000, $0x38;
	[tilespmem:$0xA680] =	vst v63  }
0x1a7: {  	_ =	swait.ge [sflag:s8], $0x2000  }
0x1a8: {  	[sflag:s8] =	ssyncset.done $0x0  }
0x1a9: {  	s1 =	rddreg [dreg:$0x15];
	[sflag:s8] =	ssyncadd.s32 $0xFFFFE000  }
0x1aa: {  	[hbm4b:s1+s2] =	stream.linear.scatter [tilespmem:s14], [sflag:$0x2], $0x400, $0x38;
	[tilespmem:$0xA680] =	vst v63  }
0x1ab: {  	_ =	swait.ge [sflag:s8], $0x400  }
0x1ac: {  	[sflag:s8] =	ssyncset.done $0x0  }
0x1ad: {  	s1 =	rddreg [dreg:$0x16];
	[sflag:s8] =	ssyncadd.s32 $0xFFFFFC00  }
0x1ae: {  	[tilespmem:s2], [sflag:$0x2] =	stream.linear.gather [hbm4b:s1+s2], $0x80, $0x38;
	[tilespmem:$0xA680] =	vst v63  }
0x1af: {  	_ =	swait.ge [sflag:s8], $0x80  }
0x1b0: {  	[sflag:s8] =	ssyncset.done $0x0  }
0x1b1: {  	s1 =	rddreg [dreg:$0x17];
	[sflag:s8] =	ssyncadd.s32 $0xFFFFFF80  }
0x1b2: {  	[tilespmem:s22], [sflag:$0x2] =	stream.linear.gather [hbm4b:s1+s2], $0x80, $0x38;
	[tilespmem:$0xA680] =	vst v63  }
0x1b3: {  	_ =	swait.ge [sflag:s8], $0x80  }
0x1b4: {  	[sflag:s8] =	ssyncset.done $0x0  }
0x1b5: {  	s1 =	rddreg [dreg:$0x18];
	[sflag:s8] =	ssyncadd.s32 $0xFFFFFF80  }
0x1b6: {  	[tilespmem:s24], [sflag:$0x2] =	stream.linear.gather [hbm4b:s1+s2], $0x80, $0x38;
	[tilespmem:$0xA680] =	vst v63  }
0x1b7: {  	_ =	swait.ge [sflag:s8], $0x80  }
0x1b8: {  	[sflag:s8] =	ssyncset.done $0x0  }
0x1b9: {  	s1 =	rddreg [dreg:$0x19];
	[sflag:s8] =	ssyncadd.s32 $0xFFFFFF80  }
0x1ba: {  	[tilespmem:s25], [sflag:$0x2] =	stream.linear.gather [hbm4b:s1+s2], $0x80, $0x38;
	[tilespmem:$0xA680] =	vst v63  }
0x1bb: {  	_ =	swait.ge [sflag:s8], $0x80  }
0x1bc: {  	[sflag:s8] =	ssyncset.done $0x0  }
0x1bd: {  	s1 =	rddreg [dreg:$0x1a];
	[sflag:s8] =	ssyncadd.s32 $0xFFFFFF80  }
0x1be: {  	[tilespmem:s26], [sflag:$0x2] =	stream.linear.gather [hbm4b:s1+s2], $0x80, $0x38;
	[tilespmem:$0xA680] =	vst v63  }
0x1bf: {  	_ =	swait.ge [sflag:s8], $0x80  }
0x1c0: {  	[sflag:s8] =	ssyncset.done $0x0  }
0x1c1: {  	[sflag:s8] =	ssyncadd.s32 $0xFFFFFF80  }
0x1c2: {  	[tilespmem:s18], [sflag:$0x1] =	stream.indirect.gather [hbm4b:s3+s22], $0x80, s2, s22, $0xb8;
	[tilespmem:$0xA680] =	vst v63  }
0x1c3: {  	_ = 	snop  }
0x1c4: {  	[tilespmem:s17], [sflag:$0x1] =	stream.indirect.gather [hbm4b:s4+s22], $0x40, s22, s22, $0xb8;
	[tilespmem:$0xA680] =	vst v63  }
0x1c5: {  	_ = 	snop  }
0x1c6: {  	[tilespmem:s16], [sflag:$0x1] =	stream.indirect.gather [hbm4b:s5+s22], $0x40, s24, s22, $0xb8;
	[tilespmem:$0xA680] =	vst v63  }
0x1c7: {  	_ = 	snop  }
0x1c8: {  	[tilespmem:s15], [sflag:$0x1] =	stream.indirect.gather [hbm4b:s6+s22], $0x40, s25, s22, $0xb8;
	[tilespmem:$0xA680] =	vst v63  }
0x1c9: {  	_ = 	snop  }
0x1ca: {  	[tilespmem:s14], [sflag:$0x1] =	stream.indirect.gather [hbm4b:s7+s22], $0x8, s26, s22, $0xb8;
	[tilespmem:$0xA680] =	vst v63  }
0x1cb: {  	_ =	swait.ge [sflag:s19], $0x4000  }
0x1cc: {  	[sflag:s19] =	ssyncset.done $0x0  }
0x1cd: {  	[sflag:s19] =	ssyncadd.s32 $0xFFFFC000  }
0x1ce: {  	_ =	swait.ge [sflag:s19], $0x2000  }
0x1cf: {  	[sflag:s19] =	ssyncset.done $0x0  }
0x1d0: {  	[sflag:s19] =	ssyncadd.s32 $0xFFFFE000  }
0x1d1: {  	_ =	swait.ge [sflag:s19], $0x2000  }
0x1d2: {  	[sflag:s19] =	ssyncset.done $0x0  }
0x1d3: {  	[sflag:s19] =	ssyncadd.s32 $0xFFFFE000  }
0x1d4: {  	_ =	swait.ge [sflag:s19], $0x2000  }
0x1d5: {  	[sflag:s19] =	ssyncset.done $0x0  }
0x1d6: {  	[sflag:s19] =	ssyncadd.s32 $0xFFFFE000  }
0x1d7: {  	_ =	swait.ge [sflag:s19], $0x400  }
0x1d8: {  	[sflag:s19] =	ssyncset.done $0x0  }
0x1d9: {  	s1 =	rddreg [dreg:$0x1b];
	[sflag:s19] =	ssyncadd.s32 $0xFFFFFC00  }
0x1da: {  	[hbm4b:s1+s2] =	stream.linear.scatter [tilespmem:s18], [sflag:$0x2], $0x4000, $0x38;
	[tilespmem:$0xA680] =	vst v63  }
0x1db: {  	_ =	swait.ge [sflag:s8], $0x4000  }
0x1dc: {  	[sflag:s8] =	ssyncset.done $0x0  }
0x1dd: {  	s1 =	rddreg [dreg:$0x1c];
	[sflag:s8] =	ssyncadd.s32 $0xFFFFC000  }
0x1de: {  	[hbm4b:s1+s2] =	stream.linear.scatter [tilespmem:s17], [sflag:$0x2], $0x2000, $0x38;
	[tilespmem:$0xA680] =	vst v63  }
0x1df: {  	_ =	swait.ge [sflag:s8], $0x2000  }
0x1e0: {  	[sflag:s8] =	ssyncset.done $0x0  }
0x1e1: {  	s1 =	rddreg [dreg:$0x1d];
	[sflag:s8] =	ssyncadd.s32 $0xFFFFE000  }
0x1e2: {  	[hbm4b:s1+s2] =	stream.linear.scatter [tilespmem:s16], [sflag:$0x2], $0x2000, $0x38;
	[tilespmem:$0xA680] =	vst v63  }
0x1e3: {  	_ =	swait.ge [sflag:s8], $0x2000  }
0x1e4: {  	[sflag:s8] =	ssyncset.done $0x0  }
0x1e5: {  	[sflag:s8] =	ssyncadd.s32 $0xFFFFE000  }
0x1e6: {  	[hbm4b:s31+s2] =	stream.linear.scatter [tilespmem:s15], [sflag:$0x2], $0x2000, $0x38;
	[tilespmem:$0xA680] =	vst v63  }
0x1e7: {  	_ =	swait.ge [sflag:s8], $0x2000  }
0x1e8: {  	[sflag:s8] =	ssyncset.done $0x0  }
0x1e9: {  	[sflag:s8] =	ssyncadd.s32 $0xFFFFE000  }
0x1ea: {  	[hbm4b:s30+s2] =	stream.linear.scatter [tilespmem:s14], [sflag:$0x2], $0x400, $0x38;
	[tilespmem:$0xA680] =	vst v63  }
0x1eb: {  	_ =	swait.ge [sflag:s8], $0x400  }
0x1ec: {  	[sflag:s8] =	ssyncset.done $0x0  }
0x1ed: {  	[sflag:s8] =	ssyncadd.s32 $0xFFFFFC00  }
0x1ee: {  	[tilespmem:s2], [sflag:$0x2] =	stream.linear.gather [hbm4b:s29+s2], $0x80, $0x38;
	[tilespmem:$0xA680] =	vst v63  }
0x1ef: {  	_ =	swait.ge [sflag:s8], $0x80  }
0x1f0: {  	[sflag:s8] =	ssyncset.done $0x0  }
0x1f1: {  	[sflag:s8] =	ssyncadd.s32 $0xFFFFFF80  }
0x1f2: {  	[tilespmem:s22], [sflag:$0x2] =	stream.linear.gather [hbm4b:s28+s2], $0x80, $0x38;
	[tilespmem:$0xA680] =	vst v63  }
0x1f3: {  	_ =	swait.ge [sflag:s8], $0x80  }
0x1f4: {  	[sflag:s8] =	ssyncset.done $0x0  }
0x1f5: {  	[sflag:s8] =	ssyncadd.s32 $0xFFFFFF80  }
0x1f6: {  	[tilespmem:s24], [sflag:$0x2] =	stream.linear.gather [hbm4b:s23+s2], $0x80, $0x38;
	[tilespmem:$0xA680] =	vst v63  }
0x1f7: {  	_ =	swait.ge [sflag:s8], $0x80  }
0x1f8: {  	[sflag:s8] =	ssyncset.done $0x0  }
0x1f9: {  	[sflag:s8] =	ssyncadd.s32 $0xFFFFFF80  }
0x1fa: {  	[tilespmem:s25], [sflag:$0x2] =	stream.linear.gather [hbm4b:s21+s2], $0x80, $0x38;
	[tilespmem:$0xA680] =	vst v63  }
0x1fb: {  	_ =	swait.ge [sflag:s8], $0x80  }
0x1fc: {  	[sflag:s8] =	ssyncset.done $0x0  }
0x1fd: {  	[sflag:s8] =	ssyncadd.s32 $0xFFFFFF80  }
0x1fe: {  	[tilespmem:s26], [sflag:$0x2] =	stream.linear.gather [hbm4b:s20+s2], $0x80, $0x38;
	[tilespmem:$0xA680] =	vst v63  }
0x1ff: {  	_ =	swait.ge [sflag:s8], $0x80  }
0x200: {  	[sflag:s8] =	ssyncset.done $0x0  }
0x201: {  	[sflag:s8] =	ssyncadd.s32 $0xFFFFFF80  }
0x202: {  	[tilespmem:s18], [sflag:$0x1] =	stream.indirect.gather [hbm4b:s3+s22], $0x80, s2, s22, $0xb8;
	[tilespmem:$0xA680] =	vst v63  }
0x203: {  	_ = 	snop  }
0x204: {  	[tilespmem:s17], [sflag:$0x1] =	stream.indirect.gather [hbm4b:s4+s22], $0x40, s22, s22, $0xb8;
	[tilespmem:$0xA680] =	vst v63  }
0x205: {  	_ = 	snop  }
0x206: {  	[tilespmem:s16], [sflag:$0x1] =	stream.indirect.gather [hbm4b:s5+s22], $0x40, s24, s22, $0xb8;
	[tilespmem:$0xA680] =	vst v63  }
0x207: {  	_ = 	snop  }
0x208: {  	[tilespmem:s15], [sflag:$0x1] =	stream.indirect.gather [hbm4b:s6+s22], $0x40, s25, s22, $0xb8;
	[tilespmem:$0xA680] =	vst v63  }
0x209: {  	_ = 	snop  }
0x20a: {  	[tilespmem:s14], [sflag:$0x1] =	stream.indirect.gather [hbm4b:s7+s22], $0x8, s26, s22, $0xb8;
	[tilespmem:$0xA680] =	vst v63  }
0x20b: {  	_ =	swait.ge [sflag:s19], $0x4000  }
0x20c: {  	[sflag:s19] =	ssyncset.done $0x0  }
0x20d: {  	[sflag:s19] =	ssyncadd.s32 $0xFFFFC000  }
0x20e: {  	_ =	swait.ge [sflag:s19], $0x2000  }
0x20f: {  	[sflag:s19] =	ssyncset.done $0x0  }
0x210: {  	[sflag:s19] =	ssyncadd.s32 $0xFFFFE000  }
0x211: {  	_ =	swait.ge [sflag:s19], $0x2000  }
0x212: {  	[sflag:s19] =	ssyncset.done $0x0  }
0x213: {  	[sflag:s19] =	ssyncadd.s32 $0xFFFFE000  }
0x214: {  	_ =	swait.ge [sflag:s19], $0x2000  }
0x215: {  	[sflag:s19] =	ssyncset.done $0x0  }
0x216: {  	[sflag:s19] =	ssyncadd.s32 $0xFFFFE000  }
0x217: {  	_ =	swait.ge [sflag:s19], $0x400  }
0x218: {  	[sflag:s19] =	ssyncset.done $0x0  }
0x219: {  	[sflag:s19] =	ssyncadd.s32 $0xFFFFFC00  }
0x21a: {  	[hbm4b:s13+s2] =	stream.linear.scatter [tilespmem:s18], [sflag:$0x2], $0x4000, $0x38;
	[tilespmem:$0xA680] =	vst v63  }
0x21b: {  	_ =	swait.ge [sflag:s8], $0x4000  }
0x21c: {  	[sflag:s8] =	ssyncset.done $0x0  }
0x21d: {  	[sflag:s8] =	ssyncadd.s32 $0xFFFFC000  }
0x21e: {  	[hbm4b:s12+s2] =	stream.linear.scatter [tilespmem:s17], [sflag:$0x2], $0x2000, $0x38;
	[tilespmem:$0xA680] =	vst v63  }
0x21f: {  	_ =	swait.ge [sflag:s8], $0x2000  }
0x220: {  	[sflag:s8] =	ssyncset.done $0x0  }
0x221: {  	[sflag:s8] =	ssyncadd.s32 $0xFFFFE000  }
0x222: {  	[hbm4b:s11+s2] =	stream.linear.scatter [tilespmem:s16], [sflag:$0x2], $0x2000, $0x38;
	[tilespmem:$0xA680] =	vst v63  }
0x223: {  	_ =	swait.ge [sflag:s8], $0x2000  }
0x224: {  	[sflag:s8] =	ssyncset.done $0x0  }
0x225: {  	[sflag:s8] =	ssyncadd.s32 $0xFFFFE000  }
0x226: {  	[hbm4b:s10+s2] =	stream.linear.scatter [tilespmem:s15], [sflag:$0x2], $0x2000, $0x38;
	[tilespmem:$0xA680] =	vst v63  }
0x227: {  	p1 =	sne.s32 s0, $0x1;
	_ =	swait.ge [sflag:s8], $0x2000  }
.Ltmp2:
0x228: {  	[sflag:s8] =	ssyncset.done $0x0;
	(pc) =	sbr.rel @p1 .LBB2_2-.Ltmp2, $4  }
0x229: {  	[sflag:s8] =	ssyncadd.s32 $0xFFFFE000  }
0x22a: {  	[hbm4b:s9+s2] =	stream.linear.scatter [tilespmem:s14], [sflag:$0x2], $0x400, $0x38;
	[tilespmem:$0xA680] =	vst v63  }
0x22b: {  	_ =	swait.ge [sflag:s8], $0x400  }
0x22c: {  	s0 =	sadd.s32 $0xFFFFFFFF, s0;
	s1 =	rddreg [dreg:$0x2];
	[sflag:s8] =	ssyncset.done $0x0  }
.LBB2_3:
0x22d: {  	[sflag:s8] =	ssyncadd.s32 @p0 $0xFFFFFC00  }
0x22e: {  	[tilespmem:s2], [sflag:$0x2] =	stream.linear.gather [hbm4b:s1+s2], $0x80, $0x38;
	[tilespmem:$0xA680] =	vst v63  }
0x22f: {  	_ =	swait.ge [sflag:s8], $0x80  }
0x230: {  	[sflag:s8] =	ssyncset.done $0x0  }
0x231: {  	s0 =	rddreg [dreg:$0x3];
	[sflag:s8] =	ssyncadd.s32 $0xFFFFFF80  }
0x232: {  	[tilespmem:s22], [sflag:$0x2] =	stream.linear.gather [hbm4b:s0+s2], $0x80, $0x38;
	[tilespmem:$0xA680] =	vst v63  }
0x233: {  	_ =	swait.ge [sflag:s8], $0x80  }
0x234: {  	[sflag:s8] =	ssyncset.done $0x0  }
0x235: {  	s1 =	rddreg [dreg:$0x4];
	[sflag:s8] =	ssyncadd.s32 $0xFFFFFF80  }
0x236: {  	[tilespmem:s24], [sflag:$0x2] =	stream.linear.gather [hbm4b:s1+s2], $0x80, $0x38;
	[tilespmem:$0xA680] =	vst v63  }
0x237: {  	_ =	swait.ge [sflag:s8], $0x80  }
0x238: {  	[sflag:s8] =	ssyncset.done $0x0  }
0x239: {  	s1 =	rddreg [dreg:$0x5];
	[sflag:s8] =	ssyncadd.s32 $0xFFFFFF80  }
0x23a: {  	[tilespmem:s25], [sflag:$0x2] =	stream.linear.gather [hbm4b:s1+s2], $0x80, $0x38;
	[tilespmem:$0xA680] =	vst v63  }
0x23b: {  	_ =	swait.ge [sflag:s8], $0x80  }
0x23c: {  	[sflag:s8] =	ssyncset.done $0x0  }
0x23d: {  	s1 =	rddreg [dreg:$0x6];
	[sflag:s8] =	ssyncadd.s32 $0xFFFFFF80  }
0x23e: {  	[tilespmem:s26], [sflag:$0x2] =	stream.linear.gather [hbm4b:s1+s2], $0x80, $0x38;
	[tilespmem:$0xA680] =	vst v63  }
0x23f: {  	_ =	swait.ge [sflag:s8], $0x80  }
0x240: {  	[sflag:s8] =	ssyncset.done $0x0  }
0x241: {  	[sflag:s8] =	ssyncadd.s32 $0xFFFFFF80  }
0x242: {  	[tilespmem:s18], [sflag:$0x1] =	stream.indirect.gather [hbm4b:s3+s22], $0x80, s2, s22, $0xb8;
	[tilespmem:$0xA680] =	vst v63  }
0x243: {  	_ = 	snop  }
0x244: {  	[tilespmem:s17], [sflag:$0x1] =	stream.indirect.gather [hbm4b:s4+s22], $0x40, s22, s22, $0xb8;
	[tilespmem:$0xA680] =	vst v63  }
0x245: {  	_ = 	snop  }
0x246: {  	[tilespmem:s16], [sflag:$0x1] =	stream.indirect.gather [hbm4b:s5+s22], $0x40, s24, s22, $0xb8;
	[tilespmem:$0xA680] =	vst v63  }
0x247: {  	_ = 	snop  }
0x248: {  	[tilespmem:s15], [sflag:$0x1] =	stream.indirect.gather [hbm4b:s6+s22], $0x40, s25, s22, $0xb8;
	[tilespmem:$0xA680] =	vst v63  }
0x249: {  	_ = 	snop  }
0x24a: {  	[tilespmem:s14], [sflag:$0x1] =	stream.indirect.gather [hbm4b:s7+s22], $0x8, s26, s22, $0xb8;
	[tilespmem:$0xA680] =	vst v63  }
0x24b: {  	_ =	swait.ge [sflag:s19], $0x4000  }
0x24c: {  	[sflag:s19] =	ssyncset.done $0x0  }
0x24d: {  	[sflag:s19] =	ssyncadd.s32 $0xFFFFC000  }
0x24e: {  	_ =	swait.ge [sflag:s19], $0x2000  }
0x24f: {  	[sflag:s19] =	ssyncset.done $0x0  }
0x250: {  	[sflag:s19] =	ssyncadd.s32 $0xFFFFE000  }
0x251: {  	_ =	swait.ge [sflag:s19], $0x2000  }
0x252: {  	[sflag:s19] =	ssyncset.done $0x0  }
0x253: {  	[sflag:s19] =	ssyncadd.s32 $0xFFFFE000  }
0x254: {  	_ =	swait.ge [sflag:s19], $0x2000  }
0x255: {  	[sflag:s19] =	ssyncset.done $0x0  }
0x256: {  	[sflag:s19] =	ssyncadd.s32 $0xFFFFE000  }
0x257: {  	_ =	swait.ge [sflag:s19], $0x400  }
0x258: {  	[sflag:s19] =	ssyncset.done $0x0  }
0x259: {  	s1 =	rddreg [dreg:$0x7];
	[sflag:s19] =	ssyncadd.s32 $0xFFFFFC00  }
0x25a: {  	[hbm4b:s1+s2] =	stream.linear.scatter [tilespmem:s18], [sflag:$0x2], $0x4000, $0x38;
	[tilespmem:$0xA680] =	vst v63  }
0x25b: {  	_ =	swait.ge [sflag:s8], $0x4000  }
0x25c: {  	[sflag:s8] =	ssyncset.done $0x0  }
0x25d: {  	s1 =	rddreg [dreg:$0x8];
	[sflag:s8] =	ssyncadd.s32 $0xFFFFC000  }
0x25e: {  	[hbm4b:s1+s2] =	stream.linear.scatter [tilespmem:s17], [sflag:$0x2], $0x2000, $0x38;
	[tilespmem:$0xA680] =	vst v63  }
0x25f: {  	_ =	swait.ge [sflag:s8], $0x2000  }
0x260: {  	[sflag:s8] =	ssyncset.done $0x0  }
0x261: {  	s1 =	rddreg [dreg:$0x9];
	[sflag:s8] =	ssyncadd.s32 $0xFFFFE000  }
0x262: {  	[hbm4b:s1+s2] =	stream.linear.scatter [tilespmem:s16], [sflag:$0x2], $0x2000, $0x38;
	[tilespmem:$0xA680] =	vst v63  }
0x263: {  	_ =	swait.ge [sflag:s8], $0x2000  }
0x264: {  	[sflag:s8] =	ssyncset.done $0x0  }
0x265: {  	s1 =	rddreg [dreg:$0xa];
	[sflag:s8] =	ssyncadd.s32 $0xFFFFE000  }
0x266: {  	[hbm4b:s1+s2] =	stream.linear.scatter [tilespmem:s15], [sflag:$0x2], $0x2000, $0x38;
	[tilespmem:$0xA680] =	vst v63  }
0x267: {  	_ =	swait.ge [sflag:s8], $0x2000  }
0x268: {  	[sflag:s8] =	ssyncset.done $0x0  }
0x269: {  	s1 =	rddreg [dreg:$0xb];
	[sflag:s8] =	ssyncadd.s32 $0xFFFFE000  }
0x26a: {  	[hbm4b:s1+s2] =	stream.linear.scatter [tilespmem:s14], [sflag:$0x2], $0x400, $0x38;
	[tilespmem:$0xA680] =	vst v63  }
0x26b: {  	_ =	swait.ge [sflag:s8], $0x400  }
0x26c: {  	[sflag:s8] =	ssyncset.done $0x0  }
0x26d: {  	s1 =	rddreg [dreg:$0xc];
	[sflag:s8] =	ssyncadd.s32 $0xFFFFFC00  }
0x26e: {  	[tilespmem:s2], [sflag:$0x2] =	stream.linear.gather [hbm4b:s1+s2], $0x80, $0x38;
	[tilespmem:$0xA680] =	vst v63  }
0x26f: {  	_ =	swait.ge [sflag:s8], $0x80  }
0x270: {  	[sflag:s8] =	ssyncset.done $0x0  }
0x271: {  	s1 =	rddreg [dreg:$0xd];
	[sflag:s8] =	ssyncadd.s32 $0xFFFFFF80  }
0x272: {  	[tilespmem:s22], [sflag:$0x2] =	stream.linear.gather [hbm4b:s1+s2], $0x80, $0x38;
	[tilespmem:$0xA680] =	vst v63  }
0x273: {  	_ =	swait.ge [sflag:s8], $0x80  }
0x274: {  	[sflag:s8] =	ssyncset.done $0x0  }
0x275: {  	s1 =	rddreg [dreg:$0xe];
	[sflag:s8] =	ssyncadd.s32 $0xFFFFFF80  }
0x276: {  	[tilespmem:s24], [sflag:$0x2] =	stream.linear.gather [hbm4b:s1+s2], $0x80, $0x38;
	[tilespmem:$0xA680] =	vst v63  }
0x277: {  	_ =	swait.ge [sflag:s8], $0x80  }
0x278: {  	[sflag:s8] =	ssyncset.done $0x0  }
0x279: {  	s1 =	rddreg [dreg:$0xf];
	[sflag:s8] =	ssyncadd.s32 $0xFFFFFF80  }
0x27a: {  	[tilespmem:s25], [sflag:$0x2] =	stream.linear.gather [hbm4b:s1+s2], $0x80, $0x38;
	[tilespmem:$0xA680] =	vst v63  }
0x27b: {  	_ =	swait.ge [sflag:s8], $0x80  }
0x27c: {  	[sflag:s8] =	ssyncset.done $0x0  }
0x27d: {  	s1 =	rddreg [dreg:$0x10];
	[sflag:s8] =	ssyncadd.s32 $0xFFFFFF80  }
0x27e: {  	[tilespmem:s26], [sflag:$0x2] =	stream.linear.gather [hbm4b:s1+s2], $0x80, $0x38;
	[tilespmem:$0xA680] =	vst v63  }
0x27f: {  	_ =	swait.ge [sflag:s8], $0x80  }
0x280: {  	[sflag:s8] =	ssyncset.done $0x0  }
0x281: {  	[sflag:s8] =	ssyncadd.s32 $0xFFFFFF80  }
0x282: {  	[tilespmem:s18], [sflag:$0x1] =	stream.indirect.gather [hbm4b:s3+s22], $0x80, s2, s22, $0xb8;
	[tilespmem:$0xA680] =	vst v63  }
0x283: {  	_ = 	snop  }
0x284: {  	[tilespmem:s17], [sflag:$0x1] =	stream.indirect.gather [hbm4b:s4+s22], $0x40, s22, s22, $0xb8;
	[tilespmem:$0xA680] =	vst v63  }
0x285: {  	_ = 	snop  }
0x286: {  	[tilespmem:s16], [sflag:$0x1] =	stream.indirect.gather [hbm4b:s5+s22], $0x40, s24, s22, $0xb8;
	[tilespmem:$0xA680] =	vst v63  }
0x287: {  	_ = 	snop  }
0x288: {  	[tilespmem:s15], [sflag:$0x1] =	stream.indirect.gather [hbm4b:s6+s22], $0x40, s25, s22, $0xb8;
	[tilespmem:$0xA680] =	vst v63  }
0x289: {  	_ = 	snop  }
0x28a: {  	[tilespmem:s14], [sflag:$0x1] =	stream.indirect.gather [hbm4b:s7+s22], $0x8, s26, s22, $0xb8;
	[tilespmem:$0xA680] =	vst v63  }
0x28b: {  	_ =	swait.ge [sflag:s19], $0x4000  }
0x28c: {  	[sflag:s19] =	ssyncset.done $0x0  }
0x28d: {  	[sflag:s19] =	ssyncadd.s32 $0xFFFFC000  }
0x28e: {  	_ =	swait.ge [sflag:s19], $0x2000  }
0x28f: {  	[sflag:s19] =	ssyncset.done $0x0  }
0x290: {  	[sflag:s19] =	ssyncadd.s32 $0xFFFFE000  }
0x291: {  	_ =	swait.ge [sflag:s19], $0x2000  }
0x292: {  	[sflag:s19] =	ssyncset.done $0x0  }
0x293: {  	[sflag:s19] =	ssyncadd.s32 $0xFFFFE000  }
0x294: {  	_ =	swait.ge [sflag:s19], $0x2000  }
0x295: {  	[sflag:s19] =	ssyncset.done $0x0  }
0x296: {  	[sflag:s19] =	ssyncadd.s32 $0xFFFFE000  }
0x297: {  	_ =	swait.ge [sflag:s19], $0x400  }
0x298: {  	[sflag:s19] =	ssyncset.done $0x0  }
0x299: {  	s1 =	rddreg [dreg:$0x11];
	[sflag:s19] =	ssyncadd.s32 $0xFFFFFC00  }
0x29a: {  	[hbm4b:s1+s2] =	stream.linear.scatter [tilespmem:s18], [sflag:$0x2], $0x4000, $0x38;
	[tilespmem:$0xA680] =	vst v63  }
0x29b: {  	_ =	swait.ge [sflag:s8], $0x4000  }
0x29c: {  	[sflag:s8] =	ssyncset.done $0x0  }
0x29d: {  	s1 =	rddreg [dreg:$0x12];
	[sflag:s8] =	ssyncadd.s32 $0xFFFFC000  }
0x29e: {  	[hbm4b:s1+s2] =	stream.linear.scatter [tilespmem:s17], [sflag:$0x2], $0x2000, $0x38;
	[tilespmem:$0xA680] =	vst v63  }
0x29f: {  	_ =	swait.ge [sflag:s8], $0x2000  }
0x2a0: {  	[sflag:s8] =	ssyncset.done $0x0  }
0x2a1: {  	s1 =	rddreg [dreg:$0x13];
	[sflag:s8] =	ssyncadd.s32 $0xFFFFE000  }
0x2a2: {  	[hbm4b:s1+s2] =	stream.linear.scatter [tilespmem:s16], [sflag:$0x2], $0x2000, $0x38;
	[tilespmem:$0xA680] =	vst v63  }
0x2a3: {  	_ =	swait.ge [sflag:s8], $0x2000  }
0x2a4: {  	[sflag:s8] =	ssyncset.done $0x0  }
0x2a5: {  	s1 =	rddreg [dreg:$0x14];
	[sflag:s8] =	ssyncadd.s32 $0xFFFFE000  }
0x2a6: {  	[hbm4b:s1+s2] =	stream.linear.scatter [tilespmem:s15], [sflag:$0x2], $0x2000, $0x38;
	[tilespmem:$0xA680] =	vst v63  }
0x2a7: {  	_ =	swait.ge [sflag:s8], $0x2000  }
0x2a8: {  	[sflag:s8] =	ssyncset.done $0x0  }
0x2a9: {  	s1 =	rddreg [dreg:$0x15];
	[sflag:s8] =	ssyncadd.s32 $0xFFFFE000  }
0x2aa: {  	[hbm4b:s1+s2] =	stream.linear.scatter [tilespmem:s14], [sflag:$0x2], $0x400, $0x38;
	[tilespmem:$0xA680] =	vst v63  }
0x2ab: {  	_ =	swait.ge [sflag:s8], $0x400  }
0x2ac: {  	[sflag:s8] =	ssyncset.done $0x0  }
0x2ad: {  	s1 =	rddreg [dreg:$0x16];
	[sflag:s8] =	ssyncadd.s32 $0xFFFFFC00  }
0x2ae: {  	[tilespmem:s2], [sflag:$0x2] =	stream.linear.gather [hbm4b:s1+s2], $0x80, $0x38;
	[tilespmem:$0xA680] =	vst v63  }
0x2af: {  	_ =	swait.ge [sflag:s8], $0x80  }
0x2b0: {  	[sflag:s8] =	ssyncset.done $0x0  }
0x2b1: {  	s1 =	rddreg [dreg:$0x17];
	[sflag:s8] =	ssyncadd.s32 $0xFFFFFF80  }
0x2b2: {  	[tilespmem:s22], [sflag:$0x2] =	stream.linear.gather [hbm4b:s1+s2], $0x80, $0x38;
	[tilespmem:$0xA680] =	vst v63  }
0x2b3: {  	_ =	swait.ge [sflag:s8], $0x80  }
0x2b4: {  	[sflag:s8] =	ssyncset.done $0x0  }
0x2b5: {  	s1 =	rddreg [dreg:$0x18];
	[sflag:s8] =	ssyncadd.s32 $0xFFFFFF80  }
0x2b6: {  	[tilespmem:s24], [sflag:$0x2] =	stream.linear.gather [hbm4b:s1+s2], $0x80, $0x38;
	[tilespmem:$0xA680] =	vst v63  }
0x2b7: {  	_ =	swait.ge [sflag:s8], $0x80  }
0x2b8: {  	[sflag:s8] =	ssyncset.done $0x0  }
0x2b9: {  	s1 =	rddreg [dreg:$0x19];
	[sflag:s8] =	ssyncadd.s32 $0xFFFFFF80  }
0x2ba: {  	[tilespmem:s25], [sflag:$0x2] =	stream.linear.gather [hbm4b:s1+s2], $0x80, $0x38;
	[tilespmem:$0xA680] =	vst v63  }
0x2bb: {  	_ =	swait.ge [sflag:s8], $0x80  }
0x2bc: {  	[sflag:s8] =	ssyncset.done $0x0  }
0x2bd: {  	s1 =	rddreg [dreg:$0x1a];
	[sflag:s8] =	ssyncadd.s32 $0xFFFFFF80  }
0x2be: {  	[tilespmem:s26], [sflag:$0x2] =	stream.linear.gather [hbm4b:s1+s2], $0x80, $0x38;
	[tilespmem:$0xA680] =	vst v63  }
0x2bf: {  	_ =	swait.ge [sflag:s8], $0x80  }
0x2c0: {  	[sflag:s8] =	ssyncset.done $0x0  }
0x2c1: {  	[sflag:s8] =	ssyncadd.s32 $0xFFFFFF80  }
0x2c2: {  	[tilespmem:s18], [sflag:$0x1] =	stream.indirect.gather [hbm4b:s3+s22], $0x80, s2, s22, $0xb8;
	[tilespmem:$0xA680] =	vst v63  }
0x2c3: {  	_ = 	snop  }
0x2c4: {  	[tilespmem:s17], [sflag:$0x1] =	stream.indirect.gather [hbm4b:s4+s22], $0x40, s22, s22, $0xb8;
	[tilespmem:$0xA680] =	vst v63  }
0x2c5: {  	_ = 	snop  }
0x2c6: {  	[tilespmem:s16], [sflag:$0x1] =	stream.indirect.gather [hbm4b:s5+s22], $0x40, s24, s22, $0xb8;
	[tilespmem:$0xA680] =	vst v63  }
0x2c7: {  	_ = 	snop  }
0x2c8: {  	[tilespmem:s15], [sflag:$0x1] =	stream.indirect.gather [hbm4b:s6+s22], $0x40, s25, s22, $0xb8;
	[tilespmem:$0xA680] =	vst v63  }
0x2c9: {  	_ = 	snop  }
0x2ca: {  	[tilespmem:s14], [sflag:$0x1] =	stream.indirect.gather [hbm4b:s7+s22], $0x8, s26, s22, $0xb8;
	[tilespmem:$0xA680] =	vst v63  }
0x2cb: {  	_ =	swait.ge [sflag:s19], $0x4000  }
0x2cc: {  	[sflag:s19] =	ssyncset.done $0x0  }
0x2cd: {  	[sflag:s19] =	ssyncadd.s32 $0xFFFFC000  }
0x2ce: {  	_ =	swait.ge [sflag:s19], $0x2000  }
0x2cf: {  	[sflag:s19] =	ssyncset.done $0x0  }
0x2d0: {  	[sflag:s19] =	ssyncadd.s32 $0xFFFFE000  }
0x2d1: {  	_ =	swait.ge [sflag:s19], $0x2000  }
0x2d2: {  	[sflag:s19] =	ssyncset.done $0x0  }
0x2d3: {  	[sflag:s19] =	ssyncadd.s32 $0xFFFFE000  }
0x2d4: {  	_ =	swait.ge [sflag:s19], $0x2000  }
0x2d5: {  	[sflag:s19] =	ssyncset.done $0x0  }
0x2d6: {  	[sflag:s19] =	ssyncadd.s32 $0xFFFFE000  }
0x2d7: {  	_ =	swait.ge [sflag:s19], $0x400  }
0x2d8: {  	[sflag:s19] =	ssyncset.done $0x0  }
0x2d9: {  	s1 =	rddreg [dreg:$0x1b];
	[sflag:s19] =	ssyncadd.s32 $0xFFFFFC00  }
0x2da: {  	[hbm4b:s1+s2] =	stream.linear.scatter [tilespmem:s18], [sflag:$0x2], $0x4000, $0x38;
	[tilespmem:$0xA680] =	vst v63  }
0x2db: {  	_ =	swait.ge [sflag:s8], $0x4000  }
0x2dc: {  	[sflag:s8] =	ssyncset.done $0x0  }
0x2dd: {  	s1 =	rddreg [dreg:$0x1c];
	[sflag:s8] =	ssyncadd.s32 $0xFFFFC000  }
0x2de: {  	[hbm4b:s1+s2] =	stream.linear.scatter [tilespmem:s17], [sflag:$0x2], $0x2000, $0x38;
	[tilespmem:$0xA680] =	vst v63  }
0x2df: {  	_ =	swait.ge [sflag:s8], $0x2000  }
0x2e0: {  	[sflag:s8] =	ssyncset.done $0x0  }
0x2e1: {  	s1 =	rddreg [dreg:$0x1d];
	[sflag:s8] =	ssyncadd.s32 $0xFFFFE000  }
0x2e2: {  	[hbm4b:s1+s2] =	stream.linear.scatter [tilespmem:s16], [sflag:$0x2], $0x2000, $0x38;
	[tilespmem:$0xA680] =	vst v63  }
0x2e3: {  	_ =	swait.ge [sflag:s8], $0x2000  }
0x2e4: {  	[sflag:s8] =	ssyncset.done $0x0  }
0x2e5: {  	[sflag:s8] =	ssyncadd.s32 $0xFFFFE000  }
0x2e6: {  	[hbm4b:s31+s2] =	stream.linear.scatter [tilespmem:s15], [sflag:$0x2], $0x2000, $0x38;
	[tilespmem:$0xA680] =	vst v63  }
0x2e7: {  	_ =	swait.ge [sflag:s8], $0x2000  }
0x2e8: {  	[sflag:s8] =	ssyncset.done $0x0  }
0x2e9: {  	[sflag:s8] =	ssyncadd.s32 $0xFFFFE000  }
0x2ea: {  	[hbm4b:s30+s2] =	stream.linear.scatter [tilespmem:s14], [sflag:$0x2], $0x400, $0x38;
	[tilespmem:$0xA680] =	vst v63  }
0x2eb: {  	_ =	swait.ge [sflag:s8], $0x400  }
0x2ec: {  	[sflag:s8] =	ssyncset.done $0x0  }
0x2ed: {  	[sflag:s8] =	ssyncadd.s32 $0xFFFFFC00  }
0x2ee: {  	[tilespmem:s2], [sflag:$0x2] =	stream.linear.gather [hbm4b:s29+s2], $0x80, $0x38;
	[tilespmem:$0xA680] =	vst v63  }
0x2ef: {  	_ =	swait.ge [sflag:s8], $0x80  }
0x2f0: {  	[sflag:s8] =	ssyncset.done $0x0  }
0x2f1: {  	[sflag:s8] =	ssyncadd.s32 $0xFFFFFF80  }
0x2f2: {  	[tilespmem:s22], [sflag:$0x2] =	stream.linear.gather [hbm4b:s28+s2], $0x80, $0x38;
	[tilespmem:$0xA680] =	vst v63  }
0x2f3: {  	_ =	swait.ge [sflag:s8], $0x80  }
0x2f4: {  	[sflag:s8] =	ssyncset.done $0x0  }
0x2f5: {  	[sflag:s8] =	ssyncadd.s32 $0xFFFFFF80  }
0x2f6: {  	[tilespmem:s24], [sflag:$0x2] =	stream.linear.gather [hbm4b:s23+s2], $0x80, $0x38;
	[tilespmem:$0xA680] =	vst v63  }
0x2f7: {  	_ =	swait.ge [sflag:s8], $0x80  }
0x2f8: {  	[sflag:s8] =	ssyncset.done $0x0  }
0x2f9: {  	[sflag:s8] =	ssyncadd.s32 $0xFFFFFF80  }
0x2fa: {  	[tilespmem:s25], [sflag:$0x2] =	stream.linear.gather [hbm4b:s21+s2], $0x80, $0x38;
	[tilespmem:$0xA680] =	vst v63  }
0x2fb: {  	_ =	swait.ge [sflag:s8], $0x80  }
0x2fc: {  	[sflag:s8] =	ssyncset.done $0x0  }
0x2fd: {  	[sflag:s8] =	ssyncadd.s32 $0xFFFFFF80  }
0x2fe: {  	[tilespmem:s26], [sflag:$0x2] =	stream.linear.gather [hbm4b:s20+s2], $0x80, $0x38;
	[tilespmem:$0xA680] =	vst v63  }
0x2ff: {  	_ =	swait.ge [sflag:s8], $0x80  }
0x300: {  	[sflag:s8] =	ssyncset.done $0x0  }
0x301: {  	[sflag:s8] =	ssyncadd.s32 $0xFFFFFF80  }
0x302: {  	[tilespmem:s18], [sflag:$0x1] =	stream.indirect.gather [hbm4b:s3+s22], $0x80, s2, s22, $0xb8;
	[tilespmem:$0xA680] =	vst v63  }
0x303: {  	_ = 	snop  }
0x304: {  	[tilespmem:s17], [sflag:$0x1] =	stream.indirect.gather [hbm4b:s4+s22], $0x40, s22, s22, $0xb8;
	[tilespmem:$0xA680] =	vst v63  }
0x305: {  	_ = 	snop  }
0x306: {  	[tilespmem:s16], [sflag:$0x1] =	stream.indirect.gather [hbm4b:s5+s22], $0x40, s24, s22, $0xb8;
	[tilespmem:$0xA680] =	vst v63  }
0x307: {  	_ = 	snop  }
0x308: {  	[tilespmem:s15], [sflag:$0x1] =	stream.indirect.gather [hbm4b:s6+s22], $0x40, s25, s22, $0xb8;
	[tilespmem:$0xA680] =	vst v63  }
0x309: {  	_ = 	snop  }
0x30a: {  	[tilespmem:s14], [sflag:$0x1] =	stream.indirect.gather [hbm4b:s7+s22], $0x8, s26, s22, $0xb8;
	[tilespmem:$0xA680] =	vst v63  }
0x30b: {  	_ =	swait.ge [sflag:s19], $0x4000  }
0x30c: {  	[sflag:s19] =	ssyncset.done $0x0  }
0x30d: {  	[sflag:s19] =	ssyncadd.s32 $0xFFFFC000  }
0x30e: {  	_ =	swait.ge [sflag:s19], $0x2000  }
0x30f: {  	[sflag:s19] =	ssyncset.done $0x0  }
0x310: {  	[sflag:s19] =	ssyncadd.s32 $0xFFFFE000  }
0x311: {  	_ =	swait.ge [sflag:s19], $0x2000  }
0x312: {  	[sflag:s19] =	ssyncset.done $0x0  }
0x313: {  	[sflag:s19] =	ssyncadd.s32 $0xFFFFE000  }
0x314: {  	_ =	swait.ge [sflag:s19], $0x2000  }
0x315: {  	[sflag:s19] =	ssyncset.done $0x0  }
0x316: {  	[sflag:s19] =	ssyncadd.s32 $0xFFFFE000  }
0x317: {  	_ =	swait.ge [sflag:s19], $0x400  }
0x318: {  	[sflag:s19] =	ssyncset.done $0x0  }
0x319: {  	[sflag:s19] =	ssyncadd.s32 $0xFFFFFC00  }
0x31a: {  	[hbm4b:s13+s2] =	stream.linear.scatter [tilespmem:s18], [sflag:$0x2], $0x4000, $0x38;
	[tilespmem:$0xA680] =	vst v63  }
0x31b: {  	_ =	swait.ge [sflag:s8], $0x4000  }
0x31c: {  	[sflag:s8] =	ssyncset.done $0x0  }
0x31d: {  	[sflag:s8] =	ssyncadd.s32 $0xFFFFC000  }
0x31e: {  	[hbm4b:s12+s2] =	stream.linear.scatter [tilespmem:s17], [sflag:$0x2], $0x2000, $0x38;
	[tilespmem:$0xA680] =	vst v63  }
0x31f: {  	_ =	swait.ge [sflag:s8], $0x2000  }
0x320: {  	[sflag:s8] =	ssyncset.done $0x0  }
0x321: {  	[sflag:s8] =	ssyncadd.s32 $0xFFFFE000  }
0x322: {  	[hbm4b:s11+s2] =	stream.linear.scatter [tilespmem:s16], [sflag:$0x2], $0x2000, $0x38;
	[tilespmem:$0xA680] =	vst v63  }
0x323: {  	_ =	swait.ge [sflag:s8], $0x2000  }
0x324: {  	[sflag:s8] =	ssyncset.done $0x0  }
0x325: {  	[sflag:s8] =	ssyncadd.s32 $0xFFFFE000  }
0x326: {  	[hbm4b:s10+s2] =	stream.linear.scatter [tilespmem:s15], [sflag:$0x2], $0x2000, $0x38;
	[tilespmem:$0xA680] =	vst v63  }
0x327: {  	_ =	swait.ge [sflag:s8], $0x2000  }
0x328: {  	[sflag:s8] =	ssyncset.done $0x0  }
0x329: {  	[sflag:s8] =	ssyncadd.s32 $0xFFFFE000  }
0x32a: {  	[hbm4b:s9+s2] =	stream.linear.scatter [tilespmem:s14], [sflag:$0x2], $0x400, $0x38;
	[tilespmem:$0xA680] =	vst v63  }
0x32b: {  	_ =	swait.ge [sflag:s8], $0x400  }
0x32c: {  	[sflag:s8] =	ssyncset.done $0x0  }
0x32d: {  	[sflag:s8] =	ssyncadd.s32 $0xFFFFFC00  }
0x32e: {  	_ =	sfence.sel $0x180000  }
0x32f: {  	[bflag:$0x0] =	sbarrier.arrive $0xFFFF  }
0x330: {  	_ =	strace $0x9000004A  }
0x331: {  	s31 =	stileid.u32;
	[bflag:$0x2] =	sbarrier.arrive $0xFFFF  }
0x332: {  	p0 =	sne.s32 s31, $0x0;
	s0 =	rddreg [dreg:$0x1]  }
0x333: {  	s0 =	sadd.s32 @!p0 $0x100000, s0  }
0x334: {  	[sflag:s0] =	ssyncadd.tile.s32 @!p0 $0x1;
	_ =	shalt  }
.Lfunc_end2:
_tile_overlayer_lowered:
.L_overlay_start_2:
0x335: {  	(tag) =	ssettag $0x2  }
0x336: {  	s0 =	rddreg [dreg:$0x0];
	s2 =	stileid.u32  }
0x337: {  	s1 =	rddreg [dreg:$0x1];
	p0 =	sne.s32 s2, $0x0  }
0x338: {  	s3 =	rddreg [dreg:$0x2];
	[bflag:$0x3] =	sbarrier.arrive $0xFFFF;
	s2 =	simm.s32 @!p0 $0x1C02  }
0x339: {  	[timem:s3], [sflag:s2] =	dma.local @!p0 [hbm:s0], s1  }
0x33a: {  	s0 =	simm.s32 @!p0 $0x2  }
0x33b: {  	_ =	swait.ge @!p0 [sflag:s0], s1  }
0x33c: {  	s1 =	ssub.s32 @!p0 $0x0, s1;
	[sflag:s0] =	ssyncset.done @!p0 $0x0  }
0x33d: {  	[sflag:s0] =	ssyncadd.s32 @!p0 s1  }
0x33e: {  	[bflag:$0x3] =	sbarrier.arrive $0xFFFF  }
0x33f: {  	_ =	shalt  }

// kernel: kernel.7.cloned.1.call-start
scs
__scs_entry_jumppad:
0x0: {  	(pc) =	sbr.rel $0x88, $3  }
0x1: {  	(tag) =	ssettag $0x0;
	lr =	simm.s32 $0x1  }
0x2: {  	[smem:$0x3F97] =	sst lr;
	_ =	strace $0xD0000000  }
0x3: {  	_ = 	snop  }
0x4: {  	_ = 	snop  }
0x5: {  	_ = 	snop  }
0x6: {  	_ = 	snop  }
0x7: {  	_ = 	snop  }
__scs_overlays_trampoline_lowered:
0x8: {  	[smem:$0x3FA6] =	sst s0  }
0x9: {  	[smem:$0x3FA7] =	sst s1  }
0xa: {  	[smem:$0x3FA8] =	sst s2  }
0xb: {  	[smem:$0x3FA9] =	sst s3  }
0xc: {  	[smem:$0x3FAA] =	sst s4  }
0xd: {  	[smem:$0x3FAB] =	sst s5  }
0xe: {  	[smem:$0x3FAC] =	sst s6  }
0xf: {  	[smem:$0x3FAD] =	sst s7  }
0x10: {  	[smem:$0x3FAE] =	sst s8  }
0x11: {  	[smem:$0x3FAF] =	sst s9;
	s0 =	simm.s32 @!p0 $0x0  }
0x12: {  	s1 =	sld [smem:$0x3F95];
	s0 =	simm.s32 @p0 $0x1  }
0x13: {  	[smem:$0x3FB0] =	sst s0;
	s0 =	simm.s32 @!p1 $0x0  }
0x14: {  	s2 =	sld [smem:$0x3F94];
	s0 =	simm.s32 @p1 $0x1  }
0x15: {  	[smem:$0x3FB1] =	sst s0;
	s0 =	simm.s32 @!p2 $0x0  }
0x16: {  	s3 =	sld [smem:$0x3FDB];
	s0 =	simm.s32 @p2 $0x1  }
0x17: {  	s4 =	simm.s32 $0x1BF5;
	[smem:$0x3FB3] =	sst s0  }
0x18: {  	s0 =	sld [smem:$0x3F96];
	_ =	swait.ge [sflag:s4], $0x0  }
0x19: {  	s7 =	sld [smem:$0x3F97]  }
0x1a: {  	s8 =	sadd.s32 $0xFFFFE003, lr  }
0x1b: {  	s9 =	sadd.s32 $0xFFFFFEF7, lr;
	s5 =	simm.s32 $0xFFFFFFFF;
	p2 =	slt.u32 s8, $0xFFFFF086  }
0x1c: {  	p1 =	slt.u32 s9, $0xF7A;
	s5 =	simm.s32 @!p2 $0x0  }
0x1d: {  	s5 =	simm.s32 @p1 $0x1;
	p0 =	seq.s32 s7, s2  }
0x1e: {  	s7 =	smul.u32 @!p0 $0xF7A, s2;
	p2 =	seq.s32 @!p0 s5, $0x0  }
0x1f: {  	s9 =	smul.u32 $0xF7A, s1;
	s8 =	simm.s32 @!p0 $0x1BF5;
	p2 =	por !p2, p0  }
0x20: {  	[sflag:s8] =	ssyncset.s32 @!p0 $0xFFFFF086;
	s6 =	sadd.s32 @!p0 s3, s7;
	s7 =	simm.s32 @!p0 $0x108  }
0x21: {  	s3 =	sadd.s32 s3, s9;
	s6 =	sadd.s32 @!p0 $0x88, s6;
	s7 =	simm.s32 @p2 $0x1082  }
0x22: {  	[simem:s7], [sflag:s8] =	dma.local @!p0 [hbm:s6], $0xF7A  }
0x23: {  	s9 =	sor.u32 $0xD0000000, s2;
	s6 =	simm.s32 $0x108;
	_ =	swait.ge @!p0 [sflag:s8], $0x0  }
0x24: {  	s3 =	sadd.s32 $0x88, s3;
	s6 =	simm.s32 @!p1 $0x1082;
	[sflag:s4] =	ssyncset.s32 $0xFFFFF086  }
0x25: {  	[simem:s6], [sflag:s4] =	dma.local [hbm:s3], $0xF7A  }
0x26: {  	[smem:$0x3F97] =	sst s1;
	(tag) =	ssettag s2;
	_ =	strace s9  }
0x27: {  	s1 =	sld [smem:$0x3FA7]  }
0x28: {  	s2 =	sld [smem:$0x3FA8]  }
0x29: {  	s4 =	sld [smem:$0x3FAA]  }
0x2a: {  	p0 =	seq.s32 s5, $0x0;
	s5 =	sld [smem:$0x3FAB]  }
0x2b: {  	s6 =	sld [smem:$0x3FAC]  }
0x2c: {  	s7 =	sld [smem:$0x3FAD]  }
0x2d: {  	s3 =	simm.s32 $0x108;
	s8 =	sld [smem:$0x3FAE]  }
0x2e: {  	s3 =	simm.s32 @!p0 $0x1082;
	s9 =	sld [smem:$0x3FAF]  }
0x2f: {  	lr =	sadd.s32 s0, s3;
	s0 =	sld [smem:$0x3FA6]  }
0x30: {  	s3 =	sld [smem:$0x3FA9]  }
0x31: {  	[smem:$0x3FB2] =	sst s10  }
0x32: {  	s10 =	sld [smem:$0x3FB0];
	_ =	sdelay $0x3  }
0x33: {  	p0 =	seq.s32 s10, $0x1;
	s10 =	sld [smem:$0x3FB2];
	_ =	sdelay $0x3  }
0x34: {  	[smem:$0x3FB2] =	sst s10  }
0x35: {  	s10 =	sld [smem:$0x3FB1];
	_ =	sdelay $0x3  }
0x36: {  	p1 =	seq.s32 s10, $0x1;
	s10 =	sld [smem:$0x3FB2];
	_ =	sdelay $0x3  }
0x37: {  	[smem:$0x3FB2] =	sst s10  }
0x38: {  	s10 =	sld [smem:$0x3FB3]  }
0x39: {  	_ = 	snop;
	(pc) =	sbr.ind lr, $3  }
0x3a: {  	_ = 	snop  }
0x3b: {  	_ = 	snop  }
0x3c: {  	p2 =	seq.s32 s10, $0x1;
	s10 =	sld [smem:$0x3FB2]  }
0x3d: {  	_ =	shalt  }
0x3e: {  	_ =	shalt  }
0x3f: {  	_ =	shalt  }
0x40: {  	_ =	shalt  }
0x41: {  	_ =	shalt  }
0x42: {  	_ =	shalt  }
0x43: {  	_ =	shalt  }
0x44: {  	_ =	shalt  }
0x45: {  	_ =	shalt  }
0x46: {  	_ =	shalt  }
0x47: {  	_ =	shalt  }
0x48: {  	_ =	shalt  }
0x49: {  	_ =	shalt  }
0x4a: {  	_ =	shalt  }
0x4b: {  	_ =	shalt  }
0x4c: {  	_ =	shalt  }
0x4d: {  	_ =	shalt  }
0x4e: {  	_ =	shalt  }
0x4f: {  	_ =	shalt  }
0x50: {  	_ =	shalt  }
0x51: {  	_ =	shalt  }
0x52: {  	_ =	shalt  }
0x53: {  	_ =	shalt  }
0x54: {  	_ =	shalt  }
0x55: {  	_ =	shalt  }
0x56: {  	_ =	shalt  }
0x57: {  	_ =	shalt  }
0x58: {  	_ =	shalt  }
0x59: {  	_ =	shalt  }
0x5a: {  	_ =	shalt  }
0x5b: {  	_ =	shalt  }
0x5c: {  	_ =	shalt  }
0x5d: {  	_ =	shalt  }
0x5e: {  	_ =	shalt  }
0x5f: {  	_ =	shalt  }
0x60: {  	_ =	shalt  }
0x61: {  	_ =	shalt  }
0x62: {  	_ =	shalt  }
0x63: {  	_ =	shalt  }
0x64: {  	_ =	shalt  }
0x65: {  	_ =	shalt  }
0x66: {  	_ =	shalt  }
0x67: {  	_ =	shalt  }
0x68: {  	_ =	shalt  }
0x69: {  	_ =	shalt  }
0x6a: {  	_ =	shalt  }
0x6b: {  	_ =	shalt  }
0x6c: {  	_ =	shalt  }
0x6d: {  	_ =	shalt  }
0x6e: {  	_ =	shalt  }
0x6f: {  	_ =	shalt  }
0x70: {  	_ =	shalt  }
0x71: {  	_ =	shalt  }
0x72: {  	_ =	shalt  }
0x73: {  	_ =	shalt  }
0x74: {  	_ =	shalt  }
0x75: {  	_ =	shalt  }
0x76: {  	_ =	shalt  }
0x77: {  	_ =	shalt  }
0x78: {  	_ =	shalt  }
0x79: {  	_ =	shalt  }
0x7a: {  	_ =	shalt  }
0x7b: {  	_ =	shalt  }
0x7c: {  	_ =	shalt  }
0x7d: {  	_ =	shalt  }
0x7e: {  	_ =	shalt  }
0x7f: {  	_ =	shalt  }
0x80: {  	_ =	shalt  }
0x81: {  	_ =	shalt  }
0x82: {  	_ =	shalt  }
0x83: {  	_ =	shalt  }
0x84: {  	_ =	shalt  }
0x85: {  	_ =	shalt  }
0x86: {  	_ =	shalt  }
0x87: {  	_ =	shalt  }
.Lfunc_end0:
.L_simem_size_0:
called_computation_lowered:
.L_overlay_start_0:
0x88: {  	s2 =	sld [smem:$0x3FD9]  }
0x89: {  	s3 =	sld [smem:$0x3FFE];
	_ =	sdelay $0x1  }
0x8a: {  	s1 =	srdreg.scid  }
0x8b: {  	s0 =	sand.u32 $0x1, s1  }
0x8c: {  	s17 =	sshll.u32 s0, $0xA;
	s2 =	sadd.s32 s3, s2  }
0x8d: {  	s2 =	sadd.s32 s2, s17  }
0x8e: {  	[smem:$0x3FBE] =	sst s2  }
0x8f: {  	_ = 	snop  }
0x90: {  	s2 =	sld [smem:$0x3FC8]  }
0x91: {  	s18 =	sld [smem:$0x3FC7]  }
0x92: {  	s4 =	sld [smem:$0x3FC5];
	(tm) =	ssettm $0x1  }
0x93: {  	s5 =	sld [smem:$0x3FFB];
	_ =	sdelay $0x3  }
0x94: {  	_ =	strace s5  }
0x95: {  	s5 =	sld [smem:$0x3FFC];
	_ =	sdelay $0x3  }
0x96: {  	_ =	strace s5  }
0x97: {  	s5 =	sld [smem:$0x3FFD];
	_ =	sdelay $0x3  }
0x98: {  	_ =	strace s5  }
0x99: {  	_ =	strace $0x8FFFFFFF  }
0x9a: {  	s19 =	sld [smem:$0x3FDB];
	_ =	sdelay $0x1  }
0x9b: {  	s6 =	simm.s32 $_scs_section_size  }
0x9c: {  	s7 =	simm.s32 $_size__tile_overlayer_lowered;
	s8 =	simm.s32 $_tile_overlayer_lowered  }
0x9d: {  	s22 =	simm.s32 $0x1BFF;
	s21 =	sshll.u32 s8, $0x1;
	s5 =	sadd.s32 s6, s19  }
0x9e: {  	s9 =	simm.s32 $0x0;
	s20 =	sshll.u32 s7, $0x1;
	s7 =	sadd.s32 s21, s5  }
0x9f: {  	[timem:s9], [sflag:s22] =	dma.local [hbm:s7], s20  }
0xa0: {  	_ =	swait.ge [sflag:s22], s20  }
0xa1: {  	s6 =	ssub.s32 $0x0, s20;
	[sflag:s22] =	ssyncset.done $0x0  }
0xa2: {  	[sflag:s22] =	ssyncadd.s32 s6;
	_ =	sdelay $0x1  }
0xa3: {  	s23 =	simm.s32 $0x1B8B  }
0xa4: {  	_ =	swait.ge [sflag:s23], $0x1  }
0xa5: {  	[sflag:s23] =	ssyncset.done $0x0  }
0xa6: {  	s25 =	simm.s32 $0x1B8E;
	s24 =	sld [smem:$0x3FFE];
	[sflag:s23] =	ssyncadd.s32 $0xFFFFFFFF  }
0xa7: {  	s26 =	simm.s32 $execute0_lowered;
	[smem:$0x3FD2] =	sst s25  }
0xa8: {  	s7 =	sshll.u32 s26, $0x1;
	_ =	strace $0x80000046;
	[dreg:$0x1] =	wrdreg $0xFFFFFFFF  }
0xa9: {  	s28 =	simm.s32 $_size_execute0_lowered;
	s5 =	sadd.s32 s5, s7;
	[dreg:$0x0] =	wrdreg $0x0  }
0xaa: {  	s7 =	sshll.u32 s28, $0x1;
	[dreg:$0x2] =	wrdreg s5  }
0xab: {  	[dreg:$0x3] =	wrdreg s7  }
0xac: {  	[dreg:$0x4] =	wrdreg $0xC0  }
0xad: {  	_ =	task [dreg:s9], $0x5FFFF  }
0xae: {  	[dreg:$0x1] =	wrdreg $0xFFFFFFFF  }
0xaf: {  	[dreg:$0x0] =	wrdreg $0x60  }
0xb0: {  	[dreg:$0x2] =	wrdreg s24  }
0xb1: {  	[dreg:$0x3] =	wrdreg s2  }
0xb2: {  	[dreg:$0x4] =	wrdreg s18  }
0xb3: {  	[dreg:$0x5] =	wrdreg s4  }
0xb4: {  	[dreg:$0x6] =	wrdreg $0x9  }
0xb5: {  	_ =	task.clear_ibuf [dreg:s9], $0x7FFFF;
	_ =	strace $0x90000046  }
0xb6: {  	s29 =	simm.s32 $0x9;
	_ =	strace $0x80000048  }
0xb7: {  	_ =	swait.ge [sflag:s29], $0x1  }
0xb8: {  	[sflag:s29] =	ssyncadd.s32 $0xFFFFFFFF  }
0xb9: {  	_ =	strace $0x90000048  }
0xba: {  	_ =	sfence  }
0xbb: {  	s30 =	sld [smem:$0x0];
	_ =	sdelay $0x2  }
0xbc: {  	s31 =	sshll.u32 s1, $0xD;
	s1 =	sshrl.u32 s1, $0x2  }
0xbd: {  	s3 =	sand.u32 $0x4000, s31;
	s1 =	sadd.s32 s1, s30  }
0xbe: {  	s0 =	sor.u32 s3, s0;
	s1 =	sshll.u32 s1, $0x11  }
0xbf: {  	s0 =	sor.u32 s1, s0  }
0xc0: {  	s0 =	sadd.s32 $0x8F2B, s0  }
0xc1: {  	[sflag:s0] =	ssyncadd.remote.s32 $0x1  }
0xc2: {  	_ =	sfence.sel $0xFFFF  }
0xc3: {  	[dreg:$0x0] =	wrdreg $0xFFFFFFFF;
	(pc) =	sbr.abs _section_cstart, $3  }
0xc4: {  	[dreg:$0x1] =	wrdreg $0xFFFFFFFF  }
0xc5: {  	_ =	task.clear_ibuf [dreg:s9], $0x2FFFF;
	_ =	strace $0x9FFFFFFF  }
0xc6: {  	(tm) =	ssettm $0x7FFFFFFF  }
0xc7: {  	_ =	shalt  }
tec
execute0_lowered:
.L_overlay_start_1:
0x0: {  	(tag) =	ssettag $0x1  }
0x1: {  	s1 =	rddreg [dreg:$0x0]  }
0x2: {  	s6 =	rddreg [dreg:$0x1]  }
0x3: {  	s7 =	rddreg [dreg:$0x2]  }
0x4: {  	s3 =	rddreg [dreg:$0x3]  }
0x5: {  	s28 =	rddreg [dreg:$0x4];
	s2 =	simm.s32 $0x0  }
0x6: {  	s15 =	srdreg.scid;
	s29 =	stileid.u32;
	s30 =	simm.s32 $0x400  }
0x7: {  	p1 =	por $0x0, $0x0;
	[smem:$0x7FF] =	sst s2;
	s0 =	sadd.s32 $0x2C00, s1  }
0x8: {  	s4 =	sadd.s32 $0x2E00, s1;
	s8 =	sand.u32 $0x1, s15;
	s16 =	sshll.u32 s29, $0x1  }
0x9: {  	s17 =	sadd.s32 $0x7A9A00, s1;
	_ =	strace $0x80000047;
	[dreg:$0x5] =	wrdreg s0  }
0xa: {  	s18 =	sadd.s32 $0x7AA200, s1;
	[dreg:$0x6] =	wrdreg s4;
	s0 =	sor.u32 s8, s16  }
0xb: {  	s10 =	sadd.s32 $0x3000, s1;
	[dreg:$0x7] =	wrdreg s17;
	s9 =	sshll.u32 s0, $0x6  }
0xc: {  	s13 =	sadd.s32 $0x7A5200, s1;
	[dreg:$0x8] =	wrdreg s18;
	s19 =	sadd.s32 s6, s9  }
0xd: {  	s14 =	sadd.s32 $0x7AA400, s1;
	s20 =	sadd.s32 s10, s9;
	[dreg:$0x9] =	wrdreg s19  }
0xe: {  	s5 =	sadd.s32 s7, s9;
	s11 =	sor.u32 $0x10, s9;
	[dreg:$0xa] =	wrdreg s20  }
0xf: {  	s4 =	sadd.s32 $0xF45400, s1;
	[dreg:$0xb] =	wrdreg s5;
	s12 =	sadd.s32 s6, s11  }
0x10: {  	s8 =	ssub.s32 $0x2, s8;
	s21 =	sadd.s32 s10, s11;
	[dreg:$0xc] =	wrdreg s12  }
0x11: {  	s22 =	sor.u32 $0x20, s9;
	s11 =	sadd.s32 s7, s11;
	[dreg:$0xd] =	wrdreg s21  }
0x12: {  	p0 =	sne.s32 s0, $0x0;
	s23 =	sadd.s32 s6, s22;
	[dreg:$0xe] =	wrdreg s11  }
0x13: {  	s26 =	sor.u32 $0x30, s9;
	s24 =	sadd.s32 s10, s22;
	[dreg:$0xf] =	wrdreg s23  }
0x14: {  	s5 =	sadd.s32 $0x4000, s1;
	s25 =	sadd.s32 s7, s22;
	[dreg:$0x10] =	wrdreg s24  }
0x15: {  	s1 =	sadd.s32 $0x7A9200, s1;
	s6 =	sadd.s32 s6, s26;
	[dreg:$0x11] =	wrdreg s25  }
0x16: {  	s31 =	sadd.s32 s10, s26;
	s10 =	sadd.s32 s7, s26;
	[dreg:$0x12] =	wrdreg s6  }
0x17: {  	s26 =	sshrl.u32 s8, $0x1;
	[dreg:$0x13] =	wrdreg s31;
	s11 =	sshll.u32 s0, $0x9  }
0x18: {  	[dreg:$0x14] =	wrdreg s10;
	s25 =	sshll.u32 s0, $0xD;
	s10 =	sadd.s32 s1, s9  }
0x19: {  	s6 =	rddreg [dreg:$0x5];
	s24 =	sadd.s32 s13, s11;
	s31 =	sadd.s32 s14, s25  }
0x1a: {  	s12 =	sor.u32 $0x80, s11;
	[dreg:$0x17] =	wrdreg s10;
	s19 =	sor.u32 $0x100, s11  }
0x1b: {  	s7 =	sor.u32 $0x180, s11;
	s11 =	simm.s32 $0x600;
	[dreg:$0x15] =	wrdreg s24  }
0x1c: {  	s10 =	simm.s32 $0xA00;
	[dreg:$0x16] =	wrdreg s31;
	s15 =	sadd.s32 s13, s12  }
0x1d: {  	s16 =	sshll.u32 s12, $0x4;
	s9 =	sshrl.u32 s12, $0x3;
	s20 =	sadd.s32 s13, s19  }
0x1e: {  	s21 =	sshll.u32 s19, $0x4;
	s24 =	ssub.s32 s8, s26;
	s25 =	sadd.s32 s13, s7  }
0x1f: {  	s26 =	sshll.u32 s7, $0x4;
	s7 =	sshrl.u32 s7, $0x3;
	s12 =	simm.s32 $0x80  }
0x20: {  	s13 =	simm.s32 $0x1;
	[dreg:$0x18] =	wrdreg s15;
	s17 =	sadd.s32 s14, s16  }
0x21: {  	s18 =	sadd.s32 s1, s9;
	[dreg:$0x1b] =	wrdreg s20;
	s22 =	sadd.s32 s14, s21  }
0x22: {  	s9 =	sshrl.u32 s19, $0x3;
	[dreg:$0x1e] =	wrdreg s25;
	s31 =	smax.u32 s24, $0x1  }
0x23: {  	s8 =	sadd.s32 s1, s7;
	s23 =	sadd.s32 s1, s9;
	s1 =	sadd.s32 $0xFFFFFFFF, s31  }
0x24: {  	s14 =	sadd.s32 s14, s26;
	s7 =	simm.s32 $0x2;
	p2 =	sne.s32 s1, $0x0  }
.Ltmp0:
0x25: {  	s21 =	simm.s32 $0x280;
	[dreg:$0x19] =	wrdreg s17;
	(pc) =	sbr.rel @!p2 .LBB2_5-.Ltmp0, $4  }
0x26: {  	s19 =	simm.s32 $0x300;
	s20 =	simm.s32 $0x500;
	[dreg:$0x1a] =	wrdreg s18  }
0x27: {  	s15 =	simm.s32 $0x180;
	s16 =	simm.s32 $0x380;
	[dreg:$0x1c] =	wrdreg s22  }
0x28: {  	s22 =	simm.s32 $0x480;
	s18 =	simm.s32 $0x100;
	s17 =	simm.s32 $0x580  }
0x29: {  	s9 =	simm.s32 $0x4A00;
	[dreg:$0x1d] =	wrdreg s23;
	s23 =	simm.s32 $0x200  }
0x2a: {  	s24 =	simm.s32 @!p0 $0x0;
	s31 =	simm.s32 @!p0 $0x4A80;
	s26 =	simm.s32 @!p0 $0x2  }
0x2b: {  	[tilespmem:s31], [sflag:$0x2] =	stream.linear.gather @!p0 [hbm4b:s6+s24], $0x80, $0x38;
	[tilespmem:$0x8C00] =	vst v63  }
0x2c: {  	_ =	swait.ge @!p0 [sflag:s26], $0x80  }
0x2d: {  	[sflag:s26] =	ssyncset.done @!p0 $0x0  }
0x2e: {  	s6 =	simm.s32 @!p0 $0x4B00;
	s0 =	rddreg [dreg:$0x6];
	[sflag:s26] =	ssyncadd.s32 @!p0 $0xFFFFFF80  }
0x2f: {  	[tilespmem:s6], [sflag:$0x2] =	stream.linear.gather @!p0 [hbm4b:s0+s24], $0x80, $0x38;
	[tilespmem:$0x8C00] =	vst v63  }
0x30: {  	_ =	swait.ge @!p0 [sflag:s26], $0x80  }
0x31: {  	[sflag:s26] =	ssyncset.done @!p0 $0x0  }
0x32: {  	s28 =	simm.s32 @!p0 $0x80;
	s30 =	simm.s32 @!p0 $0x4B80;
	[sflag:s26] =	ssyncadd.s32 @!p0 $0xFFFFFF80  }
0x33: {  	[tilespmem:s30], [sflag:$0x1] =	stream.indirect.gather @!p0 [hbm4b:s5+s28], $0x80, s31, s28, $0xb8;
	[tilespmem:$0x8C00] =	vst v63  }
0x34: {  	s0 =	simm.s32 @!p0 $0x1;
	s31 =	simm.s32 @!p0 $0x8B80  }
0x35: {  	[tilespmem:s31], [sflag:$0x1] =	stream.indirect.gather @!p0 [hbm4b:s3+s28], $0x1, s6, s28, $0xb8;
	[tilespmem:$0x8C00] =	vst v63  }
0x36: {  	_ =	swait.ge @!p0 [sflag:s0], $0x4000  }
0x37: {  	[sflag:s0] =	ssyncset.done @!p0 $0x0  }
0x38: {  	[sflag:s0] =	ssyncadd.s32 @!p0 $0xFFFFC000  }
0x39: {  	_ =	swait.ge @!p0 [sflag:s0], $0x80  }
0x3a: {  	[sflag:s0] =	ssyncset.done @!p0 $0x0  }
0x3b: {  	s6 =	rddreg [dreg:$0x7];
	[sflag:s0] =	ssyncadd.s32 @!p0 $0xFFFFFF80  }
0x3c: {  	[hbm4b:s6+s24] =	stream.linear.scatter @!p0 [tilespmem:s30], [sflag:$0x2], $0x4000, $0x38;
	[tilespmem:$0x8C00] =	vst v63  }
0x3d: {  	_ =	swait.ge @!p0 [sflag:s26], $0x4000  }
0x3e: {  	[sflag:s26] =	ssyncset.done @!p0 $0x0  }
0x3f: {  	s6 =	rddreg [dreg:$0x8];
	[sflag:s26] =	ssyncadd.s32 @!p0 $0xFFFFC000  }
0x40: {  	[hbm4b:s6+s24] =	stream.linear.scatter @!p0 [tilespmem:s31], [sflag:$0x2], $0x80, $0x38;
	[tilespmem:$0x8C00] =	vst v63  }
0x41: {  	_ =	swait.ge @!p0 [sflag:s26], $0x80  }
0x42: {  	[sflag:s26] =	ssyncset.done @!p0 $0x0  }
0x43: {  	s28 =	rddreg [dreg:$0x9];
	[sflag:s26] =	ssyncadd.s32 @!p0 $0xFFFFFF80  }
0x44: {  	[tilespmem:s2], [sflag:$0x2] =	stream.linear.gather [hbm4b:s28+s2], $0x80, $0x38;
	[tilespmem:$0x8C00] =	vst v63  }
0x45: {  	_ =	swait.ge [sflag:s7], $0x80  }
0x46: {  	[sflag:s7] =	ssyncset.done $0x0  }
0x47: {  	s23 =	simm.s32 $0x200;
	s29 =	rddreg [dreg:$0xa];
	[sflag:s7] =	ssyncadd.s32 $0xFFFFFF80  }
0x48: {  	[tilespmem:s23], [sflag:$0x2] =	stream.linear.gather [hbm4b:s29+s2], $0x80, $0x38;
	[tilespmem:$0x8C00] =	vst v63  }
0x49: {  	_ =	swait.ge [sflag:s7], $0x80  }
0x4a: {  	[sflag:s7] =	ssyncset.done $0x0  }
0x4b: {  	s25 =	simm.s32 $0x400;
	s28 =	rddreg [dreg:$0xb];
	[sflag:s7] =	ssyncadd.s32 $0xFFFFFF80  }
0x4c: {  	[tilespmem:s25], [sflag:$0x2] =	stream.linear.gather [hbm4b:s28+s2], $0x80, $0x38;
	[tilespmem:$0x8C00] =	vst v63  }
0x4d: {  	_ =	swait.ge [sflag:s7], $0x80  }
0x4e: {  	[sflag:s7] =	ssyncset.done $0x0  }
0x4f: {  	s29 =	rddreg [dreg:$0xc];
	[sflag:s7] =	ssyncadd.s32 $0xFFFFFF80  }
0x50: {  	[tilespmem:s12], [sflag:$0x2] =	stream.linear.gather [hbm4b:s29+s2], $0x80, $0x38;
	[tilespmem:$0x8C00] =	vst v63  }
0x51: {  	_ =	swait.ge [sflag:s7], $0x80  }
0x52: {  	[sflag:s7] =	ssyncset.done $0x0  }
0x53: {  	s21 =	simm.s32 $0x280;
	s28 =	rddreg [dreg:$0xd];
	[sflag:s7] =	ssyncadd.s32 $0xFFFFFF80  }
0x54: {  	[tilespmem:s21], [sflag:$0x2] =	stream.linear.gather [hbm4b:s28+s2], $0x80, $0x38;
	[tilespmem:$0x8C00] =	vst v63  }
0x55: {  	_ =	swait.ge [sflag:s7], $0x80  }
0x56: {  	[sflag:s7] =	ssyncset.done $0x0  }
0x57: {  	s22 =	simm.s32 $0x480;
	s29 =	rddreg [dreg:$0xe];
	[sflag:s7] =	ssyncadd.s32 $0xFFFFFF80  }
0x58: {  	[tilespmem:s22], [sflag:$0x2] =	stream.linear.gather [hbm4b:s29+s2], $0x80, $0x38;
	[tilespmem:$0x8C00] =	vst v63  }
0x59: {  	_ =	swait.ge [sflag:s7], $0x80  }
0x5a: {  	[sflag:s7] =	ssyncset.done $0x0  }
0x5b: {  	s18 =	simm.s32 $0x100;
	s28 =	rddreg [dreg:$0xf];
	[sflag:s7] =	ssyncadd.s32 $0xFFFFFF80  }
0x5c: {  	[tilespmem:s18], [sflag:$0x2] =	stream.linear.gather [hbm4b:s28+s2], $0x80, $0x38;
	[tilespmem:$0x8C00] =	vst v63  }
0x5d: {  	_ =	swait.ge [sflag:s7], $0x80  }
0x5e: {  	[sflag:s7] =	ssyncset.done $0x0  }
0x5f: {  	s19 =	simm.s32 $0x300;
	s29 =	rddreg [dreg:$0x10];
	[sflag:s7] =	ssyncadd.s32 $0xFFFFFF80  }
0x60: {  	[tilespmem:s19], [sflag:$0x2] =	stream.linear.gather [hbm4b:s29+s2], $0x80, $0x38;
	[tilespmem:$0x8C00] =	vst v63  }
0x61: {  	_ =	swait.ge [sflag:s7], $0x80  }
0x62: {  	[sflag:s7] =	ssyncset.done $0x0  }
0x63: {  	s20 =	simm.s32 $0x500;
	s28 =	rddreg [dreg:$0x11];
	[sflag:s7] =	ssyncadd.s32 $0xFFFFFF80  }
0x64: {  	[tilespmem:s20], [sflag:$0x2] =	stream.linear.gather [hbm4b:s28+s2], $0x80, $0x38;
	[tilespmem:$0x8C00] =	vst v63  }
0x65: {  	_ =	swait.ge [sflag:s7], $0x80  }
0x66: {  	[sflag:s7] =	ssyncset.done $0x0  }
0x67: {  	s15 =	simm.s32 $0x180;
	s29 =	rddreg [dreg:$0x12];
	[sflag:s7] =	ssyncadd.s32 $0xFFFFFF80  }
0x68: {  	[tilespmem:s15], [sflag:$0x2] =	stream.linear.gather [hbm4b:s29+s2], $0x80, $0x38;
	[tilespmem:$0x8C00] =	vst v63  }
0x69: {  	_ =	swait.ge [sflag:s7], $0x80  }
0x6a: {  	[sflag:s7] =	ssyncset.done $0x0  }
0x6b: {  	s16 =	simm.s32 $0x380;
	s28 =	rddreg [dreg:$0x13];
	[sflag:s7] =	ssyncadd.s32 $0xFFFFFF80  }
0x6c: {  	[tilespmem:s16], [sflag:$0x2] =	stream.linear.gather [hbm4b:s28+s2], $0x80, $0x38;
	[tilespmem:$0x8C00] =	vst v63  }
0x6d: {  	_ =	swait.ge [sflag:s7], $0x80  }
0x6e: {  	[sflag:s7] =	ssyncset.done $0x0  }
0x6f: {  	s17 =	simm.s32 $0x580;
	s29 =	rddreg [dreg:$0x14];
	[sflag:s7] =	ssyncadd.s32 $0xFFFFFF80  }
0x70: {  	[tilespmem:s17], [sflag:$0x2] =	stream.linear.gather [hbm4b:s29+s2], $0x80, $0x38;
	[tilespmem:$0x8C00] =	vst v63  }
0x71: {  	_ =	swait.ge [sflag:s7], $0x80  }
0x72: {  	[sflag:s7] =	ssyncset.done $0x0  }
0x73: {  	[sflag:s7] =	ssyncadd.s32 $0xFFFFFF80  }
0x74: {  	[tilespmem:s11], [sflag:$0x1] =	stream.indirect.gather [hbm4b:s4+s12], $0x8, s2, s12, $0xb8;
	[tilespmem:$0x8C00] =	vst v63  }
0x75: {  	_ = 	snop  }
0x76: {  	[tilespmem:s10], [sflag:$0x1] =	stream.indirect.gather [hbm4b:s5+s12], $0x80, s23, s12, $0xb8;
	[tilespmem:$0x8C00] =	vst v63  }
0x77: {  	_ = 	snop  }
0x78: {  	[tilespmem:s9], [sflag:$0x1] =	stream.indirect.gather [hbm4b:s3+s12], $0x1, s25, s12, $0xb8;
	[tilespmem:$0x8C00] =	vst v63  }
0x79: {  	_ =	swait.ge [sflag:s13], $0x400  }
0x7a: {  	[sflag:s13] =	ssyncset.done $0x0  }
0x7b: {  	[sflag:s13] =	ssyncadd.s32 $0xFFFFFC00  }
0x7c: {  	_ =	swait.ge [sflag:s13], $0x4000  }
0x7d: {  	[sflag:s13] =	ssyncset.done $0x0  }
0x7e: {  	[sflag:s13] =	ssyncadd.s32 $0xFFFFC000  }
0x7f: {  	_ =	swait.ge [sflag:s13], $0x80  }
0x80: {  	[sflag:s13] =	ssyncset.done $0x0  }
0x81: {  	s28 =	rddreg [dreg:$0x15];
	[sflag:s13] =	ssyncadd.s32 $0xFFFFFF80  }
0x82: {  	[hbm4b:s28+s2] =	stream.linear.scatter [tilespmem:s11], [sflag:$0x2], $0x400, $0x38;
	[tilespmem:$0x8C00] =	vst v63  }
0x83: {  	_ =	swait.ge [sflag:s7], $0x400  }
0x84: {  	[sflag:s7] =	ssyncset.done $0x0  }
0x85: {  	s29 =	rddreg [dreg:$0x16];
	[sflag:s7] =	ssyncadd.s32 $0xFFFFFC00  }
0x86: {  	[hbm4b:s29+s2] =	stream.linear.scatter [tilespmem:s10], [sflag:$0x2], $0x4000, $0x38;
	[tilespmem:$0x8C00] =	vst v63  }
0x87: {  	_ =	swait.ge [sflag:s7], $0x4000  }
0x88: {  	[sflag:s7] =	ssyncset.done $0x0  }
0x89: {  	s28 =	rddreg [dreg:$0x17];
	[sflag:s7] =	ssyncadd.s32 $0xFFFFC000  }
0x8a: {  	[hbm4b:s28+s2] =	stream.linear.scatter [tilespmem:s9], [sflag:$0x2], $0x80, $0x38;
	[tilespmem:$0x8C00] =	vst v63  }
0x8b: {  	_ =	swait.ge [sflag:s7], $0x80  }
0x8c: {  	[sflag:s7] =	ssyncset.done $0x0  }
0x8d: {  	[sflag:s7] =	ssyncadd.s32 $0xFFFFFF80  }
0x8e: {  	[tilespmem:s11], [sflag:$0x1] =	stream.indirect.gather [hbm4b:s4+s12], $0x8, s12, s12, $0xb8;
	[tilespmem:$0x8C00] =	vst v63  }
0x8f: {  	_ = 	snop  }
0x90: {  	[tilespmem:s10], [sflag:$0x1] =	stream.indirect.gather [hbm4b:s5+s12], $0x80, s21, s12, $0xb8;
	[tilespmem:$0x8C00] =	vst v63  }
0x91: {  	_ = 	snop  }
0x92: {  	[tilespmem:s9], [sflag:$0x1] =	stream.indirect.gather [hbm4b:s3+s12], $0x1, s22, s12, $0xb8;
	[tilespmem:$0x8C00] =	vst v63  }
0x93: {  	_ =	swait.ge [sflag:s13], $0x400  }
0x94: {  	[sflag:s13] =	ssyncset.done $0x0  }
0x95: {  	[sflag:s13] =	ssyncadd.s32 $0xFFFFFC00  }
0x96: {  	_ =	swait.ge [sflag:s13], $0x4000  }
0x97: {  	[sflag:s13] =	ssyncset.done $0x0  }
0x98: {  	[sflag:s13] =	ssyncadd.s32 $0xFFFFC000  }
0x99: {  	_ =	swait.ge [sflag:s13], $0x80  }
0x9a: {  	[sflag:s13] =	ssyncset.done $0x0  }
0x9b: {  	s29 =	rddreg [dreg:$0x18];
	[sflag:s13] =	ssyncadd.s32 $0xFFFFFF80  }
0x9c: {  	[hbm4b:s29+s2] =	stream.linear.scatter [tilespmem:s11], [sflag:$0x2], $0x400, $0x38;
	[tilespmem:$0x8C00] =	vst v63  }
0x9d: {  	_ =	swait.ge [sflag:s7], $0x400  }
0x9e: {  	[sflag:s7] =	ssyncset.done $0x0  }
0x9f: {  	s28 =	rddreg [dreg:$0x19];
	[sflag:s7] =	ssyncadd.s32 $0xFFFFFC00  }
0xa0: {  	[hbm4b:s28+s2] =	stream.linear.scatter [tilespmem:s10], [sflag:$0x2], $0x4000, $0x38;
	[tilespmem:$0x8C00] =	vst v63  }
0xa1: {  	_ =	swait.ge [sflag:s7], $0x4000  }
0xa2: {  	[sflag:s7] =	ssyncset.done $0x0  }
0xa3: {  	s29 =	rddreg [dreg:$0x1a];
	[sflag:s7] =	ssyncadd.s32 $0xFFFFC000  }
0xa4: {  	[hbm4b:s29+s2] =	stream.linear.scatter [tilespmem:s9], [sflag:$0x2], $0x80, $0x38;
	[tilespmem:$0x8C00] =	vst v63  }
0xa5: {  	_ =	swait.ge [sflag:s7], $0x80  }
0xa6: {  	[sflag:s7] =	ssyncset.done $0x0  }
0xa7: {  	[sflag:s7] =	ssyncadd.s32 $0xFFFFFF80  }
0xa8: {  	[tilespmem:s11], [sflag:$0x1] =	stream.indirect.gather [hbm4b:s4+s12], $0x8, s18, s12, $0xb8;
	[tilespmem:$0x8C00] =	vst v63  }
0xa9: {  	_ = 	snop  }
0xaa: {  	[tilespmem:s10], [sflag:$0x1] =	stream.indirect.gather [hbm4b:s5+s12], $0x80, s19, s12, $0xb8;
	[tilespmem:$0x8C00] =	vst v63  }
0xab: {  	_ = 	snop  }
0xac: {  	[tilespmem:s9], [sflag:$0x1] =	stream.indirect.gather [hbm4b:s3+s12], $0x1, s20, s12, $0xb8;
	[tilespmem:$0x8C00] =	vst v63  }
0xad: {  	_ =	swait.ge [sflag:s13], $0x400  }
0xae: {  	[sflag:s13] =	ssyncset.done $0x0  }
0xaf: {  	[sflag:s13] =	ssyncadd.s32 $0xFFFFFC00  }
0xb0: {  	_ =	swait.ge [sflag:s13], $0x4000  }
0xb1: {  	[sflag:s13] =	ssyncset.done $0x0  }
0xb2: {  	[sflag:s13] =	ssyncadd.s32 $0xFFFFC000  }
0xb3: {  	_ =	swait.ge [sflag:s13], $0x80  }
0xb4: {  	[sflag:s13] =	ssyncset.done $0x0  }
0xb5: {  	s28 =	rddreg [dreg:$0x1b];
	[sflag:s13] =	ssyncadd.s32 $0xFFFFFF80  }
0xb6: {  	[hbm4b:s28+s2] =	stream.linear.scatter [tilespmem:s11], [sflag:$0x2], $0x400, $0x38;
	[tilespmem:$0x8C00] =	vst v63  }
0xb7: {  	_ =	swait.ge [sflag:s7], $0x400  }
0xb8: {  	[sflag:s7] =	ssyncset.done $0x0  }
0xb9: {  	s29 =	rddreg [dreg:$0x1c];
	[sflag:s7] =	ssyncadd.s32 $0xFFFFFC00  }
0xba: {  	[hbm4b:s29+s2] =	stream.linear.scatter [tilespmem:s10], [sflag:$0x2], $0x4000, $0x38;
	[tilespmem:$0x8C00] =	vst v63  }
0xbb: {  	_ =	swait.ge [sflag:s7], $0x4000  }
0xbc: {  	[sflag:s7] =	ssyncset.done $0x0  }
0xbd: {  	s28 =	rddreg [dreg:$0x1d];
	[sflag:s7] =	ssyncadd.s32 $0xFFFFC000  }
0xbe: {  	[hbm4b:s28+s2] =	stream.linear.scatter [tilespmem:s9], [sflag:$0x2], $0x80, $0x38;
	[tilespmem:$0x8C00] =	vst v63  }
0xbf: {  	_ =	swait.ge [sflag:s7], $0x80  }
0xc0: {  	[sflag:s7] =	ssyncset.done $0x0  }
0xc1: {  	[sflag:s7] =	ssyncadd.s32 $0xFFFFFF80  }
0xc2: {  	[tilespmem:s11], [sflag:$0x1] =	stream.indirect.gather [hbm4b:s4+s12], $0x8, s15, s12, $0xb8;
	[tilespmem:$0x8C00] =	vst v63  }
0xc3: {  	_ = 	snop  }
0xc4: {  	[tilespmem:s10], [sflag:$0x1] =	stream.indirect.gather [hbm4b:s5+s12], $0x80, s16, s12, $0xb8;
	[tilespmem:$0x8C00] =	vst v63  }
0xc5: {  	_ = 	snop  }
0xc6: {  	[tilespmem:s9], [sflag:$0x1] =	stream.indirect.gather [hbm4b:s3+s12], $0x1, s17, s12, $0xb8;
	[tilespmem:$0x8C00] =	vst v63  }
0xc7: {  	_ =	swait.ge [sflag:s13], $0x400  }
0xc8: {  	[sflag:s13] =	ssyncset.done $0x0  }
0xc9: {  	[sflag:s13] =	ssyncadd.s32 $0xFFFFFC00  }
0xca: {  	_ =	swait.ge [sflag:s13], $0x4000  }
0xcb: {  	[sflag:s13] =	ssyncset.done $0x0  }
0xcc: {  	[sflag:s13] =	ssyncadd.s32 $0xFFFFC000  }
0xcd: {  	_ =	swait.ge [sflag:s13], $0x80  }
0xce: {  	[sflag:s13] =	ssyncset.done $0x0  }
0xcf: {  	s29 =	rddreg [dreg:$0x1e];
	[sflag:s13] =	ssyncadd.s32 $0xFFFFFF80  }
0xd0: {  	[hbm4b:s29+s2] =	stream.linear.scatter [tilespmem:s11], [sflag:$0x2], $0x400, $0x38;
	[tilespmem:$0x8C00] =	vst v63  }
0xd1: {  	_ =	swait.ge [sflag:s7], $0x400  }
0xd2: {  	[sflag:s7] =	ssyncset.done $0x0  }
0xd3: {  	s1 =	sadd.s32 $0xFFFFFFFF, s1;
	[sflag:s7] =	ssyncadd.s32 $0xFFFFFC00  }
0xd4: {  	[hbm4b:s14+s2] =	stream.linear.scatter [tilespmem:s10], [sflag:$0x2], $0x4000, $0x38;
	[tilespmem:$0x8C00] =	vst v63  }
0xd5: {  	p2 =	sne.s32 s1, $0x0;
	_ =	swait.ge [sflag:s7], $0x4000  }
.Ltmp1:
0xd6: {  	[sflag:s7] =	ssyncset.done $0x0;
	(pc) =	sbr.rel @!p2 .LBB2_2-.Ltmp1, $4  }
0xd7: {  	[sflag:s7] =	ssyncadd.s32 $0xFFFFC000  }
0xd8: {  	[hbm4b:s8+s2] =	stream.linear.scatter [tilespmem:s9], [sflag:$0x2], $0x80, $0x38;
	[tilespmem:$0x8C00] =	vst v63  }
0xd9: {  	_ =	swait.ge [sflag:s7], $0x80  }
0xda: {  	p1 =	por $0x1, $0x1;
	s6 =	rddreg [dreg:$0x5];
	[sflag:s7] =	ssyncset.done $0x0  }
.LBB2_3:
0xdb: {  	[sflag:s7] =	ssyncadd.s32 $0xFFFFFF80;
	s28 =	simm.s32 @!p0 $0x4A80  }
0xdc: {  	[tilespmem:s28], [sflag:$0x2] =	stream.linear.gather @!p0 [hbm4b:s6+s24], $0x80, $0x38;
	[tilespmem:$0x8C00] =	vst v63  }
0xdd: {  	_ =	swait.ge @!p0 [sflag:s26], $0x80  }
0xde: {  	[sflag:s26] =	ssyncset.done @!p0 $0x0  }
0xdf: {  	s29 =	simm.s32 @!p0 $0x4B00;
	s6 =	rddreg [dreg:$0x6];
	[sflag:s26] =	ssyncadd.s32 @!p0 $0xFFFFFF80  }
0xe0: {  	[tilespmem:s29], [sflag:$0x2] =	stream.linear.gather @!p0 [hbm4b:s6+s24], $0x80, $0x38;
	[tilespmem:$0x8C00] =	vst v63  }
0xe1: {  	_ =	swait.ge @!p0 [sflag:s26], $0x80  }
0xe2: {  	[sflag:s26] =	ssyncset.done @!p0 $0x0  }
0xe3: {  	s6 =	simm.s32 @!p0 $0x80;
	[sflag:s26] =	ssyncadd.s32 @!p0 $0xFFFFFF80  }
0xe4: {  	[tilespmem:s30], [sflag:$0x1] =	stream.indirect.gather @!p0 [hbm4b:s5+s6], $0x80, s28, s6, $0xb8;
	[tilespmem:$0x8C00] =	vst v63  }
0xe5: {  	_ = 	snop  }
0xe6: {  	[tilespmem:s31], [sflag:$0x1] =	stream.indirect.gather @!p0 [hbm4b:s3+s6], $0x1, s29, s6, $0xb8;
	[tilespmem:$0x8C00] =	vst v63  }
0xe7: {  	_ =	swait.ge @!p0 [sflag:s0], $0x4000  }
0xe8: {  	[sflag:s0] =	ssyncset.done @!p0 $0x0  }
0xe9: {  	[sflag:s0] =	ssyncadd.s32 @!p0 $0xFFFFC000  }
0xea: {  	_ =	swait.ge @!p0 [sflag:s0], $0x80  }
0xeb: {  	[sflag:s0] =	ssyncset.done @!p0 $0x0  }
0xec: {  	s6 =	rddreg [dreg:$0x7];
	[sflag:s0] =	ssyncadd.s32 @!p0 $0xFFFFFF80  }
0xed: {  	[hbm4b:s6+s24] =	stream.linear.scatter @!p0 [tilespmem:s30], [sflag:$0x2], $0x4000, $0x38;
	[tilespmem:$0x8C00] =	vst v63  }
0xee: {  	_ =	swait.ge @!p0 [sflag:s26], $0x4000  }
0xef: {  	[sflag:s26] =	ssyncset.done @!p0 $0x0  }
0xf0: {  	s6 =	rddreg [dreg:$0x8];
	[sflag:s26] =	ssyncadd.s32 @!p0 $0xFFFFC000  }
0xf1: {  	[hbm4b:s6+s24] =	stream.linear.scatter @!p0 [tilespmem:s31], [sflag:$0x2], $0x80, $0x38;
	[tilespmem:$0x8C00] =	vst v63  }
0xf2: {  	_ =	swait.ge @!p0 [sflag:s26], $0x80  }
0xf3: {  	[sflag:s26] =	ssyncset.done @!p0 $0x0  }
0xf4: {  	s28 =	rddreg [dreg:$0x9];
	[sflag:s26] =	ssyncadd.s32 @!p0 $0xFFFFFF80  }
0xf5: {  	[tilespmem:s2], [sflag:$0x2] =	stream.linear.gather [hbm4b:s28+s2], $0x80, $0x38;
	[tilespmem:$0x8C00] =	vst v63  }
0xf6: {  	_ =	swait.ge [sflag:s7], $0x80  }
0xf7: {  	[sflag:s7] =	ssyncset.done $0x0  }
0xf8: {  	s29 =	rddreg [dreg:$0xa];
	[sflag:s7] =	ssyncadd.s32 $0xFFFFFF80  }
0xf9: {  	[tilespmem:s23], [sflag:$0x2] =	stream.linear.gather [hbm4b:s29+s2], $0x80, $0x38;
	[tilespmem:$0x8C00] =	vst v63  }
0xfa: {  	_ =	swait.ge [sflag:s7], $0x80  }
0xfb: {  	[sflag:s7] =	ssyncset.done $0x0  }
0xfc: {  	s28 =	rddreg [dreg:$0xb];
	[sflag:s7] =	ssyncadd.s32 $0xFFFFFF80  }
0xfd: {  	[tilespmem:s25], [sflag:$0x2] =	stream.linear.gather [hbm4b:s28+s2], $0x80, $0x38;
	[tilespmem:$0x8C00] =	vst v63  }
0xfe: {  	_ =	swait.ge [sflag:s7], $0x80  }
0xff: {  	[sflag:s7] =	ssyncset.done $0x0  }
0x100: {  	s29 =	rddreg [dreg:$0xc];
	[sflag:s7] =	ssyncadd.s32 $0xFFFFFF80  }
0x101: {  	[tilespmem:s12], [sflag:$0x2] =	stream.linear.gather [hbm4b:s29+s2], $0x80, $0x38;
	[tilespmem:$0x8C00] =	vst v63  }
0x102: {  	_ =	swait.ge [sflag:s7], $0x80  }
0x103: {  	[sflag:s7] =	ssyncset.done $0x0  }
0x104: {  	s28 =	rddreg [dreg:$0xd];
	[sflag:s7] =	ssyncadd.s32 $0xFFFFFF80  }
0x105: {  	[tilespmem:s21], [sflag:$0x2] =	stream.linear.gather [hbm4b:s28+s2], $0x80, $0x38;
	[tilespmem:$0x8C00] =	vst v63  }
0x106: {  	_ =	swait.ge [sflag:s7], $0x80  }
0x107: {  	[sflag:s7] =	ssyncset.done $0x0  }
0x108: {  	s29 =	rddreg [dreg:$0xe];
	[sflag:s7] =	ssyncadd.s32 $0xFFFFFF80  }
0x109: {  	[tilespmem:s22], [sflag:$0x2] =	stream.linear.gather [hbm4b:s29+s2], $0x80, $0x38;
	[tilespmem:$0x8C00] =	vst v63  }
0x10a: {  	_ =	swait.ge [sflag:s7], $0x80  }
0x10b: {  	[sflag:s7] =	ssyncset.done $0x0  }
0x10c: {  	s28 =	rddreg [dreg:$0xf];
	[sflag:s7] =	ssyncadd.s32 $0xFFFFFF80  }
0x10d: {  	[tilespmem:s18], [sflag:$0x2] =	stream.linear.gather [hbm4b:s28+s2], $0x80, $0x38;
	[tilespmem:$0x8C00] =	vst v63  }
0x10e: {  	_ =	swait.ge [sflag:s7], $0x80  }
0x10f: {  	[sflag:s7] =	ssyncset.done $0x0  }
0x110: {  	s29 =	rddreg [dreg:$0x10];
	[sflag:s7] =	ssyncadd.s32 $0xFFFFFF80  }
0x111: {  	[tilespmem:s19], [sflag:$0x2] =	stream.linear.gather [hbm4b:s29+s2], $0x80, $0x38;
	[tilespmem:$0x8C00] =	vst v63  }
0x112: {  	_ =	swait.ge [sflag:s7], $0x80  }
0x113: {  	[sflag:s7] =	ssyncset.done $0x0  }
0x114: {  	s28 =	rddreg [dreg:$0x11];
	[sflag:s7] =	ssyncadd.s32 $0xFFFFFF80  }
0x115: {  	[tilespmem:s20], [sflag:$0x2] =	stream.linear.gather [hbm4b:s28+s2], $0x80, $0x38;
	[tilespmem:$0x8C00] =	vst v63  }
0x116: {  	_ =	swait.ge [sflag:s7], $0x80  }
0x117: {  	[sflag:s7] =	ssyncset.done $0x0  }
0x118: {  	s29 =	rddreg [dreg:$0x12];
	[sflag:s7] =	ssyncadd.s32 $0xFFFFFF80  }
0x119: {  	[tilespmem:s15], [sflag:$0x2] =	stream.linear.gather [hbm4b:s29+s2], $0x80, $0x38;
	[tilespmem:$0x8C00] =	vst v63  }
0x11a: {  	_ =	swait.ge [sflag:s7], $0x80  }
0x11b: {  	[sflag:s7] =	ssyncset.done $0x0  }
0x11c: {  	s28 =	rddreg [dreg:$0x13];
	[sflag:s7] =	ssyncadd.s32 $0xFFFFFF80  }
0x11d: {  	[tilespmem:s16], [sflag:$0x2] =	stream.linear.gather [hbm4b:s28+s2], $0x80, $0x38;
	[tilespmem:$0x8C00] =	vst v63  }
0x11e: {  	_ =	swait.ge [sflag:s7], $0x80  }
0x11f: {  	[sflag:s7] =	ssyncset.done $0x0  }
0x120: {  	s29 =	rddreg [dreg:$0x14];
	[sflag:s7] =	ssyncadd.s32 $0xFFFFFF80  }
0x121: {  	[tilespmem:s17], [sflag:$0x2] =	stream.linear.gather [hbm4b:s29+s2], $0x80, $0x38;
	[tilespmem:$0x8C00] =	vst v63  }
0x122: {  	_ =	swait.ge [sflag:s7], $0x80  }
0x123: {  	[sflag:s7] =	ssyncset.done $0x0  }
0x124: {  	[sflag:s7] =	ssyncadd.s32 $0xFFFFFF80  }
0x125: {  	[tilespmem:s11], [sflag:$0x1] =	stream.indirect.gather [hbm4b:s4+s12], $0x8, s2, s12, $0xb8;
	[tilespmem:$0x8C00] =	vst v63  }
0x126: {  	_ = 	snop  }
0x127: {  	[tilespmem:s10], [sflag:$0x1] =	stream.indirect.gather [hbm4b:s5+s12], $0x80, s23, s12, $0xb8;
	[tilespmem:$0x8C00] =	vst v63  }
0x128: {  	_ = 	snop  }
0x129: {  	[tilespmem:s9], [sflag:$0x1] =	stream.indirect.gather [hbm4b:s3+s12], $0x1, s25, s12, $0xb8;
	[tilespmem:$0x8C00] =	vst v63  }
0x12a: {  	_ =	swait.ge [sflag:s13], $0x400  }
0x12b: {  	[sflag:s13] =	ssyncset.done $0x0  }
0x12c: {  	[sflag:s13] =	ssyncadd.s32 $0xFFFFFC00  }
0x12d: {  	_ =	swait.ge [sflag:s13], $0x4000  }
0x12e: {  	[sflag:s13] =	ssyncset.done $0x0  }
0x12f: {  	[sflag:s13] =	ssyncadd.s32 $0xFFFFC000  }
0x130: {  	_ =	swait.ge [sflag:s13], $0x80  }
0x131: {  	[sflag:s13] =	ssyncset.done $0x0  }
0x132: {  	s28 =	rddreg [dreg:$0x15];
	[sflag:s13] =	ssyncadd.s32 $0xFFFFFF80  }
0x133: {  	[hbm4b:s28+s2] =	stream.linear.scatter [tilespmem:s11], [sflag:$0x2], $0x400, $0x38;
	[tilespmem:$0x8C00] =	vst v63  }
0x134: {  	_ =	swait.ge [sflag:s7], $0x400  }
0x135: {  	[sflag:s7] =	ssyncset.done $0x0  }
0x136: {  	s29 =	rddreg [dreg:$0x16];
	[sflag:s7] =	ssyncadd.s32 $0xFFFFFC00  }
0x137: {  	[hbm4b:s29+s2] =	stream.linear.scatter [tilespmem:s10], [sflag:$0x2], $0x4000, $0x38;
	[tilespmem:$0x8C00] =	vst v63  }
0x138: {  	_ =	swait.ge [sflag:s7], $0x4000  }
0x139: {  	[sflag:s7] =	ssyncset.done $0x0  }
0x13a: {  	s28 =	rddreg [dreg:$0x17];
	[sflag:s7] =	ssyncadd.s32 $0xFFFFC000  }
0x13b: {  	[hbm4b:s28+s2] =	stream.linear.scatter [tilespmem:s9], [sflag:$0x2], $0x80, $0x38;
	[tilespmem:$0x8C00] =	vst v63  }
0x13c: {  	_ =	swait.ge [sflag:s7], $0x80  }
0x13d: {  	[sflag:s7] =	ssyncset.done $0x0  }
0x13e: {  	[sflag:s7] =	ssyncadd.s32 $0xFFFFFF80  }
0x13f: {  	[tilespmem:s11], [sflag:$0x1] =	stream.indirect.gather [hbm4b:s4+s12], $0x8, s12, s12, $0xb8;
	[tilespmem:$0x8C00] =	vst v63  }
0x140: {  	_ = 	snop  }
0x141: {  	[tilespmem:s10], [sflag:$0x1] =	stream.indirect.gather [hbm4b:s5+s12], $0x80, s21, s12, $0xb8;
	[tilespmem:$0x8C00] =	vst v63  }
0x142: {  	_ = 	snop  }
0x143: {  	[tilespmem:s9], [sflag:$0x1] =	stream.indirect.gather [hbm4b:s3+s12], $0x1, s22, s12, $0xb8;
	[tilespmem:$0x8C00] =	vst v63  }
0x144: {  	_ =	swait.ge [sflag:s13], $0x400  }
0x145: {  	[sflag:s13] =	ssyncset.done $0x0  }
0x146: {  	[sflag:s13] =	ssyncadd.s32 $0xFFFFFC00  }
0x147: {  	_ =	swait.ge [sflag:s13], $0x4000  }
0x148: {  	[sflag:s13] =	ssyncset.done $0x0  }
0x149: {  	[sflag:s13] =	ssyncadd.s32 $0xFFFFC000  }
0x14a: {  	_ =	swait.ge [sflag:s13], $0x80  }
0x14b: {  	[sflag:s13] =	ssyncset.done $0x0  }
0x14c: {  	s29 =	rddreg [dreg:$0x18];
	[sflag:s13] =	ssyncadd.s32 $0xFFFFFF80  }
0x14d: {  	[hbm4b:s29+s2] =	stream.linear.scatter [tilespmem:s11], [sflag:$0x2], $0x400, $0x38;
	[tilespmem:$0x8C00] =	vst v63  }
0x14e: {  	_ =	swait.ge [sflag:s7], $0x400  }
0x14f: {  	[sflag:s7] =	ssyncset.done $0x0  }
0x150: {  	s28 =	rddreg [dreg:$0x19];
	[sflag:s7] =	ssyncadd.s32 $0xFFFFFC00  }
0x151: {  	[hbm4b:s28+s2] =	stream.linear.scatter [tilespmem:s10], [sflag:$0x2], $0x4000, $0x38;
	[tilespmem:$0x8C00] =	vst v63  }
0x152: {  	_ =	swait.ge [sflag:s7], $0x4000  }
0x153: {  	[sflag:s7] =	ssyncset.done $0x0  }
0x154: {  	s29 =	rddreg [dreg:$0x1a];
	[sflag:s7] =	ssyncadd.s32 $0xFFFFC000  }
0x155: {  	[hbm4b:s29+s2] =	stream.linear.scatter [tilespmem:s9], [sflag:$0x2], $0x80, $0x38;
	[tilespmem:$0x8C00] =	vst v63  }
0x156: {  	_ =	swait.ge [sflag:s7], $0x80  }
0x157: {  	[sflag:s7] =	ssyncset.done $0x0  }
0x158: {  	[sflag:s7] =	ssyncadd.s32 $0xFFFFFF80  }
0x159: {  	[tilespmem:s11], [sflag:$0x1] =	stream.indirect.gather [hbm4b:s4+s12], $0x8, s18, s12, $0xb8;
	[tilespmem:$0x8C00] =	vst v63  }
0x15a: {  	_ = 	snop  }
0x15b: {  	[tilespmem:s10], [sflag:$0x1] =	stream.indirect.gather [hbm4b:s5+s12], $0x80, s19, s12, $0xb8;
	[tilespmem:$0x8C00] =	vst v63  }
0x15c: {  	_ = 	snop  }
0x15d: {  	[tilespmem:s9], [sflag:$0x1] =	stream.indirect.gather [hbm4b:s3+s12], $0x1, s20, s12, $0xb8;
	[tilespmem:$0x8C00] =	vst v63  }
0x15e: {  	_ =	swait.ge [sflag:s13], $0x400  }
0x15f: {  	[sflag:s13] =	ssyncset.done $0x0  }
0x160: {  	[sflag:s13] =	ssyncadd.s32 $0xFFFFFC00  }
0x161: {  	_ =	swait.ge [sflag:s13], $0x4000  }
0x162: {  	[sflag:s13] =	ssyncset.done $0x0  }
0x163: {  	[sflag:s13] =	ssyncadd.s32 $0xFFFFC000  }
0x164: {  	_ =	swait.ge [sflag:s13], $0x80  }
0x165: {  	[sflag:s13] =	ssyncset.done $0x0  }
0x166: {  	s28 =	rddreg [dreg:$0x1b];
	[sflag:s13] =	ssyncadd.s32 $0xFFFFFF80  }
0x167: {  	[hbm4b:s28+s2] =	stream.linear.scatter [tilespmem:s11], [sflag:$0x2], $0x400, $0x38;
	[tilespmem:$0x8C00] =	vst v63  }
0x168: {  	_ =	swait.ge [sflag:s7], $0x400  }
0x169: {  	[sflag:s7] =	ssyncset.done $0x0  }
0x16a: {  	s29 =	rddreg [dreg:$0x1c];
	[sflag:s7] =	ssyncadd.s32 $0xFFFFFC00  }
0x16b: {  	[hbm4b:s29+s2] =	stream.linear.scatter [tilespmem:s10], [sflag:$0x2], $0x4000, $0x38;
	[tilespmem:$0x8C00] =	vst v63  }
0x16c: {  	_ =	swait.ge [sflag:s7], $0x4000  }
0x16d: {  	[sflag:s7] =	ssyncset.done $0x0  }
0x16e: {  	s28 =	rddreg [dreg:$0x1d];
	[sflag:s7] =	ssyncadd.s32 $0xFFFFC000  }
0x16f: {  	[hbm4b:s28+s2] =	stream.linear.scatter [tilespmem:s9], [sflag:$0x2], $0x80, $0x38;
	[tilespmem:$0x8C00] =	vst v63  }
0x170: {  	_ =	swait.ge [sflag:s7], $0x80  }
0x171: {  	[sflag:s7] =	ssyncset.done $0x0  }
0x172: {  	[sflag:s7] =	ssyncadd.s32 $0xFFFFFF80  }
0x173: {  	[tilespmem:s11], [sflag:$0x1] =	stream.indirect.gather [hbm4b:s4+s12], $0x8, s15, s12, $0xb8;
	[tilespmem:$0x8C00] =	vst v63  }
0x174: {  	_ = 	snop  }
0x175: {  	[tilespmem:s10], [sflag:$0x1] =	stream.indirect.gather [hbm4b:s5+s12], $0x80, s16, s12, $0xb8;
	[tilespmem:$0x8C00] =	vst v63  }
0x176: {  	_ = 	snop  }
0x177: {  	[tilespmem:s9], [sflag:$0x1] =	stream.indirect.gather [hbm4b:s3+s12], $0x1, s17, s12, $0xb8;
	[tilespmem:$0x8C00] =	vst v63  }
0x178: {  	_ =	swait.ge [sflag:s13], $0x400  }
0x179: {  	[sflag:s13] =	ssyncset.done $0x0  }
0x17a: {  	[sflag:s13] =	ssyncadd.s32 $0xFFFFFC00  }
0x17b: {  	_ =	swait.ge [sflag:s13], $0x4000  }
0x17c: {  	[sflag:s13] =	ssyncset.done $0x0  }
0x17d: {  	[sflag:s13] =	ssyncadd.s32 $0xFFFFC000  }
0x17e: {  	_ =	swait.ge [sflag:s13], $0x80  }
0x17f: {  	[sflag:s13] =	ssyncset.done $0x0  }
0x180: {  	s29 =	rddreg [dreg:$0x1e];
	[sflag:s13] =	ssyncadd.s32 $0xFFFFFF80  }
0x181: {  	[hbm4b:s29+s2] =	stream.linear.scatter [tilespmem:s11], [sflag:$0x2], $0x400, $0x38;
	[tilespmem:$0x8C00] =	vst v63  }
0x182: {  	_ =	swait.ge [sflag:s7], $0x400  }
0x183: {  	[sflag:s7] =	ssyncset.done $0x0  }
0x184: {  	s1 =	sadd.s32 $0xFFFFFFFF, s1;
	[sflag:s7] =	ssyncadd.s32 $0xFFFFFC00  }
0x185: {  	[hbm4b:s14+s2] =	stream.linear.scatter [tilespmem:s10], [sflag:$0x2], $0x4000, $0x38;
	[tilespmem:$0x8C00] =	vst v63  }
0x186: {  	p2 =	sne.s32 s1, $0x0;
	_ =	swait.ge [sflag:s7], $0x4000  }
.Ltmp2:
0x187: {  	[sflag:s7] =	ssyncset.done $0x0;
	(pc) =	sbr.rel @p2 .LBB2_3-.Ltmp2, $4  }
0x188: {  	[sflag:s7] =	ssyncadd.s32 $0xFFFFC000  }
0x189: {  	[hbm4b:s8+s2] =	stream.linear.scatter [tilespmem:s9], [sflag:$0x2], $0x80, $0x38;
	[tilespmem:$0x8C00] =	vst v63  }
0x18a: {  	_ =	swait.ge [sflag:s7], $0x80  }
0x18b: {  	s6 =	rddreg [dreg:$0x5];
	[sflag:s7] =	ssyncset.done $0x0  }
0x18c: {  	s28 =	rddreg [dreg:$0x4];
	s29 =	stileid.u32;
	s15 =	simm.s32 $0x180  }
0x18d: {  	s16 =	simm.s32 $0x380;
	s17 =	simm.s32 $0x580;
	s18 =	simm.s32 $0x100  }
0x18e: {  	s19 =	simm.s32 $0x300;
	s20 =	simm.s32 $0x500;
	s21 =	simm.s32 $0x280  }
0x18f: {  	s22 =	simm.s32 $0x480;
	s23 =	simm.s32 $0x200;
	s30 =	simm.s32 $0x400  }
.LBB2_5:
0x190: {  	[sflag:s7] =	ssyncadd.s32 @p1 $0xFFFFFF80;
	s0 =	simm.s32 @!p0 $0x0;
	s1 =	simm.s32 @!p0 $0x4A80  }
0x191: {  	[tilespmem:s1], [sflag:$0x2] =	stream.linear.gather @!p0 [hbm4b:s6+s0], $0x80, $0x38;
	[tilespmem:$0x8C00] =	vst v63  }
0x192: {  	s6 =	simm.s32 @!p0 $0x2  }
0x193: {  	_ =	swait.ge @!p0 [sflag:s6], $0x80  }
0x194: {  	[sflag:s6] =	ssyncset.done @!p0 $0x0  }
0x195: {  	s25 =	simm.s32 @!p0 $0x4B00;
	s24 =	rddreg [dreg:$0x6];
	[sflag:s6] =	ssyncadd.s32 @!p0 $0xFFFFFF80  }
0x196: {  	[tilespmem:s25], [sflag:$0x2] =	stream.linear.gather @!p0 [hbm4b:s24+s0], $0x80, $0x38;
	[tilespmem:$0x8C00] =	vst v63  }
0x197: {  	_ =	swait.ge @!p0 [sflag:s6], $0x80  }
0x198: {  	[sflag:s6] =	ssyncset.done @!p0 $0x0  }
0x199: {  	s26 =	simm.s32 @!p0 $0x4B80;
	s24 =	simm.s32 @!p0 $0x80;
	[sflag:s6] =	ssyncadd.s32 @!p0 $0xFFFFFF80  }
0x19a: {  	[tilespmem:s26], [sflag:$0x1] =	stream.indirect.gather @!p0 [hbm4b:s5+s24], $0x80, s1, s24, $0xb8;
	[tilespmem:$0x8C00] =	vst v63  }
0x19b: {  	s1 =	simm.s32 @!p0 $0x8B80  }
0x19c: {  	[tilespmem:s1], [sflag:$0x1] =	stream.indirect.gather @!p0 [hbm4b:s3+s24], $0x1, s25, s24, $0xb8;
	[tilespmem:$0x8C00] =	vst v63  }
0x19d: {  	s24 =	simm.s32 @!p0 $0x1  }
0x19e: {  	_ =	swait.ge @!p0 [sflag:s24], $0x4000  }
0x19f: {  	[sflag:s24] =	ssyncset.done @!p0 $0x0  }
0x1a0: {  	[sflag:s24] =	ssyncadd.s32 @!p0 $0xFFFFC000  }
0x1a1: {  	_ =	swait.ge @!p0 [sflag:s24], $0x80  }
0x1a2: {  	[sflag:s24] =	ssyncset.done @!p0 $0x0  }
0x1a3: {  	s25 =	rddreg [dreg:$0x7];
	[sflag:s24] =	ssyncadd.s32 @!p0 $0xFFFFFF80  }
0x1a4: {  	[hbm4b:s25+s0] =	stream.linear.scatter @!p0 [tilespmem:s26], [sflag:$0x2], $0x4000, $0x38;
	[tilespmem:$0x8C00] =	vst v63  }
0x1a5: {  	_ =	swait.ge @!p0 [sflag:s6], $0x4000  }
0x1a6: {  	[sflag:s6] =	ssyncset.done @!p0 $0x0  }
0x1a7: {  	s24 =	rddreg [dreg:$0x8];
	[sflag:s6] =	ssyncadd.s32 @!p0 $0xFFFFC000  }
0x1a8: {  	[hbm4b:s24+s0] =	stream.linear.scatter @!p0 [tilespmem:s1], [sflag:$0x2], $0x80, $0x38;
	[tilespmem:$0x8C00] =	vst v63  }
0x1a9: {  	_ =	swait.ge @!p0 [sflag:s6], $0x80  }
0x1aa: {  	[sflag:s6] =	ssyncset.done @!p0 $0x0  }
0x1ab: {  	s31 =	rddreg [dreg:$0x9];
	[sflag:s6] =	ssyncadd.s32 @!p0 $0xFFFFFF80  }
0x1ac: {  	[tilespmem:s2], [sflag:$0x2] =	stream.linear.gather [hbm4b:s31+s2], $0x80, $0x38;
	[tilespmem:$0x8C00] =	vst v63  }
0x1ad: {  	_ =	swait.ge [sflag:s7], $0x80  }
0x1ae: {  	[sflag:s7] =	ssyncset.done $0x0  }
0x1af: {  	s1 =	rddreg [dreg:$0xa];
	[sflag:s7] =	ssyncadd.s32 $0xFFFFFF80  }
0x1b0: {  	[tilespmem:s23], [sflag:$0x2] =	stream.linear.gather [hbm4b:s1+s2], $0x80, $0x38;
	[tilespmem:$0x8C00] =	vst v63  }
0x1b1: {  	_ =	swait.ge [sflag:s7], $0x80  }
0x1b2: {  	[sflag:s7] =	ssyncset.done $0x0  }
0x1b3: {  	s6 =	rddreg [dreg:$0xb];
	[sflag:s7] =	ssyncadd.s32 $0xFFFFFF80  }
0x1b4: {  	[tilespmem:s30], [sflag:$0x2] =	stream.linear.gather [hbm4b:s6+s2], $0x80, $0x38;
	[tilespmem:$0x8C00] =	vst v63  }
0x1b5: {  	_ =	swait.ge [sflag:s7], $0x80  }
0x1b6: {  	[sflag:s7] =	ssyncset.done $0x0  }
0x1b7: {  	s24 =	rddreg [dreg:$0xc];
	[sflag:s7] =	ssyncadd.s32 $0xFFFFFF80  }
0x1b8: {  	[tilespmem:s12], [sflag:$0x2] =	stream.linear.gather [hbm4b:s24+s2], $0x80, $0x38;
	[tilespmem:$0x8C00] =	vst v63  }
0x1b9: {  	_ =	swait.ge [sflag:s7], $0x80  }
0x1ba: {  	[sflag:s7] =	ssyncset.done $0x0  }
0x1bb: {  	s25 =	rddreg [dreg:$0xd];
	[sflag:s7] =	ssyncadd.s32 $0xFFFFFF80  }
0x1bc: {  	[tilespmem:s21], [sflag:$0x2] =	stream.linear.gather [hbm4b:s25+s2], $0x80, $0x38;
	[tilespmem:$0x8C00] =	vst v63  }
0x1bd: {  	_ =	swait.ge [sflag:s7], $0x80  }
0x1be: {  	[sflag:s7] =	ssyncset.done $0x0  }
0x1bf: {  	s26 =	rddreg [dreg:$0xe];
	[sflag:s7] =	ssyncadd.s32 $0xFFFFFF80  }
0x1c0: {  	[tilespmem:s22], [sflag:$0x2] =	stream.linear.gather [hbm4b:s26+s2], $0x80, $0x38;
	[tilespmem:$0x8C00] =	vst v63  }
0x1c1: {  	_ =	swait.ge [sflag:s7], $0x80  }
0x1c2: {  	[sflag:s7] =	ssyncset.done $0x0  }
0x1c3: {  	s31 =	rddreg [dreg:$0xf];
	[sflag:s7] =	ssyncadd.s32 $0xFFFFFF80  }
0x1c4: {  	[tilespmem:s18], [sflag:$0x2] =	stream.linear.gather [hbm4b:s31+s2], $0x80, $0x38;
	[tilespmem:$0x8C00] =	vst v63  }
0x1c5: {  	_ =	swait.ge [sflag:s7], $0x80  }
0x1c6: {  	[sflag:s7] =	ssyncset.done $0x0  }
0x1c7: {  	s1 =	rddreg [dreg:$0x10];
	[sflag:s7] =	ssyncadd.s32 $0xFFFFFF80  }
0x1c8: {  	[tilespmem:s19], [sflag:$0x2] =	stream.linear.gather [hbm4b:s1+s2], $0x80, $0x38;
	[tilespmem:$0x8C00] =	vst v63  }
0x1c9: {  	_ =	swait.ge [sflag:s7], $0x80  }
0x1ca: {  	[sflag:s7] =	ssyncset.done $0x0  }
0x1cb: {  	s6 =	rddreg [dreg:$0x11];
	[sflag:s7] =	ssyncadd.s32 $0xFFFFFF80  }
0x1cc: {  	[tilespmem:s20], [sflag:$0x2] =	stream.linear.gather [hbm4b:s6+s2], $0x80, $0x38;
	[tilespmem:$0x8C00] =	vst v63  }
0x1cd: {  	_ =	swait.ge [sflag:s7], $0x80  }
0x1ce: {  	[sflag:s7] =	ssyncset.done $0x0  }
0x1cf: {  	s24 =	rddreg [dreg:$0x12];
	[sflag:s7] =	ssyncadd.s32 $0xFFFFFF80  }
0x1d0: {  	[tilespmem:s15], [sflag:$0x2] =	stream.linear.gather [hbm4b:s24+s2], $0x80, $0x38;
	[tilespmem:$0x8C00] =	vst v63  }
0x1d1: {  	_ =	swait.ge [sflag:s7], $0x80  }
0x1d2: {  	[sflag:s7] =	ssyncset.done $0x0  }
0x1d3: {  	s25 =	rddreg [dreg:$0x13];
	[sflag:s7] =	ssyncadd.s32 $0xFFFFFF80  }
0x1d4: {  	[tilespmem:s16], [sflag:$0x2] =	stream.linear.gather [hbm4b:s25+s2], $0x80, $0x38;
	[tilespmem:$0x8C00] =	vst v63  }
0x1d5: {  	_ =	swait.ge [sflag:s7], $0x80  }
0x1d6: {  	[sflag:s7] =	ssyncset.done $0x0  }
0x1d7: {  	s26 =	rddreg [dreg:$0x14];
	[sflag:s7] =	ssyncadd.s32 $0xFFFFFF80  }
0x1d8: {  	[tilespmem:s17], [sflag:$0x2] =	stream.linear.gather [hbm4b:s26+s2], $0x80, $0x38;
	[tilespmem:$0x8C00] =	vst v63  }
0x1d9: {  	_ =	swait.ge [sflag:s7], $0x80  }
0x1da: {  	[sflag:s7] =	ssyncset.done $0x0  }
0x1db: {  	[sflag:s7] =	ssyncadd.s32 $0xFFFFFF80  }
0x1dc: {  	[tilespmem:s11], [sflag:$0x1] =	stream.indirect.gather [hbm4b:s4+s12], $0x8, s2, s12, $0xb8;
	[tilespmem:$0x8C00] =	vst v63  }
0x1dd: {  	_ = 	snop  }
0x1de: {  	[tilespmem:s10], [sflag:$0x1] =	stream.indirect.gather [hbm4b:s5+s12], $0x80, s23, s12, $0xb8;
	[tilespmem:$0x8C00] =	vst v63  }
0x1df: {  	_ = 	snop  }
0x1e0: {  	[tilespmem:s9], [sflag:$0x1] =	stream.indirect.gather [hbm4b:s3+s12], $0x1, s30, s12, $0xb8;
	[tilespmem:$0x8C00] =	vst v63  }
0x1e1: {  	_ =	swait.ge [sflag:s13], $0x400  }
0x1e2: {  	[sflag:s13] =	ssyncset.done $0x0  }
0x1e3: {  	[sflag:s13] =	ssyncadd.s32 $0xFFFFFC00  }
0x1e4: {  	_ =	swait.ge [sflag:s13], $0x4000  }
0x1e5: {  	[sflag:s13] =	ssyncset.done $0x0  }
0x1e6: {  	[sflag:s13] =	ssyncadd.s32 $0xFFFFC000  }
0x1e7: {  	_ =	swait.ge [sflag:s13], $0x80  }
0x1e8: {  	[sflag:s13] =	ssyncset.done $0x0  }
0x1e9: {  	s31 =	rddreg [dreg:$0x15];
	[sflag:s13] =	ssyncadd.s32 $0xFFFFFF80  }
0x1ea: {  	[hbm4b:s31+s2] =	stream.linear.scatter [tilespmem:s11], [sflag:$0x2], $0x400, $0x38;
	[tilespmem:$0x8C00] =	vst v63  }
0x1eb: {  	_ =	swait.ge [sflag:s7], $0x400  }
0x1ec: {  	[sflag:s7] =	ssyncset.done $0x0  }
0x1ed: {  	s1 =	rddreg [dreg:$0x16];
	[sflag:s7] =	ssyncadd.s32 $0xFFFFFC00  }
0x1ee: {  	[hbm4b:s1+s2] =	stream.linear.scatter [tilespmem:s10], [sflag:$0x2], $0x4000, $0x38;
	[tilespmem:$0x8C00] =	vst v63  }
0x1ef: {  	_ =	swait.ge [sflag:s7], $0x4000  }
0x1f0: {  	[sflag:s7] =	ssyncset.done $0x0  }
0x1f1: {  	s6 =	rddreg [dreg:$0x17];
	[sflag:s7] =	ssyncadd.s32 $0xFFFFC000  }
0x1f2: {  	[hbm4b:s6+s2] =	stream.linear.scatter [tilespmem:s9], [sflag:$0x2], $0x80, $0x38;
	[tilespmem:$0x8C00] =	vst v63  }
0x1f3: {  	_ =	swait.ge [sflag:s7], $0x80  }
0x1f4: {  	[sflag:s7] =	ssyncset.done $0x0  }
0x1f5: {  	[sflag:s7] =	ssyncadd.s32 $0xFFFFFF80  }
0x1f6: {  	[tilespmem:s11], [sflag:$0x1] =	stream.indirect.gather [hbm4b:s4+s12], $0x8, s12, s12, $0xb8;
	[tilespmem:$0x8C00] =	vst v63  }
0x1f7: {  	_ = 	snop  }
0x1f8: {  	[tilespmem:s10], [sflag:$0x1] =	stream.indirect.gather [hbm4b:s5+s12], $0x80, s21, s12, $0xb8;
	[tilespmem:$0x8C00] =	vst v63  }
0x1f9: {  	_ = 	snop  }
0x1fa: {  	[tilespmem:s9], [sflag:$0x1] =	stream.indirect.gather [hbm4b:s3+s12], $0x1, s22, s12, $0xb8;
	[tilespmem:$0x8C00] =	vst v63  }
0x1fb: {  	_ =	swait.ge [sflag:s13], $0x400  }
0x1fc: {  	[sflag:s13] =	ssyncset.done $0x0  }
0x1fd: {  	[sflag:s13] =	ssyncadd.s32 $0xFFFFFC00  }
0x1fe: {  	_ =	swait.ge [sflag:s13], $0x4000  }
0x1ff: {  	[sflag:s13] =	ssyncset.done $0x0  }
0x200: {  	[sflag:s13] =	ssyncadd.s32 $0xFFFFC000  }
0x201: {  	_ =	swait.ge [sflag:s13], $0x80  }
0x202: {  	[sflag:s13] =	ssyncset.done $0x0  }
0x203: {  	s22 =	rddreg [dreg:$0x18];
	[sflag:s13] =	ssyncadd.s32 $0xFFFFFF80  }
0x204: {  	[hbm4b:s22+s2] =	stream.linear.scatter [tilespmem:s11], [sflag:$0x2], $0x400, $0x38;
	[tilespmem:$0x8C00] =	vst v63  }
0x205: {  	_ =	swait.ge [sflag:s7], $0x400  }
0x206: {  	[sflag:s7] =	ssyncset.done $0x0  }
0x207: {  	s23 =	rddreg [dreg:$0x19];
	[sflag:s7] =	ssyncadd.s32 $0xFFFFFC00  }
0x208: {  	[hbm4b:s23+s2] =	stream.linear.scatter [tilespmem:s10], [sflag:$0x2], $0x4000, $0x38;
	[tilespmem:$0x8C00] =	vst v63  }
0x209: {  	_ =	swait.ge [sflag:s7], $0x4000  }
0x20a: {  	[sflag:s7] =	ssyncset.done $0x0  }
0x20b: {  	s24 =	rddreg [dreg:$0x1a];
	[sflag:s7] =	ssyncadd.s32 $0xFFFFC000  }
0x20c: {  	[hbm4b:s24+s2] =	stream.linear.scatter [tilespmem:s9], [sflag:$0x2], $0x80, $0x38;
	[tilespmem:$0x8C00] =	vst v63  }
0x20d: {  	_ =	swait.ge [sflag:s7], $0x80  }
0x20e: {  	[sflag:s7] =	ssyncset.done $0x0  }
0x20f: {  	[sflag:s7] =	ssyncadd.s32 $0xFFFFFF80  }
0x210: {  	[tilespmem:s11], [sflag:$0x1] =	stream.indirect.gather [hbm4b:s4+s12], $0x8, s18, s12, $0xb8;
	[tilespmem:$0x8C00] =	vst v63  }
0x211: {  	_ = 	snop  }
0x212: {  	[tilespmem:s10], [sflag:$0x1] =	stream.indirect.gather [hbm4b:s5+s12], $0x80, s19, s12, $0xb8;
	[tilespmem:$0x8C00] =	vst v63  }
0x213: {  	_ = 	snop  }
0x214: {  	[tilespmem:s9], [sflag:$0x1] =	stream.indirect.gather [hbm4b:s3+s12], $0x1, s20, s12, $0xb8;
	[tilespmem:$0x8C00] =	vst v63  }
0x215: {  	_ =	swait.ge [sflag:s13], $0x400  }
0x216: {  	[sflag:s13] =	ssyncset.done $0x0  }
0x217: {  	[sflag:s13] =	ssyncadd.s32 $0xFFFFFC00  }
0x218: {  	_ =	swait.ge [sflag:s13], $0x4000  }
0x219: {  	[sflag:s13] =	ssyncset.done $0x0  }
0x21a: {  	[sflag:s13] =	ssyncadd.s32 $0xFFFFC000  }
0x21b: {  	_ =	swait.ge [sflag:s13], $0x80  }
0x21c: {  	[sflag:s13] =	ssyncset.done $0x0  }
0x21d: {  	s25 =	rddreg [dreg:$0x1b];
	[sflag:s13] =	ssyncadd.s32 $0xFFFFFF80  }
0x21e: {  	[hbm4b:s25+s2] =	stream.linear.scatter [tilespmem:s11], [sflag:$0x2], $0x400, $0x38;
	[tilespmem:$0x8C00] =	vst v63  }
0x21f: {  	_ =	swait.ge [sflag:s7], $0x400  }
0x220: {  	[sflag:s7] =	ssyncset.done $0x0  }
0x221: {  	s26 =	rddreg [dreg:$0x1c];
	[sflag:s7] =	ssyncadd.s32 $0xFFFFFC00  }
0x222: {  	[hbm4b:s26+s2] =	stream.linear.scatter [tilespmem:s10], [sflag:$0x2], $0x4000, $0x38;
	[tilespmem:$0x8C00] =	vst v63  }
0x223: {  	_ =	swait.ge [sflag:s7], $0x4000  }
0x224: {  	[sflag:s7] =	ssyncset.done $0x0  }
0x225: {  	s30 =	rddreg [dreg:$0x1d];
	[sflag:s7] =	ssyncadd.s32 $0xFFFFC000  }
0x226: {  	[hbm4b:s30+s2] =	stream.linear.scatter [tilespmem:s9], [sflag:$0x2], $0x80, $0x38;
	[tilespmem:$0x8C00] =	vst v63  }
0x227: {  	_ =	swait.ge [sflag:s7], $0x80  }
0x228: {  	[sflag:s7] =	ssyncset.done $0x0  }
0x229: {  	[sflag:s7] =	ssyncadd.s32 $0xFFFFFF80  }
0x22a: {  	[tilespmem:s11], [sflag:$0x1] =	stream.indirect.gather [hbm4b:s4+s12], $0x8, s15, s12, $0xb8;
	[tilespmem:$0x8C00] =	vst v63  }
0x22b: {  	_ = 	snop  }
0x22c: {  	[tilespmem:s10], [sflag:$0x1] =	stream.indirect.gather [hbm4b:s5+s12], $0x80, s16, s12, $0xb8;
	[tilespmem:$0x8C00] =	vst v63  }
0x22d: {  	_ = 	snop  }
0x22e: {  	[tilespmem:s9], [sflag:$0x1] =	stream.indirect.gather [hbm4b:s3+s12], $0x1, s17, s12, $0xb8;
	[tilespmem:$0x8C00] =	vst v63  }
0x22f: {  	_ =	swait.ge [sflag:s13], $0x400  }
0x230: {  	[sflag:s13] =	ssyncset.done $0x0  }
0x231: {  	[sflag:s13] =	ssyncadd.s32 $0xFFFFFC00  }
0x232: {  	_ =	swait.ge [sflag:s13], $0x4000  }
0x233: {  	[sflag:s13] =	ssyncset.done $0x0  }
0x234: {  	[sflag:s13] =	ssyncadd.s32 $0xFFFFC000  }
0x235: {  	_ =	swait.ge [sflag:s13], $0x80  }
0x236: {  	[sflag:s13] =	ssyncset.done $0x0  }
0x237: {  	s31 =	rddreg [dreg:$0x1e];
	[sflag:s13] =	ssyncadd.s32 $0xFFFFFF80  }
0x238: {  	[hbm4b:s31+s2] =	stream.linear.scatter [tilespmem:s11], [sflag:$0x2], $0x400, $0x38;
	[tilespmem:$0x8C00] =	vst v63  }
0x239: {  	_ =	swait.ge [sflag:s7], $0x400  }
0x23a: {  	[sflag:s7] =	ssyncset.done $0x0  }
0x23b: {  	[sflag:s7] =	ssyncadd.s32 $0xFFFFFC00  }
0x23c: {  	[hbm4b:s14+s2] =	stream.linear.scatter [tilespmem:s10], [sflag:$0x2], $0x4000, $0x38;
	[tilespmem:$0x8C00] =	vst v63  }
0x23d: {  	_ =	swait.ge [sflag:s7], $0x4000  }
0x23e: {  	[sflag:s7] =	ssyncset.done $0x0  }
0x23f: {  	[sflag:s7] =	ssyncadd.s32 $0xFFFFC000  }
0x240: {  	[hbm4b:s8+s2] =	stream.linear.scatter [tilespmem:s9], [sflag:$0x2], $0x80, $0x38;
	[tilespmem:$0x8C00] =	vst v63  }
0x241: {  	_ =	swait.ge [sflag:s7], $0x80  }
0x242: {  	[sflag:s7] =	ssyncset.done $0x0  }
0x243: {  	[sflag:s7] =	ssyncadd.s32 $0xFFFFFF80  }
0x244: {  	_ =	sfence.sel $0x180000  }
0x245: {  	[bflag:$0x0] =	sbarrier.arrive $0xFFFF  }
0x246: {  	p0 =	sne.s32 s29, $0x0;
	_ =	strace $0x90000047  }
0x247: {  	s0 =	sadd.s32 @!p0 $0x100000, s28;
	[bflag:$0x2] =	sbarrier.arrive $0xFFFF  }
0x248: {  	[sflag:s0] =	ssyncadd.tile.s32 @!p0 $0x1;
	_ =	shalt  }
.LBB2_2:
.Ltmp3:
0x249: {  	(pc) =	sbr.rel .LBB2_5-.Ltmp3, $4  }
0x24a: {  	s28 =	rddreg [dreg:$0x4];
	s29 =	stileid.u32;
	s15 =	simm.s32 $0x180  }
0x24b: {  	s16 =	simm.s32 $0x380;
	s17 =	simm.s32 $0x580;
	s18 =	simm.s32 $0x100  }
0x24c: {  	s19 =	simm.s32 $0x300;
	s20 =	simm.s32 $0x500;
	s21 =	simm.s32 $0x280  }
0x24d: {  	s22 =	simm.s32 $0x480;
	s23 =	simm.s32 $0x200;
	s30 =	simm.s32 $0x400  }
.Lfunc_end2:
_tile_overlayer_lowered:
.L_overlay_start_2:
0x24e: {  	(tag) =	ssettag $0x2  }
0x24f: {  	s0 =	rddreg [dreg:$0x0];
	s2 =	stileid.u32  }
0x250: {  	s1 =	rddreg [dreg:$0x1];
	p0 =	sne.s32 s2, $0x0  }
0x251: {  	s3 =	rddreg [dreg:$0x2];
	[bflag:$0x3] =	sbarrier.arrive $0xFFFF;
	s2 =	simm.s32 @!p0 $0x1C02  }
0x252: {  	[timem:s3], [sflag:s2] =	dma.local @!p0 [hbm:s0], s1  }
0x253: {  	s0 =	simm.s32 @!p0 $0x2  }
0x254: {  	_ =	swait.ge @!p0 [sflag:s0], s1  }
0x255: {  	s1 =	ssub.s32 @!p0 $0x0, s1;
	[sflag:s0] =	ssyncset.done @!p0 $0x0  }
0x256: {  	[sflag:s0] =	ssyncadd.s32 @!p0 s1  }
0x257: {  	[bflag:$0x3] =	sbarrier.arrive $0xFFFF  }
0x258: {  	_ =	shalt  }

</sc_bundles>
